<compile_context>
chip_gen: v7x
topology: tpu7x:2x2x1
jax: 0.10.2.dev20260603
libtpu: 0.0.44.dev20260713+nightly
codegen_flags: <defaults>
</compile_context>

<pallas_src>
import jax
import jax.numpy as jnp
from jax import lax
from jax.experimental import pallas as pl
from jax.experimental.pallas import tpu as pltpu
from jax.experimental.pallas import tpu_sc as plsc

N_COARSE = 12500
N_FINE = 25000
D = 256
K = 9
CG = 8
EPS = 1e-5

RB = 512
NCP = 12800
NRB = NCP // RB

NW = 32
L = 16
SC_C = 112
NCHUNK = -(-N_FINE // SC_C)
TAIL = N_FINE - (NCHUNK - 1) * SC_C
CPW = -(-NCHUNK // NW)

NIDX = NCHUNK * SC_C * K
IROWS = -(-NIDX // 128)
IPAD = IROWS * 128


def _tc_body(x_ref, g_ref, b_ref, w_ref, i2_ref, out_ref, o2_ref, sb_ref):
    i = pl.program_id(0)

    @pl.when(i == 0)
    def _stats():
        rows = lax.broadcasted_iota(jnp.int32, (NCP, 1), 0)
        x = jnp.where(rows < N_COARSE, x_ref[...], 0.0)
        s = jnp.sum(x, axis=0, keepdims=True)
        q = jnp.sum(x * x, axis=0, keepdims=True)
        row = lax.broadcasted_iota(jnp.int32, (D, D), 0) // CG
        col = lax.broadcasted_iota(jnp.int32, (D, D), 1) // CG
        m = (row == col).astype(jnp.float32)
        cnt = float(CG * N_COARSE)
        gs = jnp.dot(s, m, preferred_element_type=jnp.float32) / cnt
        gq = jnp.dot(q, m, preferred_element_type=jnp.float32) / cnt
        var = gq - gs * gs
        scale = g_ref[...] * lax.rsqrt(var + EPS)
        bias = b_ref[...] - gs * scale
        sb_ref[0:1, :] = scale
        sb_ref[1:2, :] = bias
        pos = (lax.broadcasted_iota(jnp.int32, (IROWS, 128), 0) * 128
               + lax.broadcasted_iota(jnp.int32, (IROWS, 128), 1))
        o2_ref[...] = i2_ref[...] + ((pos // SC_C) % K) * NCP

    scale = sb_ref[0:1, :]
    bias = sb_ref[1:2, :]
    x = x_ref[pl.ds(i * RB, RB), :]
    y = jnp.maximum(x * scale + bias, 0.0).astype(jnp.bfloat16)
    for k in range(K):
        out_ref[k] = jnp.dot(y, w_ref[pl.ds(k * D, D), :],
                             preferred_element_type=jnp.float32)


def _sc_body(tab_hbm, idx_hbm, out_hbm, ib, gb0, gb1, gb2, acc, sem0, sem1,
             sem2, sem3):
    wid = lax.axis_index("s") * 2 + lax.axis_index("c")
    gbs = (gb0, gb1, gb2)
    sems = (sem1, sem2, sem3)

    def _accum(buf):
        def _row(r):
            for cc in range(D // L):
                plsc.addupdate(acc.at[r, pl.ds(cc * L, L)],
                               buf[r, pl.ds(cc * L, L)])

        plsc.parallel_loop(0, SC_C, unroll=4)(_row)

    def chunk_body(ci, carry):
        chunk = wid + ci * NW

        @pl.when(chunk < NCHUNK)
        def _():
            pltpu.sync_copy(
                idx_hbm.at[pl.ds(chunk * K * SC_C, K * SC_C)], ib)

            def isl(k):
                return ib.at[pl.ds(k * SC_C, SC_C)]

            pltpu.async_copy(tab_hbm.at[isl(0)], acc, sem0)
            for k in range(1, 4):
                pltpu.async_copy(tab_hbm.at[isl(k)], gbs[k - 1],
                                 sems[k - 1])
            pltpu.make_async_copy(tab_hbm.at[isl(0)], acc, sem0).wait()
            for k in range(1, K):
                b = (k - 1) % 3
                pltpu.make_async_copy(tab_hbm.at[isl(k)], gbs[b],
                                      sems[b]).wait()
                _accum(gbs[b])
                if k + 3 < K:
                    pltpu.async_copy(tab_hbm.at[isl(k + 3)], gbs[b],
                                     sems[b])
            base = chunk * SC_C

            @pl.when(chunk < NCHUNK - 1)
            def _full():
                pltpu.sync_copy(acc, out_hbm.at[pl.ds(base, SC_C)])

            @pl.when(chunk == NCHUNK - 1)
            def _tail():
                pltpu.sync_copy(acc.at[pl.ds(0, TAIL)],
                                out_hbm.at[pl.ds(base, TAIL)])

        return carry

    lax.fori_loop(0, CPW, chunk_body, 0)


def kernel(lv_coarse, neighbor_idx, gn_gamma, gn_beta, weight):
    idx_pad = jnp.pad(neighbor_idx, ((0, NCHUNK * SC_C - N_FINE), (0, 0)))
    idx_cm = idx_pad.reshape(NCHUNK, SC_C, K).transpose(0, 2, 1).reshape(-1)
    idx_2d = jnp.pad(idx_cm, (0, IPAD - NIDX)).reshape(IROWS, 128)

    table, flat_idx = pl.pallas_call(
        _tc_body,
        grid=(NRB,),
        in_specs=[
            pl.BlockSpec((NCP, D), lambda i: (0, 0)),
            pl.BlockSpec((1, D), lambda i: (0, 0)),
            pl.BlockSpec((1, D), lambda i: (0, 0)),
            pl.BlockSpec((K * D, D), lambda i: (0, 0)),
            pl.BlockSpec((IROWS, 128), lambda i: (0, 0)),
        ],
        out_specs=[
            pl.BlockSpec((K, RB, D), lambda i: (0, i, 0)),
            pl.BlockSpec((IROWS, 128), lambda i: (0, 0)),
        ],
        out_shape=[
            jax.ShapeDtypeStruct((K, NCP, D), jnp.float32),
            jax.ShapeDtypeStruct((IROWS, 128), jnp.int32),
        ],
        scratch_shapes=[
            pltpu.VMEM((2, D), jnp.float32),
        ],
    )(lv_coarse, gn_gamma.reshape(1, D), gn_beta.reshape(1, D),
      weight.astype(jnp.bfloat16), idx_2d)

    tab_flat = table.reshape(K * NCP, D)
    flat_idx = flat_idx.reshape(IPAD)

    mesh = plsc.VectorSubcoreMesh(core_axis_name="c", subcore_axis_name="s")
    out = pl.kernel(
        _sc_body,
        out_type=jax.ShapeDtypeStruct((N_FINE, D), jnp.float32),
        mesh=mesh,
        scratch_types=[
            pltpu.VMEM((K * SC_C,), jnp.int32),
            pltpu.VMEM((SC_C, D), jnp.float32),
            pltpu.VMEM((SC_C, D), jnp.float32),
            pltpu.VMEM((SC_C, D), jnp.float32),
            pltpu.VMEM((SC_C, D), jnp.float32),
            pltpu.SemaphoreType.DMA,
            pltpu.SemaphoreType.DMA,
            pltpu.SemaphoreType.DMA,
            pltpu.SemaphoreType.DMA,
        ],
    )(tab_flat, flat_idx)
    return out

# --- scband reference (transcript-rebuilt; emitter-appended) ---
"""Pipeline reference for scband-gn-relu-finefy-25400436588659 (READ-ONLY COPY).

The authoritative reference and input builder live on the scoring server;
editing this copy changes nothing except your own understanding.
"""

import jax, jax.numpy as jnp
import numpy as np
import math

N_COARSE = 12500
N_FINE = 25000
VAL_DIM = 256
NR_FILTERS = 256
FILTER_EXTENT = 9  # permutohedral lattice 1-hop: 2*(pos_dim+1)+1 with pos_dim=3
GROUPS = 32
EPS = 1e-5


def setup_inputs(seed: int = 0) -> dict:
    key = jax.random.key(seed)
    k1, k2, k3 = jax.random.split(key, 3)
    lv_coarse = jax.random.normal(k1, (N_COARSE, VAL_DIM), dtype=jnp.float32)
    # neighbor indices: for each fine vertex, FILTER_EXTENT coarse-lattice neighbor vertices
    neighbor_idx = jax.random.randint(k2, (N_FINE, FILTER_EXTENT), 0, N_COARSE, dtype=jnp.int32)
    # FinefyLatticeModule weight init (kaiming-uniform variant from reset_parameters):
    # fan = fan_out(weight)/2 = (filter_extent*val_dim)/2, gain=sqrt(2) for relu,
    # std = gain/sqrt(fan)*2, bound = sqrt(3)*std
    fan = (FILTER_EXTENT * VAL_DIM) / 2.0
    gain = math.sqrt(2.0)
    std = gain / math.sqrt(fan) * 2.0
    bound = math.sqrt(3.0) * std
    weight = jax.random.uniform(k3, (FILTER_EXTENT * VAL_DIM, NR_FILTERS), dtype=jnp.float32, minval=-bound, maxval=bound)
    gn_gamma = jnp.ones((VAL_DIM,), dtype=jnp.float32)
    gn_beta = jnp.zeros((VAL_DIM,), dtype=jnp.float32)
    return {"lv_coarse": lv_coarse, "neighbor_idx": neighbor_idx, "gn_gamma": gn_gamma, "gn_beta": gn_beta, "weight": weight}


def _group_norm(x, gamma, beta):
    # Faithful to torch: x is [N_vertices, C]; torch code does x.unsqueeze(0).transpose(1,2)
    # -> [1, C, N], GroupNorm(32, C): each group normalizes over (C//groups)*N elements.
    n, c = x.shape
    cg = c // GROUPS
    xt = x.T  # [C, N]
    xg = xt.reshape(GROUPS, cg, n)
    mean = jnp.mean(xg, axis=(1, 2), keepdims=True)
    var = jnp.var(xg, axis=(1, 2), keepdims=True)
    xn = (xg - mean) / jnp.sqrt(var + EPS)
    xn = xn.reshape(c, n).T  # [N, C]
    return xn * gamma[None, :] + beta[None, :]


def reference(lv_coarse, neighbor_idx, gn_gamma, gn_beta, weight):
    # GnReluFinefy: GroupNorm -> ReLU -> Finefy (gather coarse neighbors per fine vertex, linear)
    lv = _group_norm(lv_coarse, gn_gamma, gn_beta)
    lv = jax.nn.relu(lv)
    # FinefyLattice: for each fine vertex gather FILTER_EXTENT coarse neighbor values
    gathered = jnp.take(lv, neighbor_idx, axis=0)  # [N_FINE, FILTER_EXTENT, VAL_DIM]
    gathered = gathered.reshape(N_FINE, FILTER_EXTENT * VAL_DIM)
    lv_1 = gathered @ weight  # [N_FINE, NR_FILTERS]
    return lv_1

if __name__ == "__main__":
    import jax
    _d = setup_inputs()
    print(jax.jit(kernel)(*tuple(_d.values())))

</pallas_src>

<mosaic_0001>
#map = affine_map<(d0, d1) -> (0, 0)>
#map1 = affine_map<(d0, d1) -> (0)>
module attributes {stable_mosaic.version = 14 : i64} {
  func.func @_sc_body(%arg0: i32, %arg1: i32, %arg2: memref<115200x256xf32, #tpu.memory_space<hbm>>, %arg3: memref<225792xi32, #tpu.memory_space<hbm>>, %arg4: memref<25000x256xf32, #tpu.memory_space<hbm>>, %arg5: memref<1008xi32, #tpu.memory_space<vmem>>, %arg6: memref<112x256xf32, #tpu.memory_space<vmem>>, %arg7: memref<112x256xf32, #tpu.memory_space<vmem>>, %arg8: memref<112x256xf32, #tpu.memory_space<vmem>>, %arg9: memref<112x256xf32, #tpu.memory_space<vmem>>, %arg10: memref<!tpu.dma_semaphore, #tpu.memory_space<semaphore_mem>>, %arg11: memref<!tpu.dma_semaphore, #tpu.memory_space<semaphore_mem>>, %arg12: memref<!tpu.dma_semaphore, #tpu.memory_space<semaphore_mem>>, %arg13: memref<!tpu.dma_semaphore, #tpu.memory_space<semaphore_mem>>) attributes {dimension_semantics = [#tpu.dimension_semantics<core_parallel>, #tpu.dimension_semantics<subcore_parallel>], iteration_bounds = array<i64: 2, 16>, scalar_prefetch = 0 : i64, scratch_operands = 9 : i64, tpu.core_type = #tpu.core_type<sc_vector_subcore>, window_params = [{transform_indices = #map}, {transform_indices = #map1}, {transform_indices = #map}]} {
    %mul3A = arith.constant 2 : i32
    %mul3A_0 = arith.muli %arg1, %mul3A : i32
    %add3A = arith.addi %mul3A_0, %arg0 : i32
    %scan3A = arith.constant 0 : i32
    %scan3A_1 = arith.constant 0 : i32
    %scan3A_2 = arith.constant 7 : i32
    %scan3A_3 = arith.addi %scan3A_1, %scan3A_2 : i32
    %scan3A_4 = arith.constant 1 : i32
    scf.for %scan3A_6 = %scan3A_1 to %scan3A_3 step %scan3A_4  : i32 {
      %mul3A_7 = arith.constant 32 : i32
      %mul3A_8 = arith.muli %scan3A_6, %mul3A_7 : i32
      %add3A_9 = arith.addi %add3A, %mul3A_8 : i32
      %lt3A = arith.constant 224 : i32
      %lt3A_10 = arith.cmpi slt, %add3A_9, %lt3A : i32
      %convert_element_type3A = arith.extui %lt3A_10 : i1 to i32
      %cond3A = arith.constant 0 : i32
      %cond3A_11 = arith.cmpi ne, %convert_element_type3A, %cond3A : i32
      scf.if %cond3A_11 {
        %mul3A_12 = arith.constant 9 : i32
        %mul3A_13 = arith.muli %add3A_9, %mul3A_12 : i32
        %mul3A_14 = arith.constant 112 : i32
        %mul3A_15 = arith.muli %mul3A_13, %mul3A_14 : i32
        "tpu.region"() ({
          %run_scoped3A = tpu.sem_alloc : memref<!tpu.dma_semaphore, #tpu.memory_space<semaphore_mem>>
          %dma_start3A_138 = tpu.memref_slice %arg3[%mul3A_15] : memref<225792xi32, #tpu.memory_space<hbm>> -> memref<1008xi32, #tpu.memory_space<hbm>>
          %dma_start3A_139 = tpu.memref_slice %arg3[%mul3A_15] : memref<225792xi32, #tpu.memory_space<hbm>> -> memref<1008xi32, #tpu.memory_space<hbm>>
          tpu.enqueue_dma source(%dma_start3A_139 : memref<1008xi32, #tpu.memory_space<hbm>>) target(%arg5 : memref<1008xi32, #tpu.memory_space<vmem>>) target_semaphore(%run_scoped3A : memref<!tpu.dma_semaphore, #tpu.memory_space<semaphore_mem>>)
          %dma_wait3A_140 = tpu.memref_slice %arg3[%mul3A_15] : memref<225792xi32, #tpu.memory_space<hbm>> -> memref<1008xi32, #tpu.memory_space<hbm>>
          %dma_wait3A_141 = tpu.memref_slice %arg3[%mul3A_15] : memref<225792xi32, #tpu.memory_space<hbm>> -> memref<1008xi32, #tpu.memory_space<hbm>>
          tpu.wait_dma2 semaphore(%run_scoped3A : memref<!tpu.dma_semaphore, #tpu.memory_space<semaphore_mem>>) src(%dma_wait3A_141 : memref<1008xi32, #tpu.memory_space<hbm>>) dst(%arg5 : memref<1008xi32, #tpu.memory_space<vmem>>)
          tpu.yield
        }) : () -> ()
        %dma_start3A = arith.constant 0 : i32
        %dma_start3A_16 = tpu.memref_slice %arg5[%dma_start3A] : memref<1008xi32, #tpu.memory_space<vmem>> -> memref<112xi32, #tpu.memory_space<vmem>>
        %dma_start3A_17 = arith.constant 0 : i32
        %dma_start3A_18 = arith.constant 0 : i32
        %dma_start3A_19 = tpu.memref_slice %arg2[%dma_start3A_17, %dma_start3A_18] : memref<115200x256xf32, #tpu.memory_space<hbm>> -> memref<115200x256xf32, #tpu.memory_space<hbm>>
        tpu.enqueue_indirect_dma source(%dma_start3A_19 : memref<115200x256xf32, #tpu.memory_space<hbm>>) target(%arg9 : memref<112x256xf32, #tpu.memory_space<vmem>>) offsets(%dma_start3A_16 : memref<112xi32, #tpu.memory_space<vmem>>) semaphore(%arg10 : memref<!tpu.dma_semaphore, #tpu.memory_space<semaphore_mem>>)
        %dma_start3A_20 = arith.constant 112 : i32
        %dma_start3A_21 = tpu.memref_slice %arg5[%dma_start3A_20] : memref<1008xi32, #tpu.memory_space<vmem>> -> memref<112xi32, #tpu.memory_space<vmem>>
        %dma_start3A_22 = arith.constant 0 : i32
        %dma_start3A_23 = arith.constant 0 : i32
        %dma_start3A_24 = tpu.memref_slice %arg2[%dma_start3A_22, %dma_start3A_23] : memref<115200x256xf32, #tpu.memory_space<hbm>> -> memref<115200x256xf32, #tpu.memory_space<hbm>>
        tpu.enqueue_indirect_dma source(%dma_start3A_24 : memref<115200x256xf32, #tpu.memory_space<hbm>>) target(%arg6 : memref<112x256xf32, #tpu.memory_space<vmem>>) offsets(%dma_start3A_21 : memref<112xi32, #tpu.memory_space<vmem>>) semaphore(%arg11 : memref<!tpu.dma_semaphore, #tpu.memory_space<semaphore_mem>>)
        %dma_start3A_25 = arith.constant 224 : i32
        %dma_start3A_26 = tpu.memref_slice %arg5[%dma_start3A_25] : memref<1008xi32, #tpu.memory_space<vmem>> -> memref<112xi32, #tpu.memory_space<vmem>>
        %dma_start3A_27 = arith.constant 0 : i32
        %dma_start3A_28 = arith.constant 0 : i32
        %dma_start3A_29 = tpu.memref_slice %arg2[%dma_start3A_27, %dma_start3A_28] : memref<115200x256xf32, #tpu.memory_space<hbm>> -> memref<115200x256xf32, #tpu.memory_space<hbm>>
        tpu.enqueue_indirect_dma source(%dma_start3A_29 : memref<115200x256xf32, #tpu.memory_space<hbm>>) target(%arg7 : memref<112x256xf32, #tpu.memory_space<vmem>>) offsets(%dma_start3A_26 : memref<112xi32, #tpu.memory_space<vmem>>) semaphore(%arg12 : memref<!tpu.dma_semaphore, #tpu.memory_space<semaphore_mem>>)
        %dma_start3A_30 = arith.constant 336 : i32
        %dma_start3A_31 = tpu.memref_slice %arg5[%dma_start3A_30] : memref<1008xi32, #tpu.memory_space<vmem>> -> memref<112xi32, #tpu.memory_space<vmem>>
        %dma_start3A_32 = arith.constant 0 : i32
        %dma_start3A_33 = arith.constant 0 : i32
        %dma_start3A_34 = tpu.memref_slice %arg2[%dma_start3A_32, %dma_start3A_33] : memref<115200x256xf32, #tpu.memory_space<hbm>> -> memref<115200x256xf32, #tpu.memory_space<hbm>>
        tpu.enqueue_indirect_dma source(%dma_start3A_34 : memref<115200x256xf32, #tpu.memory_space<hbm>>) target(%arg8 : memref<112x256xf32, #tpu.memory_space<vmem>>) offsets(%dma_start3A_31 : memref<112xi32, #tpu.memory_space<vmem>>) semaphore(%arg13 : memref<!tpu.dma_semaphore, #tpu.memory_space<semaphore_mem>>)
        %dma_wait3A = arith.constant 0 : i32
        %dma_wait3A_35 = tpu.memref_slice %arg5[%dma_wait3A] : memref<1008xi32, #tpu.memory_space<vmem>> -> memref<112xi32, #tpu.memory_space<vmem>>
        %dma_wait3A_36 = arith.constant 0 : i32
        %dma_wait3A_37 = arith.constant 0 : i32
        %dma_wait3A_38 = tpu.memref_slice %arg2[%dma_wait3A_36, %dma_wait3A_37] : memref<115200x256xf32, #tpu.memory_space<hbm>> -> memref<115200x256xf32, #tpu.memory_space<hbm>>
        tpu.wait_indirect_dma semaphore(%arg10 : memref<!tpu.dma_semaphore, #tpu.memory_space<semaphore_mem>>) src(%dma_wait3A_38 : memref<115200x256xf32, #tpu.memory_space<hbm>>) dst(%arg9 : memref<112x256xf32, #tpu.memory_space<vmem>>)
        %dma_wait3A_39 = arith.constant 112 : i32
        %dma_wait3A_40 = tpu.memref_slice %arg5[%dma_wait3A_39] : memref<1008xi32, #tpu.memory_space<vmem>> -> memref<112xi32, #tpu.memory_space<vmem>>
        %dma_wait3A_41 = arith.constant 0 : i32
        %dma_wait3A_42 = arith.constant 0 : i32
        %dma_wait3A_43 = tpu.memref_slice %arg2[%dma_wait3A_41, %dma_wait3A_42] : memref<115200x256xf32, #tpu.memory_space<hbm>> -> memref<115200x256xf32, #tpu.memory_space<hbm>>
        tpu.wait_indirect_dma semaphore(%arg11 : memref<!tpu.dma_semaphore, #tpu.memory_space<semaphore_mem>>) src(%dma_wait3A_43 : memref<115200x256xf32, #tpu.memory_space<hbm>>) dst(%arg6 : memref<112x256xf32, #tpu.memory_space<vmem>>)
        %parallel_loop3A = arith.constant 0 : i32
        %parallel_loop3A_44 = arith.constant 112 : i32
        %parallel_loop3A_45 = arith.constant 1 : i32
        scf.for %parallel_loop3A_138 = %parallel_loop3A to %parallel_loop3A_44 step %parallel_loop3A_45  : i32 {
          %parallel_loop3A_139 = arith.index_cast %parallel_loop3A_138 : i32 to index
          %parallel_loop3A_140 = arith.constant 0 : index
          %parallel_loop3A_141 = tpu.vector_load %arg6[%parallel_loop3A_139, %parallel_loop3A_140] {strides = array<i32>} : memref<112x256xf32, #tpu.memory_space<vmem>>, vector<1x16xf32>,
          %parallel_loop3A_142 = vector.shape_cast %parallel_loop3A_141 : vector<1x16xf32> to vector<16xf32>
          %parallel_loop3A_143 = arith.index_cast %parallel_loop3A_138 : i32 to index
          %parallel_loop3A_144 = arith.constant 0 : index
          %parallel_loop3A_145 = tpu.vector_load %arg9[%parallel_loop3A_143, %parallel_loop3A_144] {strides = array<i32>} : memref<112x256xf32, #tpu.memory_space<vmem>>, vector<1x16xf32>,
          %parallel_loop3A_146 = vector.shape_cast %parallel_loop3A_145 : vector<1x16xf32> to vector<16xf32>
          %parallel_loop3A_147 = vector.shape_cast %parallel_loop3A_142 : vector<16xf32> to vector<1x16xf32>
          tpu.vector_store %arg9[%parallel_loop3A_143, %parallel_loop3A_144], %parallel_loop3A_147 {add = true, strides = array<i32>} : memref<112x256xf32, #tpu.memory_space<vmem>>, vector<1x16xf32>,
          %parallel_loop3A_148 = arith.index_cast %parallel_loop3A_138 : i32 to index
          %parallel_loop3A_149 = arith.constant 16 : index
          %parallel_loop3A_150 = tpu.vector_load %arg6[%parallel_loop3A_148, %parallel_loop3A_149] {strides = array<i32>} : memref<112x256xf32, #tpu.memory_space<vmem>>, vector<1x16xf32>,
          %parallel_loop3A_151 = vector.shape_cast %parallel_loop3A_150 : vector<1x16xf32> to vector<16xf32>
          %parallel_loop3A_152 = arith.index_cast %parallel_loop3A_138 : i32 to index
          %parallel_loop3A_153 = arith.constant 16 : index
          %parallel_loop3A_154 = tpu.vector_load %arg9[%parallel_loop3A_152, %parallel_loop3A_153] {strides = array<i32>} : memref<112x256xf32, #tpu.memory_space<vmem>>, vector<1x16xf32>,
          %parallel_loop3A_155 = vector.shape_cast %parallel_loop3A_154 : vector<1x16xf32> to vector<16xf32>
          %parallel_loop3A_156 = vector.shape_cast %parallel_loop3A_151 : vector<16xf32> to vector<1x16xf32>
          tpu.vector_store %arg9[%parallel_loop3A_152, %parallel_loop3A_153], %parallel_loop3A_156 {add = true, strides = array<i32>} : memref<112x256xf32, #tpu.memory_space<vmem>>, vector<1x16xf32>,
          %parallel_loop3A_157 = arith.index_cast %parallel_loop3A_138 : i32 to index
          %parallel_loop3A_158 = arith.constant 32 : index
          %parallel_loop3A_159 = tpu.vector_load %arg6[%parallel_loop3A_157, %parallel_loop3A_158] {strides = array<i32>} : memref<112x256xf32, #tpu.memory_space<vmem>>, vector<1x16xf32>,
          %parallel_loop3A_160 = vector.shape_cast %parallel_loop3A_159 : vector<1x16xf32> to vector<16xf32>
          %parallel_loop3A_161 = arith.index_cast %parallel_loop3A_138 : i32 to index
          %parallel_loop3A_162 = arith.constant 32 : index
          %parallel_loop3A_163 = tpu.vector_load %arg9[%parallel_loop3A_161, %parallel_loop3A_162] {strides = array<i32>} : memref<112x256xf32, #tpu.memory_space<vmem>>, vector<1x16xf32>,
          %parallel_loop3A_164 = vector.shape_cast %parallel_loop3A_163 : vector<1x16xf32> to vector<16xf32>
          %parallel_loop3A_165 = vector.shape_cast %parallel_loop3A_160 : vector<16xf32> to vector<1x16xf32>
          tpu.vector_store %arg9[%parallel_loop3A_161, %parallel_loop3A_162], %parallel_loop3A_165 {add = true, strides = array<i32>} : memref<112x256xf32, #tpu.memory_space<vmem>>, vector<1x16xf32>,
          %parallel_loop3A_166 = arith.index_cast %parallel_loop3A_138 : i32 to index
          %parallel_loop3A_167 = arith.constant 48 : index
          %parallel_loop3A_168 = tpu.vector_load %arg6[%parallel_loop3A_166, %parallel_loop3A_167] {strides = array<i32>} : memref<112x256xf32, #tpu.memory_space<vmem>>, vector<1x16xf32>,
          %parallel_loop3A_169 = vector.shape_cast %parallel_loop3A_168 : vector<1x16xf32> to vector<16xf32>
          %parallel_loop3A_170 = arith.index_cast %parallel_loop3A_138 : i32 to index
          %parallel_loop3A_171 = arith.constant 48 : index
          %parallel_loop3A_172 = tpu.vector_load %arg9[%parallel_loop3A_170, %parallel_loop3A_171] {strides = array<i32>} : memref<112x256xf32, #tpu.memory_space<vmem>>, vector<1x16xf32>,
          %parallel_loop3A_173 = vector.shape_cast %parallel_loop3A_172 : vector<1x16xf32> to vector<16xf32>
          %parallel_loop3A_174 = vector.shape_cast %parallel_loop3A_169 : vector<16xf32> to vector<1x16xf32>
          tpu.vector_store %arg9[%parallel_loop3A_170, %parallel_loop3A_171], %parallel_loop3A_174 {add = true, strides = array<i32>} : memref<112x256xf32, #tpu.memory_space<vmem>>, vector<1x16xf32>,
          %parallel_loop3A_175 = arith.index_cast %parallel_loop3A_138 : i32 to index
          %parallel_loop3A_176 = arith.constant 64 : index
          %parallel_loop3A_177 = tpu.vector_load %arg6[%parallel_loop3A_175, %parallel_loop3A_176] {strides = array<i32>} : memref<112x256xf32, #tpu.memory_space<vmem>>, vector<1x16xf32>,
          %parallel_loop3A_178 = vector.shape_cast %parallel_loop3A_177 : vector<1x16xf32> to vector<16xf32>
          %parallel_loop3A_179 = arith.index_cast %parallel_loop3A_138 : i32 to index
          %parallel_loop3A_180 = arith.constant 64 : index
          %parallel_loop3A_181 = tpu.vector_load %arg9[%parallel_loop3A_179, %parallel_loop3A_180] {strides = array<i32>} : memref<112x256xf32, #tpu.memory_space<vmem>>, vector<1x16xf32>,
          %parallel_loop3A_182 = vector.shape_cast %parallel_loop3A_181 : vector<1x16xf32> to vector<16xf32>
          %parallel_loop3A_183 = vector.shape_cast %parallel_loop3A_178 : vector<16xf32> to vector<1x16xf32>
          tpu.vector_store %arg9[%parallel_loop3A_179, %parallel_loop3A_180], %parallel_loop3A_183 {add = true, strides = array<i32>} : memref<112x256xf32, #tpu.memory_space<vmem>>, vector<1x16xf32>,
          %parallel_loop3A_184 = arith.index_cast %parallel_loop3A_138 : i32 to index
          %parallel_loop3A_185 = arith.constant 80 : index
          %parallel_loop3A_186 = tpu.vector_load %arg6[%parallel_loop3A_184, %parallel_loop3A_185] {strides = array<i32>} : memref<112x256xf32, #tpu.memory_space<vmem>>, vector<1x16xf32>,
          %parallel_loop3A_187 = vector.shape_cast %parallel_loop3A_186 : vector<1x16xf32> to vector<16xf32>
          %parallel_loop3A_188 = arith.index_cast %parallel_loop3A_138 : i32 to index
          %parallel_loop3A_189 = arith.constant 80 : index
          %parallel_loop3A_190 = tpu.vector_load %arg9[%parallel_loop3A_188, %parallel_loop3A_189] {strides = array<i32>} : memref<112x256xf32, #tpu.memory_space<vmem>>, vector<1x16xf32>,
          %parallel_loop3A_191 = vector.shape_cast %parallel_loop3A_190 : vector<1x16xf32> to vector<16xf32>
          %parallel_loop3A_192 = vector.shape_cast %parallel_loop3A_187 : vector<16xf32> to vector<1x16xf32>
          tpu.vector_store %arg9[%parallel_loop3A_188, %parallel_loop3A_189], %parallel_loop3A_192 {add = true, strides = array<i32>} : memref<112x256xf32, #tpu.memory_space<vmem>>, vector<1x16xf32>,
          %parallel_loop3A_193 = arith.index_cast %parallel_loop3A_138 : i32 to index
          %parallel_loop3A_194 = arith.constant 96 : index
          %parallel_loop3A_195 = tpu.vector_load %arg6[%parallel_loop3A_193, %parallel_loop3A_194] {strides = array<i32>} : memref<112x256xf32, #tpu.memory_space<vmem>>, vector<1x16xf32>,
          %parallel_loop3A_196 = vector.shape_cast %parallel_loop3A_195 : vector<1x16xf32> to vector<16xf32>
          %parallel_loop3A_197 = arith.index_cast %parallel_loop3A_138 : i32 to index
          %parallel_loop3A_198 = arith.constant 96 : index
          %parallel_loop3A_199 = tpu.vector_load %arg9[%parallel_loop3A_197, %parallel_loop3A_198] {strides = array<i32>} : memref<112x256xf32, #tpu.memory_space<vmem>>, vector<1x16xf32>,
          %parallel_loop3A_200 = vector.shape_cast %parallel_loop3A_199 : vector<1x16xf32> to vector<16xf32>
          %parallel_loop3A_201 = vector.shape_cast %parallel_loop3A_196 : vector<16xf32> to vector<1x16xf32>
          tpu.vector_store %arg9[%parallel_loop3A_197, %parallel_loop3A_198], %parallel_loop3A_201 {add = true, strides = array<i32>} : memref<112x256xf32, #tpu.memory_space<vmem>>, vector<1x16xf32>,
          %parallel_loop3A_202 = arith.index_cast %parallel_loop3A_138 : i32 to index
          %parallel_loop3A_203 = arith.constant 112 : index
          %parallel_loop3A_204 = tpu.vector_load %arg6[%parallel_loop3A_202, %parallel_loop3A_203] {strides = array<i32>} : memref<112x256xf32, #tpu.memory_space<vmem>>, vector<1x16xf32>,
          %parallel_loop3A_205 = vector.shape_cast %parallel_loop3A_204 : vector<1x16xf32> to vector<16xf32>
          %parallel_loop3A_206 = arith.index_cast %parallel_loop3A_138 : i32 to index
          %parallel_loop3A_207 = arith.constant 112 : index
          %parallel_loop3A_208 = tpu.vector_load %arg9[%parallel_loop3A_206, %parallel_loop3A_207] {strides = array<i32>} : memref<112x256xf32, #tpu.memory_space<vmem>>, vector<1x16xf32>,
          %parallel_loop3A_209 = vector.shape_cast %parallel_loop3A_208 : vector<1x16xf32> to vector<16xf32>
          %parallel_loop3A_210 = vector.shape_cast %parallel_loop3A_205 : vector<16xf32> to vector<1x16xf32>
          tpu.vector_store %arg9[%parallel_loop3A_206, %parallel_loop3A_207], %parallel_loop3A_210 {add = true, strides = array<i32>} : memref<112x256xf32, #tpu.memory_space<vmem>>, vector<1x16xf32>,
          %parallel_loop3A_211 = arith.index_cast %parallel_loop3A_138 : i32 to index
          %parallel_loop3A_212 = arith.constant 128 : index
          %parallel_loop3A_213 = tpu.vector_load %arg6[%parallel_loop3A_211, %parallel_loop3A_212] {strides = array<i32>} : memref<112x256xf32, #tpu.memory_space<vmem>>, vector<1x16xf32>,
          %parallel_loop3A_214 = vector.shape_cast %parallel_loop3A_213 : vector<1x16xf32> to vector<16xf32>
          %parallel_loop3A_215 = arith.index_cast %parallel_loop3A_138 : i32 to index
          %parallel_loop3A_216 = arith.constant 128 : index
          %parallel_loop3A_217 = tpu.vector_load %arg9[%parallel_loop3A_215, %parallel_loop3A_216] {strides = array<i32>} : memref<112x256xf32, #tpu.memory_space<vmem>>, vector<1x16xf32>,
          %parallel_loop3A_218 = vector.shape_cast %parallel_loop3A_217 : vector<1x16xf32> to vector<16xf32>
          %parallel_loop3A_219 = vector.shape_cast %parallel_loop3A_214 : vector<16xf32> to vector<1x16xf32>
          tpu.vector_store %arg9[%parallel_loop3A_215, %parallel_loop3A_216], %parallel_loop3A_219 {add = true, strides = array<i32>} : memref<112x256xf32, #tpu.memory_space<vmem>>, vector<1x16xf32>,
          %parallel_loop3A_220 = arith.index_cast %parallel_loop3A_138 : i32 to index
          %parallel_loop3A_221 = arith.constant 144 : index
          %parallel_loop3A_222 = tpu.vector_load %arg6[%parallel_loop3A_220, %parallel_loop3A_221] {strides = array<i32>} : memref<112x256xf32, #tpu.memory_space<vmem>>, vector<1x16xf32>,
          %parallel_loop3A_223 = vector.shape_cast %parallel_loop3A_222 : vector<1x16xf32> to vector<16xf32>
          %parallel_loop3A_224 = arith.index_cast %parallel_loop3A_138 : i32 to index
          %parallel_loop3A_225 = arith.constant 144 : index
          %parallel_loop3A_226 = tpu.vector_load %arg9[%parallel_loop3A_224, %parallel_loop3A_225] {strides = array<i32>} : memref<112x256xf32, #tpu.memory_space<vmem>>, vector<1x16xf32>,
          %parallel_loop3A_227 = vector.shape_cast %parallel_loop3A_226 : vector<1x16xf32> to vector<16xf32>
          %parallel_loop3A_228 = vector.shape_cast %parallel_loop3A_223 : vector<16xf32> to vector<1x16xf32>
          tpu.vector_store %arg9[%parallel_loop3A_224, %parallel_loop3A_225], %parallel_loop3A_228 {add = true, strides = array<i32>} : memref<112x256xf32, #tpu.memory_space<vmem>>, vector<1x16xf32>,
          %parallel_loop3A_229 = arith.index_cast %parallel_loop3A_138 : i32 to index
          %parallel_loop3A_230 = arith.constant 160 : index
          %parallel_loop3A_231 = tpu.vector_load %arg6[%parallel_loop3A_229, %parallel_loop3A_230] {strides = array<i32>} : memref<112x256xf32, #tpu.memory_space<vmem>>, vector<1x16xf32>,
          %parallel_loop3A_232 = vector.shape_cast %parallel_loop3A_231 : vector<1x16xf32> to vector<16xf32>
          %parallel_loop3A_233 = arith.index_cast %parallel_loop3A_138 : i32 to index
          %parallel_loop3A_234 = arith.constant 160 : index
          %parallel_loop3A_235 = tpu.vector_load %arg9[%parallel_loop3A_233, %parallel_loop3A_234] {strides = array<i32>} : memref<112x256xf32, #tpu.memory_space<vmem>>, vector<1x16xf32>,
          %parallel_loop3A_236 = vector.shape_cast %parallel_loop3A_235 : vector<1x16xf32> to vector<16xf32>
          %parallel_loop3A_237 = vector.shape_cast %parallel_loop3A_232 : vector<16xf32> to vector<1x16xf32>
          tpu.vector_store %arg9[%parallel_loop3A_233, %parallel_loop3A_234], %parallel_loop3A_237 {add = true, strides = array<i32>} : memref<112x256xf32, #tpu.memory_space<vmem>>, vector<1x16xf32>,
          %parallel_loop3A_238 = arith.index_cast %parallel_loop3A_138 : i32 to index
          %parallel_loop3A_239 = arith.constant 176 : index
          %parallel_loop3A_240 = tpu.vector_load %arg6[%parallel_loop3A_238, %parallel_loop3A_239] {strides = array<i32>} : memref<112x256xf32, #tpu.memory_space<vmem>>, vector<1x16xf32>,
          %parallel_loop3A_241 = vector.shape_cast %parallel_loop3A_240 : vector<1x16xf32> to vector<16xf32>
          %parallel_loop3A_242 = arith.index_cast %parallel_loop3A_138 : i32 to index
          %parallel_loop3A_243 = arith.constant 176 : index
          %parallel_loop3A_244 = tpu.vector_load %arg9[%parallel_loop3A_242, %parallel_loop3A_243] {strides = array<i32>} : memref<112x256xf32, #tpu.memory_space<vmem>>, vector<1x16xf32>,
          %parallel_loop3A_245 = vector.shape_cast %parallel_loop3A_244 : vector<1x16xf32> to vector<16xf32>
          %parallel_loop3A_246 = vector.shape_cast %parallel_loop3A_241 : vector<16xf32> to vector<1x16xf32>
          tpu.vector_store %arg9[%parallel_loop3A_242, %parallel_loop3A_243], %parallel_loop3A_246 {add = true, strides = array<i32>} : memref<112x256xf32, #tpu.memory_space<vmem>>, vector<1x16xf32>,
          %parallel_loop3A_247 = arith.index_cast %parallel_loop3A_138 : i32 to index
          %parallel_loop3A_248 = arith.constant 192 : index
          %parallel_loop3A_249 = tpu.vector_load %arg6[%parallel_loop3A_247, %parallel_loop3A_248] {strides = array<i32>} : memref<112x256xf32, #tpu.memory_space<vmem>>, vector<1x16xf32>,
          %parallel_loop3A_250 = vector.shape_cast %parallel_loop3A_249 : vector<1x16xf32> to vector<16xf32>
          %parallel_loop3A_251 = arith.index_cast %parallel_loop3A_138 : i32 to index
          %parallel_loop3A_252 = arith.constant 192 : index
          %parallel_loop3A_253 = tpu.vector_load %arg9[%parallel_loop3A_251, %parallel_loop3A_252] {strides = array<i32>} : memref<112x256xf32, #tpu.memory_space<vmem>>, vector<1x16xf32>,
          %parallel_loop3A_254 = vector.shape_cast %parallel_loop3A_253 : vector<1x16xf32> to vector<16xf32>
          %parallel_loop3A_255 = vector.shape_cast %parallel_loop3A_250 : vector<16xf32> to vector<1x16xf32>
          tpu.vector_store %arg9[%parallel_loop3A_251, %parallel_loop3A_252], %parallel_loop3A_255 {add = true, strides = array<i32>} : memref<112x256xf32, #tpu.memory_space<vmem>>, vector<1x16xf32>,
          %parallel_loop3A_256 = arith.index_cast %parallel_loop3A_138 : i32 to index
          %parallel_loop3A_257 = arith.constant 208 : index
          %parallel_loop3A_258 = tpu.vector_load %arg6[%parallel_loop3A_256, %parallel_loop3A_257] {strides = array<i32>} : memref<112x256xf32, #tpu.memory_space<vmem>>, vector<1x16xf32>,
          %parallel_loop3A_259 = vector.shape_cast %parallel_loop3A_258 : vector<1x16xf32> to vector<16xf32>
          %parallel_loop3A_260 = arith.index_cast %parallel_loop3A_138 : i32 to index
          %parallel_loop3A_261 = arith.constant 208 : index
          %parallel_loop3A_262 = tpu.vector_load %arg9[%parallel_loop3A_260, %parallel_loop3A_261] {strides = array<i32>} : memref<112x256xf32, #tpu.memory_space<vmem>>, vector<1x16xf32>,
          %parallel_loop3A_263 = vector.shape_cast %parallel_loop3A_262 : vector<1x16xf32> to vector<16xf32>
          %parallel_loop3A_264 = vector.shape_cast %parallel_loop3A_259 : vector<16xf32> to vector<1x16xf32>
          tpu.vector_store %arg9[%parallel_loop3A_260, %parallel_loop3A_261], %parallel_loop3A_264 {add = true, strides = array<i32>} : memref<112x256xf32, #tpu.memory_space<vmem>>, vector<1x16xf32>,
          %parallel_loop3A_265 = arith.index_cast %parallel_loop3A_138 : i32 to index
          %parallel_loop3A_266 = arith.constant 224 : index
          %parallel_loop3A_267 = tpu.vector_load %arg6[%parallel_loop3A_265, %parallel_loop3A_266] {strides = array<i32>} : memref<112x256xf32, #tpu.memory_space<vmem>>, vector<1x16xf32>,
          %parallel_loop3A_268 = vector.shape_cast %parallel_loop3A_267 : vector<1x16xf32> to vector<16xf32>
          %parallel_loop3A_269 = arith.index_cast %parallel_loop3A_138 : i32 to index
          %parallel_loop3A_270 = arith.constant 224 : index
          %parallel_loop3A_271 = tpu.vector_load %arg9[%parallel_loop3A_269, %parallel_loop3A_270] {strides = array<i32>} : memref<112x256xf32, #tpu.memory_space<vmem>>, vector<1x16xf32>,
          %parallel_loop3A_272 = vector.shape_cast %parallel_loop3A_271 : vector<1x16xf32> to vector<16xf32>
          %parallel_loop3A_273 = vector.shape_cast %parallel_loop3A_268 : vector<16xf32> to vector<1x16xf32>
          tpu.vector_store %arg9[%parallel_loop3A_269, %parallel_loop3A_270], %parallel_loop3A_273 {add = true, strides = array<i32>} : memref<112x256xf32, #tpu.memory_space<vmem>>, vector<1x16xf32>,
          %parallel_loop3A_274 = arith.index_cast %parallel_loop3A_138 : i32 to index
          %parallel_loop3A_275 = arith.constant 240 : index
          %parallel_loop3A_276 = tpu.vector_load %arg6[%parallel_loop3A_274, %parallel_loop3A_275] {strides = array<i32>} : memref<112x256xf32, #tpu.memory_space<vmem>>, vector<1x16xf32>,
          %parallel_loop3A_277 = vector.shape_cast %parallel_loop3A_276 : vector<1x16xf32> to vector<16xf32>
          %parallel_loop3A_278 = arith.index_cast %parallel_loop3A_138 : i32 to index
          %parallel_loop3A_279 = arith.constant 240 : index
          %parallel_loop3A_280 = tpu.vector_load %arg9[%parallel_loop3A_278, %parallel_loop3A_279] {strides = array<i32>} : memref<112x256xf32, #tpu.memory_space<vmem>>, vector<1x16xf32>,
          %parallel_loop3A_281 = vector.shape_cast %parallel_loop3A_280 : vector<1x16xf32> to vector<16xf32>
          %parallel_loop3A_282 = vector.shape_cast %parallel_loop3A_277 : vector<16xf32> to vector<1x16xf32>
          tpu.vector_store %arg9[%parallel_loop3A_278, %parallel_loop3A_279], %parallel_loop3A_282 {add = true, strides = array<i32>} : memref<112x256xf32, #tpu.memory_space<vmem>>, vector<1x16xf32>,
        } {sc.loop_unroll_factor = 4 : i64, sc.parallel_access}
        %dma_start3A_46 = arith.constant 448 : i32
        %dma_start3A_47 = tpu.memref_slice %arg5[%dma_start3A_46] : memref<1008xi32, #tpu.memory_space<vmem>> -> memref<112xi32, #tpu.memory_space<vmem>>
        %dma_start3A_48 = arith.constant 0 : i32
        %dma_start3A_49 = arith.constant 0 : i32
        %dma_start3A_50 = tpu.memref_slice %arg2[%dma_start3A_48, %dma_start3A_49] : memref<115200x256xf32, #tpu.memory_space<hbm>> -> memref<115200x256xf32, #tpu.memory_space<hbm>>
        tpu.enqueue_indirect_dma source(%dma_start3A_50 : memref<115200x256xf32, #tpu.memory_space<hbm>>) target(%arg6 : memref<112x256xf32, #tpu.memory_space<vmem>>) offsets(%dma_start3A_47 : memref<112xi32, #tpu.memory_space<vmem>>) semaphore(%arg11 : memref<!tpu.dma_semaphore, #tpu.memory_space<semaphore_mem>>)
        %dma_wait3A_51 = arith.constant 224 : i32
        %dma_wait3A_52 = tpu.memref_slice %arg5[%dma_wait3A_51] : memref<1008xi32, #tpu.memory_space<vmem>> -> memref<112xi32, #tpu.memory_space<vmem>>
        %dma_wait3A_53 = arith.constant 0 : i32
        %dma_wait3A_54 = arith.constant 0 : i32
        %dma_wait3A_55 = tpu.memref_slice %arg2[%dma_wait3A_53, %dma_wait3A_54] : memref<115200x256xf32, #tpu.memory_space<hbm>> -> memref<115200x256xf32, #tpu.memory_space<hbm>>
        tpu.wait_indirect_dma semaphore(%arg12 : memref<!tpu.dma_semaphore, #tpu.memory_space<semaphore_mem>>) src(%dma_wait3A_55 : memref<115200x256xf32, #tpu.memory_space<hbm>>) dst(%arg7 : memref<112x256xf32, #tpu.memory_space<vmem>>)
        %parallel_loop3A_56 = arith.constant 0 : i32
        %parallel_loop3A_57 = arith.constant 112 : i32
        %parallel_loop3A_58 = arith.constant 1 : i32
        scf.for %parallel_loop3A_138 = %parallel_loop3A_56 to %parallel_loop3A_57 step %parallel_loop3A_58  : i32 {
          %parallel_loop3A_139 = arith.index_cast %parallel_loop3A_138 : i32 to index
          %parallel_loop3A_140 = arith.constant 0 : index
          %parallel_loop3A_141 = tpu.vector_load %arg7[%parallel_loop3A_139, %parallel_loop3A_140] {strides = array<i32>} : memref<112x256xf32, #tpu.memory_space<vmem>>, vector<1x16xf32>,
          %parallel_loop3A_142 = vector.shape_cast %parallel_loop3A_141 : vector<1x16xf32> to vector<16xf32>
          %parallel_loop3A_143 = arith.index_cast %parallel_loop3A_138 : i32 to index
          %parallel_loop3A_144 = arith.constant 0 : index
          %parallel_loop3A_145 = tpu.vector_load %arg9[%parallel_loop3A_143, %parallel_loop3A_144] {strides = array<i32>} : memref<112x256xf32, #tpu.memory_space<vmem>>, vector<1x16xf32>,
          %parallel_loop3A_146 = vector.shape_cast %parallel_loop3A_145 : vector<1x16xf32> to vector<16xf32>
          %parallel_loop3A_147 = vector.shape_cast %parallel_loop3A_142 : vector<16xf32> to vector<1x16xf32>
          tpu.vector_store %arg9[%parallel_loop3A_143, %parallel_loop3A_144], %parallel_loop3A_147 {add = true, strides = array<i32>} : memref<112x256xf32, #tpu.memory_space<vmem>>, vector<1x16xf32>,
          %parallel_loop3A_148 = arith.index_cast %parallel_loop3A_138 : i32 to index
          %parallel_loop3A_149 = arith.constant 16 : index
          %parallel_loop3A_150 = tpu.vector_load %arg7[%parallel_loop3A_148, %parallel_loop3A_149] {strides = array<i32>} : memref<112x256xf32, #tpu.memory_space<vmem>>, vector<1x16xf32>,
          %parallel_loop3A_151 = vector.shape_cast %parallel_loop3A_150 : vector<1x16xf32> to vector<16xf32>
          %parallel_loop3A_152 = arith.index_cast %parallel_loop3A_138 : i32 to index
          %parallel_loop3A_153 = arith.constant 16 : index
          %parallel_loop3A_154 = tpu.vector_load %arg9[%parallel_loop3A_152, %parallel_loop3A_153] {strides = array<i32>} : memref<112x256xf32, #tpu.memory_space<vmem>>, vector<1x16xf32>,
          %parallel_loop3A_155 = vector.shape_cast %parallel_loop3A_154 : vector<1x16xf32> to vector<16xf32>
          %parallel_loop3A_156 = vector.shape_cast %parallel_loop3A_151 : vector<16xf32> to vector<1x16xf32>
          tpu.vector_store %arg9[%parallel_loop3A_152, %parallel_loop3A_153], %parallel_loop3A_156 {add = true, strides = array<i32>} : memref<112x256xf32, #tpu.memory_space<vmem>>, vector<1x16xf32>,
          %parallel_loop3A_157 = arith.index_cast %parallel_loop3A_138 : i32 to index
          %parallel_loop3A_158 = arith.constant 32 : index
          %parallel_loop3A_159 = tpu.vector_load %arg7[%parallel_loop3A_157, %parallel_loop3A_158] {strides = array<i32>} : memref<112x256xf32, #tpu.memory_space<vmem>>, vector<1x16xf32>,
          %parallel_loop3A_160 = vector.shape_cast %parallel_loop3A_159 : vector<1x16xf32> to vector<16xf32>
          %parallel_loop3A_161 = arith.index_cast %parallel_loop3A_138 : i32 to index
          %parallel_loop3A_162 = arith.constant 32 : index
          %parallel_loop3A_163 = tpu.vector_load %arg9[%parallel_loop3A_161, %parallel_loop3A_162] {strides = array<i32>} : memref<112x256xf32, #tpu.memory_space<vmem>>, vector<1x16xf32>,
          %parallel_loop3A_164 = vector.shape_cast %parallel_loop3A_163 : vector<1x16xf32> to vector<16xf32>
          %parallel_loop3A_165 = vector.shape_cast %parallel_loop3A_160 : vector<16xf32> to vector<1x16xf32>
          tpu.vector_store %arg9[%parallel_loop3A_161, %parallel_loop3A_162], %parallel_loop3A_165 {add = true, strides = array<i32>} : memref<112x256xf32, #tpu.memory_space<vmem>>, vector<1x16xf32>,
          %parallel_loop3A_166 = arith.index_cast %parallel_loop3A_138 : i32 to index
          %parallel_loop3A_167 = arith.constant 48 : index
          %parallel_loop3A_168 = tpu.vector_load %arg7[%parallel_loop3A_166, %parallel_loop3A_167] {strides = array<i32>} : memref<112x256xf32, #tpu.memory_space<vmem>>, vector<1x16xf32>,
          %parallel_loop3A_169 = vector.shape_cast %parallel_loop3A_168 : vector<1x16xf32> to vector<16xf32>
          %parallel_loop3A_170 = arith.index_cast %parallel_loop3A_138 : i32 to index
          %parallel_loop3A_171 = arith.constant 48 : index
          %parallel_loop3A_172 = tpu.vector_load %arg9[%parallel_loop3A_170, %parallel_loop3A_171] {strides = array<i32>} : memref<112x256xf32, #tpu.memory_space<vmem>>, vector<1x16xf32>,
          %parallel_loop3A_173 = vector.shape_cast %parallel_loop3A_172 : vector<1x16xf32> to vector<16xf32>
          %parallel_loop3A_174 = vector.shape_cast %parallel_loop3A_169 : vector<16xf32> to vector<1x16xf32>
          tpu.vector_store %arg9[%parallel_loop3A_170, %parallel_loop3A_171], %parallel_loop3A_174 {add = true, strides = array<i32>} : memref<112x256xf32, #tpu.memory_space<vmem>>, vector<1x16xf32>,
          %parallel_loop3A_175 = arith.index_cast %parallel_loop3A_138 : i32 to index
          %parallel_loop3A_176 = arith.constant 64 : index
          %parallel_loop3A_177 = tpu.vector_load %arg7[%parallel_loop3A_175, %parallel_loop3A_176] {strides = array<i32>} : memref<112x256xf32, #tpu.memory_space<vmem>>, vector<1x16xf32>,
          %parallel_loop3A_178 = vector.shape_cast %parallel_loop3A_177 : vector<1x16xf32> to vector<16xf32>
          %parallel_loop3A_179 = arith.index_cast %parallel_loop3A_138 : i32 to index
          %parallel_loop3A_180 = arith.constant 64 : index
          %parallel_loop3A_181 = tpu.vector_load %arg9[%parallel_loop3A_179, %parallel_loop3A_180] {strides = array<i32>} : memref<112x256xf32, #tpu.memory_space<vmem>>, vector<1x16xf32>,
          %parallel_loop3A_182 = vector.shape_cast %parallel_loop3A_181 : vector<1x16xf32> to vector<16xf32>
          %parallel_loop3A_183 = vector.shape_cast %parallel_loop3A_178 : vector<16xf32> to vector<1x16xf32>
          tpu.vector_store %arg9[%parallel_loop3A_179, %parallel_loop3A_180], %parallel_loop3A_183 {add = true, strides = array<i32>} : memref<112x256xf32, #tpu.memory_space<vmem>>, vector<1x16xf32>,
          %parallel_loop3A_184 = arith.index_cast %parallel_loop3A_138 : i32 to index
          %parallel_loop3A_185 = arith.constant 80 : index
          %parallel_loop3A_186 = tpu.vector_load %arg7[%parallel_loop3A_184, %parallel_loop3A_185] {strides = array<i32>} : memref<112x256xf32, #tpu.memory_space<vmem>>, vector<1x16xf32>,
          %parallel_loop3A_187 = vector.shape_cast %parallel_loop3A_186 : vector<1x16xf32> to vector<16xf32>
          %parallel_loop3A_188 = arith.index_cast %parallel_loop3A_138 : i32 to index
          %parallel_loop3A_189 = arith.constant 80 : index
          %parallel_loop3A_190 = tpu.vector_load %arg9[%parallel_loop3A_188, %parallel_loop3A_189] {strides = array<i32>} : memref<112x256xf32, #tpu.memory_space<vmem>>, vector<1x16xf32>,
          %parallel_loop3A_191 = vector.shape_cast %parallel_loop3A_190 : vector<1x16xf32> to vector<16xf32>
          %parallel_loop3A_192 = vector.shape_cast %parallel_loop3A_187 : vector<16xf32> to vector<1x16xf32>
          tpu.vector_store %arg9[%parallel_loop3A_188, %parallel_loop3A_189], %parallel_loop3A_192 {add = true, strides = array<i32>} : memref<112x256xf32, #tpu.memory_space<vmem>>, vector<1x16xf32>,
          %parallel_loop3A_193 = arith.index_cast %parallel_loop3A_138 : i32 to index
          %parallel_loop3A_194 = arith.constant 96 : index
          %parallel_loop3A_195 = tpu.vector_load %arg7[%parallel_loop3A_193, %parallel_loop3A_194] {strides = array<i32>} : memref<112x256xf32, #tpu.memory_space<vmem>>, vector<1x16xf32>,
          %parallel_loop3A_196 = vector.shape_cast %parallel_loop3A_195 : vector<1x16xf32> to vector<16xf32>
          %parallel_loop3A_197 = arith.index_cast %parallel_loop3A_138 : i32 to index
          %parallel_loop3A_198 = arith.constant 96 : index
          %parallel_loop3A_199 = tpu.vector_load %arg9[%parallel_loop3A_197, %parallel_loop3A_198] {strides = array<i32>} : memref<112x256xf32, #tpu.memory_space<vmem>>, vector<1x16xf32>,
          %parallel_loop3A_200 = vector.shape_cast %parallel_loop3A_199 : vector<1x16xf32> to vector<16xf32>
          %parallel_loop3A_201 = vector.shape_cast %parallel_loop3A_196 : vector<16xf32> to vector<1x16xf32>
          tpu.vector_store %arg9[%parallel_loop3A_197, %parallel_loop3A_198], %parallel_loop3A_201 {add = true, strides = array<i32>} : memref<112x256xf32, #tpu.memory_space<vmem>>, vector<1x16xf32>,
          %parallel_loop3A_202 = arith.index_cast %parallel_loop3A_138 : i32 to index
          %parallel_loop3A_203 = arith.constant 112 : index
          %parallel_loop3A_204 = tpu.vector_load %arg7[%parallel_loop3A_202, %parallel_loop3A_203] {strides = array<i32>} : memref<112x256xf32, #tpu.memory_space<vmem>>, vector<1x16xf32>,
          %parallel_loop3A_205 = vector.shape_cast %parallel_loop3A_204 : vector<1x16xf32> to vector<16xf32>
          %parallel_loop3A_206 = arith.index_cast %parallel_loop3A_138 : i32 to index
          %parallel_loop3A_207 = arith.constant 112 : index
          %parallel_loop3A_208 = tpu.vector_load %arg9[%parallel_loop3A_206, %parallel_loop3A_207] {strides = array<i32>} : memref<112x256xf32, #tpu.memory_space<vmem>>, vector<1x16xf32>,
          %parallel_loop3A_209 = vector.shape_cast %parallel_loop3A_208 : vector<1x16xf32> to vector<16xf32>
          %parallel_loop3A_210 = vector.shape_cast %parallel_loop3A_205 : vector<16xf32> to vector<1x16xf32>
          tpu.vector_store %arg9[%parallel_loop3A_206, %parallel_loop3A_207], %parallel_loop3A_210 {add = true, strides = array<i32>} : memref<112x256xf32, #tpu.memory_space<vmem>>, vector<1x16xf32>,
          %parallel_loop3A_211 = arith.index_cast %parallel_loop3A_138 : i32 to index
          %parallel_loop3A_212 = arith.constant 128 : index
          %parallel_loop3A_213 = tpu.vector_load %arg7[%parallel_loop3A_211, %parallel_loop3A_212] {strides = array<i32>} : memref<112x256xf32, #tpu.memory_space<vmem>>, vector<1x16xf32>,
          %parallel_loop3A_214 = vector.shape_cast %parallel_loop3A_213 : vector<1x16xf32> to vector<16xf32>
          %parallel_loop3A_215 = arith.index_cast %parallel_loop3A_138 : i32 to index
          %parallel_loop3A_216 = arith.constant 128 : index
          %parallel_loop3A_217 = tpu.vector_load %arg9[%parallel_loop3A_215, %parallel_loop3A_216] {strides = array<i32>} : memref<112x256xf32, #tpu.memory_space<vmem>>, vector<1x16xf32>,
          %parallel_loop3A_218 = vector.shape_cast %parallel_loop3A_217 : vector<1x16xf32> to vector<16xf32>
          %parallel_loop3A_219 = vector.shape_cast %parallel_loop3A_214 : vector<16xf32> to vector<1x16xf32>
          tpu.vector_store %arg9[%parallel_loop3A_215, %parallel_loop3A_216], %parallel_loop3A_219 {add = true, strides = array<i32>} : memref<112x256xf32, #tpu.memory_space<vmem>>, vector<1x16xf32>,
          %parallel_loop3A_220 = arith.index_cast %parallel_loop3A_138 : i32 to index
          %parallel_loop3A_221 = arith.constant 144 : index
          %parallel_loop3A_222 = tpu.vector_load %arg7[%parallel_loop3A_220, %parallel_loop3A_221] {strides = array<i32>} : memref<112x256xf32, #tpu.memory_space<vmem>>, vector<1x16xf32>,
          %parallel_loop3A_223 = vector.shape_cast %parallel_loop3A_222 : vector<1x16xf32> to vector<16xf32>
          %parallel_loop3A_224 = arith.index_cast %parallel_loop3A_138 : i32 to index
          %parallel_loop3A_225 = arith.constant 144 : index
          %parallel_loop3A_226 = tpu.vector_load %arg9[%parallel_loop3A_224, %parallel_loop3A_225] {strides = array<i32>} : memref<112x256xf32, #tpu.memory_space<vmem>>, vector<1x16xf32>,
          %parallel_loop3A_227 = vector.shape_cast %parallel_loop3A_226 : vector<1x16xf32> to vector<16xf32>
          %parallel_loop3A_228 = vector.shape_cast %parallel_loop3A_223 : vector<16xf32> to vector<1x16xf32>
          tpu.vector_store %arg9[%parallel_loop3A_224, %parallel_loop3A_225], %parallel_loop3A_228 {add = true, strides = array<i32>} : memref<112x256xf32, #tpu.memory_space<vmem>>, vector<1x16xf32>,
          %parallel_loop3A_229 = arith.index_cast %parallel_loop3A_138 : i32 to index
          %parallel_loop3A_230 = arith.constant 160 : index
          %parallel_loop3A_231 = tpu.vector_load %arg7[%parallel_loop3A_229, %parallel_loop3A_230] {strides = array<i32>} : memref<112x256xf32, #tpu.memory_space<vmem>>, vector<1x16xf32>,
          %parallel_loop3A_232 = vector.shape_cast %parallel_loop3A_231 : vector<1x16xf32> to vector<16xf32>
          %parallel_loop3A_233 = arith.index_cast %parallel_loop3A_138 : i32 to index
          %parallel_loop3A_234 = arith.constant 160 : index
          %parallel_loop3A_235 = tpu.vector_load %arg9[%parallel_loop3A_233, %parallel_loop3A_234] {strides = array<i32>} : memref<112x256xf32, #tpu.memory_space<vmem>>, vector<1x16xf32>,
          %parallel_loop3A_236 = vector.shape_cast %parallel_loop3A_235 : vector<1x16xf32> to vector<16xf32>
          %parallel_loop3A_237 = vector.shape_cast %parallel_loop3A_232 : vector<16xf32> to vector<1x16xf32>
          tpu.vector_store %arg9[%parallel_loop3A_233, %parallel_loop3A_234], %parallel_loop3A_237 {add = true, strides = array<i32>} : memref<112x256xf32, #tpu.memory_space<vmem>>, vector<1x16xf32>,
          %parallel_loop3A_238 = arith.index_cast %parallel_loop3A_138 : i32 to index
          %parallel_loop3A_239 = arith.constant 176 : index
          %parallel_loop3A_240 = tpu.vector_load %arg7[%parallel_loop3A_238, %parallel_loop3A_239] {strides = array<i32>} : memref<112x256xf32, #tpu.memory_space<vmem>>, vector<1x16xf32>,
          %parallel_loop3A_241 = vector.shape_cast %parallel_loop3A_240 : vector<1x16xf32> to vector<16xf32>
          %parallel_loop3A_242 = arith.index_cast %parallel_loop3A_138 : i32 to index
          %parallel_loop3A_243 = arith.constant 176 : index
          %parallel_loop3A_244 = tpu.vector_load %arg9[%parallel_loop3A_242, %parallel_loop3A_243] {strides = array<i32>} : memref<112x256xf32, #tpu.memory_space<vmem>>, vector<1x16xf32>,
          %parallel_loop3A_245 = vector.shape_cast %parallel_loop3A_244 : vector<1x16xf32> to vector<16xf32>
          %parallel_loop3A_246 = vector.shape_cast %parallel_loop3A_241 : vector<16xf32> to vector<1x16xf32>
          tpu.vector_store %arg9[%parallel_loop3A_242, %parallel_loop3A_243], %parallel_loop3A_246 {add = true, strides = array<i32>} : memref<112x256xf32, #tpu.memory_space<vmem>>, vector<1x16xf32>,
          %parallel_loop3A_247 = arith.index_cast %parallel_loop3A_138 : i32 to index
          %parallel_loop3A_248 = arith.constant 192 : index
          %parallel_loop3A_249 = tpu.vector_load %arg7[%parallel_loop3A_247, %parallel_loop3A_248] {strides = array<i32>} : memref<112x256xf32, #tpu.memory_space<vmem>>, vector<1x16xf32>,
          %parallel_loop3A_250 = vector.shape_cast %parallel_loop3A_249 : vector<1x16xf32> to vector<16xf32>
          %parallel_loop3A_251 = arith.index_cast %parallel_loop3A_138 : i32 to index
          %parallel_loop3A_252 = arith.constant 192 : index
          %parallel_loop3A_253 = tpu.vector_load %arg9[%parallel_loop3A_251, %parallel_loop3A_252] {strides = array<i32>} : memref<112x256xf32, #tpu.memory_space<vmem>>, vector<1x16xf32>,
          %parallel_loop3A_254 = vector.shape_cast %parallel_loop3A_253 : vector<1x16xf32> to vector<16xf32>
          %parallel_loop3A_255 = vector.shape_cast %parallel_loop3A_250 : vector<16xf32> to vector<1x16xf32>
          tpu.vector_store %arg9[%parallel_loop3A_251, %parallel_loop3A_252], %parallel_loop3A_255 {add = true, strides = array<i32>} : memref<112x256xf32, #tpu.memory_space<vmem>>, vector<1x16xf32>,
          %parallel_loop3A_256 = arith.index_cast %parallel_loop3A_138 : i32 to index
          %parallel_loop3A_257 = arith.constant 208 : index
          %parallel_loop3A_258 = tpu.vector_load %arg7[%parallel_loop3A_256, %parallel_loop3A_257] {strides = array<i32>} : memref<112x256xf32, #tpu.memory_space<vmem>>, vector<1x16xf32>,
          %parallel_loop3A_259 = vector.shape_cast %parallel_loop3A_258 : vector<1x16xf32> to vector<16xf32>
          %parallel_loop3A_260 = arith.index_cast %parallel_loop3A_138 : i32 to index
          %parallel_loop3A_261 = arith.constant 208 : index
          %parallel_loop3A_262 = tpu.vector_load %arg9[%parallel_loop3A_260, %parallel_loop3A_261] {strides = array<i32>} : memref<112x256xf32, #tpu.memory_space<vmem>>, vector<1x16xf32>,
          %parallel_loop3A_263 = vector.shape_cast %parallel_loop3A_262 : vector<1x16xf32> to vector<16xf32>
          %parallel_loop3A_264 = vector.shape_cast %parallel_loop3A_259 : vector<16xf32> to vector<1x16xf32>
          tpu.vector_store %arg9[%parallel_loop3A_260, %parallel_loop3A_261], %parallel_loop3A_264 {add = true, strides = array<i32>} : memref<112x256xf32, #tpu.memory_space<vmem>>, vector<1x16xf32>,
          %parallel_loop3A_265 = arith.index_cast %parallel_loop3A_138 : i32 to index
          %parallel_loop3A_266 = arith.constant 224 : index
          %parallel_loop3A_267 = tpu.vector_load %arg7[%parallel_loop3A_265, %parallel_loop3A_266] {strides = array<i32>} : memref<112x256xf32, #tpu.memory_space<vmem>>, vector<1x16xf32>,
          %parallel_loop3A_268 = vector.shape_cast %parallel_loop3A_267 : vector<1x16xf32> to vector<16xf32>
          %parallel_loop3A_269 = arith.index_cast %parallel_loop3A_138 : i32 to index
          %parallel_loop3A_270 = arith.constant 224 : index
          %parallel_loop3A_271 = tpu.vector_load %arg9[%parallel_loop3A_269, %parallel_loop3A_270] {strides = array<i32>} : memref<112x256xf32, #tpu.memory_space<vmem>>, vector<1x16xf32>,
          %parallel_loop3A_272 = vector.shape_cast %parallel_loop3A_271 : vector<1x16xf32> to vector<16xf32>
          %parallel_loop3A_273 = vector.shape_cast %parallel_loop3A_268 : vector<16xf32> to vector<1x16xf32>
          tpu.vector_store %arg9[%parallel_loop3A_269, %parallel_loop3A_270], %parallel_loop3A_273 {add = true, strides = array<i32>} : memref<112x256xf32, #tpu.memory_space<vmem>>, vector<1x16xf32>,
          %parallel_loop3A_274 = arith.index_cast %parallel_loop3A_138 : i32 to index
          %parallel_loop3A_275 = arith.constant 240 : index
          %parallel_loop3A_276 = tpu.vector_load %arg7[%parallel_loop3A_274, %parallel_loop3A_275] {strides = array<i32>} : memref<112x256xf32, #tpu.memory_space<vmem>>, vector<1x16xf32>,
          %parallel_loop3A_277 = vector.shape_cast %parallel_loop3A_276 : vector<1x16xf32> to vector<16xf32>
          %parallel_loop3A_278 = arith.index_cast %parallel_loop3A_138 : i32 to index
          %parallel_loop3A_279 = arith.constant 240 : index
          %parallel_loop3A_280 = tpu.vector_load %arg9[%parallel_loop3A_278, %parallel_loop3A_279] {strides = array<i32>} : memref<112x256xf32, #tpu.memory_space<vmem>>, vector<1x16xf32>,
          %parallel_loop3A_281 = vector.shape_cast %parallel_loop3A_280 : vector<1x16xf32> to vector<16xf32>
          %parallel_loop3A_282 = vector.shape_cast %parallel_loop3A_277 : vector<16xf32> to vector<1x16xf32>
          tpu.vector_store %arg9[%parallel_loop3A_278, %parallel_loop3A_279], %parallel_loop3A_282 {add = true, strides = array<i32>} : memref<112x256xf32, #tpu.memory_space<vmem>>, vector<1x16xf32>,
        } {sc.loop_unroll_factor = 4 : i64, sc.parallel_access}
        %dma_start3A_59 = arith.constant 560 : i32
        %dma_start3A_60 = tpu.memref_slice %arg5[%dma_start3A_59] : memref<1008xi32, #tpu.memory_space<vmem>> -> memref<112xi32, #tpu.memory_space<vmem>>
        %dma_start3A_61 = arith.constant 0 : i32
        %dma_start3A_62 = arith.constant 0 : i32
        %dma_start3A_63 = tpu.memref_slice %arg2[%dma_start3A_61, %dma_start3A_62] : memref<115200x256xf32, #tpu.memory_space<hbm>> -> memref<115200x256xf32, #tpu.memory_space<hbm>>
        tpu.enqueue_indirect_dma source(%dma_start3A_63 : memref<115200x256xf32, #tpu.memory_space<hbm>>) target(%arg7 : memref<112x256xf32, #tpu.memory_space<vmem>>) offsets(%dma_start3A_60 : memref<112xi32, #tpu.memory_space<vmem>>) semaphore(%arg12 : memref<!tpu.dma_semaphore, #tpu.memory_space<semaphore_mem>>)
        %dma_wait3A_64 = arith.constant 336 : i32
        %dma_wait3A_65 = tpu.memref_slice %arg5[%dma_wait3A_64] : memref<1008xi32, #tpu.memory_space<vmem>> -> memref<112xi32, #tpu.memory_space<vmem>>
        %dma_wait3A_66 = arith.constant 0 : i32
        %dma_wait3A_67 = arith.constant 0 : i32
        %dma_wait3A_68 = tpu.memref_slice %arg2[%dma_wait3A_66, %dma_wait3A_67] : memref<115200x256xf32, #tpu.memory_space<hbm>> -> memref<115200x256xf32, #tpu.memory_space<hbm>>
        tpu.wait_indirect_dma semaphore(%arg13 : memref<!tpu.dma_semaphore, #tpu.memory_space<semaphore_mem>>) src(%dma_wait3A_68 : memref<115200x256xf32, #tpu.memory_space<hbm>>) dst(%arg8 : memref<112x256xf32, #tpu.memory_space<vmem>>)
        %parallel_loop3A_69 = arith.constant 0 : i32
        %parallel_loop3A_70 = arith.constant 112 : i32
        %parallel_loop3A_71 = arith.constant 1 : i32
        scf.for %parallel_loop3A_138 = %parallel_loop3A_69 to %parallel_loop3A_70 step %parallel_loop3A_71  : i32 {
          %parallel_loop3A_139 = arith.index_cast %parallel_loop3A_138 : i32 to index
          %parallel_loop3A_140 = arith.constant 0 : index
          %parallel_loop3A_141 = tpu.vector_load %arg8[%parallel_loop3A_139, %parallel_loop3A_140] {strides = array<i32>} : memref<112x256xf32, #tpu.memory_space<vmem>>, vector<1x16xf32>,
          %parallel_loop3A_142 = vector.shape_cast %parallel_loop3A_141 : vector<1x16xf32> to vector<16xf32>
          %parallel_loop3A_143 = arith.index_cast %parallel_loop3A_138 : i32 to index
          %parallel_loop3A_144 = arith.constant 0 : index
          %parallel_loop3A_145 = tpu.vector_load %arg9[%parallel_loop3A_143, %parallel_loop3A_144] {strides = array<i32>} : memref<112x256xf32, #tpu.memory_space<vmem>>, vector<1x16xf32>,
          %parallel_loop3A_146 = vector.shape_cast %parallel_loop3A_145 : vector<1x16xf32> to vector<16xf32>
          %parallel_loop3A_147 = vector.shape_cast %parallel_loop3A_142 : vector<16xf32> to vector<1x16xf32>
          tpu.vector_store %arg9[%parallel_loop3A_143, %parallel_loop3A_144], %parallel_loop3A_147 {add = true, strides = array<i32>} : memref<112x256xf32, #tpu.memory_space<vmem>>, vector<1x16xf32>,
          %parallel_loop3A_148 = arith.index_cast %parallel_loop3A_138 : i32 to index
          %parallel_loop3A_149 = arith.constant 16 : index
          %parallel_loop3A_150 = tpu.vector_load %arg8[%parallel_loop3A_148, %parallel_loop3A_149] {strides = array<i32>} : memref<112x256xf32, #tpu.memory_space<vmem>>, vector<1x16xf32>,
          %parallel_loop3A_151 = vector.shape_cast %parallel_loop3A_150 : vector<1x16xf32> to vector<16xf32>
          %parallel_loop3A_152 = arith.index_cast %parallel_loop3A_138 : i32 to index
          %parallel_loop3A_153 = arith.constant 16 : index
          %parallel_loop3A_154 = tpu.vector_load %arg9[%parallel_loop3A_152, %parallel_loop3A_153] {strides = array<i32>} : memref<112x256xf32, #tpu.memory_space<vmem>>, vector<1x16xf32>,
          %parallel_loop3A_155 = vector.shape_cast %parallel_loop3A_154 : vector<1x16xf32> to vector<16xf32>
          %parallel_loop3A_156 = vector.shape_cast %parallel_loop3A_151 : vector<16xf32> to vector<1x16xf32>
          tpu.vector_store %arg9[%parallel_loop3A_152, %parallel_loop3A_153], %parallel_loop3A_156 {add = true, strides = array<i32>} : memref<112x256xf32, #tpu.memory_space<vmem>>, vector<1x16xf32>,
          %parallel_loop3A_157 = arith.index_cast %parallel_loop3A_138 : i32 to index
          %parallel_loop3A_158 = arith.constant 32 : index
          %parallel_loop3A_159 = tpu.vector_load %arg8[%parallel_loop3A_157, %parallel_loop3A_158] {strides = array<i32>} : memref<112x256xf32, #tpu.memory_space<vmem>>, vector<1x16xf32>,
          %parallel_loop3A_160 = vector.shape_cast %parallel_loop3A_159 : vector<1x16xf32> to vector<16xf32>
          %parallel_loop3A_161 = arith.index_cast %parallel_loop3A_138 : i32 to index
          %parallel_loop3A_162 = arith.constant 32 : index
          %parallel_loop3A_163 = tpu.vector_load %arg9[%parallel_loop3A_161, %parallel_loop3A_162] {strides = array<i32>} : memref<112x256xf32, #tpu.memory_space<vmem>>, vector<1x16xf32>,
          %parallel_loop3A_164 = vector.shape_cast %parallel_loop3A_163 : vector<1x16xf32> to vector<16xf32>
          %parallel_loop3A_165 = vector.shape_cast %parallel_loop3A_160 : vector<16xf32> to vector<1x16xf32>
          tpu.vector_store %arg9[%parallel_loop3A_161, %parallel_loop3A_162], %parallel_loop3A_165 {add = true, strides = array<i32>} : memref<112x256xf32, #tpu.memory_space<vmem>>, vector<1x16xf32>,
          %parallel_loop3A_166 = arith.index_cast %parallel_loop3A_138 : i32 to index
          %parallel_loop3A_167 = arith.constant 48 : index
          %parallel_loop3A_168 = tpu.vector_load %arg8[%parallel_loop3A_166, %parallel_loop3A_167] {strides = array<i32>} : memref<112x256xf32, #tpu.memory_space<vmem>>, vector<1x16xf32>,
          %parallel_loop3A_169 = vector.shape_cast %parallel_loop3A_168 : vector<1x16xf32> to vector<16xf32>
          %parallel_loop3A_170 = arith.index_cast %parallel_loop3A_138 : i32 to index
          %parallel_loop3A_171 = arith.constant 48 : index
          %parallel_loop3A_172 = tpu.vector_load %arg9[%parallel_loop3A_170, %parallel_loop3A_171] {strides = array<i32>} : memref<112x256xf32, #tpu.memory_space<vmem>>, vector<1x16xf32>,
          %parallel_loop3A_173 = vector.shape_cast %parallel_loop3A_172 : vector<1x16xf32> to vector<16xf32>
          %parallel_loop3A_174 = vector.shape_cast %parallel_loop3A_169 : vector<16xf32> to vector<1x16xf32>
          tpu.vector_store %arg9[%parallel_loop3A_170, %parallel_loop3A_171], %parallel_loop3A_174 {add = true, strides = array<i32>} : memref<112x256xf32, #tpu.memory_space<vmem>>, vector<1x16xf32>,
          %parallel_loop3A_175 = arith.index_cast %parallel_loop3A_138 : i32 to index
          %parallel_loop3A_176 = arith.constant 64 : index
          %parallel_loop3A_177 = tpu.vector_load %arg8[%parallel_loop3A_175, %parallel_loop3A_176] {strides = array<i32>} : memref<112x256xf32, #tpu.memory_space<vmem>>, vector<1x16xf32>,
          %parallel_loop3A_178 = vector.shape_cast %parallel_loop3A_177 : vector<1x16xf32> to vector<16xf32>
          %parallel_loop3A_179 = arith.index_cast %parallel_loop3A_138 : i32 to index
          %parallel_loop3A_180 = arith.constant 64 : index
          %parallel_loop3A_181 = tpu.vector_load %arg9[%parallel_loop3A_179, %parallel_loop3A_180] {strides = array<i32>} : memref<112x256xf32, #tpu.memory_space<vmem>>, vector<1x16xf32>,
          %parallel_loop3A_182 = vector.shape_cast %parallel_loop3A_181 : vector<1x16xf32> to vector<16xf32>
          %parallel_loop3A_183 = vector.shape_cast %parallel_loop3A_178 : vector<16xf32> to vector<1x16xf32>
          tpu.vector_store %arg9[%parallel_loop3A_179, %parallel_loop3A_180], %parallel_loop3A_183 {add = true, strides = array<i32>} : memref<112x256xf32, #tpu.memory_space<vmem>>, vector<1x16xf32>,
          %parallel_loop3A_184 = arith.index_cast %parallel_loop3A_138 : i32 to index
          %parallel_loop3A_185 = arith.constant 80 : index
          %parallel_loop3A_186 = tpu.vector_load %arg8[%parallel_loop3A_184, %parallel_loop3A_185] {strides = array<i32>} : memref<112x256xf32, #tpu.memory_space<vmem>>, vector<1x16xf32>,
          %parallel_loop3A_187 = vector.shape_cast %parallel_loop3A_186 : vector<1x16xf32> to vector<16xf32>
          %parallel_loop3A_188 = arith.index_cast %parallel_loop3A_138 : i32 to index
          %parallel_loop3A_189 = arith.constant 80 : index
          %parallel_loop3A_190 = tpu.vector_load %arg9[%parallel_loop3A_188, %parallel_loop3A_189] {strides = array<i32>} : memref<112x256xf32, #tpu.memory_space<vmem>>, vector<1x16xf32>,
          %parallel_loop3A_191 = vector.shape_cast %parallel_loop3A_190 : vector<1x16xf32> to vector<16xf32>
          %parallel_loop3A_192 = vector.shape_cast %parallel_loop3A_187 : vector<16xf32> to vector<1x16xf32>
          tpu.vector_store %arg9[%parallel_loop3A_188, %parallel_loop3A_189], %parallel_loop3A_192 {add = true, strides = array<i32>} : memref<112x256xf32, #tpu.memory_space<vmem>>, vector<1x16xf32>,
          %parallel_loop3A_193 = arith.index_cast %parallel_loop3A_138 : i32 to index
          %parallel_loop3A_194 = arith.constant 96 : index
          %parallel_loop3A_195 = tpu.vector_load %arg8[%parallel_loop3A_193, %parallel_loop3A_194] {strides = array<i32>} : memref<112x256xf32, #tpu.memory_space<vmem>>, vector<1x16xf32>,
          %parallel_loop3A_196 = vector.shape_cast %parallel_loop3A_195 : vector<1x16xf32> to vector<16xf32>
          %parallel_loop3A_197 = arith.index_cast %parallel_loop3A_138 : i32 to index
          %parallel_loop3A_198 = arith.constant 96 : index
          %parallel_loop3A_199 = tpu.vector_load %arg9[%parallel_loop3A_197, %parallel_loop3A_198] {strides = array<i32>} : memref<112x256xf32, #tpu.memory_space<vmem>>, vector<1x16xf32>,
          %parallel_loop3A_200 = vector.shape_cast %parallel_loop3A_199 : vector<1x16xf32> to vector<16xf32>
          %parallel_loop3A_201 = vector.shape_cast %parallel_loop3A_196 : vector<16xf32> to vector<1x16xf32>
          tpu.vector_store %arg9[%parallel_loop3A_197, %parallel_loop3A_198], %parallel_loop3A_201 {add = true, strides = array<i32>} : memref<112x256xf32, #tpu.memory_space<vmem>>, vector<1x16xf32>,
          %parallel_loop3A_202 = arith.index_cast %parallel_loop3A_138 : i32 to index
          %parallel_loop3A_203 = arith.constant 112 : index
          %parallel_loop3A_204 = tpu.vector_load %arg8[%parallel_loop3A_202, %parallel_loop3A_203] {strides = array<i32>} : memref<112x256xf32, #tpu.memory_space<vmem>>, vector<1x16xf32>,
          %parallel_loop3A_205 = vector.shape_cast %parallel_loop3A_204 : vector<1x16xf32> to vector<16xf32>
          %parallel_loop3A_206 = arith.index_cast %parallel_loop3A_138 : i32 to index
          %parallel_loop3A_207 = arith.constant 112 : index
          %parallel_loop3A_208 = tpu.vector_load %arg9[%parallel_loop3A_206, %parallel_loop3A_207] {strides = array<i32>} : memref<112x256xf32, #tpu.memory_space<vmem>>, vector<1x16xf32>,
          %parallel_loop3A_209 = vector.shape_cast %parallel_loop3A_208 : vector<1x16xf32> to vector<16xf32>
          %parallel_loop3A_210 = vector.shape_cast %parallel_loop3A_205 : vector<16xf32> to vector<1x16xf32>
          tpu.vector_store %arg9[%parallel_loop3A_206, %parallel_loop3A_207], %parallel_loop3A_210 {add = true, strides = array<i32>} : memref<112x256xf32, #tpu.memory_space<vmem>>, vector<1x16xf32>,
          %parallel_loop3A_211 = arith.index_cast %parallel_loop3A_138 : i32 to index
          %parallel_loop3A_212 = arith.constant 128 : index
          %parallel_loop3A_213 = tpu.vector_load %arg8[%parallel_loop3A_211, %parallel_loop3A_212] {strides = array<i32>} : memref<112x256xf32, #tpu.memory_space<vmem>>, vector<1x16xf32>,
          %parallel_loop3A_214 = vector.shape_cast %parallel_loop3A_213 : vector<1x16xf32> to vector<16xf32>
          %parallel_loop3A_215 = arith.index_cast %parallel_loop3A_138 : i32 to index
          %parallel_loop3A_216 = arith.constant 128 : index
          %parallel_loop3A_217 = tpu.vector_load %arg9[%parallel_loop3A_215, %parallel_loop3A_216] {strides = array<i32>} : memref<112x256xf32, #tpu.memory_space<vmem>>, vector<1x16xf32>,
          %parallel_loop3A_218 = vector.shape_cast %parallel_loop3A_217 : vector<1x16xf32> to vector<16xf32>
          %parallel_loop3A_219 = vector.shape_cast %parallel_loop3A_214 : vector<16xf32> to vector<1x16xf32>
          tpu.vector_store %arg9[%parallel_loop3A_215, %parallel_loop3A_216], %parallel_loop3A_219 {add = true, strides = array<i32>} : memref<112x256xf32, #tpu.memory_space<vmem>>, vector<1x16xf32>,
          %parallel_loop3A_220 = arith.index_cast %parallel_loop3A_138 : i32 to index
          %parallel_loop3A_221 = arith.constant 144 : index
          %parallel_loop3A_222 = tpu.vector_load %arg8[%parallel_loop3A_220, %parallel_loop3A_221] {strides = array<i32>} : memref<112x256xf32, #tpu.memory_space<vmem>>, vector<1x16xf32>,
          %parallel_loop3A_223 = vector.shape_cast %parallel_loop3A_222 : vector<1x16xf32> to vector<16xf32>
          %parallel_loop3A_224 = arith.index_cast %parallel_loop3A_138 : i32 to index
          %parallel_loop3A_225 = arith.constant 144 : index
          %parallel_loop3A_226 = tpu.vector_load %arg9[%parallel_loop3A_224, %parallel_loop3A_225] {strides = array<i32>} : memref<112x256xf32, #tpu.memory_space<vmem>>, vector<1x16xf32>,
          %parallel_loop3A_227 = vector.shape_cast %parallel_loop3A_226 : vector<1x16xf32> to vector<16xf32>
          %parallel_loop3A_228 = vector.shape_cast %parallel_loop3A_223 : vector<16xf32> to vector<1x16xf32>
          tpu.vector_store %arg9[%parallel_loop3A_224, %parallel_loop3A_225], %parallel_loop3A_228 {add = true, strides = array<i32>} : memref<112x256xf32, #tpu.memory_space<vmem>>, vector<1x16xf32>,
          %parallel_loop3A_229 = arith.index_cast %parallel_loop3A_138 : i32 to index
          %parallel_loop3A_230 = arith.constant 160 : index
          %parallel_loop3A_231 = tpu.vector_load %arg8[%parallel_loop3A_229, %parallel_loop3A_230] {strides = array<i32>} : memref<112x256xf32, #tpu.memory_space<vmem>>, vector<1x16xf32>,
          %parallel_loop3A_232 = vector.shape_cast %parallel_loop3A_231 : vector<1x16xf32> to vector<16xf32>
          %parallel_loop3A_233 = arith.index_cast %parallel_loop3A_138 : i32 to index
          %parallel_loop3A_234 = arith.constant 160 : index
          %parallel_loop3A_235 = tpu.vector_load %arg9[%parallel_loop3A_233, %parallel_loop3A_234] {strides = array<i32>} : memref<112x256xf32, #tpu.memory_space<vmem>>, vector<1x16xf32>,
          %parallel_loop3A_236 = vector.shape_cast %parallel_loop3A_235 : vector<1x16xf32> to vector<16xf32>
          %parallel_loop3A_237 = vector.shape_cast %parallel_loop3A_232 : vector<16xf32> to vector<1x16xf32>
          tpu.vector_store %arg9[%parallel_loop3A_233, %parallel_loop3A_234], %parallel_loop3A_237 {add = true, strides = array<i32>} : memref<112x256xf32, #tpu.memory_space<vmem>>, vector<1x16xf32>,
          %parallel_loop3A_238 = arith.index_cast %parallel_loop3A_138 : i32 to index
          %parallel_loop3A_239 = arith.constant 176 : index
          %parallel_loop3A_240 = tpu.vector_load %arg8[%parallel_loop3A_238, %parallel_loop3A_239] {strides = array<i32>} : memref<112x256xf32, #tpu.memory_space<vmem>>, vector<1x16xf32>,
          %parallel_loop3A_241 = vector.shape_cast %parallel_loop3A_240 : vector<1x16xf32> to vector<16xf32>
          %parallel_loop3A_242 = arith.index_cast %parallel_loop3A_138 : i32 to index
          %parallel_loop3A_243 = arith.constant 176 : index
          %parallel_loop3A_244 = tpu.vector_load %arg9[%parallel_loop3A_242, %parallel_loop3A_243] {strides = array<i32>} : memref<112x256xf32, #tpu.memory_space<vmem>>, vector<1x16xf32>,
          %parallel_loop3A_245 = vector.shape_cast %parallel_loop3A_244 : vector<1x16xf32> to vector<16xf32>
          %parallel_loop3A_246 = vector.shape_cast %parallel_loop3A_241 : vector<16xf32> to vector<1x16xf32>
          tpu.vector_store %arg9[%parallel_loop3A_242, %parallel_loop3A_243], %parallel_loop3A_246 {add = true, strides = array<i32>} : memref<112x256xf32, #tpu.memory_space<vmem>>, vector<1x16xf32>,
          %parallel_loop3A_247 = arith.index_cast %parallel_loop3A_138 : i32 to index
          %parallel_loop3A_248 = arith.constant 192 : index
          %parallel_loop3A_249 = tpu.vector_load %arg8[%parallel_loop3A_247, %parallel_loop3A_248] {strides = array<i32>} : memref<112x256xf32, #tpu.memory_space<vmem>>, vector<1x16xf32>,
          %parallel_loop3A_250 = vector.shape_cast %parallel_loop3A_249 : vector<1x16xf32> to vector<16xf32>
          %parallel_loop3A_251 = arith.index_cast %parallel_loop3A_138 : i32 to index
          %parallel_loop3A_252 = arith.constant 192 : index
          %parallel_loop3A_253 = tpu.vector_load %arg9[%parallel_loop3A_251, %parallel_loop3A_252] {strides = array<i32>} : memref<112x256xf32, #tpu.memory_space<vmem>>, vector<1x16xf32>,
          %parallel_loop3A_254 = vector.shape_cast %parallel_loop3A_253 : vector<1x16xf32> to vector<16xf32>
          %parallel_loop3A_255 = vector.shape_cast %parallel_loop3A_250 : vector<16xf32> to vector<1x16xf32>
          tpu.vector_store %arg9[%parallel_loop3A_251, %parallel_loop3A_252], %parallel_loop3A_255 {add = true, strides = array<i32>} : memref<112x256xf32, #tpu.memory_space<vmem>>, vector<1x16xf32>,
          %parallel_loop3A_256 = arith.index_cast %parallel_loop3A_138 : i32 to index
          %parallel_loop3A_257 = arith.constant 208 : index
          %parallel_loop3A_258 = tpu.vector_load %arg8[%parallel_loop3A_256, %parallel_loop3A_257] {strides = array<i32>} : memref<112x256xf32, #tpu.memory_space<vmem>>, vector<1x16xf32>,
          %parallel_loop3A_259 = vector.shape_cast %parallel_loop3A_258 : vector<1x16xf32> to vector<16xf32>
          %parallel_loop3A_260 = arith.index_cast %parallel_loop3A_138 : i32 to index
          %parallel_loop3A_261 = arith.constant 208 : index
          %parallel_loop3A_262 = tpu.vector_load %arg9[%parallel_loop3A_260, %parallel_loop3A_261] {strides = array<i32>} : memref<112x256xf32, #tpu.memory_space<vmem>>, vector<1x16xf32>,
          %parallel_loop3A_263 = vector.shape_cast %parallel_loop3A_262 : vector<1x16xf32> to vector<16xf32>
          %parallel_loop3A_264 = vector.shape_cast %parallel_loop3A_259 : vector<16xf32> to vector<1x16xf32>
          tpu.vector_store %arg9[%parallel_loop3A_260, %parallel_loop3A_261], %parallel_loop3A_264 {add = true, strides = array<i32>} : memref<112x256xf32, #tpu.memory_space<vmem>>, vector<1x16xf32>,
          %parallel_loop3A_265 = arith.index_cast %parallel_loop3A_138 : i32 to index
          %parallel_loop3A_266 = arith.constant 224 : index
          %parallel_loop3A_267 = tpu.vector_load %arg8[%parallel_loop3A_265, %parallel_loop3A_266] {strides = array<i32>} : memref<112x256xf32, #tpu.memory_space<vmem>>, vector<1x16xf32>,
          %parallel_loop3A_268 = vector.shape_cast %parallel_loop3A_267 : vector<1x16xf32> to vector<16xf32>
          %parallel_loop3A_269 = arith.index_cast %parallel_loop3A_138 : i32 to index
          %parallel_loop3A_270 = arith.constant 224 : index
          %parallel_loop3A_271 = tpu.vector_load %arg9[%parallel_loop3A_269, %parallel_loop3A_270] {strides = array<i32>} : memref<112x256xf32, #tpu.memory_space<vmem>>, vector<1x16xf32>,
          %parallel_loop3A_272 = vector.shape_cast %parallel_loop3A_271 : vector<1x16xf32> to vector<16xf32>
          %parallel_loop3A_273 = vector.shape_cast %parallel_loop3A_268 : vector<16xf32> to vector<1x16xf32>
          tpu.vector_store %arg9[%parallel_loop3A_269, %parallel_loop3A_270], %parallel_loop3A_273 {add = true, strides = array<i32>} : memref<112x256xf32, #tpu.memory_space<vmem>>, vector<1x16xf32>,
          %parallel_loop3A_274 = arith.index_cast %parallel_loop3A_138 : i32 to index
          %parallel_loop3A_275 = arith.constant 240 : index
          %parallel_loop3A_276 = tpu.vector_load %arg8[%parallel_loop3A_274, %parallel_loop3A_275] {strides = array<i32>} : memref<112x256xf32, #tpu.memory_space<vmem>>, vector<1x16xf32>,
          %parallel_loop3A_277 = vector.shape_cast %parallel_loop3A_276 : vector<1x16xf32> to vector<16xf32>
          %parallel_loop3A_278 = arith.index_cast %parallel_loop3A_138 : i32 to index
          %parallel_loop3A_279 = arith.constant 240 : index
          %parallel_loop3A_280 = tpu.vector_load %arg9[%parallel_loop3A_278, %parallel_loop3A_279] {strides = array<i32>} : memref<112x256xf32, #tpu.memory_space<vmem>>, vector<1x16xf32>,
          %parallel_loop3A_281 = vector.shape_cast %parallel_loop3A_280 : vector<1x16xf32> to vector<16xf32>
          %parallel_loop3A_282 = vector.shape_cast %parallel_loop3A_277 : vector<16xf32> to vector<1x16xf32>
          tpu.vector_store %arg9[%parallel_loop3A_278, %parallel_loop3A_279], %parallel_loop3A_282 {add = true, strides = array<i32>} : memref<112x256xf32, #tpu.memory_space<vmem>>, vector<1x16xf32>,
        } {sc.loop_unroll_factor = 4 : i64, sc.parallel_access}
        %dma_start3A_72 = arith.constant 672 : i32
        %dma_start3A_73 = tpu.memref_slice %arg5[%dma_start3A_72] : memref<1008xi32, #tpu.memory_space<vmem>> -> memref<112xi32, #tpu.memory_space<vmem>>
        %dma_start3A_74 = arith.constant 0 : i32
        %dma_start3A_75 = arith.constant 0 : i32
        %dma_start3A_76 = tpu.memref_slice %arg2[%dma_start3A_74, %dma_start3A_75] : memref<115200x256xf32, #tpu.memory_space<hbm>> -> memref<115200x256xf32, #tpu.memory_space<hbm>>
        tpu.enqueue_indirect_dma source(%dma_start3A_76 : memref<115200x256xf32, #tpu.memory_space<hbm>>) target(%arg8 : memref<112x256xf32, #tpu.memory_space<vmem>>) offsets(%dma_start3A_73 : memref<112xi32, #tpu.memory_space<vmem>>) semaphore(%arg13 : memref<!tpu.dma_semaphore, #tpu.memory_space<semaphore_mem>>)
        %dma_wait3A_77 = arith.constant 448 : i32
        %dma_wait3A_78 = tpu.memref_slice %arg5[%dma_wait3A_77] : memref<1008xi32, #tpu.memory_space<vmem>> -> memref<112xi32, #tpu.memory_space<vmem>>
        %dma_wait3A_79 = arith.constant 0 : i32
        %dma_wait3A_80 = arith.constant 0 : i32
        %dma_wait3A_81 = tpu.memref_slice %arg2[%dma_wait3A_79, %dma_wait3A_80] : memref<115200x256xf32, #tpu.memory_space<hbm>> -> memref<115200x256xf32, #tpu.memory_space<hbm>>
        tpu.wait_indirect_dma semaphore(%arg11 : memref<!tpu.dma_semaphore, #tpu.memory_space<semaphore_mem>>) src(%dma_wait3A_81 : memref<115200x256xf32, #tpu.memory_space<hbm>>) dst(%arg6 : memref<112x256xf32, #tpu.memory_space<vmem>>)
        %parallel_loop3A_82 = arith.constant 0 : i32
        %parallel_loop3A_83 = arith.constant 112 : i32
        %parallel_loop3A_84 = arith.constant 1 : i32
        scf.for %parallel_loop3A_138 = %parallel_loop3A_82 to %parallel_loop3A_83 step %parallel_loop3A_84  : i32 {
          %parallel_loop3A_139 = arith.index_cast %parallel_loop3A_138 : i32 to index
          %parallel_loop3A_140 = arith.constant 0 : index
          %parallel_loop3A_141 = tpu.vector_load %arg6[%parallel_loop3A_139, %parallel_loop3A_140] {strides = array<i32>} : memref<112x256xf32, #tpu.memory_space<vmem>>, vector<1x16xf32>,
          %parallel_loop3A_142 = vector.shape_cast %parallel_loop3A_141 : vector<1x16xf32> to vector<16xf32>
          %parallel_loop3A_143 = arith.index_cast %parallel_loop3A_138 : i32 to index
          %parallel_loop3A_144 = arith.constant 0 : index
          %parallel_loop3A_145 = tpu.vector_load %arg9[%parallel_loop3A_143, %parallel_loop3A_144] {strides = array<i32>} : memref<112x256xf32, #tpu.memory_space<vmem>>, vector<1x16xf32>,
          %parallel_loop3A_146 = vector.shape_cast %parallel_loop3A_145 : vector<1x16xf32> to vector<16xf32>
          %parallel_loop3A_147 = vector.shape_cast %parallel_loop3A_142 : vector<16xf32> to vector<1x16xf32>
          tpu.vector_store %arg9[%parallel_loop3A_143, %parallel_loop3A_144], %parallel_loop3A_147 {add = true, strides = array<i32>} : memref<112x256xf32, #tpu.memory_space<vmem>>, vector<1x16xf32>,
          %parallel_loop3A_148 = arith.index_cast %parallel_loop3A_138 : i32 to index
          %parallel_loop3A_149 = arith.constant 16 : index
          %parallel_loop3A_150 = tpu.vector_load %arg6[%parallel_loop3A_148, %parallel_loop3A_149] {strides = array<i32>} : memref<112x256xf32, #tpu.memory_space<vmem>>, vector<1x16xf32>,
          %parallel_loop3A_151 = vector.shape_cast %parallel_loop3A_150 : vector<1x16xf32> to vector<16xf32>
          %parallel_loop3A_152 = arith.index_cast %parallel_loop3A_138 : i32 to index
          %parallel_loop3A_153 = arith.constant 16 : index
          %parallel_loop3A_154 = tpu.vector_load %arg9[%parallel_loop3A_152, %parallel_loop3A_153] {strides = array<i32>} : memref<112x256xf32, #tpu.memory_space<vmem>>, vector<1x16xf32>,
          %parallel_loop3A_155 = vector.shape_cast %parallel_loop3A_154 : vector<1x16xf32> to vector<16xf32>
          %parallel_loop3A_156 = vector.shape_cast %parallel_loop3A_151 : vector<16xf32> to vector<1x16xf32>
          tpu.vector_store %arg9[%parallel_loop3A_152, %parallel_loop3A_153], %parallel_loop3A_156 {add = true, strides = array<i32>} : memref<112x256xf32, #tpu.memory_space<vmem>>, vector<1x16xf32>,
          %parallel_loop3A_157 = arith.index_cast %parallel_loop3A_138 : i32 to index
          %parallel_loop3A_158 = arith.constant 32 : index
          %parallel_loop3A_159 = tpu.vector_load %arg6[%parallel_loop3A_157, %parallel_loop3A_158] {strides = array<i32>} : memref<112x256xf32, #tpu.memory_space<vmem>>, vector<1x16xf32>,
          %parallel_loop3A_160 = vector.shape_cast %parallel_loop3A_159 : vector<1x16xf32> to vector<16xf32>
          %parallel_loop3A_161 = arith.index_cast %parallel_loop3A_138 : i32 to index
          %parallel_loop3A_162 = arith.constant 32 : index
          %parallel_loop3A_163 = tpu.vector_load %arg9[%parallel_loop3A_161, %parallel_loop3A_162] {strides = array<i32>} : memref<112x256xf32, #tpu.memory_space<vmem>>, vector<1x16xf32>,
          %parallel_loop3A_164 = vector.shape_cast %parallel_loop3A_163 : vector<1x16xf32> to vector<16xf32>
          %parallel_loop3A_165 = vector.shape_cast %parallel_loop3A_160 : vector<16xf32> to vector<1x16xf32>
          tpu.vector_store %arg9[%parallel_loop3A_161, %parallel_loop3A_162], %parallel_loop3A_165 {add = true, strides = array<i32>} : memref<112x256xf32, #tpu.memory_space<vmem>>, vector<1x16xf32>,
          %parallel_loop3A_166 = arith.index_cast %parallel_loop3A_138 : i32 to index
          %parallel_loop3A_167 = arith.constant 48 : index
          %parallel_loop3A_168 = tpu.vector_load %arg6[%parallel_loop3A_166, %parallel_loop3A_167] {strides = array<i32>} : memref<112x256xf32, #tpu.memory_space<vmem>>, vector<1x16xf32>,
          %parallel_loop3A_169 = vector.shape_cast %parallel_loop3A_168 : vector<1x16xf32> to vector<16xf32>
          %parallel_loop3A_170 = arith.index_cast %parallel_loop3A_138 : i32 to index
          %parallel_loop3A_171 = arith.constant 48 : index
          %parallel_loop3A_172 = tpu.vector_load %arg9[%parallel_loop3A_170, %parallel_loop3A_171] {strides = array<i32>} : memref<112x256xf32, #tpu.memory_space<vmem>>, vector<1x16xf32>,
          %parallel_loop3A_173 = vector.shape_cast %parallel_loop3A_172 : vector<1x16xf32> to vector<16xf32>
          %parallel_loop3A_174 = vector.shape_cast %parallel_loop3A_169 : vector<16xf32> to vector<1x16xf32>
          tpu.vector_store %arg9[%parallel_loop3A_170, %parallel_loop3A_171], %parallel_loop3A_174 {add = true, strides = array<i32>} : memref<112x256xf32, #tpu.memory_space<vmem>>, vector<1x16xf32>,
          %parallel_loop3A_175 = arith.index_cast %parallel_loop3A_138 : i32 to index
          %parallel_loop3A_176 = arith.constant 64 : index
          %parallel_loop3A_177 = tpu.vector_load %arg6[%parallel_loop3A_175, %parallel_loop3A_176] {strides = array<i32>} : memref<112x256xf32, #tpu.memory_space<vmem>>, vector<1x16xf32>,
          %parallel_loop3A_178 = vector.shape_cast %parallel_loop3A_177 : vector<1x16xf32> to vector<16xf32>
          %parallel_loop3A_179 = arith.index_cast %parallel_loop3A_138 : i32 to index
          %parallel_loop3A_180 = arith.constant 64 : index
          %parallel_loop3A_181 = tpu.vector_load %arg9[%parallel_loop3A_179, %parallel_loop3A_180] {strides = array<i32>} : memref<112x256xf32, #tpu.memory_space<vmem>>, vector<1x16xf32>,
          %parallel_loop3A_182 = vector.shape_cast %parallel_loop3A_181 : vector<1x16xf32> to vector<16xf32>
          %parallel_loop3A_183 = vector.shape_cast %parallel_loop3A_178 : vector<16xf32> to vector<1x16xf32>
          tpu.vector_store %arg9[%parallel_loop3A_179, %parallel_loop3A_180], %parallel_loop3A_183 {add = true, strides = array<i32>} : memref<112x256xf32, #tpu.memory_space<vmem>>, vector<1x16xf32>,
          %parallel_loop3A_184 = arith.index_cast %parallel_loop3A_138 : i32 to index
          %parallel_loop3A_185 = arith.constant 80 : index
          %parallel_loop3A_186 = tpu.vector_load %arg6[%parallel_loop3A_184, %parallel_loop3A_185] {strides = array<i32>} : memref<112x256xf32, #tpu.memory_space<vmem>>, vector<1x16xf32>,
          %parallel_loop3A_187 = vector.shape_cast %parallel_loop3A_186 : vector<1x16xf32> to vector<16xf32>
          %parallel_loop3A_188 = arith.index_cast %parallel_loop3A_138 : i32 to index
          %parallel_loop3A_189 = arith.constant 80 : index
          %parallel_loop3A_190 = tpu.vector_load %arg9[%parallel_loop3A_188, %parallel_loop3A_189] {strides = array<i32>} : memref<112x256xf32, #tpu.memory_space<vmem>>, vector<1x16xf32>,
          %parallel_loop3A_191 = vector.shape_cast %parallel_loop3A_190 : vector<1x16xf32> to vector<16xf32>
          %parallel_loop3A_192 = vector.shape_cast %parallel_loop3A_187 : vector<16xf32> to vector<1x16xf32>
          tpu.vector_store %arg9[%parallel_loop3A_188, %parallel_loop3A_189], %parallel_loop3A_192 {add = true, strides = array<i32>} : memref<112x256xf32, #tpu.memory_space<vmem>>, vector<1x16xf32>,
          %parallel_loop3A_193 = arith.index_cast %parallel_loop3A_138 : i32 to index
          %parallel_loop3A_194 = arith.constant 96 : index
          %parallel_loop3A_195 = tpu.vector_load %arg6[%parallel_loop3A_193, %parallel_loop3A_194] {strides = array<i32>} : memref<112x256xf32, #tpu.memory_space<vmem>>, vector<1x16xf32>,
          %parallel_loop3A_196 = vector.shape_cast %parallel_loop3A_195 : vector<1x16xf32> to vector<16xf32>
          %parallel_loop3A_197 = arith.index_cast %parallel_loop3A_138 : i32 to index
          %parallel_loop3A_198 = arith.constant 96 : index
          %parallel_loop3A_199 = tpu.vector_load %arg9[%parallel_loop3A_197, %parallel_loop3A_198] {strides = array<i32>} : memref<112x256xf32, #tpu.memory_space<vmem>>, vector<1x16xf32>,
          %parallel_loop3A_200 = vector.shape_cast %parallel_loop3A_199 : vector<1x16xf32> to vector<16xf32>
          %parallel_loop3A_201 = vector.shape_cast %parallel_loop3A_196 : vector<16xf32> to vector<1x16xf32>
          tpu.vector_store %arg9[%parallel_loop3A_197, %parallel_loop3A_198], %parallel_loop3A_201 {add = true, strides = array<i32>} : memref<112x256xf32, #tpu.memory_space<vmem>>, vector<1x16xf32>,
          %parallel_loop3A_202 = arith.index_cast %parallel_loop3A_138 : i32 to index
          %parallel_loop3A_203 = arith.constant 112 : index
          %parallel_loop3A_204 = tpu.vector_load %arg6[%parallel_loop3A_202, %parallel_loop3A_203] {strides = array<i32>} : memref<112x256xf32, #tpu.memory_space<vmem>>, vector<1x16xf32>,
          %parallel_loop3A_205 = vector.shape_cast %parallel_loop3A_204 : vector<1x16xf32> to vector<16xf32>
          %parallel_loop3A_206 = arith.index_cast %parallel_loop3A_138 : i32 to index
          %parallel_loop3A_207 = arith.constant 112 : index
          %parallel_loop3A_208 = tpu.vector_load %arg9[%parallel_loop3A_206, %parallel_loop3A_207] {strides = array<i32>} : memref<112x256xf32, #tpu.memory_space<vmem>>, vector<1x16xf32>,
          %parallel_loop3A_209 = vector.shape_cast %parallel_loop3A_208 : vector<1x16xf32> to vector<16xf32>
          %parallel_loop3A_210 = vector.shape_cast %parallel_loop3A_205 : vector<16xf32> to vector<1x16xf32>
          tpu.vector_store %arg9[%parallel_loop3A_206, %parallel_loop3A_207], %parallel_loop3A_210 {add = true, strides = array<i32>} : memref<112x256xf32, #tpu.memory_space<vmem>>, vector<1x16xf32>,
          %parallel_loop3A_211 = arith.index_cast %parallel_loop3A_138 : i32 to index
          %parallel_loop3A_212 = arith.constant 128 : index
          %parallel_loop3A_213 = tpu.vector_load %arg6[%parallel_loop3A_211, %parallel_loop3A_212] {strides = array<i32>} : memref<112x256xf32, #tpu.memory_space<vmem>>, vector<1x16xf32>,
          %parallel_loop3A_214 = vector.shape_cast %parallel_loop3A_213 : vector<1x16xf32> to vector<16xf32>
          %parallel_loop3A_215 = arith.index_cast %parallel_loop3A_138 : i32 to index
          %parallel_loop3A_216 = arith.constant 128 : index
          %parallel_loop3A_217 = tpu.vector_load %arg9[%parallel_loop3A_215, %parallel_loop3A_216] {strides = array<i32>} : memref<112x256xf32, #tpu.memory_space<vmem>>, vector<1x16xf32>,
          %parallel_loop3A_218 = vector.shape_cast %parallel_loop3A_217 : vector<1x16xf32> to vector<16xf32>
          %parallel_loop3A_219 = vector.shape_cast %parallel_loop3A_214 : vector<16xf32> to vector<1x16xf32>
          tpu.vector_store %arg9[%parallel_loop3A_215, %parallel_loop3A_216], %parallel_loop3A_219 {add = true, strides = array<i32>} : memref<112x256xf32, #tpu.memory_space<vmem>>, vector<1x16xf32>,
          %parallel_loop3A_220 = arith.index_cast %parallel_loop3A_138 : i32 to index
          %parallel_loop3A_221 = arith.constant 144 : index
          %parallel_loop3A_222 = tpu.vector_load %arg6[%parallel_loop3A_220, %parallel_loop3A_221] {strides = array<i32>} : memref<112x256xf32, #tpu.memory_space<vmem>>, vector<1x16xf32>,
          %parallel_loop3A_223 = vector.shape_cast %parallel_loop3A_222 : vector<1x16xf32> to vector<16xf32>
          %parallel_loop3A_224 = arith.index_cast %parallel_loop3A_138 : i32 to index
          %parallel_loop3A_225 = arith.constant 144 : index
          %parallel_loop3A_226 = tpu.vector_load %arg9[%parallel_loop3A_224, %parallel_loop3A_225] {strides = array<i32>} : memref<112x256xf32, #tpu.memory_space<vmem>>, vector<1x16xf32>,
          %parallel_loop3A_227 = vector.shape_cast %parallel_loop3A_226 : vector<1x16xf32> to vector<16xf32>
          %parallel_loop3A_228 = vector.shape_cast %parallel_loop3A_223 : vector<16xf32> to vector<1x16xf32>
          tpu.vector_store %arg9[%parallel_loop3A_224, %parallel_loop3A_225], %parallel_loop3A_228 {add = true, strides = array<i32>} : memref<112x256xf32, #tpu.memory_space<vmem>>, vector<1x16xf32>,
          %parallel_loop3A_229 = arith.index_cast %parallel_loop3A_138 : i32 to index
          %parallel_loop3A_230 = arith.constant 160 : index
          %parallel_loop3A_231 = tpu.vector_load %arg6[%parallel_loop3A_229, %parallel_loop3A_230] {strides = array<i32>} : memref<112x256xf32, #tpu.memory_space<vmem>>, vector<1x16xf32>,
          %parallel_loop3A_232 = vector.shape_cast %parallel_loop3A_231 : vector<1x16xf32> to vector<16xf32>
          %parallel_loop3A_233 = arith.index_cast %parallel_loop3A_138 : i32 to index
          %parallel_loop3A_234 = arith.constant 160 : index
          %parallel_loop3A_235 = tpu.vector_load %arg9[%parallel_loop3A_233, %parallel_loop3A_234] {strides = array<i32>} : memref<112x256xf32, #tpu.memory_space<vmem>>, vector<1x16xf32>,
          %parallel_loop3A_236 = vector.shape_cast %parallel_loop3A_235 : vector<1x16xf32> to vector<16xf32>
          %parallel_loop3A_237 = vector.shape_cast %parallel_loop3A_232 : vector<16xf32> to vector<1x16xf32>
          tpu.vector_store %arg9[%parallel_loop3A_233, %parallel_loop3A_234], %parallel_loop3A_237 {add = true, strides = array<i32>} : memref<112x256xf32, #tpu.memory_space<vmem>>, vector<1x16xf32>,
          %parallel_loop3A_238 = arith.index_cast %parallel_loop3A_138 : i32 to index
          %parallel_loop3A_239 = arith.constant 176 : index
          %parallel_loop3A_240 = tpu.vector_load %arg6[%parallel_loop3A_238, %parallel_loop3A_239] {strides = array<i32>} : memref<112x256xf32, #tpu.memory_space<vmem>>, vector<1x16xf32>,
          %parallel_loop3A_241 = vector.shape_cast %parallel_loop3A_240 : vector<1x16xf32> to vector<16xf32>
          %parallel_loop3A_242 = arith.index_cast %parallel_loop3A_138 : i32 to index
          %parallel_loop3A_243 = arith.constant 176 : index
          %parallel_loop3A_244 = tpu.vector_load %arg9[%parallel_loop3A_242, %parallel_loop3A_243] {strides = array<i32>} : memref<112x256xf32, #tpu.memory_space<vmem>>, vector<1x16xf32>,
          %parallel_loop3A_245 = vector.shape_cast %parallel_loop3A_244 : vector<1x16xf32> to vector<16xf32>
          %parallel_loop3A_246 = vector.shape_cast %parallel_loop3A_241 : vector<16xf32> to vector<1x16xf32>
          tpu.vector_store %arg9[%parallel_loop3A_242, %parallel_loop3A_243], %parallel_loop3A_246 {add = true, strides = array<i32>} : memref<112x256xf32, #tpu.memory_space<vmem>>, vector<1x16xf32>,
          %parallel_loop3A_247 = arith.index_cast %parallel_loop3A_138 : i32 to index
          %parallel_loop3A_248 = arith.constant 192 : index
          %parallel_loop3A_249 = tpu.vector_load %arg6[%parallel_loop3A_247, %parallel_loop3A_248] {strides = array<i32>} : memref<112x256xf32, #tpu.memory_space<vmem>>, vector<1x16xf32>,
          %parallel_loop3A_250 = vector.shape_cast %parallel_loop3A_249 : vector<1x16xf32> to vector<16xf32>
          %parallel_loop3A_251 = arith.index_cast %parallel_loop3A_138 : i32 to index
          %parallel_loop3A_252 = arith.constant 192 : index
          %parallel_loop3A_253 = tpu.vector_load %arg9[%parallel_loop3A_251, %parallel_loop3A_252] {strides = array<i32>} : memref<112x256xf32, #tpu.memory_space<vmem>>, vector<1x16xf32>,
          %parallel_loop3A_254 = vector.shape_cast %parallel_loop3A_253 : vector<1x16xf32> to vector<16xf32>
          %parallel_loop3A_255 = vector.shape_cast %parallel_loop3A_250 : vector<16xf32> to vector<1x16xf32>
          tpu.vector_store %arg9[%parallel_loop3A_251, %parallel_loop3A_252], %parallel_loop3A_255 {add = true, strides = array<i32>} : memref<112x256xf32, #tpu.memory_space<vmem>>, vector<1x16xf32>,
          %parallel_loop3A_256 = arith.index_cast %parallel_loop3A_138 : i32 to index
          %parallel_loop3A_257 = arith.constant 208 : index
          %parallel_loop3A_258 = tpu.vector_load %arg6[%parallel_loop3A_256, %parallel_loop3A_257] {strides = array<i32>} : memref<112x256xf32, #tpu.memory_space<vmem>>, vector<1x16xf32>,
          %parallel_loop3A_259 = vector.shape_cast %parallel_loop3A_258 : vector<1x16xf32> to vector<16xf32>
          %parallel_loop3A_260 = arith.index_cast %parallel_loop3A_138 : i32 to index
          %parallel_loop3A_261 = arith.constant 208 : index
          %parallel_loop3A_262 = tpu.vector_load %arg9[%parallel_loop3A_260, %parallel_loop3A_261] {strides = array<i32>} : memref<112x256xf32, #tpu.memory_space<vmem>>, vector<1x16xf32>,
          %parallel_loop3A_263 = vector.shape_cast %parallel_loop3A_262 : vector<1x16xf32> to vector<16xf32>
          %parallel_loop3A_264 = vector.shape_cast %parallel_loop3A_259 : vector<16xf32> to vector<1x16xf32>
          tpu.vector_store %arg9[%parallel_loop3A_260, %parallel_loop3A_261], %parallel_loop3A_264 {add = true, strides = array<i32>} : memref<112x256xf32, #tpu.memory_space<vmem>>, vector<1x16xf32>,
          %parallel_loop3A_265 = arith.index_cast %parallel_loop3A_138 : i32 to index
          %parallel_loop3A_266 = arith.constant 224 : index
          %parallel_loop3A_267 = tpu.vector_load %arg6[%parallel_loop3A_265, %parallel_loop3A_266] {strides = array<i32>} : memref<112x256xf32, #tpu.memory_space<vmem>>, vector<1x16xf32>,
          %parallel_loop3A_268 = vector.shape_cast %parallel_loop3A_267 : vector<1x16xf32> to vector<16xf32>
          %parallel_loop3A_269 = arith.index_cast %parallel_loop3A_138 : i32 to index
          %parallel_loop3A_270 = arith.constant 224 : index
          %parallel_loop3A_271 = tpu.vector_load %arg9[%parallel_loop3A_269, %parallel_loop3A_270] {strides = array<i32>} : memref<112x256xf32, #tpu.memory_space<vmem>>, vector<1x16xf32>,
          %parallel_loop3A_272 = vector.shape_cast %parallel_loop3A_271 : vector<1x16xf32> to vector<16xf32>
          %parallel_loop3A_273 = vector.shape_cast %parallel_loop3A_268 : vector<16xf32> to vector<1x16xf32>
          tpu.vector_store %arg9[%parallel_loop3A_269, %parallel_loop3A_270], %parallel_loop3A_273 {add = true, strides = array<i32>} : memref<112x256xf32, #tpu.memory_space<vmem>>, vector<1x16xf32>,
          %parallel_loop3A_274 = arith.index_cast %parallel_loop3A_138 : i32 to index
          %parallel_loop3A_275 = arith.constant 240 : index
          %parallel_loop3A_276 = tpu.vector_load %arg6[%parallel_loop3A_274, %parallel_loop3A_275] {strides = array<i32>} : memref<112x256xf32, #tpu.memory_space<vmem>>, vector<1x16xf32>,
          %parallel_loop3A_277 = vector.shape_cast %parallel_loop3A_276 : vector<1x16xf32> to vector<16xf32>
          %parallel_loop3A_278 = arith.index_cast %parallel_loop3A_138 : i32 to index
          %parallel_loop3A_279 = arith.constant 240 : index
          %parallel_loop3A_280 = tpu.vector_load %arg9[%parallel_loop3A_278, %parallel_loop3A_279] {strides = array<i32>} : memref<112x256xf32, #tpu.memory_space<vmem>>, vector<1x16xf32>,
          %parallel_loop3A_281 = vector.shape_cast %parallel_loop3A_280 : vector<1x16xf32> to vector<16xf32>
          %parallel_loop3A_282 = vector.shape_cast %parallel_loop3A_277 : vector<16xf32> to vector<1x16xf32>
          tpu.vector_store %arg9[%parallel_loop3A_278, %parallel_loop3A_279], %parallel_loop3A_282 {add = true, strides = array<i32>} : memref<112x256xf32, #tpu.memory_space<vmem>>, vector<1x16xf32>,
        } {sc.loop_unroll_factor = 4 : i64, sc.parallel_access}
        %dma_start3A_85 = arith.constant 784 : i32
        %dma_start3A_86 = tpu.memref_slice %arg5[%dma_start3A_85] : memref<1008xi32, #tpu.memory_space<vmem>> -> memref<112xi32, #tpu.memory_space<vmem>>
        %dma_start3A_87 = arith.constant 0 : i32
        %dma_start3A_88 = arith.constant 0 : i32
        %dma_start3A_89 = tpu.memref_slice %arg2[%dma_start3A_87, %dma_start3A_88] : memref<115200x256xf32, #tpu.memory_space<hbm>> -> memref<115200x256xf32, #tpu.memory_space<hbm>>
        tpu.enqueue_indirect_dma source(%dma_start3A_89 : memref<115200x256xf32, #tpu.memory_space<hbm>>) target(%arg6 : memref<112x256xf32, #tpu.memory_space<vmem>>) offsets(%dma_start3A_86 : memref<112xi32, #tpu.memory_space<vmem>>) semaphore(%arg11 : memref<!tpu.dma_semaphore, #tpu.memory_space<semaphore_mem>>)
        %dma_wait3A_90 = arith.constant 560 : i32
        %dma_wait3A_91 = tpu.memref_slice %arg5[%dma_wait3A_90] : memref<1008xi32, #tpu.memory_space<vmem>> -> memref<112xi32, #tpu.memory_space<vmem>>
        %dma_wait3A_92 = arith.constant 0 : i32
        %dma_wait3A_93 = arith.constant 0 : i32
        %dma_wait3A_94 = tpu.memref_slice %arg2[%dma_wait3A_92, %dma_wait3A_93] : memref<115200x256xf32, #tpu.memory_space<hbm>> -> memref<115200x256xf32, #tpu.memory_space<hbm>>
        tpu.wait_indirect_dma semaphore(%arg12 : memref<!tpu.dma_semaphore, #tpu.memory_space<semaphore_mem>>) src(%dma_wait3A_94 : memref<115200x256xf32, #tpu.memory_space<hbm>>) dst(%arg7 : memref<112x256xf32, #tpu.memory_space<vmem>>)
        %parallel_loop3A_95 = arith.constant 0 : i32
        %parallel_loop3A_96 = arith.constant 112 : i32
        %parallel_loop3A_97 = arith.constant 1 : i32
        scf.for %parallel_loop3A_138 = %parallel_loop3A_95 to %parallel_loop3A_96 step %parallel_loop3A_97  : i32 {
          %parallel_loop3A_139 = arith.index_cast %parallel_loop3A_138 : i32 to index
          %parallel_loop3A_140 = arith.constant 0 : index
          %parallel_loop3A_141 = tpu.vector_load %arg7[%parallel_loop3A_139, %parallel_loop3A_140] {strides = array<i32>} : memref<112x256xf32, #tpu.memory_space<vmem>>, vector<1x16xf32>,
          %parallel_loop3A_142 = vector.shape_cast %parallel_loop3A_141 : vector<1x16xf32> to vector<16xf32>
          %parallel_loop3A_143 = arith.index_cast %parallel_loop3A_138 : i32 to index
          %parallel_loop3A_144 = arith.constant 0 : index
          %parallel_loop3A_145 = tpu.vector_load %arg9[%parallel_loop3A_143, %parallel_loop3A_144] {strides = array<i32>} : memref<112x256xf32, #tpu.memory_space<vmem>>, vector<1x16xf32>,
          %parallel_loop3A_146 = vector.shape_cast %parallel_loop3A_145 : vector<1x16xf32> to vector<16xf32>
          %parallel_loop3A_147 = vector.shape_cast %parallel_loop3A_142 : vector<16xf32> to vector<1x16xf32>
          tpu.vector_store %arg9[%parallel_loop3A_143, %parallel_loop3A_144], %parallel_loop3A_147 {add = true, strides = array<i32>} : memref<112x256xf32, #tpu.memory_space<vmem>>, vector<1x16xf32>,
          %parallel_loop3A_148 = arith.index_cast %parallel_loop3A_138 : i32 to index
          %parallel_loop3A_149 = arith.constant 16 : index
          %parallel_loop3A_150 = tpu.vector_load %arg7[%parallel_loop3A_148, %parallel_loop3A_149] {strides = array<i32>} : memref<112x256xf32, #tpu.memory_space<vmem>>, vector<1x16xf32>,
          %parallel_loop3A_151 = vector.shape_cast %parallel_loop3A_150 : vector<1x16xf32> to vector<16xf32>
          %parallel_loop3A_152 = arith.index_cast %parallel_loop3A_138 : i32 to index
          %parallel_loop3A_153 = arith.constant 16 : index
          %parallel_loop3A_154 = tpu.vector_load %arg9[%parallel_loop3A_152, %parallel_loop3A_153] {strides = array<i32>} : memref<112x256xf32, #tpu.memory_space<vmem>>, vector<1x16xf32>,
          %parallel_loop3A_155 = vector.shape_cast %parallel_loop3A_154 : vector<1x16xf32> to vector<16xf32>
          %parallel_loop3A_156 = vector.shape_cast %parallel_loop3A_151 : vector<16xf32> to vector<1x16xf32>
          tpu.vector_store %arg9[%parallel_loop3A_152, %parallel_loop3A_153], %parallel_loop3A_156 {add = true, strides = array<i32>} : memref<112x256xf32, #tpu.memory_space<vmem>>, vector<1x16xf32>,
          %parallel_loop3A_157 = arith.index_cast %parallel_loop3A_138 : i32 to index
          %parallel_loop3A_158 = arith.constant 32 : index
          %parallel_loop3A_159 = tpu.vector_load %arg7[%parallel_loop3A_157, %parallel_loop3A_158] {strides = array<i32>} : memref<112x256xf32, #tpu.memory_space<vmem>>, vector<1x16xf32>,
          %parallel_loop3A_160 = vector.shape_cast %parallel_loop3A_159 : vector<1x16xf32> to vector<16xf32>
          %parallel_loop3A_161 = arith.index_cast %parallel_loop3A_138 : i32 to index
          %parallel_loop3A_162 = arith.constant 32 : index
          %parallel_loop3A_163 = tpu.vector_load %arg9[%parallel_loop3A_161, %parallel_loop3A_162] {strides = array<i32>} : memref<112x256xf32, #tpu.memory_space<vmem>>, vector<1x16xf32>,
          %parallel_loop3A_164 = vector.shape_cast %parallel_loop3A_163 : vector<1x16xf32> to vector<16xf32>
          %parallel_loop3A_165 = vector.shape_cast %parallel_loop3A_160 : vector<16xf32> to vector<1x16xf32>
          tpu.vector_store %arg9[%parallel_loop3A_161, %parallel_loop3A_162], %parallel_loop3A_165 {add = true, strides = array<i32>} : memref<112x256xf32, #tpu.memory_space<vmem>>, vector<1x16xf32>,
          %parallel_loop3A_166 = arith.index_cast %parallel_loop3A_138 : i32 to index
          %parallel_loop3A_167 = arith.constant 48 : index
          %parallel_loop3A_168 = tpu.vector_load %arg7[%parallel_loop3A_166, %parallel_loop3A_167] {strides = array<i32>} : memref<112x256xf32, #tpu.memory_space<vmem>>, vector<1x16xf32>,
          %parallel_loop3A_169 = vector.shape_cast %parallel_loop3A_168 : vector<1x16xf32> to vector<16xf32>
          %parallel_loop3A_170 = arith.index_cast %parallel_loop3A_138 : i32 to index
          %parallel_loop3A_171 = arith.constant 48 : index
          %parallel_loop3A_172 = tpu.vector_load %arg9[%parallel_loop3A_170, %parallel_loop3A_171] {strides = array<i32>} : memref<112x256xf32, #tpu.memory_space<vmem>>, vector<1x16xf32>,
          %parallel_loop3A_173 = vector.shape_cast %parallel_loop3A_172 : vector<1x16xf32> to vector<16xf32>
          %parallel_loop3A_174 = vector.shape_cast %parallel_loop3A_169 : vector<16xf32> to vector<1x16xf32>
          tpu.vector_store %arg9[%parallel_loop3A_170, %parallel_loop3A_171], %parallel_loop3A_174 {add = true, strides = array<i32>} : memref<112x256xf32, #tpu.memory_space<vmem>>, vector<1x16xf32>,
          %parallel_loop3A_175 = arith.index_cast %parallel_loop3A_138 : i32 to index
          %parallel_loop3A_176 = arith.constant 64 : index
          %parallel_loop3A_177 = tpu.vector_load %arg7[%parallel_loop3A_175, %parallel_loop3A_176] {strides = array<i32>} : memref<112x256xf32, #tpu.memory_space<vmem>>, vector<1x16xf32>,
          %parallel_loop3A_178 = vector.shape_cast %parallel_loop3A_177 : vector<1x16xf32> to vector<16xf32>
          %parallel_loop3A_179 = arith.index_cast %parallel_loop3A_138 : i32 to index
          %parallel_loop3A_180 = arith.constant 64 : index
          %parallel_loop3A_181 = tpu.vector_load %arg9[%parallel_loop3A_179, %parallel_loop3A_180] {strides = array<i32>} : memref<112x256xf32, #tpu.memory_space<vmem>>, vector<1x16xf32>,
          %parallel_loop3A_182 = vector.shape_cast %parallel_loop3A_181 : vector<1x16xf32> to vector<16xf32>
          %parallel_loop3A_183 = vector.shape_cast %parallel_loop3A_178 : vector<16xf32> to vector<1x16xf32>
          tpu.vector_store %arg9[%parallel_loop3A_179, %parallel_loop3A_180], %parallel_loop3A_183 {add = true, strides = array<i32>} : memref<112x256xf32, #tpu.memory_space<vmem>>, vector<1x16xf32>,
          %parallel_loop3A_184 = arith.index_cast %parallel_loop3A_138 : i32 to index
          %parallel_loop3A_185 = arith.constant 80 : index
          %parallel_loop3A_186 = tpu.vector_load %arg7[%parallel_loop3A_184, %parallel_loop3A_185] {strides = array<i32>} : memref<112x256xf32, #tpu.memory_space<vmem>>, vector<1x16xf32>,
          %parallel_loop3A_187 = vector.shape_cast %parallel_loop3A_186 : vector<1x16xf32> to vector<16xf32>
          %parallel_loop3A_188 = arith.index_cast %parallel_loop3A_138 : i32 to index
          %parallel_loop3A_189 = arith.constant 80 : index
          %parallel_loop3A_190 = tpu.vector_load %arg9[%parallel_loop3A_188, %parallel_loop3A_189] {strides = array<i32>} : memref<112x256xf32, #tpu.memory_space<vmem>>, vector<1x16xf32>,
          %parallel_loop3A_191 = vector.shape_cast %parallel_loop3A_190 : vector<1x16xf32> to vector<16xf32>
          %parallel_loop3A_192 = vector.shape_cast %parallel_loop3A_187 : vector<16xf32> to vector<1x16xf32>
          tpu.vector_store %arg9[%parallel_loop3A_188, %parallel_loop3A_189], %parallel_loop3A_192 {add = true, strides = array<i32>} : memref<112x256xf32, #tpu.memory_space<vmem>>, vector<1x16xf32>,
          %parallel_loop3A_193 = arith.index_cast %parallel_loop3A_138 : i32 to index
          %parallel_loop3A_194 = arith.constant 96 : index
          %parallel_loop3A_195 = tpu.vector_load %arg7[%parallel_loop3A_193, %parallel_loop3A_194] {strides = array<i32>} : memref<112x256xf32, #tpu.memory_space<vmem>>, vector<1x16xf32>,
          %parallel_loop3A_196 = vector.shape_cast %parallel_loop3A_195 : vector<1x16xf32> to vector<16xf32>
          %parallel_loop3A_197 = arith.index_cast %parallel_loop3A_138 : i32 to index
          %parallel_loop3A_198 = arith.constant 96 : index
          %parallel_loop3A_199 = tpu.vector_load %arg9[%parallel_loop3A_197, %parallel_loop3A_198] {strides = array<i32>} : memref<112x256xf32, #tpu.memory_space<vmem>>, vector<1x16xf32>,
          %parallel_loop3A_200 = vector.shape_cast %parallel_loop3A_199 : vector<1x16xf32> to vector<16xf32>
          %parallel_loop3A_201 = vector.shape_cast %parallel_loop3A_196 : vector<16xf32> to vector<1x16xf32>
          tpu.vector_store %arg9[%parallel_loop3A_197, %parallel_loop3A_198], %parallel_loop3A_201 {add = true, strides = array<i32>} : memref<112x256xf32, #tpu.memory_space<vmem>>, vector<1x16xf32>,
          %parallel_loop3A_202 = arith.index_cast %parallel_loop3A_138 : i32 to index
          %parallel_loop3A_203 = arith.constant 112 : index
          %parallel_loop3A_204 = tpu.vector_load %arg7[%parallel_loop3A_202, %parallel_loop3A_203] {strides = array<i32>} : memref<112x256xf32, #tpu.memory_space<vmem>>, vector<1x16xf32>,
          %parallel_loop3A_205 = vector.shape_cast %parallel_loop3A_204 : vector<1x16xf32> to vector<16xf32>
          %parallel_loop3A_206 = arith.index_cast %parallel_loop3A_138 : i32 to index
          %parallel_loop3A_207 = arith.constant 112 : index
          %parallel_loop3A_208 = tpu.vector_load %arg9[%parallel_loop3A_206, %parallel_loop3A_207] {strides = array<i32>} : memref<112x256xf32, #tpu.memory_space<vmem>>, vector<1x16xf32>,
          %parallel_loop3A_209 = vector.shape_cast %parallel_loop3A_208 : vector<1x16xf32> to vector<16xf32>
          %parallel_loop3A_210 = vector.shape_cast %parallel_loop3A_205 : vector<16xf32> to vector<1x16xf32>
          tpu.vector_store %arg9[%parallel_loop3A_206, %parallel_loop3A_207], %parallel_loop3A_210 {add = true, strides = array<i32>} : memref<112x256xf32, #tpu.memory_space<vmem>>, vector<1x16xf32>,
          %parallel_loop3A_211 = arith.index_cast %parallel_loop3A_138 : i32 to index
          %parallel_loop3A_212 = arith.constant 128 : index
          %parallel_loop3A_213 = tpu.vector_load %arg7[%parallel_loop3A_211, %parallel_loop3A_212] {strides = array<i32>} : memref<112x256xf32, #tpu.memory_space<vmem>>, vector<1x16xf32>,
          %parallel_loop3A_214 = vector.shape_cast %parallel_loop3A_213 : vector<1x16xf32> to vector<16xf32>
          %parallel_loop3A_215 = arith.index_cast %parallel_loop3A_138 : i32 to index
          %parallel_loop3A_216 = arith.constant 128 : index
          %parallel_loop3A_217 = tpu.vector_load %arg9[%parallel_loop3A_215, %parallel_loop3A_216] {strides = array<i32>} : memref<112x256xf32, #tpu.memory_space<vmem>>, vector<1x16xf32>,
          %parallel_loop3A_218 = vector.shape_cast %parallel_loop3A_217 : vector<1x16xf32> to vector<16xf32>
          %parallel_loop3A_219 = vector.shape_cast %parallel_loop3A_214 : vector<16xf32> to vector<1x16xf32>
          tpu.vector_store %arg9[%parallel_loop3A_215, %parallel_loop3A_216], %parallel_loop3A_219 {add = true, strides = array<i32>} : memref<112x256xf32, #tpu.memory_space<vmem>>, vector<1x16xf32>,
          %parallel_loop3A_220 = arith.index_cast %parallel_loop3A_138 : i32 to index
          %parallel_loop3A_221 = arith.constant 144 : index
          %parallel_loop3A_222 = tpu.vector_load %arg7[%parallel_loop3A_220, %parallel_loop3A_221] {strides = array<i32>} : memref<112x256xf32, #tpu.memory_space<vmem>>, vector<1x16xf32>,
          %parallel_loop3A_223 = vector.shape_cast %parallel_loop3A_222 : vector<1x16xf32> to vector<16xf32>
          %parallel_loop3A_224 = arith.index_cast %parallel_loop3A_138 : i32 to index
          %parallel_loop3A_225 = arith.constant 144 : index
          %parallel_loop3A_226 = tpu.vector_load %arg9[%parallel_loop3A_224, %parallel_loop3A_225] {strides = array<i32>} : memref<112x256xf32, #tpu.memory_space<vmem>>, vector<1x16xf32>,
          %parallel_loop3A_227 = vector.shape_cast %parallel_loop3A_226 : vector<1x16xf32> to vector<16xf32>
          %parallel_loop3A_228 = vector.shape_cast %parallel_loop3A_223 : vector<16xf32> to vector<1x16xf32>
          tpu.vector_store %arg9[%parallel_loop3A_224, %parallel_loop3A_225], %parallel_loop3A_228 {add = true, strides = array<i32>} : memref<112x256xf32, #tpu.memory_space<vmem>>, vector<1x16xf32>,
          %parallel_loop3A_229 = arith.index_cast %parallel_loop3A_138 : i32 to index
          %parallel_loop3A_230 = arith.constant 160 : index
          %parallel_loop3A_231 = tpu.vector_load %arg7[%parallel_loop3A_229, %parallel_loop3A_230] {strides = array<i32>} : memref<112x256xf32, #tpu.memory_space<vmem>>, vector<1x16xf32>,
          %parallel_loop3A_232 = vector.shape_cast %parallel_loop3A_231 : vector<1x16xf32> to vector<16xf32>
          %parallel_loop3A_233 = arith.index_cast %parallel_loop3A_138 : i32 to index
          %parallel_loop3A_234 = arith.constant 160 : index
          %parallel_loop3A_235 = tpu.vector_load %arg9[%parallel_loop3A_233, %parallel_loop3A_234] {strides = array<i32>} : memref<112x256xf32, #tpu.memory_space<vmem>>, vector<1x16xf32>,
          %parallel_loop3A_236 = vector.shape_cast %parallel_loop3A_235 : vector<1x16xf32> to vector<16xf32>
          %parallel_loop3A_237 = vector.shape_cast %parallel_loop3A_232 : vector<16xf32> to vector<1x16xf32>
          tpu.vector_store %arg9[%parallel_loop3A_233, %parallel_loop3A_234], %parallel_loop3A_237 {add = true, strides = array<i32>} : memref<112x256xf32, #tpu.memory_space<vmem>>, vector<1x16xf32>,
          %parallel_loop3A_238 = arith.index_cast %parallel_loop3A_138 : i32 to index
          %parallel_loop3A_239 = arith.constant 176 : index
          %parallel_loop3A_240 = tpu.vector_load %arg7[%parallel_loop3A_238, %parallel_loop3A_239] {strides = array<i32>} : memref<112x256xf32, #tpu.memory_space<vmem>>, vector<1x16xf32>,
          %parallel_loop3A_241 = vector.shape_cast %parallel_loop3A_240 : vector<1x16xf32> to vector<16xf32>
          %parallel_loop3A_242 = arith.index_cast %parallel_loop3A_138 : i32 to index
          %parallel_loop3A_243 = arith.constant 176 : index
          %parallel_loop3A_244 = tpu.vector_load %arg9[%parallel_loop3A_242, %parallel_loop3A_243] {strides = array<i32>} : memref<112x256xf32, #tpu.memory_space<vmem>>, vector<1x16xf32>,
          %parallel_loop3A_245 = vector.shape_cast %parallel_loop3A_244 : vector<1x16xf32> to vector<16xf32>
          %parallel_loop3A_246 = vector.shape_cast %parallel_loop3A_241 : vector<16xf32> to vector<1x16xf32>
          tpu.vector_store %arg9[%parallel_loop3A_242, %parallel_loop3A_243], %parallel_loop3A_246 {add = true, strides = array<i32>} : memref<112x256xf32, #tpu.memory_space<vmem>>, vector<1x16xf32>,
          %parallel_loop3A_247 = arith.index_cast %parallel_loop3A_138 : i32 to index
          %parallel_loop3A_248 = arith.constant 192 : index
          %parallel_loop3A_249 = tpu.vector_load %arg7[%parallel_loop3A_247, %parallel_loop3A_248] {strides = array<i32>} : memref<112x256xf32, #tpu.memory_space<vmem>>, vector<1x16xf32>,
          %parallel_loop3A_250 = vector.shape_cast %parallel_loop3A_249 : vector<1x16xf32> to vector<16xf32>
          %parallel_loop3A_251 = arith.index_cast %parallel_loop3A_138 : i32 to index
          %parallel_loop3A_252 = arith.constant 192 : index
          %parallel_loop3A_253 = tpu.vector_load %arg9[%parallel_loop3A_251, %parallel_loop3A_252] {strides = array<i32>} : memref<112x256xf32, #tpu.memory_space<vmem>>, vector<1x16xf32>,
          %parallel_loop3A_254 = vector.shape_cast %parallel_loop3A_253 : vector<1x16xf32> to vector<16xf32>
          %parallel_loop3A_255 = vector.shape_cast %parallel_loop3A_250 : vector<16xf32> to vector<1x16xf32>
          tpu.vector_store %arg9[%parallel_loop3A_251, %parallel_loop3A_252], %parallel_loop3A_255 {add = true, strides = array<i32>} : memref<112x256xf32, #tpu.memory_space<vmem>>, vector<1x16xf32>,
          %parallel_loop3A_256 = arith.index_cast %parallel_loop3A_138 : i32 to index
          %parallel_loop3A_257 = arith.constant 208 : index
          %parallel_loop3A_258 = tpu.vector_load %arg7[%parallel_loop3A_256, %parallel_loop3A_257] {strides = array<i32>} : memref<112x256xf32, #tpu.memory_space<vmem>>, vector<1x16xf32>,
          %parallel_loop3A_259 = vector.shape_cast %parallel_loop3A_258 : vector<1x16xf32> to vector<16xf32>
          %parallel_loop3A_260 = arith.index_cast %parallel_loop3A_138 : i32 to index
          %parallel_loop3A_261 = arith.constant 208 : index
          %parallel_loop3A_262 = tpu.vector_load %arg9[%parallel_loop3A_260, %parallel_loop3A_261] {strides = array<i32>} : memref<112x256xf32, #tpu.memory_space<vmem>>, vector<1x16xf32>,
          %parallel_loop3A_263 = vector.shape_cast %parallel_loop3A_262 : vector<1x16xf32> to vector<16xf32>
          %parallel_loop3A_264 = vector.shape_cast %parallel_loop3A_259 : vector<16xf32> to vector<1x16xf32>
          tpu.vector_store %arg9[%parallel_loop3A_260, %parallel_loop3A_261], %parallel_loop3A_264 {add = true, strides = array<i32>} : memref<112x256xf32, #tpu.memory_space<vmem>>, vector<1x16xf32>,
          %parallel_loop3A_265 = arith.index_cast %parallel_loop3A_138 : i32 to index
          %parallel_loop3A_266 = arith.constant 224 : index
          %parallel_loop3A_267 = tpu.vector_load %arg7[%parallel_loop3A_265, %parallel_loop3A_266] {strides = array<i32>} : memref<112x256xf32, #tpu.memory_space<vmem>>, vector<1x16xf32>,
          %parallel_loop3A_268 = vector.shape_cast %parallel_loop3A_267 : vector<1x16xf32> to vector<16xf32>
          %parallel_loop3A_269 = arith.index_cast %parallel_loop3A_138 : i32 to index
          %parallel_loop3A_270 = arith.constant 224 : index
          %parallel_loop3A_271 = tpu.vector_load %arg9[%parallel_loop3A_269, %parallel_loop3A_270] {strides = array<i32>} : memref<112x256xf32, #tpu.memory_space<vmem>>, vector<1x16xf32>,
          %parallel_loop3A_272 = vector.shape_cast %parallel_loop3A_271 : vector<1x16xf32> to vector<16xf32>
          %parallel_loop3A_273 = vector.shape_cast %parallel_loop3A_268 : vector<16xf32> to vector<1x16xf32>
          tpu.vector_store %arg9[%parallel_loop3A_269, %parallel_loop3A_270], %parallel_loop3A_273 {add = true, strides = array<i32>} : memref<112x256xf32, #tpu.memory_space<vmem>>, vector<1x16xf32>,
          %parallel_loop3A_274 = arith.index_cast %parallel_loop3A_138 : i32 to index
          %parallel_loop3A_275 = arith.constant 240 : index
          %parallel_loop3A_276 = tpu.vector_load %arg7[%parallel_loop3A_274, %parallel_loop3A_275] {strides = array<i32>} : memref<112x256xf32, #tpu.memory_space<vmem>>, vector<1x16xf32>,
          %parallel_loop3A_277 = vector.shape_cast %parallel_loop3A_276 : vector<1x16xf32> to vector<16xf32>
          %parallel_loop3A_278 = arith.index_cast %parallel_loop3A_138 : i32 to index
          %parallel_loop3A_279 = arith.constant 240 : index
          %parallel_loop3A_280 = tpu.vector_load %arg9[%parallel_loop3A_278, %parallel_loop3A_279] {strides = array<i32>} : memref<112x256xf32, #tpu.memory_space<vmem>>, vector<1x16xf32>,
          %parallel_loop3A_281 = vector.shape_cast %parallel_loop3A_280 : vector<1x16xf32> to vector<16xf32>
          %parallel_loop3A_282 = vector.shape_cast %parallel_loop3A_277 : vector<16xf32> to vector<1x16xf32>
          tpu.vector_store %arg9[%parallel_loop3A_278, %parallel_loop3A_279], %parallel_loop3A_282 {add = true, strides = array<i32>} : memref<112x256xf32, #tpu.memory_space<vmem>>, vector<1x16xf32>,
        } {sc.loop_unroll_factor = 4 : i64, sc.parallel_access}
        %dma_start3A_98 = arith.constant 896 : i32
        %dma_start3A_99 = tpu.memref_slice %arg5[%dma_start3A_98] : memref<1008xi32, #tpu.memory_space<vmem>> -> memref<112xi32, #tpu.memory_space<vmem>>
        %dma_start3A_100 = arith.constant 0 : i32
        %dma_start3A_101 = arith.constant 0 : i32
        %dma_start3A_102 = tpu.memref_slice %arg2[%dma_start3A_100, %dma_start3A_101] : memref<115200x256xf32, #tpu.memory_space<hbm>> -> memref<115200x256xf32, #tpu.memory_space<hbm>>
        tpu.enqueue_indirect_dma source(%dma_start3A_102 : memref<115200x256xf32, #tpu.memory_space<hbm>>) target(%arg7 : memref<112x256xf32, #tpu.memory_space<vmem>>) offsets(%dma_start3A_99 : memref<112xi32, #tpu.memory_space<vmem>>) semaphore(%arg12 : memref<!tpu.dma_semaphore, #tpu.memory_space<semaphore_mem>>)
        %dma_wait3A_103 = arith.constant 672 : i32
        %dma_wait3A_104 = tpu.memref_slice %arg5[%dma_wait3A_103] : memref<1008xi32, #tpu.memory_space<vmem>> -> memref<112xi32, #tpu.memory_space<vmem>>
        %dma_wait3A_105 = arith.constant 0 : i32
        %dma_wait3A_106 = arith.constant 0 : i32
        %dma_wait3A_107 = tpu.memref_slice %arg2[%dma_wait3A_105, %dma_wait3A_106] : memref<115200x256xf32, #tpu.memory_space<hbm>> -> memref<115200x256xf32, #tpu.memory_space<hbm>>
        tpu.wait_indirect_dma semaphore(%arg13 : memref<!tpu.dma_semaphore, #tpu.memory_space<semaphore_mem>>) src(%dma_wait3A_107 : memref<115200x256xf32, #tpu.memory_space<hbm>>) dst(%arg8 : memref<112x256xf32, #tpu.memory_space<vmem>>)
        %parallel_loop3A_108 = arith.constant 0 : i32
        %parallel_loop3A_109 = arith.constant 112 : i32
        %parallel_loop3A_110 = arith.constant 1 : i32
        scf.for %parallel_loop3A_138 = %parallel_loop3A_108 to %parallel_loop3A_109 step %parallel_loop3A_110  : i32 {
          %parallel_loop3A_139 = arith.index_cast %parallel_loop3A_138 : i32 to index
          %parallel_loop3A_140 = arith.constant 0 : index
          %parallel_loop3A_141 = tpu.vector_load %arg8[%parallel_loop3A_139, %parallel_loop3A_140] {strides = array<i32>} : memref<112x256xf32, #tpu.memory_space<vmem>>, vector<1x16xf32>,
          %parallel_loop3A_142 = vector.shape_cast %parallel_loop3A_141 : vector<1x16xf32> to vector<16xf32>
          %parallel_loop3A_143 = arith.index_cast %parallel_loop3A_138 : i32 to index
          %parallel_loop3A_144 = arith.constant 0 : index
          %parallel_loop3A_145 = tpu.vector_load %arg9[%parallel_loop3A_143, %parallel_loop3A_144] {strides = array<i32>} : memref<112x256xf32, #tpu.memory_space<vmem>>, vector<1x16xf32>,
          %parallel_loop3A_146 = vector.shape_cast %parallel_loop3A_145 : vector<1x16xf32> to vector<16xf32>
          %parallel_loop3A_147 = vector.shape_cast %parallel_loop3A_142 : vector<16xf32> to vector<1x16xf32>
          tpu.vector_store %arg9[%parallel_loop3A_143, %parallel_loop3A_144], %parallel_loop3A_147 {add = true, strides = array<i32>} : memref<112x256xf32, #tpu.memory_space<vmem>>, vector<1x16xf32>,
          %parallel_loop3A_148 = arith.index_cast %parallel_loop3A_138 : i32 to index
          %parallel_loop3A_149 = arith.constant 16 : index
          %parallel_loop3A_150 = tpu.vector_load %arg8[%parallel_loop3A_148, %parallel_loop3A_149] {strides = array<i32>} : memref<112x256xf32, #tpu.memory_space<vmem>>, vector<1x16xf32>,
          %parallel_loop3A_151 = vector.shape_cast %parallel_loop3A_150 : vector<1x16xf32> to vector<16xf32>
          %parallel_loop3A_152 = arith.index_cast %parallel_loop3A_138 : i32 to index
          %parallel_loop3A_153 = arith.constant 16 : index
          %parallel_loop3A_154 = tpu.vector_load %arg9[%parallel_loop3A_152, %parallel_loop3A_153] {strides = array<i32>} : memref<112x256xf32, #tpu.memory_space<vmem>>, vector<1x16xf32>,
          %parallel_loop3A_155 = vector.shape_cast %parallel_loop3A_154 : vector<1x16xf32> to vector<16xf32>
          %parallel_loop3A_156 = vector.shape_cast %parallel_loop3A_151 : vector<16xf32> to vector<1x16xf32>
          tpu.vector_store %arg9[%parallel_loop3A_152, %parallel_loop3A_153], %parallel_loop3A_156 {add = true, strides = array<i32>} : memref<112x256xf32, #tpu.memory_space<vmem>>, vector<1x16xf32>,
          %parallel_loop3A_157 = arith.index_cast %parallel_loop3A_138 : i32 to index
          %parallel_loop3A_158 = arith.constant 32 : index
          %parallel_loop3A_159 = tpu.vector_load %arg8[%parallel_loop3A_157, %parallel_loop3A_158] {strides = array<i32>} : memref<112x256xf32, #tpu.memory_space<vmem>>, vector<1x16xf32>,
          %parallel_loop3A_160 = vector.shape_cast %parallel_loop3A_159 : vector<1x16xf32> to vector<16xf32>
          %parallel_loop3A_161 = arith.index_cast %parallel_loop3A_138 : i32 to index
          %parallel_loop3A_162 = arith.constant 32 : index
          %parallel_loop3A_163 = tpu.vector_load %arg9[%parallel_loop3A_161, %parallel_loop3A_162] {strides = array<i32>} : memref<112x256xf32, #tpu.memory_space<vmem>>, vector<1x16xf32>,
          %parallel_loop3A_164 = vector.shape_cast %parallel_loop3A_163 : vector<1x16xf32> to vector<16xf32>
          %parallel_loop3A_165 = vector.shape_cast %parallel_loop3A_160 : vector<16xf32> to vector<1x16xf32>
          tpu.vector_store %arg9[%parallel_loop3A_161, %parallel_loop3A_162], %parallel_loop3A_165 {add = true, strides = array<i32>} : memref<112x256xf32, #tpu.memory_space<vmem>>, vector<1x16xf32>,
          %parallel_loop3A_166 = arith.index_cast %parallel_loop3A_138 : i32 to index
          %parallel_loop3A_167 = arith.constant 48 : index
          %parallel_loop3A_168 = tpu.vector_load %arg8[%parallel_loop3A_166, %parallel_loop3A_167] {strides = array<i32>} : memref<112x256xf32, #tpu.memory_space<vmem>>, vector<1x16xf32>,
          %parallel_loop3A_169 = vector.shape_cast %parallel_loop3A_168 : vector<1x16xf32> to vector<16xf32>
          %parallel_loop3A_170 = arith.index_cast %parallel_loop3A_138 : i32 to index
          %parallel_loop3A_171 = arith.constant 48 : index
          %parallel_loop3A_172 = tpu.vector_load %arg9[%parallel_loop3A_170, %parallel_loop3A_171] {strides = array<i32>} : memref<112x256xf32, #tpu.memory_space<vmem>>, vector<1x16xf32>,
          %parallel_loop3A_173 = vector.shape_cast %parallel_loop3A_172 : vector<1x16xf32> to vector<16xf32>
          %parallel_loop3A_174 = vector.shape_cast %parallel_loop3A_169 : vector<16xf32> to vector<1x16xf32>
          tpu.vector_store %arg9[%parallel_loop3A_170, %parallel_loop3A_171], %parallel_loop3A_174 {add = true, strides = array<i32>} : memref<112x256xf32, #tpu.memory_space<vmem>>, vector<1x16xf32>,
          %parallel_loop3A_175 = arith.index_cast %parallel_loop3A_138 : i32 to index
          %parallel_loop3A_176 = arith.constant 64 : index
          %parallel_loop3A_177 = tpu.vector_load %arg8[%parallel_loop3A_175, %parallel_loop3A_176] {strides = array<i32>} : memref<112x256xf32, #tpu.memory_space<vmem>>, vector<1x16xf32>,
          %parallel_loop3A_178 = vector.shape_cast %parallel_loop3A_177 : vector<1x16xf32> to vector<16xf32>
          %parallel_loop3A_179 = arith.index_cast %parallel_loop3A_138 : i32 to index
          %parallel_loop3A_180 = arith.constant 64 : index
          %parallel_loop3A_181 = tpu.vector_load %arg9[%parallel_loop3A_179, %parallel_loop3A_180] {strides = array<i32>} : memref<112x256xf32, #tpu.memory_space<vmem>>, vector<1x16xf32>,
          %parallel_loop3A_182 = vector.shape_cast %parallel_loop3A_181 : vector<1x16xf32> to vector<16xf32>
          %parallel_loop3A_183 = vector.shape_cast %parallel_loop3A_178 : vector<16xf32> to vector<1x16xf32>
          tpu.vector_store %arg9[%parallel_loop3A_179, %parallel_loop3A_180], %parallel_loop3A_183 {add = true, strides = array<i32>} : memref<112x256xf32, #tpu.memory_space<vmem>>, vector<1x16xf32>,
          %parallel_loop3A_184 = arith.index_cast %parallel_loop3A_138 : i32 to index
          %parallel_loop3A_185 = arith.constant 80 : index
          %parallel_loop3A_186 = tpu.vector_load %arg8[%parallel_loop3A_184, %parallel_loop3A_185] {strides = array<i32>} : memref<112x256xf32, #tpu.memory_space<vmem>>, vector<1x16xf32>,
          %parallel_loop3A_187 = vector.shape_cast %parallel_loop3A_186 : vector<1x16xf32> to vector<16xf32>
          %parallel_loop3A_188 = arith.index_cast %parallel_loop3A_138 : i32 to index
          %parallel_loop3A_189 = arith.constant 80 : index
          %parallel_loop3A_190 = tpu.vector_load %arg9[%parallel_loop3A_188, %parallel_loop3A_189] {strides = array<i32>} : memref<112x256xf32, #tpu.memory_space<vmem>>, vector<1x16xf32>,
          %parallel_loop3A_191 = vector.shape_cast %parallel_loop3A_190 : vector<1x16xf32> to vector<16xf32>
          %parallel_loop3A_192 = vector.shape_cast %parallel_loop3A_187 : vector<16xf32> to vector<1x16xf32>
          tpu.vector_store %arg9[%parallel_loop3A_188, %parallel_loop3A_189], %parallel_loop3A_192 {add = true, strides = array<i32>} : memref<112x256xf32, #tpu.memory_space<vmem>>, vector<1x16xf32>,
          %parallel_loop3A_193 = arith.index_cast %parallel_loop3A_138 : i32 to index
          %parallel_loop3A_194 = arith.constant 96 : index
          %parallel_loop3A_195 = tpu.vector_load %arg8[%parallel_loop3A_193, %parallel_loop3A_194] {strides = array<i32>} : memref<112x256xf32, #tpu.memory_space<vmem>>, vector<1x16xf32>,
          %parallel_loop3A_196 = vector.shape_cast %parallel_loop3A_195 : vector<1x16xf32> to vector<16xf32>
          %parallel_loop3A_197 = arith.index_cast %parallel_loop3A_138 : i32 to index
          %parallel_loop3A_198 = arith.constant 96 : index
          %parallel_loop3A_199 = tpu.vector_load %arg9[%parallel_loop3A_197, %parallel_loop3A_198] {strides = array<i32>} : memref<112x256xf32, #tpu.memory_space<vmem>>, vector<1x16xf32>,
          %parallel_loop3A_200 = vector.shape_cast %parallel_loop3A_199 : vector<1x16xf32> to vector<16xf32>
          %parallel_loop3A_201 = vector.shape_cast %parallel_loop3A_196 : vector<16xf32> to vector<1x16xf32>
          tpu.vector_store %arg9[%parallel_loop3A_197, %parallel_loop3A_198], %parallel_loop3A_201 {add = true, strides = array<i32>} : memref<112x256xf32, #tpu.memory_space<vmem>>, vector<1x16xf32>,
          %parallel_loop3A_202 = arith.index_cast %parallel_loop3A_138 : i32 to index
          %parallel_loop3A_203 = arith.constant 112 : index
          %parallel_loop3A_204 = tpu.vector_load %arg8[%parallel_loop3A_202, %parallel_loop3A_203] {strides = array<i32>} : memref<112x256xf32, #tpu.memory_space<vmem>>, vector<1x16xf32>,
          %parallel_loop3A_205 = vector.shape_cast %parallel_loop3A_204 : vector<1x16xf32> to vector<16xf32>
          %parallel_loop3A_206 = arith.index_cast %parallel_loop3A_138 : i32 to index
          %parallel_loop3A_207 = arith.constant 112 : index
          %parallel_loop3A_208 = tpu.vector_load %arg9[%parallel_loop3A_206, %parallel_loop3A_207] {strides = array<i32>} : memref<112x256xf32, #tpu.memory_space<vmem>>, vector<1x16xf32>,
          %parallel_loop3A_209 = vector.shape_cast %parallel_loop3A_208 : vector<1x16xf32> to vector<16xf32>
          %parallel_loop3A_210 = vector.shape_cast %parallel_loop3A_205 : vector<16xf32> to vector<1x16xf32>
          tpu.vector_store %arg9[%parallel_loop3A_206, %parallel_loop3A_207], %parallel_loop3A_210 {add = true, strides = array<i32>} : memref<112x256xf32, #tpu.memory_space<vmem>>, vector<1x16xf32>,
          %parallel_loop3A_211 = arith.index_cast %parallel_loop3A_138 : i32 to index
          %parallel_loop3A_212 = arith.constant 128 : index
          %parallel_loop3A_213 = tpu.vector_load %arg8[%parallel_loop3A_211, %parallel_loop3A_212] {strides = array<i32>} : memref<112x256xf32, #tpu.memory_space<vmem>>, vector<1x16xf32>,
          %parallel_loop3A_214 = vector.shape_cast %parallel_loop3A_213 : vector<1x16xf32> to vector<16xf32>
          %parallel_loop3A_215 = arith.index_cast %parallel_loop3A_138 : i32 to index
          %parallel_loop3A_216 = arith.constant 128 : index
          %parallel_loop3A_217 = tpu.vector_load %arg9[%parallel_loop3A_215, %parallel_loop3A_216] {strides = array<i32>} : memref<112x256xf32, #tpu.memory_space<vmem>>, vector<1x16xf32>,
          %parallel_loop3A_218 = vector.shape_cast %parallel_loop3A_217 : vector<1x16xf32> to vector<16xf32>
          %parallel_loop3A_219 = vector.shape_cast %parallel_loop3A_214 : vector<16xf32> to vector<1x16xf32>
          tpu.vector_store %arg9[%parallel_loop3A_215, %parallel_loop3A_216], %parallel_loop3A_219 {add = true, strides = array<i32>} : memref<112x256xf32, #tpu.memory_space<vmem>>, vector<1x16xf32>,
          %parallel_loop3A_220 = arith.index_cast %parallel_loop3A_138 : i32 to index
          %parallel_loop3A_221 = arith.constant 144 : index
          %parallel_loop3A_222 = tpu.vector_load %arg8[%parallel_loop3A_220, %parallel_loop3A_221] {strides = array<i32>} : memref<112x256xf32, #tpu.memory_space<vmem>>, vector<1x16xf32>,
          %parallel_loop3A_223 = vector.shape_cast %parallel_loop3A_222 : vector<1x16xf32> to vector<16xf32>
          %parallel_loop3A_224 = arith.index_cast %parallel_loop3A_138 : i32 to index
          %parallel_loop3A_225 = arith.constant 144 : index
          %parallel_loop3A_226 = tpu.vector_load %arg9[%parallel_loop3A_224, %parallel_loop3A_225] {strides = array<i32>} : memref<112x256xf32, #tpu.memory_space<vmem>>, vector<1x16xf32>,
          %parallel_loop3A_227 = vector.shape_cast %parallel_loop3A_226 : vector<1x16xf32> to vector<16xf32>
          %parallel_loop3A_228 = vector.shape_cast %parallel_loop3A_223 : vector<16xf32> to vector<1x16xf32>
          tpu.vector_store %arg9[%parallel_loop3A_224, %parallel_loop3A_225], %parallel_loop3A_228 {add = true, strides = array<i32>} : memref<112x256xf32, #tpu.memory_space<vmem>>, vector<1x16xf32>,
          %parallel_loop3A_229 = arith.index_cast %parallel_loop3A_138 : i32 to index
          %parallel_loop3A_230 = arith.constant 160 : index
          %parallel_loop3A_231 = tpu.vector_load %arg8[%parallel_loop3A_229, %parallel_loop3A_230] {strides = array<i32>} : memref<112x256xf32, #tpu.memory_space<vmem>>, vector<1x16xf32>,
          %parallel_loop3A_232 = vector.shape_cast %parallel_loop3A_231 : vector<1x16xf32> to vector<16xf32>
          %parallel_loop3A_233 = arith.index_cast %parallel_loop3A_138 : i32 to index
          %parallel_loop3A_234 = arith.constant 160 : index
          %parallel_loop3A_235 = tpu.vector_load %arg9[%parallel_loop3A_233, %parallel_loop3A_234] {strides = array<i32>} : memref<112x256xf32, #tpu.memory_space<vmem>>, vector<1x16xf32>,
          %parallel_loop3A_236 = vector.shape_cast %parallel_loop3A_235 : vector<1x16xf32> to vector<16xf32>
          %parallel_loop3A_237 = vector.shape_cast %parallel_loop3A_232 : vector<16xf32> to vector<1x16xf32>
          tpu.vector_store %arg9[%parallel_loop3A_233, %parallel_loop3A_234], %parallel_loop3A_237 {add = true, strides = array<i32>} : memref<112x256xf32, #tpu.memory_space<vmem>>, vector<1x16xf32>,
          %parallel_loop3A_238 = arith.index_cast %parallel_loop3A_138 : i32 to index
          %parallel_loop3A_239 = arith.constant 176 : index
          %parallel_loop3A_240 = tpu.vector_load %arg8[%parallel_loop3A_238, %parallel_loop3A_239] {strides = array<i32>} : memref<112x256xf32, #tpu.memory_space<vmem>>, vector<1x16xf32>,
          %parallel_loop3A_241 = vector.shape_cast %parallel_loop3A_240 : vector<1x16xf32> to vector<16xf32>
          %parallel_loop3A_242 = arith.index_cast %parallel_loop3A_138 : i32 to index
          %parallel_loop3A_243 = arith.constant 176 : index
          %parallel_loop3A_244 = tpu.vector_load %arg9[%parallel_loop3A_242, %parallel_loop3A_243] {strides = array<i32>} : memref<112x256xf32, #tpu.memory_space<vmem>>, vector<1x16xf32>,
          %parallel_loop3A_245 = vector.shape_cast %parallel_loop3A_244 : vector<1x16xf32> to vector<16xf32>
          %parallel_loop3A_246 = vector.shape_cast %parallel_loop3A_241 : vector<16xf32> to vector<1x16xf32>
          tpu.vector_store %arg9[%parallel_loop3A_242, %parallel_loop3A_243], %parallel_loop3A_246 {add = true, strides = array<i32>} : memref<112x256xf32, #tpu.memory_space<vmem>>, vector<1x16xf32>,
          %parallel_loop3A_247 = arith.index_cast %parallel_loop3A_138 : i32 to index
          %parallel_loop3A_248 = arith.constant 192 : index
          %parallel_loop3A_249 = tpu.vector_load %arg8[%parallel_loop3A_247, %parallel_loop3A_248] {strides = array<i32>} : memref<112x256xf32, #tpu.memory_space<vmem>>, vector<1x16xf32>,
          %parallel_loop3A_250 = vector.shape_cast %parallel_loop3A_249 : vector<1x16xf32> to vector<16xf32>
          %parallel_loop3A_251 = arith.index_cast %parallel_loop3A_138 : i32 to index
          %parallel_loop3A_252 = arith.constant 192 : index
          %parallel_loop3A_253 = tpu.vector_load %arg9[%parallel_loop3A_251, %parallel_loop3A_252] {strides = array<i32>} : memref<112x256xf32, #tpu.memory_space<vmem>>, vector<1x16xf32>,
          %parallel_loop3A_254 = vector.shape_cast %parallel_loop3A_253 : vector<1x16xf32> to vector<16xf32>
          %parallel_loop3A_255 = vector.shape_cast %parallel_loop3A_250 : vector<16xf32> to vector<1x16xf32>
          tpu.vector_store %arg9[%parallel_loop3A_251, %parallel_loop3A_252], %parallel_loop3A_255 {add = true, strides = array<i32>} : memref<112x256xf32, #tpu.memory_space<vmem>>, vector<1x16xf32>,
          %parallel_loop3A_256 = arith.index_cast %parallel_loop3A_138 : i32 to index
          %parallel_loop3A_257 = arith.constant 208 : index
          %parallel_loop3A_258 = tpu.vector_load %arg8[%parallel_loop3A_256, %parallel_loop3A_257] {strides = array<i32>} : memref<112x256xf32, #tpu.memory_space<vmem>>, vector<1x16xf32>,
          %parallel_loop3A_259 = vector.shape_cast %parallel_loop3A_258 : vector<1x16xf32> to vector<16xf32>
          %parallel_loop3A_260 = arith.index_cast %parallel_loop3A_138 : i32 to index
          %parallel_loop3A_261 = arith.constant 208 : index
          %parallel_loop3A_262 = tpu.vector_load %arg9[%parallel_loop3A_260, %parallel_loop3A_261] {strides = array<i32>} : memref<112x256xf32, #tpu.memory_space<vmem>>, vector<1x16xf32>,
          %parallel_loop3A_263 = vector.shape_cast %parallel_loop3A_262 : vector<1x16xf32> to vector<16xf32>
          %parallel_loop3A_264 = vector.shape_cast %parallel_loop3A_259 : vector<16xf32> to vector<1x16xf32>
          tpu.vector_store %arg9[%parallel_loop3A_260, %parallel_loop3A_261], %parallel_loop3A_264 {add = true, strides = array<i32>} : memref<112x256xf32, #tpu.memory_space<vmem>>, vector<1x16xf32>,
          %parallel_loop3A_265 = arith.index_cast %parallel_loop3A_138 : i32 to index
          %parallel_loop3A_266 = arith.constant 224 : index
          %parallel_loop3A_267 = tpu.vector_load %arg8[%parallel_loop3A_265, %parallel_loop3A_266] {strides = array<i32>} : memref<112x256xf32, #tpu.memory_space<vmem>>, vector<1x16xf32>,
          %parallel_loop3A_268 = vector.shape_cast %parallel_loop3A_267 : vector<1x16xf32> to vector<16xf32>
          %parallel_loop3A_269 = arith.index_cast %parallel_loop3A_138 : i32 to index
          %parallel_loop3A_270 = arith.constant 224 : index
          %parallel_loop3A_271 = tpu.vector_load %arg9[%parallel_loop3A_269, %parallel_loop3A_270] {strides = array<i32>} : memref<112x256xf32, #tpu.memory_space<vmem>>, vector<1x16xf32>,
          %parallel_loop3A_272 = vector.shape_cast %parallel_loop3A_271 : vector<1x16xf32> to vector<16xf32>
          %parallel_loop3A_273 = vector.shape_cast %parallel_loop3A_268 : vector<16xf32> to vector<1x16xf32>
          tpu.vector_store %arg9[%parallel_loop3A_269, %parallel_loop3A_270], %parallel_loop3A_273 {add = true, strides = array<i32>} : memref<112x256xf32, #tpu.memory_space<vmem>>, vector<1x16xf32>,
          %parallel_loop3A_274 = arith.index_cast %parallel_loop3A_138 : i32 to index
          %parallel_loop3A_275 = arith.constant 240 : index
          %parallel_loop3A_276 = tpu.vector_load %arg8[%parallel_loop3A_274, %parallel_loop3A_275] {strides = array<i32>} : memref<112x256xf32, #tpu.memory_space<vmem>>, vector<1x16xf32>,
          %parallel_loop3A_277 = vector.shape_cast %parallel_loop3A_276 : vector<1x16xf32> to vector<16xf32>
          %parallel_loop3A_278 = arith.index_cast %parallel_loop3A_138 : i32 to index
          %parallel_loop3A_279 = arith.constant 240 : index
          %parallel_loop3A_280 = tpu.vector_load %arg9[%parallel_loop3A_278, %parallel_loop3A_279] {strides = array<i32>} : memref<112x256xf32, #tpu.memory_space<vmem>>, vector<1x16xf32>,
          %parallel_loop3A_281 = vector.shape_cast %parallel_loop3A_280 : vector<1x16xf32> to vector<16xf32>
          %parallel_loop3A_282 = vector.shape_cast %parallel_loop3A_277 : vector<16xf32> to vector<1x16xf32>
          tpu.vector_store %arg9[%parallel_loop3A_278, %parallel_loop3A_279], %parallel_loop3A_282 {add = true, strides = array<i32>} : memref<112x256xf32, #tpu.memory_space<vmem>>, vector<1x16xf32>,
        } {sc.loop_unroll_factor = 4 : i64, sc.parallel_access}
        %dma_wait3A_111 = arith.constant 784 : i32
        %dma_wait3A_112 = tpu.memref_slice %arg5[%dma_wait3A_111] : memref<1008xi32, #tpu.memory_space<vmem>> -> memref<112xi32, #tpu.memory_space<vmem>>
        %dma_wait3A_113 = arith.constant 0 : i32
        %dma_wait3A_114 = arith.constant 0 : i32
        %dma_wait3A_115 = tpu.memref_slice %arg2[%dma_wait3A_113, %dma_wait3A_114] : memref<115200x256xf32, #tpu.memory_space<hbm>> -> memref<115200x256xf32, #tpu.memory_space<hbm>>
        tpu.wait_indirect_dma semaphore(%arg11 : memref<!tpu.dma_semaphore, #tpu.memory_space<semaphore_mem>>) src(%dma_wait3A_115 : memref<115200x256xf32, #tpu.memory_space<hbm>>) dst(%arg6 : memref<112x256xf32, #tpu.memory_space<vmem>>)
        %parallel_loop3A_116 = arith.constant 0 : i32
        %parallel_loop3A_117 = arith.constant 112 : i32
        %parallel_loop3A_118 = arith.constant 1 : i32
        scf.for %parallel_loop3A_138 = %parallel_loop3A_116 to %parallel_loop3A_117 step %parallel_loop3A_118  : i32 {
          %parallel_loop3A_139 = arith.index_cast %parallel_loop3A_138 : i32 to index
          %parallel_loop3A_140 = arith.constant 0 : index
          %parallel_loop3A_141 = tpu.vector_load %arg6[%parallel_loop3A_139, %parallel_loop3A_140] {strides = array<i32>} : memref<112x256xf32, #tpu.memory_space<vmem>>, vector<1x16xf32>,
          %parallel_loop3A_142 = vector.shape_cast %parallel_loop3A_141 : vector<1x16xf32> to vector<16xf32>
          %parallel_loop3A_143 = arith.index_cast %parallel_loop3A_138 : i32 to index
          %parallel_loop3A_144 = arith.constant 0 : index
          %parallel_loop3A_145 = tpu.vector_load %arg9[%parallel_loop3A_143, %parallel_loop3A_144] {strides = array<i32>} : memref<112x256xf32, #tpu.memory_space<vmem>>, vector<1x16xf32>,
          %parallel_loop3A_146 = vector.shape_cast %parallel_loop3A_145 : vector<1x16xf32> to vector<16xf32>
          %parallel_loop3A_147 = vector.shape_cast %parallel_loop3A_142 : vector<16xf32> to vector<1x16xf32>
          tpu.vector_store %arg9[%parallel_loop3A_143, %parallel_loop3A_144], %parallel_loop3A_147 {add = true, strides = array<i32>} : memref<112x256xf32, #tpu.memory_space<vmem>>, vector<1x16xf32>,
          %parallel_loop3A_148 = arith.index_cast %parallel_loop3A_138 : i32 to index
          %parallel_loop3A_149 = arith.constant 16 : index
          %parallel_loop3A_150 = tpu.vector_load %arg6[%parallel_loop3A_148, %parallel_loop3A_149] {strides = array<i32>} : memref<112x256xf32, #tpu.memory_space<vmem>>, vector<1x16xf32>,
          %parallel_loop3A_151 = vector.shape_cast %parallel_loop3A_150 : vector<1x16xf32> to vector<16xf32>
          %parallel_loop3A_152 = arith.index_cast %parallel_loop3A_138 : i32 to index
          %parallel_loop3A_153 = arith.constant 16 : index
          %parallel_loop3A_154 = tpu.vector_load %arg9[%parallel_loop3A_152, %parallel_loop3A_153] {strides = array<i32>} : memref<112x256xf32, #tpu.memory_space<vmem>>, vector<1x16xf32>,
          %parallel_loop3A_155 = vector.shape_cast %parallel_loop3A_154 : vector<1x16xf32> to vector<16xf32>
          %parallel_loop3A_156 = vector.shape_cast %parallel_loop3A_151 : vector<16xf32> to vector<1x16xf32>
          tpu.vector_store %arg9[%parallel_loop3A_152, %parallel_loop3A_153], %parallel_loop3A_156 {add = true, strides = array<i32>} : memref<112x256xf32, #tpu.memory_space<vmem>>, vector<1x16xf32>,
          %parallel_loop3A_157 = arith.index_cast %parallel_loop3A_138 : i32 to index
          %parallel_loop3A_158 = arith.constant 32 : index
          %parallel_loop3A_159 = tpu.vector_load %arg6[%parallel_loop3A_157, %parallel_loop3A_158] {strides = array<i32>} : memref<112x256xf32, #tpu.memory_space<vmem>>, vector<1x16xf32>,
          %parallel_loop3A_160 = vector.shape_cast %parallel_loop3A_159 : vector<1x16xf32> to vector<16xf32>
          %parallel_loop3A_161 = arith.index_cast %parallel_loop3A_138 : i32 to index
          %parallel_loop3A_162 = arith.constant 32 : index
          %parallel_loop3A_163 = tpu.vector_load %arg9[%parallel_loop3A_161, %parallel_loop3A_162] {strides = array<i32>} : memref<112x256xf32, #tpu.memory_space<vmem>>, vector<1x16xf32>,
          %parallel_loop3A_164 = vector.shape_cast %parallel_loop3A_163 : vector<1x16xf32> to vector<16xf32>
          %parallel_loop3A_165 = vector.shape_cast %parallel_loop3A_160 : vector<16xf32> to vector<1x16xf32>
          tpu.vector_store %arg9[%parallel_loop3A_161, %parallel_loop3A_162], %parallel_loop3A_165 {add = true, strides = array<i32>} : memref<112x256xf32, #tpu.memory_space<vmem>>, vector<1x16xf32>,
          %parallel_loop3A_166 = arith.index_cast %parallel_loop3A_138 : i32 to index
          %parallel_loop3A_167 = arith.constant 48 : index
          %parallel_loop3A_168 = tpu.vector_load %arg6[%parallel_loop3A_166, %parallel_loop3A_167] {strides = array<i32>} : memref<112x256xf32, #tpu.memory_space<vmem>>, vector<1x16xf32>,
          %parallel_loop3A_169 = vector.shape_cast %parallel_loop3A_168 : vector<1x16xf32> to vector<16xf32>
          %parallel_loop3A_170 = arith.index_cast %parallel_loop3A_138 : i32 to index
          %parallel_loop3A_171 = arith.constant 48 : index
          %parallel_loop3A_172 = tpu.vector_load %arg9[%parallel_loop3A_170, %parallel_loop3A_171] {strides = array<i32>} : memref<112x256xf32, #tpu.memory_space<vmem>>, vector<1x16xf32>,
          %parallel_loop3A_173 = vector.shape_cast %parallel_loop3A_172 : vector<1x16xf32> to vector<16xf32>
          %parallel_loop3A_174 = vector.shape_cast %parallel_loop3A_169 : vector<16xf32> to vector<1x16xf32>
          tpu.vector_store %arg9[%parallel_loop3A_170, %parallel_loop3A_171], %parallel_loop3A_174 {add = true, strides = array<i32>} : memref<112x256xf32, #tpu.memory_space<vmem>>, vector<1x16xf32>,
          %parallel_loop3A_175 = arith.index_cast %parallel_loop3A_138 : i32 to index
          %parallel_loop3A_176 = arith.constant 64 : index
          %parallel_loop3A_177 = tpu.vector_load %arg6[%parallel_loop3A_175, %parallel_loop3A_176] {strides = array<i32>} : memref<112x256xf32, #tpu.memory_space<vmem>>, vector<1x16xf32>,
          %parallel_loop3A_178 = vector.shape_cast %parallel_loop3A_177 : vector<1x16xf32> to vector<16xf32>
          %parallel_loop3A_179 = arith.index_cast %parallel_loop3A_138 : i32 to index
          %parallel_loop3A_180 = arith.constant 64 : index
          %parallel_loop3A_181 = tpu.vector_load %arg9[%parallel_loop3A_179, %parallel_loop3A_180] {strides = array<i32>} : memref<112x256xf32, #tpu.memory_space<vmem>>, vector<1x16xf32>,
          %parallel_loop3A_182 = vector.shape_cast %parallel_loop3A_181 : vector<1x16xf32> to vector<16xf32>
          %parallel_loop3A_183 = vector.shape_cast %parallel_loop3A_178 : vector<16xf32> to vector<1x16xf32>
          tpu.vector_store %arg9[%parallel_loop3A_179, %parallel_loop3A_180], %parallel_loop3A_183 {add = true, strides = array<i32>} : memref<112x256xf32, #tpu.memory_space<vmem>>, vector<1x16xf32>,
          %parallel_loop3A_184 = arith.index_cast %parallel_loop3A_138 : i32 to index
          %parallel_loop3A_185 = arith.constant 80 : index
          %parallel_loop3A_186 = tpu.vector_load %arg6[%parallel_loop3A_184, %parallel_loop3A_185] {strides = array<i32>} : memref<112x256xf32, #tpu.memory_space<vmem>>, vector<1x16xf32>,
          %parallel_loop3A_187 = vector.shape_cast %parallel_loop3A_186 : vector<1x16xf32> to vector<16xf32>
          %parallel_loop3A_188 = arith.index_cast %parallel_loop3A_138 : i32 to index
          %parallel_loop3A_189 = arith.constant 80 : index
          %parallel_loop3A_190 = tpu.vector_load %arg9[%parallel_loop3A_188, %parallel_loop3A_189] {strides = array<i32>} : memref<112x256xf32, #tpu.memory_space<vmem>>, vector<1x16xf32>,
          %parallel_loop3A_191 = vector.shape_cast %parallel_loop3A_190 : vector<1x16xf32> to vector<16xf32>
          %parallel_loop3A_192 = vector.shape_cast %parallel_loop3A_187 : vector<16xf32> to vector<1x16xf32>
          tpu.vector_store %arg9[%parallel_loop3A_188, %parallel_loop3A_189], %parallel_loop3A_192 {add = true, strides = array<i32>} : memref<112x256xf32, #tpu.memory_space<vmem>>, vector<1x16xf32>,
          %parallel_loop3A_193 = arith.index_cast %parallel_loop3A_138 : i32 to index
          %parallel_loop3A_194 = arith.constant 96 : index
          %parallel_loop3A_195 = tpu.vector_load %arg6[%parallel_loop3A_193, %parallel_loop3A_194] {strides = array<i32>} : memref<112x256xf32, #tpu.memory_space<vmem>>, vector<1x16xf32>,
          %parallel_loop3A_196 = vector.shape_cast %parallel_loop3A_195 : vector<1x16xf32> to vector<16xf32>
          %parallel_loop3A_197 = arith.index_cast %parallel_loop3A_138 : i32 to index
          %parallel_loop3A_198 = arith.constant 96 : index
          %parallel_loop3A_199 = tpu.vector_load %arg9[%parallel_loop3A_197, %parallel_loop3A_198] {strides = array<i32>} : memref<112x256xf32, #tpu.memory_space<vmem>>, vector<1x16xf32>,
          %parallel_loop3A_200 = vector.shape_cast %parallel_loop3A_199 : vector<1x16xf32> to vector<16xf32>
          %parallel_loop3A_201 = vector.shape_cast %parallel_loop3A_196 : vector<16xf32> to vector<1x16xf32>
          tpu.vector_store %arg9[%parallel_loop3A_197, %parallel_loop3A_198], %parallel_loop3A_201 {add = true, strides = array<i32>} : memref<112x256xf32, #tpu.memory_space<vmem>>, vector<1x16xf32>,
          %parallel_loop3A_202 = arith.index_cast %parallel_loop3A_138 : i32 to index
          %parallel_loop3A_203 = arith.constant 112 : index
          %parallel_loop3A_204 = tpu.vector_load %arg6[%parallel_loop3A_202, %parallel_loop3A_203] {strides = array<i32>} : memref<112x256xf32, #tpu.memory_space<vmem>>, vector<1x16xf32>,
          %parallel_loop3A_205 = vector.shape_cast %parallel_loop3A_204 : vector<1x16xf32> to vector<16xf32>
          %parallel_loop3A_206 = arith.index_cast %parallel_loop3A_138 : i32 to index
          %parallel_loop3A_207 = arith.constant 112 : index
          %parallel_loop3A_208 = tpu.vector_load %arg9[%parallel_loop3A_206, %parallel_loop3A_207] {strides = array<i32>} : memref<112x256xf32, #tpu.memory_space<vmem>>, vector<1x16xf32>,
          %parallel_loop3A_209 = vector.shape_cast %parallel_loop3A_208 : vector<1x16xf32> to vector<16xf32>
          %parallel_loop3A_210 = vector.shape_cast %parallel_loop3A_205 : vector<16xf32> to vector<1x16xf32>
          tpu.vector_store %arg9[%parallel_loop3A_206, %parallel_loop3A_207], %parallel_loop3A_210 {add = true, strides = array<i32>} : memref<112x256xf32, #tpu.memory_space<vmem>>, vector<1x16xf32>,
          %parallel_loop3A_211 = arith.index_cast %parallel_loop3A_138 : i32 to index
          %parallel_loop3A_212 = arith.constant 128 : index
          %parallel_loop3A_213 = tpu.vector_load %arg6[%parallel_loop3A_211, %parallel_loop3A_212] {strides = array<i32>} : memref<112x256xf32, #tpu.memory_space<vmem>>, vector<1x16xf32>,
          %parallel_loop3A_214 = vector.shape_cast %parallel_loop3A_213 : vector<1x16xf32> to vector<16xf32>
          %parallel_loop3A_215 = arith.index_cast %parallel_loop3A_138 : i32 to index
          %parallel_loop3A_216 = arith.constant 128 : index
          %parallel_loop3A_217 = tpu.vector_load %arg9[%parallel_loop3A_215, %parallel_loop3A_216] {strides = array<i32>} : memref<112x256xf32, #tpu.memory_space<vmem>>, vector<1x16xf32>,
          %parallel_loop3A_218 = vector.shape_cast %parallel_loop3A_217 : vector<1x16xf32> to vector<16xf32>
          %parallel_loop3A_219 = vector.shape_cast %parallel_loop3A_214 : vector<16xf32> to vector<1x16xf32>
          tpu.vector_store %arg9[%parallel_loop3A_215, %parallel_loop3A_216], %parallel_loop3A_219 {add = true, strides = array<i32>} : memref<112x256xf32, #tpu.memory_space<vmem>>, vector<1x16xf32>,
          %parallel_loop3A_220 = arith.index_cast %parallel_loop3A_138 : i32 to index
          %parallel_loop3A_221 = arith.constant 144 : index
          %parallel_loop3A_222 = tpu.vector_load %arg6[%parallel_loop3A_220, %parallel_loop3A_221] {strides = array<i32>} : memref<112x256xf32, #tpu.memory_space<vmem>>, vector<1x16xf32>,
          %parallel_loop3A_223 = vector.shape_cast %parallel_loop3A_222 : vector<1x16xf32> to vector<16xf32>
          %parallel_loop3A_224 = arith.index_cast %parallel_loop3A_138 : i32 to index
          %parallel_loop3A_225 = arith.constant 144 : index
          %parallel_loop3A_226 = tpu.vector_load %arg9[%parallel_loop3A_224, %parallel_loop3A_225] {strides = array<i32>} : memref<112x256xf32, #tpu.memory_space<vmem>>, vector<1x16xf32>,
          %parallel_loop3A_227 = vector.shape_cast %parallel_loop3A_226 : vector<1x16xf32> to vector<16xf32>
          %parallel_loop3A_228 = vector.shape_cast %parallel_loop3A_223 : vector<16xf32> to vector<1x16xf32>
          tpu.vector_store %arg9[%parallel_loop3A_224, %parallel_loop3A_225], %parallel_loop3A_228 {add = true, strides = array<i32>} : memref<112x256xf32, #tpu.memory_space<vmem>>, vector<1x16xf32>,
          %parallel_loop3A_229 = arith.index_cast %parallel_loop3A_138 : i32 to index
          %parallel_loop3A_230 = arith.constant 160 : index
          %parallel_loop3A_231 = tpu.vector_load %arg6[%parallel_loop3A_229, %parallel_loop3A_230] {strides = array<i32>} : memref<112x256xf32, #tpu.memory_space<vmem>>, vector<1x16xf32>,
          %parallel_loop3A_232 = vector.shape_cast %parallel_loop3A_231 : vector<1x16xf32> to vector<16xf32>
          %parallel_loop3A_233 = arith.index_cast %parallel_loop3A_138 : i32 to index
          %parallel_loop3A_234 = arith.constant 160 : index
          %parallel_loop3A_235 = tpu.vector_load %arg9[%parallel_loop3A_233, %parallel_loop3A_234] {strides = array<i32>} : memref<112x256xf32, #tpu.memory_space<vmem>>, vector<1x16xf32>,
          %parallel_loop3A_236 = vector.shape_cast %parallel_loop3A_235 : vector<1x16xf32> to vector<16xf32>
          %parallel_loop3A_237 = vector.shape_cast %parallel_loop3A_232 : vector<16xf32> to vector<1x16xf32>
          tpu.vector_store %arg9[%parallel_loop3A_233, %parallel_loop3A_234], %parallel_loop3A_237 {add = true, strides = array<i32>} : memref<112x256xf32, #tpu.memory_space<vmem>>, vector<1x16xf32>,
          %parallel_loop3A_238 = arith.index_cast %parallel_loop3A_138 : i32 to index
          %parallel_loop3A_239 = arith.constant 176 : index
          %parallel_loop3A_240 = tpu.vector_load %arg6[%parallel_loop3A_238, %parallel_loop3A_239] {strides = array<i32>} : memref<112x256xf32, #tpu.memory_space<vmem>>, vector<1x16xf32>,
          %parallel_loop3A_241 = vector.shape_cast %parallel_loop3A_240 : vector<1x16xf32> to vector<16xf32>
          %parallel_loop3A_242 = arith.index_cast %parallel_loop3A_138 : i32 to index
          %parallel_loop3A_243 = arith.constant 176 : index
          %parallel_loop3A_244 = tpu.vector_load %arg9[%parallel_loop3A_242, %parallel_loop3A_243] {strides = array<i32>} : memref<112x256xf32, #tpu.memory_space<vmem>>, vector<1x16xf32>,
          %parallel_loop3A_245 = vector.shape_cast %parallel_loop3A_244 : vector<1x16xf32> to vector<16xf32>
          %parallel_loop3A_246 = vector.shape_cast %parallel_loop3A_241 : vector<16xf32> to vector<1x16xf32>
          tpu.vector_store %arg9[%parallel_loop3A_242, %parallel_loop3A_243], %parallel_loop3A_246 {add = true, strides = array<i32>} : memref<112x256xf32, #tpu.memory_space<vmem>>, vector<1x16xf32>,
          %parallel_loop3A_247 = arith.index_cast %parallel_loop3A_138 : i32 to index
          %parallel_loop3A_248 = arith.constant 192 : index
          %parallel_loop3A_249 = tpu.vector_load %arg6[%parallel_loop3A_247, %parallel_loop3A_248] {strides = array<i32>} : memref<112x256xf32, #tpu.memory_space<vmem>>, vector<1x16xf32>,
          %parallel_loop3A_250 = vector.shape_cast %parallel_loop3A_249 : vector<1x16xf32> to vector<16xf32>
          %parallel_loop3A_251 = arith.index_cast %parallel_loop3A_138 : i32 to index
          %parallel_loop3A_252 = arith.constant 192 : index
          %parallel_loop3A_253 = tpu.vector_load %arg9[%parallel_loop3A_251, %parallel_loop3A_252] {strides = array<i32>} : memref<112x256xf32, #tpu.memory_space<vmem>>, vector<1x16xf32>,
          %parallel_loop3A_254 = vector.shape_cast %parallel_loop3A_253 : vector<1x16xf32> to vector<16xf32>
          %parallel_loop3A_255 = vector.shape_cast %parallel_loop3A_250 : vector<16xf32> to vector<1x16xf32>
          tpu.vector_store %arg9[%parallel_loop3A_251, %parallel_loop3A_252], %parallel_loop3A_255 {add = true, strides = array<i32>} : memref<112x256xf32, #tpu.memory_space<vmem>>, vector<1x16xf32>,
          %parallel_loop3A_256 = arith.index_cast %parallel_loop3A_138 : i32 to index
          %parallel_loop3A_257 = arith.constant 208 : index
          %parallel_loop3A_258 = tpu.vector_load %arg6[%parallel_loop3A_256, %parallel_loop3A_257] {strides = array<i32>} : memref<112x256xf32, #tpu.memory_space<vmem>>, vector<1x16xf32>,
          %parallel_loop3A_259 = vector.shape_cast %parallel_loop3A_258 : vector<1x16xf32> to vector<16xf32>
          %parallel_loop3A_260 = arith.index_cast %parallel_loop3A_138 : i32 to index
          %parallel_loop3A_261 = arith.constant 208 : index
          %parallel_loop3A_262 = tpu.vector_load %arg9[%parallel_loop3A_260, %parallel_loop3A_261] {strides = array<i32>} : memref<112x256xf32, #tpu.memory_space<vmem>>, vector<1x16xf32>,
          %parallel_loop3A_263 = vector.shape_cast %parallel_loop3A_262 : vector<1x16xf32> to vector<16xf32>
          %parallel_loop3A_264 = vector.shape_cast %parallel_loop3A_259 : vector<16xf32> to vector<1x16xf32>
          tpu.vector_store %arg9[%parallel_loop3A_260, %parallel_loop3A_261], %parallel_loop3A_264 {add = true, strides = array<i32>} : memref<112x256xf32, #tpu.memory_space<vmem>>, vector<1x16xf32>,
          %parallel_loop3A_265 = arith.index_cast %parallel_loop3A_138 : i32 to index
          %parallel_loop3A_266 = arith.constant 224 : index
          %parallel_loop3A_267 = tpu.vector_load %arg6[%parallel_loop3A_265, %parallel_loop3A_266] {strides = array<i32>} : memref<112x256xf32, #tpu.memory_space<vmem>>, vector<1x16xf32>,
          %parallel_loop3A_268 = vector.shape_cast %parallel_loop3A_267 : vector<1x16xf32> to vector<16xf32>
          %parallel_loop3A_269 = arith.index_cast %parallel_loop3A_138 : i32 to index
          %parallel_loop3A_270 = arith.constant 224 : index
          %parallel_loop3A_271 = tpu.vector_load %arg9[%parallel_loop3A_269, %parallel_loop3A_270] {strides = array<i32>} : memref<112x256xf32, #tpu.memory_space<vmem>>, vector<1x16xf32>,
          %parallel_loop3A_272 = vector.shape_cast %parallel_loop3A_271 : vector<1x16xf32> to vector<16xf32>
          %parallel_loop3A_273 = vector.shape_cast %parallel_loop3A_268 : vector<16xf32> to vector<1x16xf32>
          tpu.vector_store %arg9[%parallel_loop3A_269, %parallel_loop3A_270], %parallel_loop3A_273 {add = true, strides = array<i32>} : memref<112x256xf32, #tpu.memory_space<vmem>>, vector<1x16xf32>,
          %parallel_loop3A_274 = arith.index_cast %parallel_loop3A_138 : i32 to index
          %parallel_loop3A_275 = arith.constant 240 : index
          %parallel_loop3A_276 = tpu.vector_load %arg6[%parallel_loop3A_274, %parallel_loop3A_275] {strides = array<i32>} : memref<112x256xf32, #tpu.memory_space<vmem>>, vector<1x16xf32>,
          %parallel_loop3A_277 = vector.shape_cast %parallel_loop3A_276 : vector<1x16xf32> to vector<16xf32>
          %parallel_loop3A_278 = arith.index_cast %parallel_loop3A_138 : i32 to index
          %parallel_loop3A_279 = arith.constant 240 : index
          %parallel_loop3A_280 = tpu.vector_load %arg9[%parallel_loop3A_278, %parallel_loop3A_279] {strides = array<i32>} : memref<112x256xf32, #tpu.memory_space<vmem>>, vector<1x16xf32>,
          %parallel_loop3A_281 = vector.shape_cast %parallel_loop3A_280 : vector<1x16xf32> to vector<16xf32>
          %parallel_loop3A_282 = vector.shape_cast %parallel_loop3A_277 : vector<16xf32> to vector<1x16xf32>
          tpu.vector_store %arg9[%parallel_loop3A_278, %parallel_loop3A_279], %parallel_loop3A_282 {add = true, strides = array<i32>} : memref<112x256xf32, #tpu.memory_space<vmem>>, vector<1x16xf32>,
        } {sc.loop_unroll_factor = 4 : i64, sc.parallel_access}
        %dma_wait3A_119 = arith.constant 896 : i32
        %dma_wait3A_120 = tpu.memref_slice %arg5[%dma_wait3A_119] : memref<1008xi32, #tpu.memory_space<vmem>> -> memref<112xi32, #tpu.memory_space<vmem>>
        %dma_wait3A_121 = arith.constant 0 : i32
        %dma_wait3A_122 = arith.constant 0 : i32
        %dma_wait3A_123 = tpu.memref_slice %arg2[%dma_wait3A_121, %dma_wait3A_122] : memref<115200x256xf32, #tpu.memory_space<hbm>> -> memref<115200x256xf32, #tpu.memory_space<hbm>>
        tpu.wait_indirect_dma semaphore(%arg12 : memref<!tpu.dma_semaphore, #tpu.memory_space<semaphore_mem>>) src(%dma_wait3A_123 : memref<115200x256xf32, #tpu.memory_space<hbm>>) dst(%arg7 : memref<112x256xf32, #tpu.memory_space<vmem>>)
        %parallel_loop3A_124 = arith.constant 0 : i32
        %parallel_loop3A_125 = arith.constant 112 : i32
        %parallel_loop3A_126 = arith.constant 1 : i32
        scf.for %parallel_loop3A_138 = %parallel_loop3A_124 to %parallel_loop3A_125 step %parallel_loop3A_126  : i32 {
          %parallel_loop3A_139 = arith.index_cast %parallel_loop3A_138 : i32 to index
          %parallel_loop3A_140 = arith.constant 0 : index
          %parallel_loop3A_141 = tpu.vector_load %arg7[%parallel_loop3A_139, %parallel_loop3A_140] {strides = array<i32>} : memref<112x256xf32, #tpu.memory_space<vmem>>, vector<1x16xf32>,
          %parallel_loop3A_142 = vector.shape_cast %parallel_loop3A_141 : vector<1x16xf32> to vector<16xf32>
          %parallel_loop3A_143 = arith.index_cast %parallel_loop3A_138 : i32 to index
          %parallel_loop3A_144 = arith.constant 0 : index
          %parallel_loop3A_145 = tpu.vector_load %arg9[%parallel_loop3A_143, %parallel_loop3A_144] {strides = array<i32>} : memref<112x256xf32, #tpu.memory_space<vmem>>, vector<1x16xf32>,
          %parallel_loop3A_146 = vector.shape_cast %parallel_loop3A_145 : vector<1x16xf32> to vector<16xf32>
          %parallel_loop3A_147 = vector.shape_cast %parallel_loop3A_142 : vector<16xf32> to vector<1x16xf32>
          tpu.vector_store %arg9[%parallel_loop3A_143, %parallel_loop3A_144], %parallel_loop3A_147 {add = true, strides = array<i32>} : memref<112x256xf32, #tpu.memory_space<vmem>>, vector<1x16xf32>,
          %parallel_loop3A_148 = arith.index_cast %parallel_loop3A_138 : i32 to index
          %parallel_loop3A_149 = arith.constant 16 : index
          %parallel_loop3A_150 = tpu.vector_load %arg7[%parallel_loop3A_148, %parallel_loop3A_149] {strides = array<i32>} : memref<112x256xf32, #tpu.memory_space<vmem>>, vector<1x16xf32>,
          %parallel_loop3A_151 = vector.shape_cast %parallel_loop3A_150 : vector<1x16xf32> to vector<16xf32>
          %parallel_loop3A_152 = arith.index_cast %parallel_loop3A_138 : i32 to index
          %parallel_loop3A_153 = arith.constant 16 : index
          %parallel_loop3A_154 = tpu.vector_load %arg9[%parallel_loop3A_152, %parallel_loop3A_153] {strides = array<i32>} : memref<112x256xf32, #tpu.memory_space<vmem>>, vector<1x16xf32>,
          %parallel_loop3A_155 = vector.shape_cast %parallel_loop3A_154 : vector<1x16xf32> to vector<16xf32>
          %parallel_loop3A_156 = vector.shape_cast %parallel_loop3A_151 : vector<16xf32> to vector<1x16xf32>
          tpu.vector_store %arg9[%parallel_loop3A_152, %parallel_loop3A_153], %parallel_loop3A_156 {add = true, strides = array<i32>} : memref<112x256xf32, #tpu.memory_space<vmem>>, vector<1x16xf32>,
          %parallel_loop3A_157 = arith.index_cast %parallel_loop3A_138 : i32 to index
          %parallel_loop3A_158 = arith.constant 32 : index
          %parallel_loop3A_159 = tpu.vector_load %arg7[%parallel_loop3A_157, %parallel_loop3A_158] {strides = array<i32>} : memref<112x256xf32, #tpu.memory_space<vmem>>, vector<1x16xf32>,
          %parallel_loop3A_160 = vector.shape_cast %parallel_loop3A_159 : vector<1x16xf32> to vector<16xf32>
          %parallel_loop3A_161 = arith.index_cast %parallel_loop3A_138 : i32 to index
          %parallel_loop3A_162 = arith.constant 32 : index
          %parallel_loop3A_163 = tpu.vector_load %arg9[%parallel_loop3A_161, %parallel_loop3A_162] {strides = array<i32>} : memref<112x256xf32, #tpu.memory_space<vmem>>, vector<1x16xf32>,
          %parallel_loop3A_164 = vector.shape_cast %parallel_loop3A_163 : vector<1x16xf32> to vector<16xf32>
          %parallel_loop3A_165 = vector.shape_cast %parallel_loop3A_160 : vector<16xf32> to vector<1x16xf32>
          tpu.vector_store %arg9[%parallel_loop3A_161, %parallel_loop3A_162], %parallel_loop3A_165 {add = true, strides = array<i32>} : memref<112x256xf32, #tpu.memory_space<vmem>>, vector<1x16xf32>,
          %parallel_loop3A_166 = arith.index_cast %parallel_loop3A_138 : i32 to index
          %parallel_loop3A_167 = arith.constant 48 : index
          %parallel_loop3A_168 = tpu.vector_load %arg7[%parallel_loop3A_166, %parallel_loop3A_167] {strides = array<i32>} : memref<112x256xf32, #tpu.memory_space<vmem>>, vector<1x16xf32>,
          %parallel_loop3A_169 = vector.shape_cast %parallel_loop3A_168 : vector<1x16xf32> to vector<16xf32>
          %parallel_loop3A_170 = arith.index_cast %parallel_loop3A_138 : i32 to index
          %parallel_loop3A_171 = arith.constant 48 : index
          %parallel_loop3A_172 = tpu.vector_load %arg9[%parallel_loop3A_170, %parallel_loop3A_171] {strides = array<i32>} : memref<112x256xf32, #tpu.memory_space<vmem>>, vector<1x16xf32>,
          %parallel_loop3A_173 = vector.shape_cast %parallel_loop3A_172 : vector<1x16xf32> to vector<16xf32>
          %parallel_loop3A_174 = vector.shape_cast %parallel_loop3A_169 : vector<16xf32> to vector<1x16xf32>
          tpu.vector_store %arg9[%parallel_loop3A_170, %parallel_loop3A_171], %parallel_loop3A_174 {add = true, strides = array<i32>} : memref<112x256xf32, #tpu.memory_space<vmem>>, vector<1x16xf32>,
          %parallel_loop3A_175 = arith.index_cast %parallel_loop3A_138 : i32 to index
          %parallel_loop3A_176 = arith.constant 64 : index
          %parallel_loop3A_177 = tpu.vector_load %arg7[%parallel_loop3A_175, %parallel_loop3A_176] {strides = array<i32>} : memref<112x256xf32, #tpu.memory_space<vmem>>, vector<1x16xf32>,
          %parallel_loop3A_178 = vector.shape_cast %parallel_loop3A_177 : vector<1x16xf32> to vector<16xf32>
          %parallel_loop3A_179 = arith.index_cast %parallel_loop3A_138 : i32 to index
          %parallel_loop3A_180 = arith.constant 64 : index
          %parallel_loop3A_181 = tpu.vector_load %arg9[%parallel_loop3A_179, %parallel_loop3A_180] {strides = array<i32>} : memref<112x256xf32, #tpu.memory_space<vmem>>, vector<1x16xf32>,
          %parallel_loop3A_182 = vector.shape_cast %parallel_loop3A_181 : vector<1x16xf32> to vector<16xf32>
          %parallel_loop3A_183 = vector.shape_cast %parallel_loop3A_178 : vector<16xf32> to vector<1x16xf32>
          tpu.vector_store %arg9[%parallel_loop3A_179, %parallel_loop3A_180], %parallel_loop3A_183 {add = true, strides = array<i32>} : memref<112x256xf32, #tpu.memory_space<vmem>>, vector<1x16xf32>,
          %parallel_loop3A_184 = arith.index_cast %parallel_loop3A_138 : i32 to index
          %parallel_loop3A_185 = arith.constant 80 : index
          %parallel_loop3A_186 = tpu.vector_load %arg7[%parallel_loop3A_184, %parallel_loop3A_185] {strides = array<i32>} : memref<112x256xf32, #tpu.memory_space<vmem>>, vector<1x16xf32>,
          %parallel_loop3A_187 = vector.shape_cast %parallel_loop3A_186 : vector<1x16xf32> to vector<16xf32>
          %parallel_loop3A_188 = arith.index_cast %parallel_loop3A_138 : i32 to index
          %parallel_loop3A_189 = arith.constant 80 : index
          %parallel_loop3A_190 = tpu.vector_load %arg9[%parallel_loop3A_188, %parallel_loop3A_189] {strides = array<i32>} : memref<112x256xf32, #tpu.memory_space<vmem>>, vector<1x16xf32>,
          %parallel_loop3A_191 = vector.shape_cast %parallel_loop3A_190 : vector<1x16xf32> to vector<16xf32>
          %parallel_loop3A_192 = vector.shape_cast %parallel_loop3A_187 : vector<16xf32> to vector<1x16xf32>
          tpu.vector_store %arg9[%parallel_loop3A_188, %parallel_loop3A_189], %parallel_loop3A_192 {add = true, strides = array<i32>} : memref<112x256xf32, #tpu.memory_space<vmem>>, vector<1x16xf32>,
          %parallel_loop3A_193 = arith.index_cast %parallel_loop3A_138 : i32 to index
          %parallel_loop3A_194 = arith.constant 96 : index
          %parallel_loop3A_195 = tpu.vector_load %arg7[%parallel_loop3A_193, %parallel_loop3A_194] {strides = array<i32>} : memref<112x256xf32, #tpu.memory_space<vmem>>, vector<1x16xf32>,
          %parallel_loop3A_196 = vector.shape_cast %parallel_loop3A_195 : vector<1x16xf32> to vector<16xf32>
          %parallel_loop3A_197 = arith.index_cast %parallel_loop3A_138 : i32 to index
          %parallel_loop3A_198 = arith.constant 96 : index
          %parallel_loop3A_199 = tpu.vector_load %arg9[%parallel_loop3A_197, %parallel_loop3A_198] {strides = array<i32>} : memref<112x256xf32, #tpu.memory_space<vmem>>, vector<1x16xf32>,
          %parallel_loop3A_200 = vector.shape_cast %parallel_loop3A_199 : vector<1x16xf32> to vector<16xf32>
          %parallel_loop3A_201 = vector.shape_cast %parallel_loop3A_196 : vector<16xf32> to vector<1x16xf32>
          tpu.vector_store %arg9[%parallel_loop3A_197, %parallel_loop3A_198], %parallel_loop3A_201 {add = true, strides = array<i32>} : memref<112x256xf32, #tpu.memory_space<vmem>>, vector<1x16xf32>,
          %parallel_loop3A_202 = arith.index_cast %parallel_loop3A_138 : i32 to index
          %parallel_loop3A_203 = arith.constant 112 : index
          %parallel_loop3A_204 = tpu.vector_load %arg7[%parallel_loop3A_202, %parallel_loop3A_203] {strides = array<i32>} : memref<112x256xf32, #tpu.memory_space<vmem>>, vector<1x16xf32>,
          %parallel_loop3A_205 = vector.shape_cast %parallel_loop3A_204 : vector<1x16xf32> to vector<16xf32>
          %parallel_loop3A_206 = arith.index_cast %parallel_loop3A_138 : i32 to index
          %parallel_loop3A_207 = arith.constant 112 : index
          %parallel_loop3A_208 = tpu.vector_load %arg9[%parallel_loop3A_206, %parallel_loop3A_207] {strides = array<i32>} : memref<112x256xf32, #tpu.memory_space<vmem>>, vector<1x16xf32>,
          %parallel_loop3A_209 = vector.shape_cast %parallel_loop3A_208 : vector<1x16xf32> to vector<16xf32>
          %parallel_loop3A_210 = vector.shape_cast %parallel_loop3A_205 : vector<16xf32> to vector<1x16xf32>
          tpu.vector_store %arg9[%parallel_loop3A_206, %parallel_loop3A_207], %parallel_loop3A_210 {add = true, strides = array<i32>} : memref<112x256xf32, #tpu.memory_space<vmem>>, vector<1x16xf32>,
          %parallel_loop3A_211 = arith.index_cast %parallel_loop3A_138 : i32 to index
          %parallel_loop3A_212 = arith.constant 128 : index
          %parallel_loop3A_213 = tpu.vector_load %arg7[%parallel_loop3A_211, %parallel_loop3A_212] {strides = array<i32>} : memref<112x256xf32, #tpu.memory_space<vmem>>, vector<1x16xf32>,
          %parallel_loop3A_214 = vector.shape_cast %parallel_loop3A_213 : vector<1x16xf32> to vector<16xf32>
          %parallel_loop3A_215 = arith.index_cast %parallel_loop3A_138 : i32 to index
          %parallel_loop3A_216 = arith.constant 128 : index
          %parallel_loop3A_217 = tpu.vector_load %arg9[%parallel_loop3A_215, %parallel_loop3A_216] {strides = array<i32>} : memref<112x256xf32, #tpu.memory_space<vmem>>, vector<1x16xf32>,
          %parallel_loop3A_218 = vector.shape_cast %parallel_loop3A_217 : vector<1x16xf32> to vector<16xf32>
          %parallel_loop3A_219 = vector.shape_cast %parallel_loop3A_214 : vector<16xf32> to vector<1x16xf32>
          tpu.vector_store %arg9[%parallel_loop3A_215, %parallel_loop3A_216], %parallel_loop3A_219 {add = true, strides = array<i32>} : memref<112x256xf32, #tpu.memory_space<vmem>>, vector<1x16xf32>,
          %parallel_loop3A_220 = arith.index_cast %parallel_loop3A_138 : i32 to index
          %parallel_loop3A_221 = arith.constant 144 : index
          %parallel_loop3A_222 = tpu.vector_load %arg7[%parallel_loop3A_220, %parallel_loop3A_221] {strides = array<i32>} : memref<112x256xf32, #tpu.memory_space<vmem>>, vector<1x16xf32>,
          %parallel_loop3A_223 = vector.shape_cast %parallel_loop3A_222 : vector<1x16xf32> to vector<16xf32>
          %parallel_loop3A_224 = arith.index_cast %parallel_loop3A_138 : i32 to index
          %parallel_loop3A_225 = arith.constant 144 : index
          %parallel_loop3A_226 = tpu.vector_load %arg9[%parallel_loop3A_224, %parallel_loop3A_225] {strides = array<i32>} : memref<112x256xf32, #tpu.memory_space<vmem>>, vector<1x16xf32>,
          %parallel_loop3A_227 = vector.shape_cast %parallel_loop3A_226 : vector<1x16xf32> to vector<16xf32>
          %parallel_loop3A_228 = vector.shape_cast %parallel_loop3A_223 : vector<16xf32> to vector<1x16xf32>
          tpu.vector_store %arg9[%parallel_loop3A_224, %parallel_loop3A_225], %parallel_loop3A_228 {add = true, strides = array<i32>} : memref<112x256xf32, #tpu.memory_space<vmem>>, vector<1x16xf32>,
          %parallel_loop3A_229 = arith.index_cast %parallel_loop3A_138 : i32 to index
          %parallel_loop3A_230 = arith.constant 160 : index
          %parallel_loop3A_231 = tpu.vector_load %arg7[%parallel_loop3A_229, %parallel_loop3A_230] {strides = array<i32>} : memref<112x256xf32, #tpu.memory_space<vmem>>, vector<1x16xf32>,
          %parallel_loop3A_232 = vector.shape_cast %parallel_loop3A_231 : vector<1x16xf32> to vector<16xf32>
          %parallel_loop3A_233 = arith.index_cast %parallel_loop3A_138 : i32 to index
          %parallel_loop3A_234 = arith.constant 160 : index
          %parallel_loop3A_235 = tpu.vector_load %arg9[%parallel_loop3A_233, %parallel_loop3A_234] {strides = array<i32>} : memref<112x256xf32, #tpu.memory_space<vmem>>, vector<1x16xf32>,
          %parallel_loop3A_236 = vector.shape_cast %parallel_loop3A_235 : vector<1x16xf32> to vector<16xf32>
          %parallel_loop3A_237 = vector.shape_cast %parallel_loop3A_232 : vector<16xf32> to vector<1x16xf32>
          tpu.vector_store %arg9[%parallel_loop3A_233, %parallel_loop3A_234], %parallel_loop3A_237 {add = true, strides = array<i32>} : memref<112x256xf32, #tpu.memory_space<vmem>>, vector<1x16xf32>,
          %parallel_loop3A_238 = arith.index_cast %parallel_loop3A_138 : i32 to index
          %parallel_loop3A_239 = arith.constant 176 : index
          %parallel_loop3A_240 = tpu.vector_load %arg7[%parallel_loop3A_238, %parallel_loop3A_239] {strides = array<i32>} : memref<112x256xf32, #tpu.memory_space<vmem>>, vector<1x16xf32>,
          %parallel_loop3A_241 = vector.shape_cast %parallel_loop3A_240 : vector<1x16xf32> to vector<16xf32>
          %parallel_loop3A_242 = arith.index_cast %parallel_loop3A_138 : i32 to index
          %parallel_loop3A_243 = arith.constant 176 : index
          %parallel_loop3A_244 = tpu.vector_load %arg9[%parallel_loop3A_242, %parallel_loop3A_243] {strides = array<i32>} : memref<112x256xf32, #tpu.memory_space<vmem>>, vector<1x16xf32>,
          %parallel_loop3A_245 = vector.shape_cast %parallel_loop3A_244 : vector<1x16xf32> to vector<16xf32>
          %parallel_loop3A_246 = vector.shape_cast %parallel_loop3A_241 : vector<16xf32> to vector<1x16xf32>
          tpu.vector_store %arg9[%parallel_loop3A_242, %parallel_loop3A_243], %parallel_loop3A_246 {add = true, strides = array<i32>} : memref<112x256xf32, #tpu.memory_space<vmem>>, vector<1x16xf32>,
          %parallel_loop3A_247 = arith.index_cast %parallel_loop3A_138 : i32 to index
          %parallel_loop3A_248 = arith.constant 192 : index
          %parallel_loop3A_249 = tpu.vector_load %arg7[%parallel_loop3A_247, %parallel_loop3A_248] {strides = array<i32>} : memref<112x256xf32, #tpu.memory_space<vmem>>, vector<1x16xf32>,
          %parallel_loop3A_250 = vector.shape_cast %parallel_loop3A_249 : vector<1x16xf32> to vector<16xf32>
          %parallel_loop3A_251 = arith.index_cast %parallel_loop3A_138 : i32 to index
          %parallel_loop3A_252 = arith.constant 192 : index
          %parallel_loop3A_253 = tpu.vector_load %arg9[%parallel_loop3A_251, %parallel_loop3A_252] {strides = array<i32>} : memref<112x256xf32, #tpu.memory_space<vmem>>, vector<1x16xf32>,
          %parallel_loop3A_254 = vector.shape_cast %parallel_loop3A_253 : vector<1x16xf32> to vector<16xf32>
          %parallel_loop3A_255 = vector.shape_cast %parallel_loop3A_250 : vector<16xf32> to vector<1x16xf32>
          tpu.vector_store %arg9[%parallel_loop3A_251, %parallel_loop3A_252], %parallel_loop3A_255 {add = true, strides = array<i32>} : memref<112x256xf32, #tpu.memory_space<vmem>>, vector<1x16xf32>,
          %parallel_loop3A_256 = arith.index_cast %parallel_loop3A_138 : i32 to index
          %parallel_loop3A_257 = arith.constant 208 : index
          %parallel_loop3A_258 = tpu.vector_load %arg7[%parallel_loop3A_256, %parallel_loop3A_257] {strides = array<i32>} : memref<112x256xf32, #tpu.memory_space<vmem>>, vector<1x16xf32>,
          %parallel_loop3A_259 = vector.shape_cast %parallel_loop3A_258 : vector<1x16xf32> to vector<16xf32>
          %parallel_loop3A_260 = arith.index_cast %parallel_loop3A_138 : i32 to index
          %parallel_loop3A_261 = arith.constant 208 : index
          %parallel_loop3A_262 = tpu.vector_load %arg9[%parallel_loop3A_260, %parallel_loop3A_261] {strides = array<i32>} : memref<112x256xf32, #tpu.memory_space<vmem>>, vector<1x16xf32>,
          %parallel_loop3A_263 = vector.shape_cast %parallel_loop3A_262 : vector<1x16xf32> to vector<16xf32>
          %parallel_loop3A_264 = vector.shape_cast %parallel_loop3A_259 : vector<16xf32> to vector<1x16xf32>
          tpu.vector_store %arg9[%parallel_loop3A_260, %parallel_loop3A_261], %parallel_loop3A_264 {add = true, strides = array<i32>} : memref<112x256xf32, #tpu.memory_space<vmem>>, vector<1x16xf32>,
          %parallel_loop3A_265 = arith.index_cast %parallel_loop3A_138 : i32 to index
          %parallel_loop3A_266 = arith.constant 224 : index
          %parallel_loop3A_267 = tpu.vector_load %arg7[%parallel_loop3A_265, %parallel_loop3A_266] {strides = array<i32>} : memref<112x256xf32, #tpu.memory_space<vmem>>, vector<1x16xf32>,
          %parallel_loop3A_268 = vector.shape_cast %parallel_loop3A_267 : vector<1x16xf32> to vector<16xf32>
          %parallel_loop3A_269 = arith.index_cast %parallel_loop3A_138 : i32 to index
          %parallel_loop3A_270 = arith.constant 224 : index
          %parallel_loop3A_271 = tpu.vector_load %arg9[%parallel_loop3A_269, %parallel_loop3A_270] {strides = array<i32>} : memref<112x256xf32, #tpu.memory_space<vmem>>, vector<1x16xf32>,
          %parallel_loop3A_272 = vector.shape_cast %parallel_loop3A_271 : vector<1x16xf32> to vector<16xf32>
          %parallel_loop3A_273 = vector.shape_cast %parallel_loop3A_268 : vector<16xf32> to vector<1x16xf32>
          tpu.vector_store %arg9[%parallel_loop3A_269, %parallel_loop3A_270], %parallel_loop3A_273 {add = true, strides = array<i32>} : memref<112x256xf32, #tpu.memory_space<vmem>>, vector<1x16xf32>,
          %parallel_loop3A_274 = arith.index_cast %parallel_loop3A_138 : i32 to index
          %parallel_loop3A_275 = arith.constant 240 : index
          %parallel_loop3A_276 = tpu.vector_load %arg7[%parallel_loop3A_274, %parallel_loop3A_275] {strides = array<i32>} : memref<112x256xf32, #tpu.memory_space<vmem>>, vector<1x16xf32>,
          %parallel_loop3A_277 = vector.shape_cast %parallel_loop3A_276 : vector<1x16xf32> to vector<16xf32>
          %parallel_loop3A_278 = arith.index_cast %parallel_loop3A_138 : i32 to index
          %parallel_loop3A_279 = arith.constant 240 : index
          %parallel_loop3A_280 = tpu.vector_load %arg9[%parallel_loop3A_278, %parallel_loop3A_279] {strides = array<i32>} : memref<112x256xf32, #tpu.memory_space<vmem>>, vector<1x16xf32>,
          %parallel_loop3A_281 = vector.shape_cast %parallel_loop3A_280 : vector<1x16xf32> to vector<16xf32>
          %parallel_loop3A_282 = vector.shape_cast %parallel_loop3A_277 : vector<16xf32> to vector<1x16xf32>
          tpu.vector_store %arg9[%parallel_loop3A_278, %parallel_loop3A_279], %parallel_loop3A_282 {add = true, strides = array<i32>} : memref<112x256xf32, #tpu.memory_space<vmem>>, vector<1x16xf32>,
        } {sc.loop_unroll_factor = 4 : i64, sc.parallel_access}
        %mul3A_127 = arith.constant 112 : i32
        %mul3A_128 = arith.muli %add3A_9, %mul3A_127 : i32
        %lt3A_129 = arith.constant 223 : i32
        %lt3A_130 = arith.cmpi slt, %add3A_9, %lt3A_129 : i32
        %convert_element_type3A_131 = arith.extui %lt3A_130 : i1 to i32
        %cond3A_132 = arith.constant 0 : i32
        %cond3A_133 = arith.cmpi ne, %convert_element_type3A_131, %cond3A_132 : i32
        scf.if %cond3A_133 {
          "tpu.region"() ({
            %run_scoped3A = tpu.sem_alloc : memref<!tpu.dma_semaphore, #tpu.memory_space<semaphore_mem>>
            %dma_start3A_138 = arith.constant 0 : i32
            %dma_start3A_139 = tpu.memref_slice %arg4[%mul3A_128, %dma_start3A_138] : memref<25000x256xf32, #tpu.memory_space<hbm>> -> memref<112x256xf32, #tpu.memory_space<hbm>>
            %dma_start3A_140 = arith.constant 0 : i32
            %dma_start3A_141 = tpu.memref_slice %arg4[%mul3A_128, %dma_start3A_140] : memref<25000x256xf32, #tpu.memory_space<hbm>> -> memref<112x256xf32, #tpu.memory_space<hbm>>
            tpu.enqueue_dma source(%arg9 : memref<112x256xf32, #tpu.memory_space<vmem>>) target(%dma_start3A_141 : memref<112x256xf32, #tpu.memory_space<hbm>>) target_semaphore(%run_scoped3A : memref<!tpu.dma_semaphore, #tpu.memory_space<semaphore_mem>>)
            %dma_wait3A_142 = arith.constant 0 : i32
            %dma_wait3A_143 = tpu.memref_slice %arg4[%mul3A_128, %dma_wait3A_142] : memref<25000x256xf32, #tpu.memory_space<hbm>> -> memref<112x256xf32, #tpu.memory_space<hbm>>
            %dma_wait3A_144 = arith.constant 0 : i32
            %dma_wait3A_145 = tpu.memref_slice %arg4[%mul3A_128, %dma_wait3A_144] : memref<25000x256xf32, #tpu.memory_space<hbm>> -> memref<112x256xf32, #tpu.memory_space<hbm>>
            tpu.wait_dma2 semaphore(%run_scoped3A : memref<!tpu.dma_semaphore, #tpu.memory_space<semaphore_mem>>) src(%arg9 : memref<112x256xf32, #tpu.memory_space<vmem>>) dst(%dma_wait3A_145 : memref<112x256xf32, #tpu.memory_space<hbm>>)
            tpu.yield
          }) : () -> ()
        } else {
        }
        %eq3A = arith.constant 223 : i32
        %eq3A_134 = arith.cmpi eq, %add3A_9, %eq3A : i32
        %convert_element_type3A_135 = arith.extui %eq3A_134 : i1 to i32
        %cond3A_136 = arith.constant 0 : i32
        %cond3A_137 = arith.cmpi ne, %convert_element_type3A_135, %cond3A_136 : i32
        scf.if %cond3A_137 {
          "tpu.region"() ({
            %run_scoped3A = tpu.sem_alloc : memref<!tpu.dma_semaphore, #tpu.memory_space<semaphore_mem>>
            %dma_start3A_138 = arith.constant 0 : i32
            %dma_start3A_139 = arith.constant 0 : i32
            %dma_start3A_140 = tpu.memref_slice %arg9[%dma_start3A_138, %dma_start3A_139] : memref<112x256xf32, #tpu.memory_space<vmem>> -> memref<24x256xf32, #tpu.memory_space<vmem>>
            %dma_start3A_141 = arith.constant 0 : i32
            %dma_start3A_142 = tpu.memref_slice %arg4[%mul3A_128, %dma_start3A_141] : memref<25000x256xf32, #tpu.memory_space<hbm>> -> memref<24x256xf32, #tpu.memory_space<hbm>>
            %dma_start3A_143 = arith.constant 0 : i32
            %dma_start3A_144 = tpu.memref_slice %arg4[%mul3A_128, %dma_start3A_143] : memref<25000x256xf32, #tpu.memory_space<hbm>> -> memref<24x256xf32, #tpu.memory_space<hbm>>
            %dma_start3A_145 = arith.constant 0 : i32
            %dma_start3A_146 = arith.constant 0 : i32
            %dma_start3A_147 = tpu.memref_slice %arg9[%dma_start3A_145, %dma_start3A_146] : memref<112x256xf32, #tpu.memory_space<vmem>> -> memref<24x256xf32, #tpu.memory_space<vmem>>
            tpu.enqueue_dma source(%dma_start3A_147 : memref<24x256xf32, #tpu.memory_space<vmem>>) target(%dma_start3A_144 : memref<24x256xf32, #tpu.memory_space<hbm>>) target_semaphore(%run_scoped3A : memref<!tpu.dma_semaphore, #tpu.memory_space<semaphore_mem>>)
            %dma_wait3A_148 = arith.constant 0 : i32
            %dma_wait3A_149 = arith.constant 0 : i32
            %dma_wait3A_150 = tpu.memref_slice %arg9[%dma_wait3A_148, %dma_wait3A_149] : memref<112x256xf32, #tpu.memory_space<vmem>> -> memref<24x256xf32, #tpu.memory_space<vmem>>
            %dma_wait3A_151 = arith.constant 0 : i32
            %dma_wait3A_152 = tpu.memref_slice %arg4[%mul3A_128, %dma_wait3A_151] : memref<25000x256xf32, #tpu.memory_space<hbm>> -> memref<24x256xf32, #tpu.memory_space<hbm>>
            %dma_wait3A_153 = arith.constant 0 : i32
            %dma_wait3A_154 = tpu.memref_slice %arg4[%mul3A_128, %dma_wait3A_153] : memref<25000x256xf32, #tpu.memory_space<hbm>> -> memref<24x256xf32, #tpu.memory_space<hbm>>
            %dma_wait3A_155 = arith.constant 0 : i32
            %dma_wait3A_156 = arith.constant 0 : i32
            %dma_wait3A_157 = tpu.memref_slice %arg9[%dma_wait3A_155, %dma_wait3A_156] : memref<112x256xf32, #tpu.memory_space<vmem>> -> memref<24x256xf32, #tpu.memory_space<vmem>>
            tpu.wait_dma2 semaphore(%run_scoped3A : memref<!tpu.dma_semaphore, #tpu.memory_space<semaphore_mem>>) src(%dma_wait3A_157 : memref<24x256xf32, #tpu.memory_space<vmem>>) dst(%dma_wait3A_154 : memref<24x256xf32, #tpu.memory_space<hbm>>)
            tpu.yield
          }) : () -> ()
        } else {
        }
      } else {
      }
    }
    %scan3A_5 = arith.constant 7 : i32
    return
  }
}

module attributes {stable_mosaic.version = 14 : i64} {
  func.func @_tc_body(%arg0: i32, %arg1: memref<12800x256xf32, #tpu.memory_space<vmem>>, %arg2: memref<1x256xf32, #tpu.memory_space<vmem>>, %arg3: memref<1x256xf32, #tpu.memory_space<vmem>>, %arg4: memref<2304x256xbf16, #tpu.memory_space<vmem>>, %arg5: memref<1764x128xi32, #tpu.memory_space<vmem>>, %arg6: memref<9x512x256xf32, #tpu.memory_space<vmem>>, %arg7: memref<1764x128xi32, #tpu.memory_space<vmem>>, %arg8: memref<2x256xf32, #tpu.memory_space<vmem>>) attributes {dimension_semantics = [#tpu.dimension_semantics<arbitrary>], iteration_bounds = array<i64: 25>, scalar_prefetch = 0 : i64, scratch_operands = 1 : i64, tpu.core_type = #tpu.core_type<tc>, window_params = [{transform_indices = @transform_0, window_bounds = array<i64: 12800, 256>}, {pipeline_mode = #tpu.pipeline_mode<synchronous>, transform_indices = @transform_1, window_bounds = array<i64: 1, 256>}, {pipeline_mode = #tpu.pipeline_mode<synchronous>, transform_indices = @transform_2, window_bounds = array<i64: 1, 256>}, {pipeline_mode = #tpu.pipeline_mode<synchronous>, transform_indices = @transform_3, window_bounds = array<i64: 2304, 256>}, {pipeline_mode = #tpu.pipeline_mode<synchronous>, transform_indices = @transform_4, window_bounds = array<i64: 1764, 128>}, {transform_indices = @transform_5, window_bounds = array<i64: 9, 512, 256>}, {pipeline_mode = #tpu.pipeline_mode<synchronous>, transform_indices = @transform_6, window_bounds = array<i64: 1764, 128>}]} {
    %eq3A = arith.constant 0 : i32
    %eq3A_0 = arith.cmpi eq, %arg0, %eq3A : i32
    %convert_element_type3A = arith.extui %eq3A_0 : i1 to i32
    %cond3A = arith.constant 0 : i32
    %cond3A_1 = arith.cmpi ne, %convert_element_type3A, %cond3A : i32
    scf.if %cond3A_1 {
      %iota3A = tpu.iota {dimensions = array<i32: 0>} : vector<12800x1xi32>
      %lt3A = arith.constant 12500 : i32
      %lt3A_114 = vector.broadcast %lt3A : i32 to vector<12800x1xi32>
      %lt3A_115 = arith.cmpi slt, %iota3A, %lt3A_114 : vector<12800x1xi32>
      %get3A_116 = arith.constant 0 : index
      %get3A_117 = arith.constant 0 : index
      %get3A_118 = vector.load %arg1[%get3A_116, %get3A_117] : memref<12800x256xf32, #tpu.memory_space<vmem>>, vector<12800x256xf32>
      %jit3A = arith.constant 0.000000e+00 : f32
      %broadcast_in_dim3A = vector.shape_cast %lt3A_115 : vector<12800x1xi1> to vector<12800x1xi1>
      %broadcast_in_dim3A_119 = vector.broadcast %broadcast_in_dim3A : vector<12800x1xi1> to vector<12800x256xi1>
      %broadcast_in_dim3A_120 = vector.broadcast %jit3A : f32 to vector<12800x256xf32>
      %select_n3A = arith.select %broadcast_in_dim3A_119, %get3A_118, %broadcast_in_dim3A_120 : vector<12800x256xi1>, vector<12800x256xf32>
      %reduce_sum3A = arith.constant dense<0.000000e+00> : vector<256xf32>
      %reduce_sum3A_121 = vector.multi_reduction <add>, %select_n3A, %reduce_sum3A [0] : vector<12800x256xf32> to vector<256xf32>
      %broadcast_in_dim3A_122 = vector.shape_cast %reduce_sum3A_121 : vector<256xf32> to vector<1x256xf32>
      %mul3A_123 = arith.mulf %select_n3A, %select_n3A : vector<12800x256xf32>
      %reduce_sum3A_124 = arith.constant dense<0.000000e+00> : vector<256xf32>
      %reduce_sum3A_125 = vector.multi_reduction <add>, %mul3A_123, %reduce_sum3A_124 [0] : vector<12800x256xf32> to vector<256xf32>
      %broadcast_in_dim3A_126 = vector.shape_cast %reduce_sum3A_125 : vector<256xf32> to vector<1x256xf32>
      %iota3A_127 = tpu.iota {dimensions = array<i32: 0>} : vector<256x256xi32>
      %jit3A_128 = arith.constant 8 : i32
      %div3A = vector.broadcast %jit3A_128 : i32 to vector<256x256xi32>
      %div3A_129 = arith.divsi %iota3A_127, %div3A : vector<256x256xi32>
      %sign3A = arith.constant 0 : i32
      %sign3A_130 = vector.broadcast %sign3A : i32 to vector<256x256xi32>
      %sign3A_131 = arith.cmpi sgt, %iota3A_127, %sign3A_130 : vector<256x256xi32>
      %sign3A_132 = arith.extui %sign3A_131 : vector<256x256xi1> to vector<256x256xi32>
      %sign3A_133 = arith.constant 0 : i32
      %sign3A_134 = vector.broadcast %sign3A_133 : i32 to vector<256x256xi32>
      %sign3A_135 = arith.cmpi slt, %iota3A_127, %sign3A_134 : vector<256x256xi32>
      %sign3A_136 = arith.extui %sign3A_135 : vector<256x256xi1> to vector<256x256xi32>
      %sign3A_137 = arith.subi %sign3A_132, %sign3A_136 : vector<256x256xi32>
      %sign3A_138 = arith.constant 0 : i32
      %sign3A_139 = arith.cmpi sgt, %jit3A_128, %sign3A_138 : i32
      %sign3A_140 = arith.extui %sign3A_139 : i1 to i32
      %sign3A_141 = arith.constant 0 : i32
      %sign3A_142 = arith.cmpi slt, %jit3A_128, %sign3A_141 : i32
      %sign3A_143 = arith.extui %sign3A_142 : i1 to i32
      %sign3A_144 = arith.subi %sign3A_140, %sign3A_143 : i32
      %ne3A = vector.broadcast %sign3A_144 : i32 to vector<256x256xi32>
      %ne3A_145 = arith.cmpi ne, %sign3A_137, %ne3A : vector<256x256xi32>
      %rem3A = vector.broadcast %jit3A_128 : i32 to vector<256x256xi32>
      %rem3A_146 = arith.remsi %iota3A_127, %rem3A : vector<256x256xi32>
      %ne3A_147 = arith.constant 0 : i32
      %ne3A_148 = vector.broadcast %ne3A_147 : i32 to vector<256x256xi32>
      %ne3A_149 = arith.cmpi ne, %rem3A_146, %ne3A_148 : vector<256x256xi32>
      %and3A = arith.andi %ne3A_145, %ne3A_149 : vector<256x256xi1>
      %sub3A = arith.constant 1 : i32
      %sub3A_150 = vector.broadcast %sub3A : i32 to vector<256x256xi32>
      %sub3A_151 = arith.subi %div3A_129, %sub3A_150 : vector<256x256xi32>
      %select_n3A_152 = arith.select %and3A, %sub3A_151, %div3A_129 : vector<256x256xi1>, vector<256x256xi32>
      %iota3A_153 = tpu.iota {dimensions = array<i32: 1>} : vector<256x256xi32>
      %jit3A_154 = arith.constant 8 : i32
      %div3A_155 = vector.broadcast %jit3A_154 : i32 to vector<256x256xi32>
      %div3A_156 = arith.divsi %iota3A_153, %div3A_155 : vector<256x256xi32>
      %sign3A_157 = arith.constant 0 : i32
      %sign3A_158 = vector.broadcast %sign3A_157 : i32 to vector<256x256xi32>
      %sign3A_159 = arith.cmpi sgt, %iota3A_153, %sign3A_158 : vector<256x256xi32>
      %sign3A_160 = arith.extui %sign3A_159 : vector<256x256xi1> to vector<256x256xi32>
      %sign3A_161 = arith.constant 0 : i32
      %sign3A_162 = vector.broadcast %sign3A_161 : i32 to vector<256x256xi32>
      %sign3A_163 = arith.cmpi slt, %iota3A_153, %sign3A_162 : vector<256x256xi32>
      %sign3A_164 = arith.extui %sign3A_163 : vector<256x256xi1> to vector<256x256xi32>
      %sign3A_165 = arith.subi %sign3A_160, %sign3A_164 : vector<256x256xi32>
      %sign3A_166 = arith.constant 0 : i32
      %sign3A_167 = arith.cmpi sgt, %jit3A_154, %sign3A_166 : i32
      %sign3A_168 = arith.extui %sign3A_167 : i1 to i32
      %sign3A_169 = arith.constant 0 : i32
      %sign3A_170 = arith.cmpi slt, %jit3A_154, %sign3A_169 : i32
      %sign3A_171 = arith.extui %sign3A_170 : i1 to i32
      %sign3A_172 = arith.subi %sign3A_168, %sign3A_171 : i32
      %ne3A_173 = vector.broadcast %sign3A_172 : i32 to vector<256x256xi32>
      %ne3A_174 = arith.cmpi ne, %sign3A_165, %ne3A_173 : vector<256x256xi32>
      %rem3A_175 = vector.broadcast %jit3A_154 : i32 to vector<256x256xi32>
      %rem3A_176 = arith.remsi %iota3A_153, %rem3A_175 : vector<256x256xi32>
      %ne3A_177 = arith.constant 0 : i32
      %ne3A_178 = vector.broadcast %ne3A_177 : i32 to vector<256x256xi32>
      %ne3A_179 = arith.cmpi ne, %rem3A_176, %ne3A_178 : vector<256x256xi32>
      %and3A_180 = arith.andi %ne3A_174, %ne3A_179 : vector<256x256xi1>
      %sub3A_181 = arith.constant 1 : i32
      %sub3A_182 = vector.broadcast %sub3A_181 : i32 to vector<256x256xi32>
      %sub3A_183 = arith.subi %div3A_156, %sub3A_182 : vector<256x256xi32>
      %select_n3A_184 = arith.select %and3A_180, %sub3A_183, %div3A_156 : vector<256x256xi1>, vector<256x256xi32>
      %eq3A_185 = arith.cmpi eq, %select_n3A_152, %select_n3A_184 : vector<256x256xi32>
      %convert_element_type3A_186 = arith.extui %eq3A_185 : vector<256x256xi1> to vector<256x256xi32>
      %convert_element_type3A_187 = arith.sitofp %convert_element_type3A_186 : vector<256x256xi32> to vector<256x256xf32>
      %dot_general3A_188 = arith.constant dense<0.000000e+00> : vector<1x256xf32>
      %dot_general3A_189 = tpu.matmul %broadcast_in_dim3A_122, %convert_element_type3A_187, %dot_general3A_188 {dimension_numbers = #tpu.dot_dimension_numbers<[1], [0], [0], [1], [0, 0, 1, 1], [], []>, transpose_lhs_hint = false} : vector<1x256xf32>, vector<256x256xf32>, vector<1x256xf32> -> vector<1x256xf32>
      %div3A_190 = arith.constant 1.000000e+05 : f32
      %div3A_191 = vector.broadcast %div3A_190 : f32 to vector<1x256xf32>
      %div3A_192 = arith.divf %dot_general3A_189, %div3A_191 : vector<1x256xf32>
      %dot_general3A_193 = arith.constant dense<0.000000e+00> : vector<1x256xf32>
      %dot_general3A_194 = tpu.matmul %broadcast_in_dim3A_126, %convert_element_type3A_187, %dot_general3A_193 {dimension_numbers = #tpu.dot_dimension_numbers<[1], [0], [0], [1], [0, 0, 1, 1], [], []>, transpose_lhs_hint = false} : vector<1x256xf32>, vector<256x256xf32>, vector<1x256xf32> -> vector<1x256xf32>
      %div3A_195 = arith.constant 1.000000e+05 : f32
      %div3A_196 = vector.broadcast %div3A_195 : f32 to vector<1x256xf32>
      %div3A_197 = arith.divf %dot_general3A_194, %div3A_196 : vector<1x256xf32>
      %mul3A_198 = arith.mulf %div3A_192, %div3A_192 : vector<1x256xf32>
      %sub3A_199 = arith.subf %div3A_197, %mul3A_198 : vector<1x256xf32>
      %get3A_200 = arith.constant 0 : index
      %get3A_201 = arith.constant 0 : index
      %get3A_202 = vector.load %arg2[%get3A_200, %get3A_201] : memref<1x256xf32, #tpu.memory_space<vmem>>, vector<1x256xf32>
      %add3A_203 = arith.constant 9.99999974E-6 : f32
      %add3A_204 = vector.broadcast %add3A_203 : f32 to vector<1x256xf32>
      %add3A_205 = arith.addf %sub3A_199, %add3A_204 : vector<1x256xf32>
      %rsqrt3A = math.rsqrt %add3A_205 : vector<1x256xf32>
      %mul3A_206 = arith.mulf %get3A_202, %rsqrt3A : vector<1x256xf32>
      %get3A_207 = arith.constant 0 : index
      %get3A_208 = arith.constant 0 : index
      %get3A_209 = vector.load %arg3[%get3A_207, %get3A_208] : memref<1x256xf32, #tpu.memory_space<vmem>>, vector<1x256xf32>
      %mul3A_210 = arith.mulf %div3A_192, %mul3A_206 : vector<1x256xf32>
      %sub3A_211 = arith.subf %get3A_209, %mul3A_210 : vector<1x256xf32>
      %swap3A_212 = arith.constant 0 : index
      %swap3A_213 = arith.constant 0 : index
      %swap3A_214 = vector.load %arg8[%swap3A_212, %swap3A_213] : memref<2x256xf32, #tpu.memory_space<vmem>>, vector<1x256xf32>
      tpu.vector_store %arg8[%swap3A_212, %swap3A_213], %mul3A_206 {strides = array<i32>} : memref<2x256xf32, #tpu.memory_space<vmem>>, vector<1x256xf32>,
      %swap3A_215 = arith.constant 1 : index
      %swap3A_216 = arith.constant 0 : index
      %swap3A_217 = vector.load %arg8[%swap3A_215, %swap3A_216] : memref<2x256xf32, #tpu.memory_space<vmem>>, vector<1x256xf32>
      tpu.vector_store %arg8[%swap3A_215, %swap3A_216], %sub3A_211 {strides = array<i32>} : memref<2x256xf32, #tpu.memory_space<vmem>>, vector<1x256xf32>,
      %iota3A_218 = tpu.iota {dimensions = array<i32: 0>} : vector<1764x128xi32>
      %mul3A_219 = arith.constant 128 : i32
      %mul3A_220 = vector.broadcast %mul3A_219 : i32 to vector<1764x128xi32>
      %mul3A_221 = arith.muli %iota3A_218, %mul3A_220 : vector<1764x128xi32>
      %iota3A_222 = tpu.iota {dimensions = array<i32: 1>} : vector<1764x128xi32>
      %add3A_223 = arith.addi %mul3A_221, %iota3A_222 : vector<1764x128xi32>
      %get3A_224 = arith.constant 0 : index
      %get3A_225 = arith.constant 0 : index
      %get3A_226 = vector.load %arg5[%get3A_224, %get3A_225] : memref<1764x128xi32, #tpu.memory_space<vmem>>, vector<1764x128xi32>
      %jit3A_227 = arith.constant 112 : i32
      %div3A_228 = vector.broadcast %jit3A_227 : i32 to vector<1764x128xi32>
      %div3A_229 = arith.divsi %add3A_223, %div3A_228 : vector<1764x128xi32>
      %sign3A_230 = arith.constant 0 : i32
      %sign3A_231 = vector.broadcast %sign3A_230 : i32 to vector<1764x128xi32>
      %sign3A_232 = arith.cmpi sgt, %add3A_223, %sign3A_231 : vector<1764x128xi32>
      %sign3A_233 = arith.extui %sign3A_232 : vector<1764x128xi1> to vector<1764x128xi32>
      %sign3A_234 = arith.constant 0 : i32
      %sign3A_235 = vector.broadcast %sign3A_234 : i32 to vector<1764x128xi32>
      %sign3A_236 = arith.cmpi slt, %add3A_223, %sign3A_235 : vector<1764x128xi32>
      %sign3A_237 = arith.extui %sign3A_236 : vector<1764x128xi1> to vector<1764x128xi32>
      %sign3A_238 = arith.subi %sign3A_233, %sign3A_237 : vector<1764x128xi32>
      %sign3A_239 = arith.constant 0 : i32
      %sign3A_240 = arith.cmpi sgt, %jit3A_227, %sign3A_239 : i32
      %sign3A_241 = arith.extui %sign3A_240 : i1 to i32
      %sign3A_242 = arith.constant 0 : i32
      %sign3A_243 = arith.cmpi slt, %jit3A_227, %sign3A_242 : i32
      %sign3A_244 = arith.extui %sign3A_243 : i1 to i32
      %sign3A_245 = arith.subi %sign3A_241, %sign3A_244 : i32
      %ne3A_246 = vector.broadcast %sign3A_245 : i32 to vector<1764x128xi32>
      %ne3A_247 = arith.cmpi ne, %sign3A_238, %ne3A_246 : vector<1764x128xi32>
      %rem3A_248 = vector.broadcast %jit3A_227 : i32 to vector<1764x128xi32>
      %rem3A_249 = arith.remsi %add3A_223, %rem3A_248 : vector<1764x128xi32>
      %ne3A_250 = arith.constant 0 : i32
      %ne3A_251 = vector.broadcast %ne3A_250 : i32 to vector<1764x128xi32>
      %ne3A_252 = arith.cmpi ne, %rem3A_249, %ne3A_251 : vector<1764x128xi32>
      %and3A_253 = arith.andi %ne3A_247, %ne3A_252 : vector<1764x128xi1>
      %sub3A_254 = arith.constant 1 : i32
      %sub3A_255 = vector.broadcast %sub3A_254 : i32 to vector<1764x128xi32>
      %sub3A_256 = arith.subi %div3A_229, %sub3A_255 : vector<1764x128xi32>
      %select_n3A_257 = arith.select %and3A_253, %sub3A_256, %div3A_229 : vector<1764x128xi1>, vector<1764x128xi32>
      %jit3A_258 = arith.constant 9 : i32
      %eq3A_259 = arith.constant 0 : i32
      %eq3A_260 = arith.cmpi eq, %jit3A_258, %eq3A_259 : i32
      %jit3A_261 = arith.constant 1 : i32
      %select_n3A_262 = arith.select %eq3A_260, %jit3A_261, %jit3A_258 : i32
      %rem3A_263 = vector.broadcast %select_n3A_262 : i32 to vector<1764x128xi32>
      %rem3A_264 = arith.remsi %select_n3A_257, %rem3A_263 : vector<1764x128xi32>
      %ne3A_265 = arith.constant 0 : i32
      %ne3A_266 = vector.broadcast %ne3A_265 : i32 to vector<1764x128xi32>
      %ne3A_267 = arith.cmpi ne, %rem3A_264, %ne3A_266 : vector<1764x128xi32>
      %lt3A_268 = arith.constant 0 : i32
      %lt3A_269 = vector.broadcast %lt3A_268 : i32 to vector<1764x128xi32>
      %lt3A_270 = arith.cmpi slt, %rem3A_264, %lt3A_269 : vector<1764x128xi32>
      %lt3A_271 = arith.constant 0 : i32
      %lt3A_272 = arith.cmpi slt, %select_n3A_262, %lt3A_271 : i32
      %ne3A_273 = vector.broadcast %lt3A_272 : i1 to vector<1764x128xi1>
      %ne3A_274 = vector.broadcast %ne3A_273 : vector<1764x128xi1> to vector<1764x128xi1>
      %ne3A_275 = arith.xori %lt3A_270, %ne3A_274 : vector<1764x128xi1>
      %and3A_276 = arith.andi %ne3A_275, %ne3A_267 : vector<1764x128xi1>
      %add3A_277 = vector.broadcast %select_n3A_262 : i32 to vector<1764x128xi32>
      %add3A_278 = arith.addi %rem3A_264, %add3A_277 : vector<1764x128xi32>
      %select_n3A_279 = arith.select %and3A_276, %add3A_278, %rem3A_264 : vector<1764x128xi1>, vector<1764x128xi32>
      %mul3A_280 = arith.constant 12800 : i32
      %mul3A_281 = vector.broadcast %mul3A_280 : i32 to vector<1764x128xi32>
      %mul3A_282 = arith.muli %select_n3A_279, %mul3A_281 : vector<1764x128xi32>
      %add3A_283 = arith.addi %get3A_226, %mul3A_282 : vector<1764x128xi32>
      %swap3A_284 = arith.constant 0 : index
      %swap3A_285 = arith.constant 0 : index
      %swap3A_286 = vector.load %arg7[%swap3A_284, %swap3A_285] : memref<1764x128xi32, #tpu.memory_space<vmem>>, vector<1764x128xi32>
      tpu.vector_store %arg7[%swap3A_284, %swap3A_285], %add3A_283 {strides = array<i32>} : memref<1764x128xi32, #tpu.memory_space<vmem>>, vector<1764x128xi32>,
    } else {
    }
    %get3A = arith.constant 0 : index
    %get3A_2 = arith.constant 0 : index
    %get3A_3 = vector.load %arg8[%get3A, %get3A_2] : memref<2x256xf32, #tpu.memory_space<vmem>>, vector<1x256xf32>
    %get3A_4 = arith.constant 1 : index
    %get3A_5 = arith.constant 0 : index
    %get3A_6 = vector.load %arg8[%get3A_4, %get3A_5] : memref<2x256xf32, #tpu.memory_space<vmem>>, vector<1x256xf32>
    %mul3A = arith.constant 512 : i32
    %mul3A_7 = arith.muli %arg0, %mul3A : i32
    %get3A_8 = arith.index_cast %mul3A_7 : i32 to index
    %get3A_9 = arith.constant 0 : index
    %get3A_10 = vector.load %arg1[%get3A_8, %get3A_9] : memref<12800x256xf32, #tpu.memory_space<vmem>>, vector<512x256xf32>
    %mul3A_11 = vector.broadcast %get3A_3 : vector<1x256xf32> to vector<512x256xf32>
    %mul3A_12 = arith.mulf %get3A_10, %mul3A_11 : vector<512x256xf32>
    %add3A = vector.broadcast %get3A_6 : vector<1x256xf32> to vector<512x256xf32>
    %add3A_13 = arith.addf %mul3A_12, %add3A : vector<512x256xf32>
    %max3A = arith.constant 0.000000e+00 : f32
    %max3A_14 = vector.broadcast %max3A : f32 to vector<512x256xf32>
    %max3A_15 = arith.maximumf %add3A_13, %max3A_14 : vector<512x256xf32>
    %convert_element_type3A_16 = arith.truncf %max3A_15 : vector<512x256xf32> to vector<512x256xbf16>
    %get3A_17 = arith.constant 0 : index
    %get3A_18 = arith.constant 0 : index
    %get3A_19 = vector.load %arg4[%get3A_17, %get3A_18] : memref<2304x256xbf16, #tpu.memory_space<vmem>>, vector<256x256xbf16>
    %dot_general3A = arith.constant dense<0.000000e+00> : vector<512x256xf32>
    %dot_general3A_20 = tpu.matmul %convert_element_type3A_16, %get3A_19, %dot_general3A {dimension_numbers = #tpu.dot_dimension_numbers<[1], [0], [0], [1], [0, 0, 1, 1], [], []>, transpose_lhs_hint = false} : vector<512x256xbf16>, vector<256x256xbf16>, vector<512x256xf32> -> vector<512x256xf32>
    %swap3A = arith.constant 0 : index
    %swap3A_21 = arith.constant 0 : index
    %swap3A_22 = arith.constant 0 : index
    %swap3A_23 = vector.load %arg6[%swap3A, %swap3A_21, %swap3A_22] : memref<9x512x256xf32, #tpu.memory_space<vmem>>, vector<1x512x256xf32>
    %swap3A_24 = vector.shape_cast %swap3A_23 : vector<1x512x256xf32> to vector<512x256xf32>
    %swap3A_25 = vector.shape_cast %dot_general3A_20 : vector<512x256xf32> to vector<1x512x256xf32>
    tpu.vector_store %arg6[%swap3A, %swap3A_21, %swap3A_22], %swap3A_25 {strides = array<i32>} : memref<9x512x256xf32, #tpu.memory_space<vmem>>, vector<1x512x256xf32>,
    %get3A_26 = arith.constant 256 : index
    %get3A_27 = arith.constant 0 : index
    %get3A_28 = vector.load %arg4[%get3A_26, %get3A_27] : memref<2304x256xbf16, #tpu.memory_space<vmem>>, vector<256x256xbf16>
    %dot_general3A_29 = arith.constant dense<0.000000e+00> : vector<512x256xf32>
    %dot_general3A_30 = tpu.matmul %convert_element_type3A_16, %get3A_28, %dot_general3A_29 {dimension_numbers = #tpu.dot_dimension_numbers<[1], [0], [0], [1], [0, 0, 1, 1], [], []>, transpose_lhs_hint = false} : vector<512x256xbf16>, vector<256x256xbf16>, vector<512x256xf32> -> vector<512x256xf32>
    %swap3A_31 = arith.constant 1 : index
    %swap3A_32 = arith.constant 0 : index
    %swap3A_33 = arith.constant 0 : index
    %swap3A_34 = vector.load %arg6[%swap3A_31, %swap3A_32, %swap3A_33] : memref<9x512x256xf32, #tpu.memory_space<vmem>>, vector<1x512x256xf32>
    %swap3A_35 = vector.shape_cast %swap3A_34 : vector<1x512x256xf32> to vector<512x256xf32>
    %swap3A_36 = vector.shape_cast %dot_general3A_30 : vector<512x256xf32> to vector<1x512x256xf32>
    tpu.vector_store %arg6[%swap3A_31, %swap3A_32, %swap3A_33], %swap3A_36 {strides = array<i32>} : memref<9x512x256xf32, #tpu.memory_space<vmem>>, vector<1x512x256xf32>,
    %get3A_37 = arith.constant 512 : index
    %get3A_38 = arith.constant 0 : index
    %get3A_39 = vector.load %arg4[%get3A_37, %get3A_38] : memref<2304x256xbf16, #tpu.memory_space<vmem>>, vector<256x256xbf16>
    %dot_general3A_40 = arith.constant dense<0.000000e+00> : vector<512x256xf32>
    %dot_general3A_41 = tpu.matmul %convert_element_type3A_16, %get3A_39, %dot_general3A_40 {dimension_numbers = #tpu.dot_dimension_numbers<[1], [0], [0], [1], [0, 0, 1, 1], [], []>, transpose_lhs_hint = false} : vector<512x256xbf16>, vector<256x256xbf16>, vector<512x256xf32> -> vector<512x256xf32>
    %swap3A_42 = arith.constant 2 : index
    %swap3A_43 = arith.constant 0 : index
    %swap3A_44 = arith.constant 0 : index
    %swap3A_45 = vector.load %arg6[%swap3A_42, %swap3A_43, %swap3A_44] : memref<9x512x256xf32, #tpu.memory_space<vmem>>, vector<1x512x256xf32>
    %swap3A_46 = vector.shape_cast %swap3A_45 : vector<1x512x256xf32> to vector<512x256xf32>
    %swap3A_47 = vector.shape_cast %dot_general3A_41 : vector<512x256xf32> to vector<1x512x256xf32>
    tpu.vector_store %arg6[%swap3A_42, %swap3A_43, %swap3A_44], %swap3A_47 {strides = array<i32>} : memref<9x512x256xf32, #tpu.memory_space<vmem>>, vector<1x512x256xf32>,
    %get3A_48 = arith.constant 768 : index
    %get3A_49 = arith.constant 0 : index
    %get3A_50 = vector.load %arg4[%get3A_48, %get3A_49] : memref<2304x256xbf16, #tpu.memory_space<vmem>>, vector<256x256xbf16>
    %dot_general3A_51 = arith.constant dense<0.000000e+00> : vector<512x256xf32>
    %dot_general3A_52 = tpu.matmul %convert_element_type3A_16, %get3A_50, %dot_general3A_51 {dimension_numbers = #tpu.dot_dimension_numbers<[1], [0], [0], [1], [0, 0, 1, 1], [], []>, transpose_lhs_hint = false} : vector<512x256xbf16>, vector<256x256xbf16>, vector<512x256xf32> -> vector<512x256xf32>
    %swap3A_53 = arith.constant 3 : index
    %swap3A_54 = arith.constant 0 : index
    %swap3A_55 = arith.constant 0 : index
    %swap3A_56 = vector.load %arg6[%swap3A_53, %swap3A_54, %swap3A_55] : memref<9x512x256xf32, #tpu.memory_space<vmem>>, vector<1x512x256xf32>
    %swap3A_57 = vector.shape_cast %swap3A_56 : vector<1x512x256xf32> to vector<512x256xf32>
    %swap3A_58 = vector.shape_cast %dot_general3A_52 : vector<512x256xf32> to vector<1x512x256xf32>
    tpu.vector_store %arg6[%swap3A_53, %swap3A_54, %swap3A_55], %swap3A_58 {strides = array<i32>} : memref<9x512x256xf32, #tpu.memory_space<vmem>>, vector<1x512x256xf32>,
    %get3A_59 = arith.constant 1024 : index
    %get3A_60 = arith.constant 0 : index
    %get3A_61 = vector.load %arg4[%get3A_59, %get3A_60] : memref<2304x256xbf16, #tpu.memory_space<vmem>>, vector<256x256xbf16>
    %dot_general3A_62 = arith.constant dense<0.000000e+00> : vector<512x256xf32>
    %dot_general3A_63 = tpu.matmul %convert_element_type3A_16, %get3A_61, %dot_general3A_62 {dimension_numbers = #tpu.dot_dimension_numbers<[1], [0], [0], [1], [0, 0, 1, 1], [], []>, transpose_lhs_hint = false} : vector<512x256xbf16>, vector<256x256xbf16>, vector<512x256xf32> -> vector<512x256xf32>
    %swap3A_64 = arith.constant 4 : index
    %swap3A_65 = arith.constant 0 : index
    %swap3A_66 = arith.constant 0 : index
    %swap3A_67 = vector.load %arg6[%swap3A_64, %swap3A_65, %swap3A_66] : memref<9x512x256xf32, #tpu.memory_space<vmem>>, vector<1x512x256xf32>
    %swap3A_68 = vector.shape_cast %swap3A_67 : vector<1x512x256xf32> to vector<512x256xf32>
    %swap3A_69 = vector.shape_cast %dot_general3A_63 : vector<512x256xf32> to vector<1x512x256xf32>
    tpu.vector_store %arg6[%swap3A_64, %swap3A_65, %swap3A_66], %swap3A_69 {strides = array<i32>} : memref<9x512x256xf32, #tpu.memory_space<vmem>>, vector<1x512x256xf32>,
    %get3A_70 = arith.constant 1280 : index
    %get3A_71 = arith.constant 0 : index
    %get3A_72 = vector.load %arg4[%get3A_70, %get3A_71] : memref<2304x256xbf16, #tpu.memory_space<vmem>>, vector<256x256xbf16>
    %dot_general3A_73 = arith.constant dense<0.000000e+00> : vector<512x256xf32>
    %dot_general3A_74 = tpu.matmul %convert_element_type3A_16, %get3A_72, %dot_general3A_73 {dimension_numbers = #tpu.dot_dimension_numbers<[1], [0], [0], [1], [0, 0, 1, 1], [], []>, transpose_lhs_hint = false} : vector<512x256xbf16>, vector<256x256xbf16>, vector<512x256xf32> -> vector<512x256xf32>
    %swap3A_75 = arith.constant 5 : index
    %swap3A_76 = arith.constant 0 : index
    %swap3A_77 = arith.constant 0 : index
    %swap3A_78 = vector.load %arg6[%swap3A_75, %swap3A_76, %swap3A_77] : memref<9x512x256xf32, #tpu.memory_space<vmem>>, vector<1x512x256xf32>
    %swap3A_79 = vector.shape_cast %swap3A_78 : vector<1x512x256xf32> to vector<512x256xf32>
    %swap3A_80 = vector.shape_cast %dot_general3A_74 : vector<512x256xf32> to vector<1x512x256xf32>
    tpu.vector_store %arg6[%swap3A_75, %swap3A_76, %swap3A_77], %swap3A_80 {strides = array<i32>} : memref<9x512x256xf32, #tpu.memory_space<vmem>>, vector<1x512x256xf32>,
    %get3A_81 = arith.constant 1536 : index
    %get3A_82 = arith.constant 0 : index
    %get3A_83 = vector.load %arg4[%get3A_81, %get3A_82] : memref<2304x256xbf16, #tpu.memory_space<vmem>>, vector<256x256xbf16>
    %dot_general3A_84 = arith.constant dense<0.000000e+00> : vector<512x256xf32>
    %dot_general3A_85 = tpu.matmul %convert_element_type3A_16, %get3A_83, %dot_general3A_84 {dimension_numbers = #tpu.dot_dimension_numbers<[1], [0], [0], [1], [0, 0, 1, 1], [], []>, transpose_lhs_hint = false} : vector<512x256xbf16>, vector<256x256xbf16>, vector<512x256xf32> -> vector<512x256xf32>
    %swap3A_86 = arith.constant 6 : index
    %swap3A_87 = arith.constant 0 : index
    %swap3A_88 = arith.constant 0 : index
    %swap3A_89 = vector.load %arg6[%swap3A_86, %swap3A_87, %swap3A_88] : memref<9x512x256xf32, #tpu.memory_space<vmem>>, vector<1x512x256xf32>
    %swap3A_90 = vector.shape_cast %swap3A_89 : vector<1x512x256xf32> to vector<512x256xf32>
    %swap3A_91 = vector.shape_cast %dot_general3A_85 : vector<512x256xf32> to vector<1x512x256xf32>
    tpu.vector_store %arg6[%swap3A_86, %swap3A_87, %swap3A_88], %swap3A_91 {strides = array<i32>} : memref<9x512x256xf32, #tpu.memory_space<vmem>>, vector<1x512x256xf32>,
    %get3A_92 = arith.constant 1792 : index
    %get3A_93 = arith.constant 0 : index
    %get3A_94 = vector.load %arg4[%get3A_92, %get3A_93] : memref<2304x256xbf16, #tpu.memory_space<vmem>>, vector<256x256xbf16>
    %dot_general3A_95 = arith.constant dense<0.000000e+00> : vector<512x256xf32>
    %dot_general3A_96 = tpu.matmul %convert_element_type3A_16, %get3A_94, %dot_general3A_95 {dimension_numbers = #tpu.dot_dimension_numbers<[1], [0], [0], [1], [0, 0, 1, 1], [], []>, transpose_lhs_hint = false} : vector<512x256xbf16>, vector<256x256xbf16>, vector<512x256xf32> -> vector<512x256xf32>
    %swap3A_97 = arith.constant 7 : index
    %swap3A_98 = arith.constant 0 : index
    %swap3A_99 = arith.constant 0 : index
    %swap3A_100 = vector.load %arg6[%swap3A_97, %swap3A_98, %swap3A_99] : memref<9x512x256xf32, #tpu.memory_space<vmem>>, vector<1x512x256xf32>
    %swap3A_101 = vector.shape_cast %swap3A_100 : vector<1x512x256xf32> to vector<512x256xf32>
    %swap3A_102 = vector.shape_cast %dot_general3A_96 : vector<512x256xf32> to vector<1x512x256xf32>
    tpu.vector_store %arg6[%swap3A_97, %swap3A_98, %swap3A_99], %swap3A_102 {strides = array<i32>} : memref<9x512x256xf32, #tpu.memory_space<vmem>>, vector<1x512x256xf32>,
    %get3A_103 = arith.constant 2048 : index
    %get3A_104 = arith.constant 0 : index
    %get3A_105 = vector.load %arg4[%get3A_103, %get3A_104] : memref<2304x256xbf16, #tpu.memory_space<vmem>>, vector<256x256xbf16>
    %dot_general3A_106 = arith.constant dense<0.000000e+00> : vector<512x256xf32>
    %dot_general3A_107 = tpu.matmul %convert_element_type3A_16, %get3A_105, %dot_general3A_106 {dimension_numbers = #tpu.dot_dimension_numbers<[1], [0], [0], [1], [0, 0, 1, 1], [], []>, transpose_lhs_hint = false} : vector<512x256xbf16>, vector<256x256xbf16>, vector<512x256xf32> -> vector<512x256xf32>
    %swap3A_108 = arith.constant 8 : index
    %swap3A_109 = arith.constant 0 : index
    %swap3A_110 = arith.constant 0 : index
    %swap3A_111 = vector.load %arg6[%swap3A_108, %swap3A_109, %swap3A_110] : memref<9x512x256xf32, #tpu.memory_space<vmem>>, vector<1x512x256xf32>
    %swap3A_112 = vector.shape_cast %swap3A_111 : vector<1x512x256xf32> to vector<512x256xf32>
    %swap3A_113 = vector.shape_cast %dot_general3A_107 : vector<512x256xf32> to vector<1x512x256xf32>
    tpu.vector_store %arg6[%swap3A_108, %swap3A_109, %swap3A_110], %swap3A_113 {strides = array<i32>} : memref<9x512x256xf32, #tpu.memory_space<vmem>>, vector<1x512x256xf32>,
    return
  }
  func.func @transform_0(%arg0: i32) -> (i32, i32) {
    %c0_i32 = arith.constant 0 : i32
    %c0_i32_0 = arith.constant 0 : i32
    %c0_i32_1 = arith.constant 0 : i32
    return %c0_i32, %c0_i32_0 : i32, i32
  }
  func.func @transform_1(%arg0: i32) -> (i32, i32) {
    %c0_i32 = arith.constant 0 : i32
    %c0_i32_0 = arith.constant 0 : i32
    %c0_i32_1 = arith.constant 0 : i32
    return %c0_i32, %c0_i32_0 : i32, i32
  }
  func.func @transform_2(%arg0: i32) -> (i32, i32) {
    %c0_i32 = arith.constant 0 : i32
    %c0_i32_0 = arith.constant 0 : i32
    %c0_i32_1 = arith.constant 0 : i32
    return %c0_i32, %c0_i32_0 : i32, i32
  }
  func.func @transform_3(%arg0: i32) -> (i32, i32) {
    %c0_i32 = arith.constant 0 : i32
    %c0_i32_0 = arith.constant 0 : i32
    %c0_i32_1 = arith.constant 0 : i32
    return %c0_i32, %c0_i32_0 : i32, i32
  }
  func.func @transform_4(%arg0: i32) -> (i32, i32) {
    %c0_i32 = arith.constant 0 : i32
    %c0_i32_0 = arith.constant 0 : i32
    %c0_i32_1 = arith.constant 0 : i32
    return %c0_i32, %c0_i32_0 : i32, i32
  }
  func.func @transform_5(%arg0: i32) -> (i32, i32, i32) {
    %c0_i32 = arith.constant 0 : i32
    %c0_i32_0 = arith.constant 0 : i32
    %c0_i32_1 = arith.constant 0 : i32
    return %c0_i32, %arg0, %c0_i32_0 : i32, i32, i32
  }
  func.func @transform_6(%arg0: i32) -> (i32, i32) {
    %c0_i32 = arith.constant 0 : i32
    %c0_i32_0 = arith.constant 0 : i32
    %c0_i32_1 = arith.constant 0 : i32
    return %c0_i32, %c0_i32_0 : i32, i32
  }
}

</mosaic_0001>

<sc_bundles>
// kernel: kernel.4.cloned.1.call-start
scs
__scs_entry_jumppad:
0x0: {  	(pc) =	sbr.rel $0x88, $3  }
0x1: {  	(tag) =	ssettag $0x0;
	lr =	simm.s32 $0x1  }
0x2: {  	[smem:$0x3F9C] =	sst lr;
	_ =	strace $0xD0000000  }
0x3: {  	_ = 	snop  }
0x4: {  	_ = 	snop  }
0x5: {  	_ = 	snop  }
0x6: {  	_ = 	snop  }
0x7: {  	_ = 	snop  }
__scs_overlays_trampoline_lowered:
0x8: {  	[smem:$0x3FAB] =	sst s0  }
0x9: {  	[smem:$0x3FAC] =	sst s1  }
0xa: {  	[smem:$0x3FAD] =	sst s2  }
0xb: {  	[smem:$0x3FAE] =	sst s3  }
0xc: {  	[smem:$0x3FAF] =	sst s4  }
0xd: {  	[smem:$0x3FB0] =	sst s5  }
0xe: {  	[smem:$0x3FB1] =	sst s6  }
0xf: {  	[smem:$0x3FB2] =	sst s7  }
0x10: {  	[smem:$0x3FB3] =	sst s8  }
0x11: {  	[smem:$0x3FB4] =	sst s9;
	s0 =	simm.s32 @!p0 $0x0  }
0x12: {  	s1 =	sld [smem:$0x3F9A];
	s0 =	simm.s32 @p0 $0x1  }
0x13: {  	[smem:$0x3FB5] =	sst s0;
	s0 =	simm.s32 @!p1 $0x0  }
0x14: {  	s2 =	sld [smem:$0x3F99];
	s0 =	simm.s32 @p1 $0x1  }
0x15: {  	[smem:$0x3FB6] =	sst s0;
	s0 =	simm.s32 @!p2 $0x0  }
0x16: {  	s3 =	sld [smem:$0x3FDB];
	s0 =	simm.s32 @p2 $0x1  }
0x17: {  	s4 =	simm.s32 $0x1BF5;
	[smem:$0x3FB8] =	sst s0  }
0x18: {  	s0 =	sld [smem:$0x3F9B];
	_ =	swait.ge [sflag:s4], $0x0  }
0x19: {  	s7 =	sld [smem:$0x3F9C]  }
0x1a: {  	s8 =	sadd.s32 $0xFFFFE003, lr  }
0x1b: {  	s9 =	sadd.s32 $0xFFFFFEF7, lr;
	s5 =	simm.s32 $0xFFFFFFFF;
	p2 =	slt.u32 s8, $0xFFFFF086  }
0x1c: {  	p1 =	slt.u32 s9, $0xF7A;
	s5 =	simm.s32 @!p2 $0x0  }
0x1d: {  	s5 =	simm.s32 @p1 $0x1;
	p0 =	seq.s32 s7, s2  }
0x1e: {  	s7 =	smul.u32 @!p0 $0xF7A, s2;
	p2 =	seq.s32 @!p0 s5, $0x0  }
0x1f: {  	s9 =	smul.u32 $0xF7A, s1;
	s8 =	simm.s32 @!p0 $0x1BF5;
	p2 =	por !p2, p0  }
0x20: {  	[sflag:s8] =	ssyncset.s32 @!p0 $0xFFFFF086;
	s6 =	sadd.s32 @!p0 s3, s7;
	s7 =	simm.s32 @!p0 $0x108  }
0x21: {  	s3 =	sadd.s32 s3, s9;
	s6 =	sadd.s32 @!p0 $0x88, s6;
	s7 =	simm.s32 @p2 $0x1082  }
0x22: {  	[simem:s7], [sflag:s8] =	dma.local @!p0 [hbm:s6], $0xF7A  }
0x23: {  	s9 =	sor.u32 $0xD0000000, s2;
	s6 =	simm.s32 $0x108;
	_ =	swait.ge @!p0 [sflag:s8], $0x0  }
0x24: {  	s3 =	sadd.s32 $0x88, s3;
	s6 =	simm.s32 @!p1 $0x1082;
	[sflag:s4] =	ssyncset.s32 $0xFFFFF086  }
0x25: {  	[simem:s6], [sflag:s4] =	dma.local [hbm:s3], $0xF7A  }
0x26: {  	[smem:$0x3F9C] =	sst s1;
	(tag) =	ssettag s2;
	_ =	strace s9  }
0x27: {  	s1 =	sld [smem:$0x3FAC]  }
0x28: {  	s2 =	sld [smem:$0x3FAD]  }
0x29: {  	s4 =	sld [smem:$0x3FAF]  }
0x2a: {  	p0 =	seq.s32 s5, $0x0;
	s5 =	sld [smem:$0x3FB0]  }
0x2b: {  	s6 =	sld [smem:$0x3FB1]  }
0x2c: {  	s7 =	sld [smem:$0x3FB2]  }
0x2d: {  	s3 =	simm.s32 $0x108;
	s8 =	sld [smem:$0x3FB3]  }
0x2e: {  	s3 =	simm.s32 @!p0 $0x1082;
	s9 =	sld [smem:$0x3FB4]  }
0x2f: {  	lr =	sadd.s32 s0, s3;
	s0 =	sld [smem:$0x3FAB]  }
0x30: {  	s3 =	sld [smem:$0x3FAE]  }
0x31: {  	[smem:$0x3FB7] =	sst s10  }
0x32: {  	s10 =	sld [smem:$0x3FB5];
	_ =	sdelay $0x3  }
0x33: {  	p0 =	seq.s32 s10, $0x1;
	s10 =	sld [smem:$0x3FB7];
	_ =	sdelay $0x3  }
0x34: {  	[smem:$0x3FB7] =	sst s10  }
0x35: {  	s10 =	sld [smem:$0x3FB6];
	_ =	sdelay $0x3  }
0x36: {  	p1 =	seq.s32 s10, $0x1;
	s10 =	sld [smem:$0x3FB7];
	_ =	sdelay $0x3  }
0x37: {  	[smem:$0x3FB7] =	sst s10  }
0x38: {  	s10 =	sld [smem:$0x3FB8]  }
0x39: {  	_ = 	snop;
	(pc) =	sbr.ind lr, $3  }
0x3a: {  	_ = 	snop  }
0x3b: {  	_ = 	snop  }
0x3c: {  	p2 =	seq.s32 s10, $0x1;
	s10 =	sld [smem:$0x3FB7]  }
0x3d: {  	_ =	shalt  }
0x3e: {  	_ =	shalt  }
0x3f: {  	_ =	shalt  }
0x40: {  	_ =	shalt  }
0x41: {  	_ =	shalt  }
0x42: {  	_ =	shalt  }
0x43: {  	_ =	shalt  }
0x44: {  	_ =	shalt  }
0x45: {  	_ =	shalt  }
0x46: {  	_ =	shalt  }
0x47: {  	_ =	shalt  }
0x48: {  	_ =	shalt  }
0x49: {  	_ =	shalt  }
0x4a: {  	_ =	shalt  }
0x4b: {  	_ =	shalt  }
0x4c: {  	_ =	shalt  }
0x4d: {  	_ =	shalt  }
0x4e: {  	_ =	shalt  }
0x4f: {  	_ =	shalt  }
0x50: {  	_ =	shalt  }
0x51: {  	_ =	shalt  }
0x52: {  	_ =	shalt  }
0x53: {  	_ =	shalt  }
0x54: {  	_ =	shalt  }
0x55: {  	_ =	shalt  }
0x56: {  	_ =	shalt  }
0x57: {  	_ =	shalt  }
0x58: {  	_ =	shalt  }
0x59: {  	_ =	shalt  }
0x5a: {  	_ =	shalt  }
0x5b: {  	_ =	shalt  }
0x5c: {  	_ =	shalt  }
0x5d: {  	_ =	shalt  }
0x5e: {  	_ =	shalt  }
0x5f: {  	_ =	shalt  }
0x60: {  	_ =	shalt  }
0x61: {  	_ =	shalt  }
0x62: {  	_ =	shalt  }
0x63: {  	_ =	shalt  }
0x64: {  	_ =	shalt  }
0x65: {  	_ =	shalt  }
0x66: {  	_ =	shalt  }
0x67: {  	_ =	shalt  }
0x68: {  	_ =	shalt  }
0x69: {  	_ =	shalt  }
0x6a: {  	_ =	shalt  }
0x6b: {  	_ =	shalt  }
0x6c: {  	_ =	shalt  }
0x6d: {  	_ =	shalt  }
0x6e: {  	_ =	shalt  }
0x6f: {  	_ =	shalt  }
0x70: {  	_ =	shalt  }
0x71: {  	_ =	shalt  }
0x72: {  	_ =	shalt  }
0x73: {  	_ =	shalt  }
0x74: {  	_ =	shalt  }
0x75: {  	_ =	shalt  }
0x76: {  	_ =	shalt  }
0x77: {  	_ =	shalt  }
0x78: {  	_ =	shalt  }
0x79: {  	_ =	shalt  }
0x7a: {  	_ =	shalt  }
0x7b: {  	_ =	shalt  }
0x7c: {  	_ =	shalt  }
0x7d: {  	_ =	shalt  }
0x7e: {  	_ =	shalt  }
0x7f: {  	_ =	shalt  }
0x80: {  	_ =	shalt  }
0x81: {  	_ =	shalt  }
0x82: {  	_ =	shalt  }
0x83: {  	_ =	shalt  }
0x84: {  	_ =	shalt  }
0x85: {  	_ =	shalt  }
0x86: {  	_ =	shalt  }
0x87: {  	_ =	shalt  }
.Lfunc_end0:
.L_simem_size_0:
called_computation_lowered:
.L_overlay_start_0:
0x88: {  	s2 =	sld [smem:$0x3FD9]  }
0x89: {  	s3 =	sld [smem:$0x3FFE];
	_ =	sdelay $0x1  }
0x8a: {  	s1 =	srdreg.scid  }
0x8b: {  	s0 =	sand.u32 $0x1, s1  }
0x8c: {  	s17 =	sshll.u32 s0, $0xA;
	s2 =	sadd.s32 s3, s2  }
0x8d: {  	s2 =	sadd.s32 s2, s17  }
0x8e: {  	[smem:$0x3FC3] =	sst s2  }
0x8f: {  	_ = 	snop  }
0x90: {  	s2 =	sld [smem:$0x3FD0];
	(tm) =	ssettm $0x1  }
0x91: {  	s18 =	sld [smem:$0x3FFB];
	_ =	sdelay $0x3  }
0x92: {  	_ =	strace s18  }
0x93: {  	s3 =	sld [smem:$0x3FFC];
	_ =	sdelay $0x3  }
0x94: {  	_ =	strace s3  }
0x95: {  	s3 =	sld [smem:$0x3FFD];
	_ =	sdelay $0x3  }
0x96: {  	_ =	strace s3  }
0x97: {  	_ =	strace $0x8FFFFFFF  }
0x98: {  	s19 =	sld [smem:$0x3FDB];
	_ =	sdelay $0x1  }
0x99: {  	s4 =	simm.s32 $_scs_section_size  }
0x9a: {  	s5 =	simm.s32 $_size__tile_overlayer_lowered;
	s6 =	simm.s32 $_tile_overlayer_lowered  }
0x9b: {  	s22 =	simm.s32 $0x1BFF;
	s21 =	sshll.u32 s6, $0x1;
	s3 =	sadd.s32 s4, s19  }
0x9c: {  	s7 =	simm.s32 $0x0;
	s20 =	sshll.u32 s5, $0x1;
	s5 =	sadd.s32 s21, s3  }
0x9d: {  	[timem:s7], [sflag:s22] =	dma.local [hbm:s5], s20  }
0x9e: {  	_ =	swait.ge [sflag:s22], s20  }
0x9f: {  	s4 =	ssub.s32 $0x0, s20;
	[sflag:s22] =	ssyncset.done $0x0  }
0xa0: {  	[sflag:s22] =	ssyncadd.s32 s4;
	_ =	sdelay $0x1  }
0xa1: {  	s23 =	simm.s32 $0x1B8B  }
0xa2: {  	_ =	swait.ge [sflag:s23], $0x1  }
0xa3: {  	[sflag:s23] =	ssyncset.done $0x0  }
0xa4: {  	s25 =	simm.s32 $0x1B8E;
	s24 =	sld [smem:$0x3FFE];
	[sflag:s23] =	ssyncadd.s32 $0xFFFFFFFF  }
0xa5: {  	s26 =	simm.s32 $execute0_lowered;
	[smem:$0x3FD2] =	sst s25  }
0xa6: {  	s5 =	sshll.u32 s26, $0x1;
	_ =	strace $0x80000046;
	[dreg:$0x1] =	wrdreg $0xFFFFFFFF  }
0xa7: {  	s28 =	simm.s32 $_size_execute0_lowered;
	s3 =	sadd.s32 s3, s5;
	[dreg:$0x0] =	wrdreg $0x0  }
0xa8: {  	s5 =	sshll.u32 s28, $0x1;
	[dreg:$0x2] =	wrdreg s3  }
0xa9: {  	[dreg:$0x3] =	wrdreg s5  }
0xaa: {  	[dreg:$0x4] =	wrdreg $0xC0  }
0xab: {  	_ =	task [dreg:s7], $0x5FFFF  }
0xac: {  	[dreg:$0x1] =	wrdreg $0xFFFFFFFF  }
0xad: {  	[dreg:$0x0] =	wrdreg $0x60  }
0xae: {  	[dreg:$0x2] =	wrdreg s24  }
0xaf: {  	[dreg:$0x3] =	wrdreg s2  }
0xb0: {  	[dreg:$0x4] =	wrdreg $0x9  }
0xb1: {  	_ =	task.clear_ibuf [dreg:s7], $0x5FFFF;
	_ =	strace $0x90000046  }
0xb2: {  	s29 =	simm.s32 $0x9;
	_ =	strace $0x80000048  }
0xb3: {  	_ =	swait.ge [sflag:s29], $0x1  }
0xb4: {  	[sflag:s29] =	ssyncadd.s32 $0xFFFFFFFF  }
0xb5: {  	_ =	strace $0x90000048  }
0xb6: {  	_ =	sfence  }
0xb7: {  	s30 =	sld [smem:$0x0];
	_ =	sdelay $0x2  }
0xb8: {  	s31 =	sshll.u32 s1, $0xD;
	s1 =	sshrl.u32 s1, $0x2  }
0xb9: {  	s3 =	sand.u32 $0x4000, s31;
	s1 =	sadd.s32 s1, s30  }
0xba: {  	s0 =	sor.u32 s3, s0;
	s1 =	sshll.u32 s1, $0x11  }
0xbb: {  	s0 =	sor.u32 s1, s0  }
0xbc: {  	s0 =	sadd.s32 $0x8F2B, s0  }
0xbd: {  	[sflag:s0] =	ssyncadd.remote.s32 $0x1  }
0xbe: {  	_ =	sfence.sel $0xFFFF  }
0xbf: {  	[dreg:$0x0] =	wrdreg $0xFFFFFFFF;
	(pc) =	sbr.abs _section_cstart, $3  }
0xc0: {  	[dreg:$0x1] =	wrdreg $0xFFFFFFFF  }
0xc1: {  	_ =	task.clear_ibuf [dreg:s7], $0x2FFFF;
	_ =	strace $0x9FFFFFFF  }
0xc2: {  	(tm) =	ssettm $0x7FFFFFFF  }
0xc3: {  	_ =	shalt  }
tec
execute0_lowered:
.L_overlay_start_1:
0x0: {  	(tag) =	ssettag $0x1  }
0x1: {  	s0 =	rddreg [dreg:$0x0]  }
0x2: {  	s3 =	rddreg [dreg:$0x1];
	s4 =	simm.s32 $0x0;
	s1 =	srdreg.scid  }
0x3: {  	s5 =	stileid.u32;
	[smem:$0x7FF] =	sst s4;
	s1 =	sand.u32 $0x1, s1  }
0x4: {  	s2 =	sadd.s32 $0x1000, s0;
	_ =	strace $0x80000047;
	[smem:$0x7F8] =	sst s1  }
0x5: {  	s0 =	sadd.s32 $0x385000, s0;
	s1 =	ssub.s32 $0x2, s1;
	[smem:$0x7F9] =	sst s2  }
0x6: {  	s30 =	sshll.u32 s5, $0x1;
	[smem:$0x7FA] =	sst s0;
	s28 =	sshrl.u32 s1, $0x1  }
0x7: {  	v2 =	vlaneseq.u32;
	s31 =	sadd.s32 $0xC3200, s3;
	[smem:$0x7FB] =	sst s30;
	s29 =	ssub.s32 s1, s28  }
0x8: {  	vm0 =	vmmov $0xffff;
	v1 =	vshrl.u32 v2, $0x3;
	[smem:$0x7FC] =	sst s31;
	s0 =	smax.u32 s29, $0x1  }
0x9: {  	v0 =	vand.u32 $0x7, v2;
	v2 =	vor.u32 $0x8, v2;
	v1 =	vmul.u32 $0x8, v1;
	[smem:$0x7FD] =	sst s0  }
.LBB2_1:
0xa: {  	[smem:$0x7F7] =	sst s4;
	s1 =	simm.s32 $0x0  }
.LBB2_2:
0xb: {  	s29 =	sld [smem:$0x7FB]  }
0xc: {  	s30 =	sld [smem:$0x7F8]  }
0xd: {  	s0 =	sshll.u32 s1, $0x5  }
0xe: {  	s0 =	sor.u32 s0, s29  }
0xf: {  	s2 =	sld [smem:$0x7FA];
	s0 =	sor.u32 s30, s0  }
0x10: {  	[smem:$0x7F6] =	sst s0;
	s0 =	smul.u32 $0x7E, s0  }
0x11: {  	[smem:$0x7F5] =	sst s1  }
0x12: {  	s3 =	simm.s32 $0x6;
	s1 =	sadd.s32 s2, s0;
	s0 =	simm.s32 $0x0  }
0x13: {  	[tilespmem:s0], [sflag:$0x6] =	stream.linear.gather [hbm4b:s1+s0], $0x3F0, $0x38;
	[tilespmem:$0x1C400] =	vst v63  }
0x14: {  	_ =	swait.ge [sflag:s3], $0x3F0  }
0x15: {  	[sflag:s3] =	ssyncset.done $0x0  }
0x16: {  	[sflag:s3] =	ssyncadd.s32 $0xFFFFFC10  }
0x17: {  	v3 =	vld [tilespmem:$0x0];
	_ =	sdelay $0x4  }
0x18: {  	v4 =	vshll.u32 v3, $0x1  }
0x19: {  	v3 =	vand.u32 $0x7, v3;
	v4 =	vand.u32 $0xFFFFFFF0, v4  }
0x1a: {  	v3 =	vor.u32 v3, v4  }
0x1b: {  	v4 =	vperm.xlane v3, v0;
	_ =	sdelay $0x1  }
0x1c: {  	v3 =	vperm.xlane v3, v2;
	v4 =	vadd.s32 v1, v4;
	_ =	sdelay $0x1  }
0x1d: {  	s1 =	sld [smem:$0x7F9];
	v3 =	vadd.s32 v1, v3;
	_ =	sdelay $0x1  }
0x1e: {  	s2 =	simm.s32 $0x15400  }
0x1f: {  	[tilespmem:s2], [sflag:$0x1] =	stream.indirect_vreg.gather [hbm4b:s1+s0], $0x80, v4, vm0, $0xb8;
	[tilespmem:$0x1C400] =	vst v63  }
0x20: {  	s4 =	simm.s32 $0x15C00  }
0x21: {  	[tilespmem:s4], [sflag:$0x1] =	stream.indirect_vreg.gather [hbm4b:s1+s0], $0x80, v3, vm0, $0xb8;
	[tilespmem:$0x1C400] =	vst v63  }
0x22: {  	v3 =	vld [tilespmem:$0x10];
	_ =	sdelay $0x4  }
0x23: {  	v4 =	vshll.u32 v3, $0x1  }
0x24: {  	v3 =	vand.u32 $0x7, v3;
	v4 =	vand.u32 $0xFFFFFFF0, v4  }
0x25: {  	v3 =	vor.u32 v3, v4  }
0x26: {  	v4 =	vperm.xlane v3, v0;
	_ =	sdelay $0x1  }
0x27: {  	v3 =	vperm.xlane v3, v2;
	v4 =	vadd.s32 v1, v4;
	_ =	sdelay $0x1  }
0x28: {  	v3 =	vadd.s32 v1, v3;
	_ =	sdelay $0x1  }
0x29: {  	s5 =	simm.s32 $0x16400  }
0x2a: {  	[tilespmem:s5], [sflag:$0x1] =	stream.indirect_vreg.gather [hbm4b:s1+s0], $0x80, v4, vm0, $0xb8;
	[tilespmem:$0x1C400] =	vst v63  }
0x2b: {  	s6 =	simm.s32 $0x16C00  }
0x2c: {  	[tilespmem:s6], [sflag:$0x1] =	stream.indirect_vreg.gather [hbm4b:s1+s0], $0x80, v3, vm0, $0xb8;
	[tilespmem:$0x1C400] =	vst v63  }
0x2d: {  	v3 =	vld [tilespmem:$0x20];
	_ =	sdelay $0x4  }
0x2e: {  	v4 =	vshll.u32 v3, $0x1  }
0x2f: {  	v3 =	vand.u32 $0x7, v3;
	v4 =	vand.u32 $0xFFFFFFF0, v4  }
0x30: {  	v3 =	vor.u32 v3, v4  }
0x31: {  	v4 =	vperm.xlane v3, v0;
	_ =	sdelay $0x1  }
0x32: {  	v3 =	vperm.xlane v3, v2;
	v4 =	vadd.s32 v1, v4;
	_ =	sdelay $0x1  }
0x33: {  	v3 =	vadd.s32 v1, v3;
	_ =	sdelay $0x1  }
0x34: {  	s7 =	simm.s32 $0x17400  }
0x35: {  	[tilespmem:s7], [sflag:$0x1] =	stream.indirect_vreg.gather [hbm4b:s1+s0], $0x80, v4, vm0, $0xb8;
	[tilespmem:$0x1C400] =	vst v63  }
0x36: {  	s8 =	simm.s32 $0x17C00  }
0x37: {  	[tilespmem:s8], [sflag:$0x1] =	stream.indirect_vreg.gather [hbm4b:s1+s0], $0x80, v3, vm0, $0xb8;
	[tilespmem:$0x1C400] =	vst v63  }
0x38: {  	v3 =	vld [tilespmem:$0x30];
	_ =	sdelay $0x4  }
0x39: {  	v4 =	vshll.u32 v3, $0x1  }
0x3a: {  	v3 =	vand.u32 $0x7, v3;
	v4 =	vand.u32 $0xFFFFFFF0, v4  }
0x3b: {  	v3 =	vor.u32 v3, v4  }
0x3c: {  	v4 =	vperm.xlane v3, v0;
	_ =	sdelay $0x1  }
0x3d: {  	v3 =	vperm.xlane v3, v2;
	v4 =	vadd.s32 v1, v4;
	_ =	sdelay $0x1  }
0x3e: {  	v3 =	vadd.s32 v1, v3;
	_ =	sdelay $0x1  }
0x3f: {  	s9 =	simm.s32 $0x18400  }
0x40: {  	[tilespmem:s9], [sflag:$0x1] =	stream.indirect_vreg.gather [hbm4b:s1+s0], $0x80, v4, vm0, $0xb8;
	[tilespmem:$0x1C400] =	vst v63  }
0x41: {  	s10 =	simm.s32 $0x18C00  }
0x42: {  	[tilespmem:s10], [sflag:$0x1] =	stream.indirect_vreg.gather [hbm4b:s1+s0], $0x80, v3, vm0, $0xb8;
	[tilespmem:$0x1C400] =	vst v63  }
0x43: {  	v3 =	vld [tilespmem:$0x40];
	_ =	sdelay $0x4  }
0x44: {  	v4 =	vshll.u32 v3, $0x1  }
0x45: {  	v3 =	vand.u32 $0x7, v3;
	v4 =	vand.u32 $0xFFFFFFF0, v4  }
0x46: {  	v3 =	vor.u32 v3, v4  }
0x47: {  	v4 =	vperm.xlane v3, v0;
	_ =	sdelay $0x1  }
0x48: {  	v3 =	vperm.xlane v3, v2;
	v4 =	vadd.s32 v1, v4;
	_ =	sdelay $0x1  }
0x49: {  	v3 =	vadd.s32 v1, v3;
	_ =	sdelay $0x1  }
0x4a: {  	s11 =	simm.s32 $0x19400  }
0x4b: {  	[tilespmem:s11], [sflag:$0x1] =	stream.indirect_vreg.gather [hbm4b:s1+s0], $0x80, v4, vm0, $0xb8;
	[tilespmem:$0x1C400] =	vst v63  }
0x4c: {  	s12 =	simm.s32 $0x19C00  }
0x4d: {  	[tilespmem:s12], [sflag:$0x1] =	stream.indirect_vreg.gather [hbm4b:s1+s0], $0x80, v3, vm0, $0xb8;
	[tilespmem:$0x1C400] =	vst v63  }
0x4e: {  	v3 =	vld [tilespmem:$0x50];
	_ =	sdelay $0x4  }
0x4f: {  	v4 =	vshll.u32 v3, $0x1  }
0x50: {  	v3 =	vand.u32 $0x7, v3;
	v4 =	vand.u32 $0xFFFFFFF0, v4  }
0x51: {  	v3 =	vor.u32 v3, v4  }
0x52: {  	v4 =	vperm.xlane v3, v0;
	_ =	sdelay $0x1  }
0x53: {  	v3 =	vperm.xlane v3, v2;
	v4 =	vadd.s32 v1, v4;
	_ =	sdelay $0x1  }
0x54: {  	v3 =	vadd.s32 v1, v3;
	_ =	sdelay $0x1  }
0x55: {  	s13 =	simm.s32 $0x1A400  }
0x56: {  	[tilespmem:s13], [sflag:$0x1] =	stream.indirect_vreg.gather [hbm4b:s1+s0], $0x80, v4, vm0, $0xb8;
	[tilespmem:$0x1C400] =	vst v63  }
0x57: {  	s14 =	simm.s32 $0x1AC00  }
0x58: {  	[tilespmem:s14], [sflag:$0x1] =	stream.indirect_vreg.gather [hbm4b:s1+s0], $0x80, v3, vm0, $0xb8;
	[tilespmem:$0x1C400] =	vst v63  }
0x59: {  	v3 =	vld [tilespmem:$0x60];
	_ =	sdelay $0x4  }
0x5a: {  	v4 =	vshll.u32 v3, $0x1  }
0x5b: {  	v3 =	vand.u32 $0x7, v3;
	v4 =	vand.u32 $0xFFFFFFF0, v4  }
0x5c: {  	v3 =	vor.u32 v3, v4  }
0x5d: {  	v4 =	vperm.xlane v3, v0;
	_ =	sdelay $0x1  }
0x5e: {  	v3 =	vperm.xlane v3, v2;
	v4 =	vadd.s32 v1, v4;
	_ =	sdelay $0x1  }
0x5f: {  	v3 =	vadd.s32 v1, v3;
	_ =	sdelay $0x1  }
0x60: {  	s15 =	simm.s32 $0x1B400  }
0x61: {  	[tilespmem:s15], [sflag:$0x1] =	stream.indirect_vreg.gather [hbm4b:s1+s0], $0x80, v4, vm0, $0xb8;
	[tilespmem:$0x1C400] =	vst v63  }
0x62: {  	s16 =	simm.s32 $0x1BC00  }
0x63: {  	[tilespmem:s16], [sflag:$0x1] =	stream.indirect_vreg.gather [hbm4b:s1+s0], $0x80, v3, vm0, $0xb8;
	[tilespmem:$0x1C400] =	vst v63  }
0x64: {  	v3 =	vld [tilespmem:$0x70];
	_ =	sdelay $0x4  }
0x65: {  	v4 =	vshll.u32 v3, $0x1  }
0x66: {  	v3 =	vand.u32 $0x7, v3;
	v4 =	vand.u32 $0xFFFFFFF0, v4  }
0x67: {  	v3 =	vor.u32 v3, v4  }
0x68: {  	v4 =	vperm.xlane v3, v0;
	_ =	sdelay $0x1  }
0x69: {  	v3 =	vperm.xlane v3, v2;
	v4 =	vadd.s32 v1, v4;
	_ =	sdelay $0x1  }
0x6a: {  	v3 =	vadd.s32 v1, v3;
	_ =	sdelay $0x1  }
0x6b: {  	s17 =	simm.s32 $0x400  }
0x6c: {  	[tilespmem:s17], [sflag:$0x2] =	stream.indirect_vreg.gather [hbm4b:s1+s0], $0x80, v4, vm0, $0xb8;
	[tilespmem:$0x1C400] =	vst v63  }
0x6d: {  	s18 =	simm.s32 $0xC00  }
0x6e: {  	[tilespmem:s18], [sflag:$0x2] =	stream.indirect_vreg.gather [hbm4b:s1+s0], $0x80, v3, vm0, $0xb8;
	[tilespmem:$0x1C400] =	vst v63  }
0x6f: {  	v3 =	vld [tilespmem:$0x80];
	_ =	sdelay $0x4  }
0x70: {  	v4 =	vshll.u32 v3, $0x1  }
0x71: {  	v3 =	vand.u32 $0x7, v3;
	v4 =	vand.u32 $0xFFFFFFF0, v4  }
0x72: {  	v3 =	vor.u32 v3, v4  }
0x73: {  	v4 =	vperm.xlane v3, v0;
	_ =	sdelay $0x1  }
0x74: {  	v3 =	vperm.xlane v3, v2;
	v4 =	vadd.s32 v1, v4;
	_ =	sdelay $0x1  }
0x75: {  	v3 =	vadd.s32 v1, v3;
	_ =	sdelay $0x1  }
0x76: {  	s19 =	simm.s32 $0x1400  }
0x77: {  	[tilespmem:s19], [sflag:$0x2] =	stream.indirect_vreg.gather [hbm4b:s1+s0], $0x80, v4, vm0, $0xb8;
	[tilespmem:$0x1C400] =	vst v63  }
0x78: {  	s20 =	simm.s32 $0x1C00  }
0x79: {  	[tilespmem:s20], [sflag:$0x2] =	stream.indirect_vreg.gather [hbm4b:s1+s0], $0x80, v3, vm0, $0xb8;
	[tilespmem:$0x1C400] =	vst v63  }
0x7a: {  	v3 =	vld [tilespmem:$0x90];
	_ =	sdelay $0x4  }
0x7b: {  	v4 =	vshll.u32 v3, $0x1  }
0x7c: {  	v3 =	vand.u32 $0x7, v3;
	v4 =	vand.u32 $0xFFFFFFF0, v4  }
0x7d: {  	v3 =	vor.u32 v3, v4  }
0x7e: {  	v4 =	vperm.xlane v3, v0;
	_ =	sdelay $0x1  }
0x7f: {  	v3 =	vperm.xlane v3, v2;
	v4 =	vadd.s32 v1, v4;
	_ =	sdelay $0x1  }
0x80: {  	v3 =	vadd.s32 v1, v3;
	_ =	sdelay $0x1  }
0x81: {  	s21 =	simm.s32 $0x2400  }
0x82: {  	[tilespmem:s21], [sflag:$0x2] =	stream.indirect_vreg.gather [hbm4b:s1+s0], $0x80, v4, vm0, $0xb8;
	[tilespmem:$0x1C400] =	vst v63  }
0x83: {  	s22 =	simm.s32 $0x2C00  }
0x84: {  	[tilespmem:s22], [sflag:$0x2] =	stream.indirect_vreg.gather [hbm4b:s1+s0], $0x80, v3, vm0, $0xb8;
	[tilespmem:$0x1C400] =	vst v63  }
0x85: {  	v3 =	vld [tilespmem:$0xA0];
	_ =	sdelay $0x4  }
0x86: {  	v4 =	vshll.u32 v3, $0x1  }
0x87: {  	v3 =	vand.u32 $0x7, v3;
	v4 =	vand.u32 $0xFFFFFFF0, v4  }
0x88: {  	v3 =	vor.u32 v3, v4  }
0x89: {  	v4 =	vperm.xlane v3, v0;
	_ =	sdelay $0x1  }
0x8a: {  	v3 =	vperm.xlane v3, v2;
	v4 =	vadd.s32 v1, v4;
	_ =	sdelay $0x1  }
0x8b: {  	v3 =	vadd.s32 v1, v3;
	_ =	sdelay $0x1  }
0x8c: {  	s23 =	simm.s32 $0x3400  }
0x8d: {  	[tilespmem:s23], [sflag:$0x2] =	stream.indirect_vreg.gather [hbm4b:s1+s0], $0x80, v4, vm0, $0xb8;
	[tilespmem:$0x1C400] =	vst v63  }
0x8e: {  	s24 =	simm.s32 $0x3C00  }
0x8f: {  	[tilespmem:s24], [sflag:$0x2] =	stream.indirect_vreg.gather [hbm4b:s1+s0], $0x80, v3, vm0, $0xb8;
	[tilespmem:$0x1C400] =	vst v63  }
0x90: {  	v3 =	vld [tilespmem:$0xB0];
	_ =	sdelay $0x4  }
0x91: {  	v4 =	vshll.u32 v3, $0x1  }
0x92: {  	v3 =	vand.u32 $0x7, v3;
	v4 =	vand.u32 $0xFFFFFFF0, v4  }
0x93: {  	v3 =	vor.u32 v3, v4  }
0x94: {  	v4 =	vperm.xlane v3, v0;
	_ =	sdelay $0x1  }
0x95: {  	v3 =	vperm.xlane v3, v2;
	v4 =	vadd.s32 v1, v4;
	_ =	sdelay $0x1  }
0x96: {  	v3 =	vadd.s32 v1, v3;
	_ =	sdelay $0x1  }
0x97: {  	s25 =	simm.s32 $0x4400  }
0x98: {  	[tilespmem:s25], [sflag:$0x2] =	stream.indirect_vreg.gather [hbm4b:s1+s0], $0x80, v4, vm0, $0xb8;
	[tilespmem:$0x1C400] =	vst v63  }
0x99: {  	s26 =	simm.s32 $0x4C00  }
0x9a: {  	[tilespmem:s26], [sflag:$0x2] =	stream.indirect_vreg.gather [hbm4b:s1+s0], $0x80, v3, vm0, $0xb8;
	[tilespmem:$0x1C400] =	vst v63  }
0x9b: {  	v3 =	vld [tilespmem:$0xC0];
	_ =	sdelay $0x4  }
0x9c: {  	v4 =	vshll.u32 v3, $0x1  }
0x9d: {  	v3 =	vand.u32 $0x7, v3;
	v4 =	vand.u32 $0xFFFFFFF0, v4  }
0x9e: {  	v3 =	vor.u32 v3, v4  }
0x9f: {  	v4 =	vperm.xlane v3, v0;
	_ =	sdelay $0x1  }
0xa0: {  	v3 =	vperm.xlane v3, v2;
	v4 =	vadd.s32 v1, v4;
	_ =	sdelay $0x1  }
0xa1: {  	v3 =	vadd.s32 v1, v3;
	_ =	sdelay $0x1  }
0xa2: {  	s28 =	simm.s32 $0x5400  }
0xa3: {  	[tilespmem:s28], [sflag:$0x2] =	stream.indirect_vreg.gather [hbm4b:s1+s0], $0x80, v4, vm0, $0xb8;
	[tilespmem:$0x1C400] =	vst v63  }
0xa4: {  	s29 =	simm.s32 $0x5C00  }
0xa5: {  	[tilespmem:s29], [sflag:$0x2] =	stream.indirect_vreg.gather [hbm4b:s1+s0], $0x80, v3, vm0, $0xb8;
	[tilespmem:$0x1C400] =	vst v63  }
0xa6: {  	v3 =	vld [tilespmem:$0xD0];
	_ =	sdelay $0x4  }
0xa7: {  	v4 =	vshll.u32 v3, $0x1  }
0xa8: {  	v3 =	vand.u32 $0x7, v3;
	v4 =	vand.u32 $0xFFFFFFF0, v4  }
0xa9: {  	v3 =	vor.u32 v3, v4  }
0xaa: {  	v4 =	vperm.xlane v3, v0;
	_ =	sdelay $0x1  }
0xab: {  	v3 =	vperm.xlane v3, v2;
	v4 =	vadd.s32 v1, v4;
	_ =	sdelay $0x1  }
0xac: {  	v3 =	vadd.s32 v1, v3;
	_ =	sdelay $0x1  }
0xad: {  	s30 =	simm.s32 $0x6400  }
0xae: {  	[tilespmem:s30], [sflag:$0x2] =	stream.indirect_vreg.gather [hbm4b:s1+s0], $0x80, v4, vm0, $0xb8;
	[tilespmem:$0x1C400] =	vst v63  }
0xaf: {  	s3 =	simm.s32 $0x6C00  }
0xb0: {  	[tilespmem:s3], [sflag:$0x2] =	stream.indirect_vreg.gather [hbm4b:s1+s0], $0x80, v3, vm0, $0xb8;
	[tilespmem:$0x1C400] =	vst v63  }
0xb1: {  	v3 =	vld [tilespmem:$0xE0];
	_ =	sdelay $0x4  }
0xb2: {  	v4 =	vshll.u32 v3, $0x1  }
0xb3: {  	v3 =	vand.u32 $0x7, v3;
	v4 =	vand.u32 $0xFFFFFFF0, v4  }
0xb4: {  	v3 =	vor.u32 v3, v4  }
0xb5: {  	v4 =	vperm.xlane v3, v0;
	_ =	sdelay $0x1  }
0xb6: {  	v3 =	vperm.xlane v3, v2;
	v4 =	vadd.s32 v1, v4;
	_ =	sdelay $0x1  }
0xb7: {  	v3 =	vadd.s32 v1, v3;
	_ =	sdelay $0x1  }
0xb8: {  	s4 =	simm.s32 $0x7400  }
0xb9: {  	[tilespmem:s4], [sflag:$0x3] =	stream.indirect_vreg.gather [hbm4b:s1+s0], $0x80, v4, vm0, $0xb8;
	[tilespmem:$0x1C400] =	vst v63  }
0xba: {  	s5 =	simm.s32 $0x7C00  }
0xbb: {  	[tilespmem:s5], [sflag:$0x3] =	stream.indirect_vreg.gather [hbm4b:s1+s0], $0x80, v3, vm0, $0xb8;
	[tilespmem:$0x1C400] =	vst v63  }
0xbc: {  	v3 =	vld [tilespmem:$0xF0];
	_ =	sdelay $0x4  }
0xbd: {  	v4 =	vshll.u32 v3, $0x1  }
0xbe: {  	v3 =	vand.u32 $0x7, v3;
	v4 =	vand.u32 $0xFFFFFFF0, v4  }
0xbf: {  	v3 =	vor.u32 v3, v4  }
0xc0: {  	v4 =	vperm.xlane v3, v0;
	_ =	sdelay $0x1  }
0xc1: {  	v3 =	vperm.xlane v3, v2;
	v4 =	vadd.s32 v1, v4;
	_ =	sdelay $0x1  }
0xc2: {  	v3 =	vadd.s32 v1, v3;
	_ =	sdelay $0x1  }
0xc3: {  	s6 =	simm.s32 $0x8400  }
0xc4: {  	[tilespmem:s6], [sflag:$0x3] =	stream.indirect_vreg.gather [hbm4b:s1+s0], $0x80, v4, vm0, $0xb8;
	[tilespmem:$0x1C400] =	vst v63  }
0xc5: {  	s7 =	simm.s32 $0x8C00  }
0xc6: {  	[tilespmem:s7], [sflag:$0x3] =	stream.indirect_vreg.gather [hbm4b:s1+s0], $0x80, v3, vm0, $0xb8;
	[tilespmem:$0x1C400] =	vst v63  }
0xc7: {  	v3 =	vld [tilespmem:$0x100];
	_ =	sdelay $0x4  }
0xc8: {  	v4 =	vshll.u32 v3, $0x1  }
0xc9: {  	v3 =	vand.u32 $0x7, v3;
	v4 =	vand.u32 $0xFFFFFFF0, v4  }
0xca: {  	v3 =	vor.u32 v3, v4  }
0xcb: {  	v4 =	vperm.xlane v3, v0;
	_ =	sdelay $0x1  }
0xcc: {  	v3 =	vperm.xlane v3, v2;
	v4 =	vadd.s32 v1, v4;
	_ =	sdelay $0x1  }
0xcd: {  	v3 =	vadd.s32 v1, v3;
	_ =	sdelay $0x1  }
0xce: {  	s8 =	simm.s32 $0x9400  }
0xcf: {  	[tilespmem:s8], [sflag:$0x3] =	stream.indirect_vreg.gather [hbm4b:s1+s0], $0x80, v4, vm0, $0xb8;
	[tilespmem:$0x1C400] =	vst v63  }
0xd0: {  	s9 =	simm.s32 $0x9C00  }
0xd1: {  	[tilespmem:s9], [sflag:$0x3] =	stream.indirect_vreg.gather [hbm4b:s1+s0], $0x80, v3, vm0, $0xb8;
	[tilespmem:$0x1C400] =	vst v63  }
0xd2: {  	v3 =	vld [tilespmem:$0x110];
	_ =	sdelay $0x4  }
0xd3: {  	v4 =	vshll.u32 v3, $0x1  }
0xd4: {  	v3 =	vand.u32 $0x7, v3;
	v4 =	vand.u32 $0xFFFFFFF0, v4  }
0xd5: {  	v3 =	vor.u32 v3, v4  }
0xd6: {  	v4 =	vperm.xlane v3, v0;
	_ =	sdelay $0x1  }
0xd7: {  	v3 =	vperm.xlane v3, v2;
	v4 =	vadd.s32 v1, v4;
	_ =	sdelay $0x1  }
0xd8: {  	v3 =	vadd.s32 v1, v3;
	_ =	sdelay $0x1  }
0xd9: {  	s10 =	simm.s32 $0xA400  }
0xda: {  	[tilespmem:s10], [sflag:$0x3] =	stream.indirect_vreg.gather [hbm4b:s1+s0], $0x80, v4, vm0, $0xb8;
	[tilespmem:$0x1C400] =	vst v63  }
0xdb: {  	s11 =	simm.s32 $0xAC00  }
0xdc: {  	[tilespmem:s11], [sflag:$0x3] =	stream.indirect_vreg.gather [hbm4b:s1+s0], $0x80, v3, vm0, $0xb8;
	[tilespmem:$0x1C400] =	vst v63  }
0xdd: {  	v3 =	vld [tilespmem:$0x120];
	_ =	sdelay $0x4  }
0xde: {  	v4 =	vshll.u32 v3, $0x1  }
0xdf: {  	v3 =	vand.u32 $0x7, v3;
	v4 =	vand.u32 $0xFFFFFFF0, v4  }
0xe0: {  	v3 =	vor.u32 v3, v4  }
0xe1: {  	v4 =	vperm.xlane v3, v0;
	_ =	sdelay $0x1  }
0xe2: {  	v3 =	vperm.xlane v3, v2;
	v4 =	vadd.s32 v1, v4;
	_ =	sdelay $0x1  }
0xe3: {  	v3 =	vadd.s32 v1, v3;
	_ =	sdelay $0x1  }
0xe4: {  	s12 =	simm.s32 $0xB400  }
0xe5: {  	[tilespmem:s12], [sflag:$0x3] =	stream.indirect_vreg.gather [hbm4b:s1+s0], $0x80, v4, vm0, $0xb8;
	[tilespmem:$0x1C400] =	vst v63  }
0xe6: {  	s13 =	simm.s32 $0xBC00  }
0xe7: {  	[tilespmem:s13], [sflag:$0x3] =	stream.indirect_vreg.gather [hbm4b:s1+s0], $0x80, v3, vm0, $0xb8;
	[tilespmem:$0x1C400] =	vst v63  }
0xe8: {  	v3 =	vld [tilespmem:$0x130];
	_ =	sdelay $0x4  }
0xe9: {  	v4 =	vshll.u32 v3, $0x1  }
0xea: {  	v3 =	vand.u32 $0x7, v3;
	v4 =	vand.u32 $0xFFFFFFF0, v4  }
0xeb: {  	v3 =	vor.u32 v3, v4  }
0xec: {  	v4 =	vperm.xlane v3, v0;
	_ =	sdelay $0x1  }
0xed: {  	v3 =	vperm.xlane v3, v2;
	v4 =	vadd.s32 v1, v4;
	_ =	sdelay $0x1  }
0xee: {  	v3 =	vadd.s32 v1, v3;
	_ =	sdelay $0x1  }
0xef: {  	s14 =	simm.s32 $0xC400  }
0xf0: {  	[tilespmem:s14], [sflag:$0x3] =	stream.indirect_vreg.gather [hbm4b:s1+s0], $0x80, v4, vm0, $0xb8;
	[tilespmem:$0x1C400] =	vst v63  }
0xf1: {  	s15 =	simm.s32 $0xCC00  }
0xf2: {  	[tilespmem:s15], [sflag:$0x3] =	stream.indirect_vreg.gather [hbm4b:s1+s0], $0x80, v3, vm0, $0xb8;
	[tilespmem:$0x1C400] =	vst v63  }
0xf3: {  	v3 =	vld [tilespmem:$0x140];
	_ =	sdelay $0x4  }
0xf4: {  	v4 =	vshll.u32 v3, $0x1  }
0xf5: {  	v3 =	vand.u32 $0x7, v3;
	v4 =	vand.u32 $0xFFFFFFF0, v4  }
0xf6: {  	v3 =	vor.u32 v3, v4  }
0xf7: {  	v4 =	vperm.xlane v3, v0;
	_ =	sdelay $0x1  }
0xf8: {  	v3 =	vperm.xlane v3, v2;
	v4 =	vadd.s32 v1, v4;
	_ =	sdelay $0x1  }
0xf9: {  	v3 =	vadd.s32 v1, v3;
	_ =	sdelay $0x1  }
0xfa: {  	s16 =	simm.s32 $0xD400  }
0xfb: {  	[tilespmem:s16], [sflag:$0x3] =	stream.indirect_vreg.gather [hbm4b:s1+s0], $0x80, v4, vm0, $0xb8;
	[tilespmem:$0x1C400] =	vst v63  }
0xfc: {  	s17 =	simm.s32 $0xDC00  }
0xfd: {  	[tilespmem:s17], [sflag:$0x3] =	stream.indirect_vreg.gather [hbm4b:s1+s0], $0x80, v3, vm0, $0xb8;
	[tilespmem:$0x1C400] =	vst v63  }
0xfe: {  	v3 =	vld [tilespmem:$0x150];
	_ =	sdelay $0x4  }
0xff: {  	v4 =	vshll.u32 v3, $0x1  }
0x100: {  	v3 =	vand.u32 $0x7, v3;
	v4 =	vand.u32 $0xFFFFFFF0, v4  }
0x101: {  	v3 =	vor.u32 v3, v4  }
0x102: {  	v4 =	vperm.xlane v3, v0;
	_ =	sdelay $0x1  }
0x103: {  	v3 =	vperm.xlane v3, v2;
	v4 =	vadd.s32 v1, v4;
	_ =	sdelay $0x1  }
0x104: {  	v3 =	vadd.s32 v1, v3;
	_ =	sdelay $0x1  }
0x105: {  	s18 =	simm.s32 $0xE400  }
0x106: {  	[tilespmem:s18], [sflag:$0x4] =	stream.indirect_vreg.gather [hbm4b:s1+s0], $0x80, v4, vm0, $0xb8;
	[tilespmem:$0x1C400] =	vst v63  }
0x107: {  	s19 =	simm.s32 $0xEC00  }
0x108: {  	[tilespmem:s19], [sflag:$0x4] =	stream.indirect_vreg.gather [hbm4b:s1+s0], $0x80, v3, vm0, $0xb8;
	[tilespmem:$0x1C400] =	vst v63  }
0x109: {  	v3 =	vld [tilespmem:$0x160];
	_ =	sdelay $0x4  }
0x10a: {  	v4 =	vshll.u32 v3, $0x1  }
0x10b: {  	v3 =	vand.u32 $0x7, v3;
	v4 =	vand.u32 $0xFFFFFFF0, v4  }
0x10c: {  	v3 =	vor.u32 v3, v4  }
0x10d: {  	v4 =	vperm.xlane v3, v0;
	_ =	sdelay $0x1  }
0x10e: {  	v3 =	vperm.xlane v3, v2;
	v4 =	vadd.s32 v1, v4;
	_ =	sdelay $0x1  }
0x10f: {  	v3 =	vadd.s32 v1, v3;
	_ =	sdelay $0x1  }
0x110: {  	s20 =	simm.s32 $0xF400  }
0x111: {  	[tilespmem:s20], [sflag:$0x4] =	stream.indirect_vreg.gather [hbm4b:s1+s0], $0x80, v4, vm0, $0xb8;
	[tilespmem:$0x1C400] =	vst v63  }
0x112: {  	s21 =	simm.s32 $0xFC00  }
0x113: {  	[tilespmem:s21], [sflag:$0x4] =	stream.indirect_vreg.gather [hbm4b:s1+s0], $0x80, v3, vm0, $0xb8;
	[tilespmem:$0x1C400] =	vst v63  }
0x114: {  	v3 =	vld [tilespmem:$0x170];
	_ =	sdelay $0x4  }
0x115: {  	v4 =	vshll.u32 v3, $0x1  }
0x116: {  	v3 =	vand.u32 $0x7, v3;
	v4 =	vand.u32 $0xFFFFFFF0, v4  }
0x117: {  	v3 =	vor.u32 v3, v4  }
0x118: {  	v4 =	vperm.xlane v3, v0;
	_ =	sdelay $0x1  }
0x119: {  	v3 =	vperm.xlane v3, v2;
	v4 =	vadd.s32 v1, v4;
	_ =	sdelay $0x1  }
0x11a: {  	v3 =	vadd.s32 v1, v3;
	_ =	sdelay $0x1  }
0x11b: {  	s22 =	simm.s32 $0x10400  }
0x11c: {  	[tilespmem:s22], [sflag:$0x4] =	stream.indirect_vreg.gather [hbm4b:s1+s0], $0x80, v4, vm0, $0xb8;
	[tilespmem:$0x1C400] =	vst v63  }
0x11d: {  	s23 =	simm.s32 $0x10C00  }
0x11e: {  	[tilespmem:s23], [sflag:$0x4] =	stream.indirect_vreg.gather [hbm4b:s1+s0], $0x80, v3, vm0, $0xb8;
	[tilespmem:$0x1C400] =	vst v63  }
0x11f: {  	v3 =	vld [tilespmem:$0x180];
	_ =	sdelay $0x4  }
0x120: {  	v4 =	vshll.u32 v3, $0x1  }
0x121: {  	v3 =	vand.u32 $0x7, v3;
	v4 =	vand.u32 $0xFFFFFFF0, v4  }
0x122: {  	v3 =	vor.u32 v3, v4  }
0x123: {  	v4 =	vperm.xlane v3, v0;
	_ =	sdelay $0x1  }
0x124: {  	v3 =	vperm.xlane v3, v2;
	v4 =	vadd.s32 v1, v4;
	_ =	sdelay $0x1  }
0x125: {  	v3 =	vadd.s32 v1, v3;
	_ =	sdelay $0x1  }
0x126: {  	s24 =	simm.s32 $0x11400  }
0x127: {  	[tilespmem:s24], [sflag:$0x4] =	stream.indirect_vreg.gather [hbm4b:s1+s0], $0x80, v4, vm0, $0xb8;
	[tilespmem:$0x1C400] =	vst v63  }
0x128: {  	s25 =	simm.s32 $0x11C00  }
0x129: {  	[tilespmem:s25], [sflag:$0x4] =	stream.indirect_vreg.gather [hbm4b:s1+s0], $0x80, v3, vm0, $0xb8;
	[tilespmem:$0x1C400] =	vst v63  }
0x12a: {  	v3 =	vld [tilespmem:$0x190];
	_ =	sdelay $0x4  }
0x12b: {  	v4 =	vshll.u32 v3, $0x1  }
0x12c: {  	v3 =	vand.u32 $0x7, v3;
	v4 =	vand.u32 $0xFFFFFFF0, v4  }
0x12d: {  	v3 =	vor.u32 v3, v4  }
0x12e: {  	v4 =	vperm.xlane v3, v0;
	_ =	sdelay $0x1  }
0x12f: {  	v3 =	vperm.xlane v3, v2;
	v4 =	vadd.s32 v1, v4;
	_ =	sdelay $0x1  }
0x130: {  	v3 =	vadd.s32 v1, v3;
	_ =	sdelay $0x1  }
0x131: {  	s26 =	simm.s32 $0x12400  }
0x132: {  	[tilespmem:s26], [sflag:$0x4] =	stream.indirect_vreg.gather [hbm4b:s1+s0], $0x80, v4, vm0, $0xb8;
	[tilespmem:$0x1C400] =	vst v63  }
0x133: {  	s28 =	simm.s32 $0x12C00  }
0x134: {  	[tilespmem:s28], [sflag:$0x4] =	stream.indirect_vreg.gather [hbm4b:s1+s0], $0x80, v3, vm0, $0xb8;
	[tilespmem:$0x1C400] =	vst v63  }
0x135: {  	v3 =	vld [tilespmem:$0x1A0];
	_ =	sdelay $0x4  }
0x136: {  	v4 =	vshll.u32 v3, $0x1  }
0x137: {  	v3 =	vand.u32 $0x7, v3;
	v4 =	vand.u32 $0xFFFFFFF0, v4  }
0x138: {  	v3 =	vor.u32 v3, v4  }
0x139: {  	v4 =	vperm.xlane v3, v0;
	_ =	sdelay $0x1  }
0x13a: {  	v3 =	vperm.xlane v3, v2;
	v4 =	vadd.s32 v1, v4;
	_ =	sdelay $0x1  }
0x13b: {  	v3 =	vadd.s32 v1, v3;
	_ =	sdelay $0x1  }
0x13c: {  	s29 =	simm.s32 $0x13400  }
0x13d: {  	[tilespmem:s29], [sflag:$0x4] =	stream.indirect_vreg.gather [hbm4b:s1+s0], $0x80, v4, vm0, $0xb8;
	[tilespmem:$0x1C400] =	vst v63  }
0x13e: {  	s30 =	simm.s32 $0x13C00  }
0x13f: {  	[tilespmem:s30], [sflag:$0x4] =	stream.indirect_vreg.gather [hbm4b:s1+s0], $0x80, v3, vm0, $0xb8;
	[tilespmem:$0x1C400] =	vst v63  }
0x140: {  	v3 =	vld [tilespmem:$0x1B0];
	_ =	sdelay $0x4  }
0x141: {  	v4 =	vshll.u32 v3, $0x1  }
0x142: {  	v3 =	vand.u32 $0x7, v3;
	v4 =	vand.u32 $0xFFFFFFF0, v4  }
0x143: {  	v3 =	vor.u32 v3, v4  }
0x144: {  	v4 =	vperm.xlane v3, v0;
	_ =	sdelay $0x1  }
0x145: {  	v3 =	vperm.xlane v3, v2;
	v4 =	vadd.s32 v1, v4;
	_ =	sdelay $0x1  }
0x146: {  	v3 =	vadd.s32 v1, v3;
	_ =	sdelay $0x1  }
0x147: {  	s3 =	simm.s32 $0x14400  }
0x148: {  	[tilespmem:s3], [sflag:$0x4] =	stream.indirect_vreg.gather [hbm4b:s1+s0], $0x80, v4, vm0, $0xb8;
	[tilespmem:$0x1C400] =	vst v63  }
0x149: {  	s4 =	simm.s32 $0x14C00;
	s5 =	simm.s32 $0x1  }
0x14a: {  	[tilespmem:s4], [sflag:$0x4] =	stream.indirect_vreg.gather [hbm4b:s1+s0], $0x80, v3, vm0, $0xb8;
	[tilespmem:$0x1C400] =	vst v63  }
0x14b: {  	_ =	swait.ge [sflag:s5], $0x7000  }
0x14c: {  	[sflag:s5] =	ssyncset.done $0x0  }
0x14d: {  	s6 =	simm.s32 $0x2;
	[sflag:s5] =	ssyncadd.s32 $0xFFFF9000  }
0x14e: {  	_ =	swait.ge [sflag:s6], $0x7000  }
0x14f: {  	s7 =	sand.u32 $0x7800, s0;
	s0 =	sand.u32 $0x200, s0;
	[sflag:s6] =	ssyncset.done $0x0  }
0x150: {  	s8 =	sor.u32 s0, s7;
	[sflag:s6] =	ssyncadd.s32 $0xFFFF9000  }
0x151: {  	v3 =	vld [tilespmem:s8+$0x580]  }
0x152: {  	v4 =	vld [tilespmem:s8+$0x590]  }
0x153: {  	v5 =	vld [tilespmem:s8+$0x5A0]  }
0x154: {  	v6 =	vld [tilespmem:s8+$0x5B0]  }
0x155: {  	v7 =	vld [tilespmem:s8+$0x5C0]  }
0x156: {  	v8 =	vld [tilespmem:s8+$0x5D0]  }
0x157: {  	v9 =	vld [tilespmem:s8+$0x5E0]  }
0x158: {  	v10 =	vld [tilespmem:s8+$0x5F0]  }
0x159: {  	v61 =	vld [tilespmem:s8+$0x440]  }
0x15a: {  	v62 =	vld [tilespmem:s8+$0x450]  }
0x15b: {  	v63 =	vld [tilespmem:s8+$0x460]  }
0x15c: {  	v11 =	vld [tilespmem:s8+$0x470]  }
0x15d: {  	v12 =	vld [tilespmem:s8+$0x480]  }
0x15e: {  	v13 =	vld [tilespmem:s8+$0x490]  }
0x15f: {  	v14 =	vld [tilespmem:s8+$0x4A0]  }
0x160: {  	v15 =	vld [tilespmem:s8+$0x4B0]  }
0x161: {  	v16 =	vld [tilespmem:s8+$0x4C0]  }
0x162: {  	v17 =	vld [tilespmem:s8+$0x4D0]  }
0x163: {  	v18 =	vld [tilespmem:s8+$0x4E0]  }
0x164: {  	v19 =	vld [tilespmem:s8+$0x4F0]  }
0x165: {  	v20 =	vld [tilespmem:s8+$0x500]  }
0x166: {  	v21 =	vld [tilespmem:s8+$0x510]  }
0x167: {  	v22 =	vld [tilespmem:s8+$0x520]  }
0x168: {  	v23 =	vld [tilespmem:s8+$0x530]  }
0x169: {  	v24 =	vld [tilespmem:s8+$0x540]  }
0x16a: {  	v25 =	vld [tilespmem:s8+$0x550]  }
0x16b: {  	v26 =	vld [tilespmem:s8+$0x560]  }
0x16c: {  	v27 =	vld [tilespmem:s8+$0x570]  }
0x16d: {  	[tilespmem:s8+$0x15580] =	vst.add.f32.msk $0xffff, v3  }
0x16e: {  	[tilespmem:s8+$0x15590] =	vst.add.f32.msk $0xffff, v4  }
0x16f: {  	[tilespmem:s8+$0x155A0] =	vst.add.f32.msk $0xffff, v5  }
0x170: {  	[tilespmem:s8+$0x155B0] =	vst.add.f32.msk $0xffff, v6  }
0x171: {  	[tilespmem:s8+$0x155C0] =	vst.add.f32.msk $0xffff, v7  }
0x172: {  	[tilespmem:s8+$0x155D0] =	vst.add.f32.msk $0xffff, v8  }
0x173: {  	[tilespmem:s8+$0x155E0] =	vst.add.f32.msk $0xffff, v9  }
0x174: {  	[tilespmem:s8+$0x155F0] =	vst.add.f32.msk $0xffff, v10  }
0x175: {  	v4 =	vld [tilespmem:s8+$0x400]  }
0x176: {  	v5 =	vld [tilespmem:s8+$0x410]  }
0x177: {  	p0 =	por $0x0, $0x0;
	s0 =	simm.s32 $0x1;
	v6 =	vld [tilespmem:s8+$0x420]  }
0x178: {  	s0 =	simm.s32 @!p0 $0x0;
	v7 =	vld [tilespmem:s8+$0x430]  }
0x179: {  	s0 =	sshll.u32 s0, $0x9;
	[tilespmem:s8+$0x15440] =	vst.add.f32.msk $0xffff, v61  }
0x17a: {  	s0 =	sadd.s32 $0x0, s0;
	[tilespmem:s8+$0x15450] =	vst.add.f32.msk $0xffff, v62  }
0x17b: {  	s9 =	sadd.s32 $0x180, s0;
	[tilespmem:s8+$0x15460] =	vst.add.f32.msk $0xffff, v63  }
0x17c: {  	s3 =	sor.u32 $0x400, s9;
	[tilespmem:s8+$0x15470] =	vst.add.f32.msk $0xffff, v11  }
0x17d: {  	v3 =	vld [tilespmem:s3+$0x400]  }
0x17e: {  	[tilespmem:s8+$0x15480] =	vst.add.f32.msk $0xffff, v12  }
0x17f: {  	[tilespmem:s8+$0x15490] =	vst.add.f32.msk $0xffff, v13  }
0x180: {  	[tilespmem:s8+$0x154A0] =	vst.add.f32.msk $0xffff, v14  }
0x181: {  	[tilespmem:s8+$0x154B0] =	vst.add.f32.msk $0xffff, v15  }
0x182: {  	s11 =	sor.u32 $0x410, s9;
	[tilespmem:s3+$0x15400] =	vst.add.f32.msk $0xffff, v3  }
0x183: {  	v3 =	vld [tilespmem:s11+$0x400]  }
0x184: {  	[tilespmem:s8+$0x154C0] =	vst.add.f32.msk $0xffff, v16  }
0x185: {  	[tilespmem:s8+$0x154D0] =	vst.add.f32.msk $0xffff, v17  }
0x186: {  	[tilespmem:s8+$0x154E0] =	vst.add.f32.msk $0xffff, v18  }
0x187: {  	[tilespmem:s8+$0x154F0] =	vst.add.f32.msk $0xffff, v19  }
0x188: {  	s12 =	sor.u32 $0x420, s9;
	[tilespmem:s11+$0x15400] =	vst.add.f32.msk $0xffff, v3  }
0x189: {  	v3 =	vld [tilespmem:s12+$0x400]  }
0x18a: {  	[tilespmem:s8+$0x15500] =	vst.add.f32.msk $0xffff, v20  }
0x18b: {  	[tilespmem:s8+$0x15510] =	vst.add.f32.msk $0xffff, v21  }
0x18c: {  	[tilespmem:s8+$0x15520] =	vst.add.f32.msk $0xffff, v22  }
0x18d: {  	[tilespmem:s8+$0x15530] =	vst.add.f32.msk $0xffff, v23  }
0x18e: {  	s13 =	sor.u32 $0x430, s9;
	[tilespmem:s12+$0x15400] =	vst.add.f32.msk $0xffff, v3  }
0x18f: {  	v3 =	vld [tilespmem:s13+$0x400]  }
0x190: {  	[tilespmem:s8+$0x15540] =	vst.add.f32.msk $0xffff, v24  }
0x191: {  	[tilespmem:s8+$0x15550] =	vst.add.f32.msk $0xffff, v25  }
0x192: {  	[tilespmem:s8+$0x15560] =	vst.add.f32.msk $0xffff, v26  }
0x193: {  	[tilespmem:s8+$0x15570] =	vst.add.f32.msk $0xffff, v27  }
0x194: {  	s14 =	sor.u32 $0x440, s9;
	[tilespmem:s13+$0x15400] =	vst.add.f32.msk $0xffff, v3  }
0x195: {  	v3 =	vld [tilespmem:s14+$0x400]  }
0x196: {  	[tilespmem:s8+$0x15400] =	vst.add.f32.msk $0xffff, v4  }
0x197: {  	s16 =	sadd.s32 $0x80, s0;
	[tilespmem:s8+$0x15410] =	vst.add.f32.msk $0xffff, v5  }
0x198: {  	s5 =	sor.u32 $0x400, s16;
	[tilespmem:s8+$0x15420] =	vst.add.f32.msk $0xffff, v6  }
0x199: {  	v4 =	vld [tilespmem:s5+$0x400]  }
0x19a: {  	s15 =	sor.u32 $0x450, s9;
	[tilespmem:s14+$0x15400] =	vst.add.f32.msk $0xffff, v3  }
0x19b: {  	s10 =	sadd.s32 $0x100, s0;
	v3 =	vld [tilespmem:s15+$0x400]  }
0x19c: {  	s7 =	sor.u32 $0x400, s10;
	[tilespmem:s8+$0x15430] =	vst.add.f32.msk $0xffff, v7  }
0x19d: {  	v5 =	vld [tilespmem:s7+$0x400]  }
0x19e: {  	s18 =	sor.u32 $0x410, s16;
	[tilespmem:s5+$0x15400] =	vst.add.f32.msk $0xffff, v4  }
0x19f: {  	v4 =	vld [tilespmem:s18+$0x400]  }
0x1a0: {  	s4 =	sor.u32 $0x400, s0;
	[tilespmem:s15+$0x15400] =	vst.add.f32.msk $0xffff, v3  }
0x1a1: {  	v3 =	vld [tilespmem:s4+$0x400]  }
0x1a2: {  	s8 =	sor.u32 $0x410, s10;
	[tilespmem:s7+$0x15400] =	vst.add.f32.msk $0xffff, v5  }
0x1a3: {  	v5 =	vld [tilespmem:s8+$0x400];
	_ =	sdelay $0x1  }
0x1a4: {  	[tilespmem:s18+$0x15400] =	vst.add.f32.msk $0xffff, v4  }
0x1a5: {  	s17 =	sor.u32 $0x410, s0;
	[tilespmem:s4+$0x15400] =	vst.add.f32.msk $0xffff, v3  }
0x1a6: {  	v3 =	vld [tilespmem:s17+$0x400]  }
0x1a7: {  	s21 =	sor.u32 $0x420, s16;
	[tilespmem:s8+$0x15400] =	vst.add.f32.msk $0xffff, v5  }
0x1a8: {  	s22 =	sor.u32 $0x420, s10;
	v4 =	vld [tilespmem:s21+$0x400]  }
0x1a9: {  	v5 =	vld [tilespmem:s22+$0x400];
	_ =	sdelay $0x1  }
0x1aa: {  	s20 =	sor.u32 $0x420, s0;
	[tilespmem:s17+$0x15400] =	vst.add.f32.msk $0xffff, v3  }
0x1ab: {  	v3 =	vld [tilespmem:s20+$0x400]  }
0x1ac: {  	[tilespmem:s21+$0x15400] =	vst.add.f32.msk $0xffff, v4  }
0x1ad: {  	s24 =	sor.u32 $0x430, s16;
	[tilespmem:s22+$0x15400] =	vst.add.f32.msk $0xffff, v5  }
0x1ae: {  	s19 =	sor.u32 $0x460, s9;
	v4 =	vld [tilespmem:s24+$0x400]  }
0x1af: {  	v6 =	vld [tilespmem:s19+$0x400]  }
0x1b0: {  	s23 =	sor.u32 $0x430, s0;
	[tilespmem:s20+$0x15400] =	vst.add.f32.msk $0xffff, v3  }
0x1b1: {  	s25 =	sor.u32 $0x430, s10;
	v3 =	vld [tilespmem:s23+$0x400]  }
0x1b2: {  	v5 =	vld [tilespmem:s25+$0x400]  }
0x1b3: {  	[tilespmem:s24+$0x15400] =	vst.add.f32.msk $0xffff, v4  }
0x1b4: {  	s1 =	sor.u32 $0x470, s9;
	[tilespmem:s19+$0x15400] =	vst.add.f32.msk $0xffff, v6  }
0x1b5: {  	v6 =	vld [tilespmem:s1+$0x400]  }
0x1b6: {  	s26 =	sor.u32 $0x440, s0;
	[tilespmem:s23+$0x15400] =	vst.add.f32.msk $0xffff, v3  }
0x1b7: {  	v3 =	vld [tilespmem:s26+$0x400]  }
0x1b8: {  	s28 =	sor.u32 $0x440, s16;
	[tilespmem:s25+$0x15400] =	vst.add.f32.msk $0xffff, v5  }
0x1b9: {  	s29 =	sor.u32 $0x440, s10;
	v4 =	vld [tilespmem:s28+$0x400]  }
0x1ba: {  	v5 =	vld [tilespmem:s29+$0x400]  }
0x1bb: {  	[tilespmem:s1+$0x15400] =	vst.add.f32.msk $0xffff, v6  }
0x1bc: {  	s30 =	sor.u32 $0x450, s0;
	[tilespmem:s26+$0x15400] =	vst.add.f32.msk $0xffff, v3  }
0x1bd: {  	v6 =	vld [tilespmem:s30+$0x400]  }
0x1be: {  	[tilespmem:s28+$0x15400] =	vst.add.f32.msk $0xffff, v4  }
0x1bf: {  	s2 =	simm.s32 $0x0;
	s13 =	sor.u32 $0x450, s10;
	[tilespmem:s29+$0x15400] =	vst.add.f32.msk $0xffff, v5  }
0x1c0: {  	s31 =	sor.u32 $0x460, s16;
	s9 =	sor.u32 $0x460, s0;
	s14 =	sor.u32 $0x450, s16;
	v4 =	vld [tilespmem:s13+$0x400]  }
0x1c1: {  	s0 =	sor.u32 $0x470, s0;
	s3 =	sor.u32 $0x470, s10;
	s11 =	simm.s32 $0x200;
	v3 =	vld [tilespmem:s14+$0x400]  }
0x1c2: {  	s12 =	simm.s32 $0x400;
	s17 =	sor.u32 $0x470, s16;
	s1 =	sor.u32 $0x460, s10;
	[tilespmem:s30+$0x15400] =	vst.add.f32.msk $0xffff, v6  }
.LBB2_3:
0x1c3: {  	s4 =	sand.u32 $0x7800, s12;
	s5 =	sand.u32 $0x200, s11  }
0x1c4: {  	s23 =	sor.u32 s5, s4  }
0x1c5: {  	v5 =	vld [tilespmem:s23+$0x5A0]  }
0x1c6: {  	v6 =	vld [tilespmem:s23+$0x5B0]  }
0x1c7: {  	v7 =	vld [tilespmem:s23+$0x5C0]  }
0x1c8: {  	v8 =	vld [tilespmem:s23+$0x5D0]  }
0x1c9: {  	v9 =	vld [tilespmem:s23+$0x5E0]  }
0x1ca: {  	v10 =	vld [tilespmem:s23+$0x5F0]  }
0x1cb: {  	v60 =	vld [tilespmem:s23+$0x440]  }
0x1cc: {  	v61 =	vld [tilespmem:s23+$0x450]  }
0x1cd: {  	v62 =	vld [tilespmem:s23+$0x460]  }
0x1ce: {  	v11 =	vld [tilespmem:s23+$0x470]  }
0x1cf: {  	[tilespmem:s14+$0x15400] =	vst.add.f32.msk $0xffff, v3  }
0x1d0: {  	[tilespmem:s13+$0x15400] =	vst.add.f32.msk $0xffff, v4  }
0x1d1: {  	v3 =	vld [tilespmem:s23+$0x580]  }
0x1d2: {  	v4 =	vld [tilespmem:s23+$0x590]  }
0x1d3: {  	v12 =	vld [tilespmem:s23+$0x480]  }
0x1d4: {  	v13 =	vld [tilespmem:s23+$0x490]  }
0x1d5: {  	v14 =	vld [tilespmem:s23+$0x4A0]  }
0x1d6: {  	v15 =	vld [tilespmem:s23+$0x4B0]  }
0x1d7: {  	v16 =	vld [tilespmem:s23+$0x4C0]  }
0x1d8: {  	v17 =	vld [tilespmem:s23+$0x4D0]  }
0x1d9: {  	v18 =	vld [tilespmem:s23+$0x4E0]  }
0x1da: {  	v19 =	vld [tilespmem:s23+$0x4F0]  }
0x1db: {  	v20 =	vld [tilespmem:s23+$0x500]  }
0x1dc: {  	v21 =	vld [tilespmem:s23+$0x510]  }
0x1dd: {  	v22 =	vld [tilespmem:s23+$0x520]  }
0x1de: {  	v23 =	vld [tilespmem:s23+$0x530]  }
0x1df: {  	v24 =	vld [tilespmem:s23+$0x540]  }
0x1e0: {  	v25 =	vld [tilespmem:s23+$0x550]  }
0x1e1: {  	v26 =	vld [tilespmem:s23+$0x560]  }
0x1e2: {  	v27 =	vld [tilespmem:s23+$0x570]  }
0x1e3: {  	[tilespmem:s23+$0x155A0] =	vst.add.f32.msk $0xffff, v5  }
0x1e4: {  	[tilespmem:s23+$0x155B0] =	vst.add.f32.msk $0xffff, v6  }
0x1e5: {  	[tilespmem:s23+$0x155C0] =	vst.add.f32.msk $0xffff, v7  }
0x1e6: {  	[tilespmem:s23+$0x155D0] =	vst.add.f32.msk $0xffff, v8  }
0x1e7: {  	[tilespmem:s23+$0x155E0] =	vst.add.f32.msk $0xffff, v9  }
0x1e8: {  	[tilespmem:s23+$0x155F0] =	vst.add.f32.msk $0xffff, v10  }
0x1e9: {  	v5 =	vld [tilespmem:s23+$0x410]  }
0x1ea: {  	v6 =	vld [tilespmem:s23+$0x420]  }
0x1eb: {  	p0 =	por !p0, !p0;
	s4 =	simm.s32 $0x1;
	v7 =	vld [tilespmem:s23+$0x430]  }
0x1ec: {  	s4 =	simm.s32 @!p0 $0x0;
	[tilespmem:s23+$0x15440] =	vst.add.f32.msk $0xffff, v60  }
0x1ed: {  	s4 =	sshll.u32 s4, $0x9;
	[tilespmem:s23+$0x15450] =	vst.add.f32.msk $0xffff, v61  }
0x1ee: {  	s18 =	sadd.s32 s4, s12;
	[tilespmem:s23+$0x15460] =	vst.add.f32.msk $0xffff, v62  }
0x1ef: {  	s20 =	sadd.s32 $0x180, s18;
	[tilespmem:s23+$0x15580] =	vst.add.f32.msk $0xffff, v3  }
0x1f0: {  	s16 =	sor.u32 $0x400, s20;
	[tilespmem:s23+$0x15590] =	vst.add.f32.msk $0xffff, v4  }
0x1f1: {  	v3 =	vld [tilespmem:s16+$0x400]  }
0x1f2: {  	[tilespmem:s23+$0x15470] =	vst.add.f32.msk $0xffff, v11  }
0x1f3: {  	v4 =	vld [tilespmem:s23+$0x400]  }
0x1f4: {  	[tilespmem:s23+$0x15480] =	vst.add.f32.msk $0xffff, v12  }
0x1f5: {  	[tilespmem:s23+$0x15490] =	vst.add.f32.msk $0xffff, v13  }
0x1f6: {  	[tilespmem:s16+$0x15400] =	vst.add.f32.msk $0xffff, v3;
	s16 =	sor.u32 $0x410, s20  }
0x1f7: {  	v3 =	vld [tilespmem:s16+$0x400]  }
0x1f8: {  	[tilespmem:s23+$0x154A0] =	vst.add.f32.msk $0xffff, v14  }
0x1f9: {  	[tilespmem:s23+$0x154B0] =	vst.add.f32.msk $0xffff, v15  }
0x1fa: {  	[tilespmem:s23+$0x154C0] =	vst.add.f32.msk $0xffff, v16  }
0x1fb: {  	[tilespmem:s23+$0x154D0] =	vst.add.f32.msk $0xffff, v17  }
0x1fc: {  	[tilespmem:s16+$0x15400] =	vst.add.f32.msk $0xffff, v3;
	s16 =	sor.u32 $0x420, s20  }
0x1fd: {  	v3 =	vld [tilespmem:s16+$0x400]  }
0x1fe: {  	s6 =	sadd.s32 $0x80, s18;
	s5 =	sor.u32 $0x450, s18;
	[tilespmem:s23+$0x154E0] =	vst.add.f32.msk $0xffff, v18  }
0x1ff: {  	[dreg:$0xb] =	wrdreg s5;
	s5 =	sor.u32 $0x460, s6;
	[tilespmem:s23+$0x154F0] =	vst.add.f32.msk $0xffff, v19  }
0x200: {  	s15 =	sadd.s32 $0x100, s18;
	[smem:$0x7F3] =	sst s5;
	s5 =	sor.u32 $0x460, s18;
	[tilespmem:s23+$0x15500] =	vst.add.f32.msk $0xffff, v20  }
0x201: {  	[smem:$0x7F2] =	sst s5;
	s5 =	sor.u32 $0x460, s15;
	[tilespmem:s23+$0x15510] =	vst.add.f32.msk $0xffff, v21  }
0x202: {  	[smem:$0x7F4] =	sst s5;
	s5 =	sor.u32 $0x430, s20;
	[tilespmem:s16+$0x15400] =	vst.add.f32.msk $0xffff, v3  }
0x203: {  	v3 =	vld [tilespmem:s5+$0x400]  }
0x204: {  	[tilespmem:s23+$0x15520] =	vst.add.f32.msk $0xffff, v22  }
0x205: {  	[tilespmem:s23+$0x15530] =	vst.add.f32.msk $0xffff, v23  }
0x206: {  	[tilespmem:s23+$0x15540] =	vst.add.f32.msk $0xffff, v24  }
0x207: {  	[tilespmem:s23+$0x15550] =	vst.add.f32.msk $0xffff, v25  }
0x208: {  	s16 =	sor.u32 $0x440, s20;
	[tilespmem:s5+$0x15400] =	vst.add.f32.msk $0xffff, v3  }
0x209: {  	v3 =	vld [tilespmem:s16+$0x400]  }
0x20a: {  	[tilespmem:s23+$0x15560] =	vst.add.f32.msk $0xffff, v26  }
0x20b: {  	[tilespmem:s23+$0x15570] =	vst.add.f32.msk $0xffff, v27  }
0x20c: {  	[tilespmem:s23+$0x15410] =	vst.add.f32.msk $0xffff, v5  }
0x20d: {  	[tilespmem:s23+$0x15420] =	vst.add.f32.msk $0xffff, v6  }
0x20e: {  	s5 =	sor.u32 $0x450, s20;
	[tilespmem:s16+$0x15400] =	vst.add.f32.msk $0xffff, v3  }
0x20f: {  	v3 =	vld [tilespmem:s5+$0x400]  }
0x210: {  	s25 =	sor.u32 $0x400, s15;
	[tilespmem:s23+$0x15430] =	vst.add.f32.msk $0xffff, v7  }
0x211: {  	v5 =	vld [tilespmem:s25+$0x400]  }
0x212: {  	v7 =	vld [tilespmem:s31+$0x400]  }
0x213: {  	[tilespmem:s23+$0x15400] =	vst.add.f32.msk $0xffff, v4  }
0x214: {  	s16 =	sor.u32 $0x460, s20;
	[tilespmem:s5+$0x15400] =	vst.add.f32.msk $0xffff, v3  }
0x215: {  	s28 =	sor.u32 $0x400, s6;
	v3 =	vld [tilespmem:s16+$0x400]  }
0x216: {  	v4 =	vld [tilespmem:s28+$0x400]  }
0x217: {  	v6 =	vld [tilespmem:s9+$0x400]  }
0x218: {  	s26 =	sor.u32 $0x410, s15;
	[tilespmem:s25+$0x15400] =	vst.add.f32.msk $0xffff, v5  }
0x219: {  	v5 =	vld [tilespmem:s26+$0x400]  }
0x21a: {  	s20 =	sor.u32 $0x470, s20;
	[tilespmem:s16+$0x15400] =	vst.add.f32.msk $0xffff, v3  }
0x21b: {  	v3 =	vld [tilespmem:s20+$0x400]  }
0x21c: {  	v63 =	vld [tilespmem:s1+$0x400]  }
0x21d: {  	s29 =	sor.u32 $0x410, s6;
	[tilespmem:s28+$0x15400] =	vst.add.f32.msk $0xffff, v4  }
0x21e: {  	v4 =	vld [tilespmem:s29+$0x400]  }
0x21f: {  	[tilespmem:s26+$0x15400] =	vst.add.f32.msk $0xffff, v5  }
0x220: {  	s30 =	sor.u32 $0x400, s18;
	[tilespmem:s20+$0x15400] =	vst.add.f32.msk $0xffff, v3  }
0x221: {  	s4 =	sor.u32 $0x420, s15;
	v3 =	vld [tilespmem:s30+$0x400]  }
0x222: {  	v5 =	vld [tilespmem:s4+$0x400]  }
0x223: {  	[tilespmem:s1+$0x15400] =	vst.add.f32.msk $0xffff, v63  }
0x224: {  	s7 =	sor.u32 $0x420, s6;
	[tilespmem:s29+$0x15400] =	vst.add.f32.msk $0xffff, v4  }
0x225: {  	v4 =	vld [tilespmem:s7+$0x400]  }
0x226: {  	s10 =	sor.u32 $0x410, s18;
	[tilespmem:s30+$0x15400] =	vst.add.f32.msk $0xffff, v3  }
0x227: {  	v3 =	vld [tilespmem:s10+$0x400]  }
0x228: {  	[tilespmem:s31+$0x15400] =	vst.add.f32.msk $0xffff, v7  }
0x229: {  	s21 =	sor.u32 $0x430, s15;
	[tilespmem:s4+$0x15400] =	vst.add.f32.msk $0xffff, v5  }
0x22a: {  	v5 =	vld [tilespmem:s21+$0x400]  }
0x22b: {  	[tilespmem:s9+$0x15400] =	vst.add.f32.msk $0xffff, v6  }
0x22c: {  	s8 =	sor.u32 $0x420, s18;
	[tilespmem:s10+$0x15400] =	vst.add.f32.msk $0xffff, v3  }
0x22d: {  	v3 =	vld [tilespmem:s8+$0x400]  }
0x22e: {  	s22 =	sor.u32 $0x430, s6;
	[tilespmem:s7+$0x15400] =	vst.add.f32.msk $0xffff, v4  }
0x22f: {  	v4 =	vld [tilespmem:s22+$0x400]  }
0x230: {  	v7 =	vld [tilespmem:s17+$0x400]  }
0x231: {  	s19 =	sor.u32 $0x440, s15;
	[tilespmem:s21+$0x15400] =	vst.add.f32.msk $0xffff, v5  }
0x232: {  	s24 =	sor.u32 $0x430, s18;
	[dreg:$0x13] =	wrdreg s19;
	[tilespmem:s8+$0x15400] =	vst.add.f32.msk $0xffff, v3  }
0x233: {  	s14 =	sor.u32 $0x440, s6;
	s28 =	rddreg [dreg:$0x13];
	v3 =	vld [tilespmem:s24+$0x400]  }
0x234: {  	[dreg:$0x1b] =	wrdreg s14;
	v5 =	vld [tilespmem:s28+$0x400]  }
0x235: {  	s26 =	rddreg [dreg:$0x1b];
	[tilespmem:s22+$0x15400] =	vst.add.f32.msk $0xffff, v4  }
0x236: {  	v4 =	vld [tilespmem:s26+$0x400]  }
0x237: {  	v6 =	vld [tilespmem:s0+$0x400]  }
0x238: {  	s19 =	sor.u32 $0x440, s18;
	[tilespmem:s24+$0x15400] =	vst.add.f32.msk $0xffff, v3  }
0x239: {  	v3 =	vld [tilespmem:s19+$0x400]  }
0x23a: {  	v8 =	vld [tilespmem:s3+$0x400]  }
0x23b: {  	[tilespmem:s28+$0x15400] =	vst.add.f32.msk $0xffff, v5  }
0x23c: {  	[tilespmem:s26+$0x15400] =	vst.add.f32.msk $0xffff, v4  }
0x23d: {  	s2 =	sadd.s32 $0x4, s2;
	[tilespmem:s0+$0x15400] =	vst.add.f32.msk $0xffff, v6  }
0x23e: {  	s11 =	sadd.s32 $0x200, s11;
	p1 =	slt.u32 s2, $0x6C;
	s29 =	rddreg [dreg:$0xb];
	[tilespmem:s19+$0x15400] =	vst.add.f32.msk $0xffff, v3  }
0x23f: {  	s12 =	sadd.s32 $0x400, s12;
	s13 =	sor.u32 $0x450, s15;
	s25 =	sld [smem:$0x7F4];
	v5 =	vld [tilespmem:s29+$0x400]  }
.Ltmp0:
0x240: {  	s14 =	sor.u32 $0x450, s6;
	s23 =	sld [smem:$0x7F3];
	v4 =	vld [tilespmem:s13+$0x400];
	(pc) =	sbr.rel @p1 .LBB2_3-.Ltmp0, $4  }
0x241: {  	s6 =	sor.u32 $0x470, s6;
	s18 =	sor.u32 $0x470, s18;
	[tilespmem:s3+$0x15400] =	vst.add.f32.msk $0xffff, v8;
	s5 =	sld [smem:$0x7F2]  }
0x242: {  	[dreg:$0x3] =	wrdreg s6;
	s15 =	sor.u32 $0x470, s15;
	s1 =	smov.u32 s25;
	v3 =	vld [tilespmem:s14+$0x400]  }
0x243: {  	s31 =	smov.u32 s23;
	s3 =	smov.u32 s15;
	s30 =	rddreg [dreg:$0x3];
	[tilespmem:s17+$0x15400] =	vst.add.f32.msk $0xffff, v7  }
0x244: {  	s9 =	smov.u32 s5;
	s0 =	smov.u32 s18;
	s17 =	smov.u32 s30;
	[tilespmem:s29+$0x15400] =	vst.add.f32.msk $0xffff, v5  }
0x245: {  	[tilespmem:s13+$0x15400] =	vst.add.f32.msk $0xffff, v4  }
0x246: {  	v5 =	vld [tilespmem:s1+$0x400]  }
0x247: {  	[tilespmem:s14+$0x15400] =	vst.add.f32.msk $0xffff, v3  }
0x248: {  	v3 =	vld [tilespmem:s9+$0x400];
	_ =	sdelay $0x1  }
0x249: {  	v4 =	vld [tilespmem:s31+$0x400];
	_ =	sdelay $0x1  }
0x24a: {  	[tilespmem:s1+$0x15400] =	vst.add.f32.msk $0xffff, v5  }
0x24b: {  	[tilespmem:s9+$0x15400] =	vst.add.f32.msk $0xffff, v3  }
0x24c: {  	v5 =	vld [tilespmem:s3+$0x400]  }
0x24d: {  	[tilespmem:s31+$0x15400] =	vst.add.f32.msk $0xffff, v4  }
0x24e: {  	v3 =	vld [tilespmem:s0+$0x400]  }
0x24f: {  	v4 =	vld [tilespmem:s17+$0x400];
	_ =	sdelay $0x2  }
0x250: {  	[tilespmem:s3+$0x15400] =	vst.add.f32.msk $0xffff, v5  }
0x251: {  	[tilespmem:s0+$0x15400] =	vst.add.f32.msk $0xffff, v3  }
0x252: {  	[tilespmem:s17+$0x15400] =	vst.add.f32.msk $0xffff, v4  }
0x253: {  	v3 =	vld [tilespmem:$0x1C0];
	_ =	sdelay $0x4  }
0x254: {  	v4 =	vshll.u32 v3, $0x1  }
0x255: {  	v3 =	vand.u32 $0x7, v3;
	v4 =	vand.u32 $0xFFFFFFF0, v4  }
0x256: {  	v3 =	vor.u32 v3, v4  }
0x257: {  	v4 =	vperm.xlane v3, v0;
	_ =	sdelay $0x1  }
0x258: {  	v3 =	vperm.xlane v3, v2;
	v4 =	vadd.s32 v1, v4;
	_ =	sdelay $0x1  }
0x259: {  	s1 =	sld [smem:$0x7F9];
	v3 =	vadd.s32 v1, v3;
	_ =	sdelay $0x1  }
0x25a: {  	s2 =	simm.s32 $0x400;
	s17 =	simm.s32 $0x0  }
0x25b: {  	[tilespmem:s2], [sflag:$0x2] =	stream.indirect_vreg.gather [hbm4b:s1+s17], $0x80, v4, vm0, $0xb8;
	[tilespmem:$0x1C400] =	vst v63  }
0x25c: {  	s18 =	simm.s32 $0xC00  }
0x25d: {  	[tilespmem:s18], [sflag:$0x2] =	stream.indirect_vreg.gather [hbm4b:s1+s17], $0x80, v3, vm0, $0xb8;
	[tilespmem:$0x1C400] =	vst v63  }
0x25e: {  	v3 =	vld [tilespmem:$0x1D0];
	_ =	sdelay $0x4  }
0x25f: {  	v4 =	vshll.u32 v3, $0x1  }
0x260: {  	v3 =	vand.u32 $0x7, v3;
	v4 =	vand.u32 $0xFFFFFFF0, v4  }
0x261: {  	v3 =	vor.u32 v3, v4  }
0x262: {  	v4 =	vperm.xlane v3, v0;
	_ =	sdelay $0x1  }
0x263: {  	v3 =	vperm.xlane v3, v2;
	v4 =	vadd.s32 v1, v4;
	_ =	sdelay $0x1  }
0x264: {  	v3 =	vadd.s32 v1, v3;
	_ =	sdelay $0x1  }
0x265: {  	s19 =	simm.s32 $0x1400  }
0x266: {  	[tilespmem:s19], [sflag:$0x2] =	stream.indirect_vreg.gather [hbm4b:s1+s17], $0x80, v4, vm0, $0xb8;
	[tilespmem:$0x1C400] =	vst v63  }
0x267: {  	s20 =	simm.s32 $0x1C00  }
0x268: {  	[tilespmem:s20], [sflag:$0x2] =	stream.indirect_vreg.gather [hbm4b:s1+s17], $0x80, v3, vm0, $0xb8;
	[tilespmem:$0x1C400] =	vst v63  }
0x269: {  	v3 =	vld [tilespmem:$0x1E0];
	_ =	sdelay $0x4  }
0x26a: {  	v4 =	vshll.u32 v3, $0x1  }
0x26b: {  	v3 =	vand.u32 $0x7, v3;
	v4 =	vand.u32 $0xFFFFFFF0, v4  }
0x26c: {  	v3 =	vor.u32 v3, v4  }
0x26d: {  	v4 =	vperm.xlane v3, v0;
	_ =	sdelay $0x1  }
0x26e: {  	v3 =	vperm.xlane v3, v2;
	v4 =	vadd.s32 v1, v4;
	_ =	sdelay $0x1  }
0x26f: {  	v3 =	vadd.s32 v1, v3;
	_ =	sdelay $0x1  }
0x270: {  	s21 =	simm.s32 $0x2400  }
0x271: {  	[tilespmem:s21], [sflag:$0x2] =	stream.indirect_vreg.gather [hbm4b:s1+s17], $0x80, v4, vm0, $0xb8;
	[tilespmem:$0x1C400] =	vst v63  }
0x272: {  	s22 =	simm.s32 $0x2C00  }
0x273: {  	[tilespmem:s22], [sflag:$0x2] =	stream.indirect_vreg.gather [hbm4b:s1+s17], $0x80, v3, vm0, $0xb8;
	[tilespmem:$0x1C400] =	vst v63  }
0x274: {  	v3 =	vld [tilespmem:$0x1F0];
	_ =	sdelay $0x4  }
0x275: {  	v4 =	vshll.u32 v3, $0x1  }
0x276: {  	v3 =	vand.u32 $0x7, v3;
	v4 =	vand.u32 $0xFFFFFFF0, v4  }
0x277: {  	v3 =	vor.u32 v3, v4  }
0x278: {  	v4 =	vperm.xlane v3, v0;
	_ =	sdelay $0x1  }
0x279: {  	v3 =	vperm.xlane v3, v2;
	v4 =	vadd.s32 v1, v4;
	_ =	sdelay $0x1  }
0x27a: {  	v3 =	vadd.s32 v1, v3;
	_ =	sdelay $0x1  }
0x27b: {  	s23 =	simm.s32 $0x3400  }
0x27c: {  	[tilespmem:s23], [sflag:$0x2] =	stream.indirect_vreg.gather [hbm4b:s1+s17], $0x80, v4, vm0, $0xb8;
	[tilespmem:$0x1C400] =	vst v63  }
0x27d: {  	s24 =	simm.s32 $0x3C00  }
0x27e: {  	[tilespmem:s24], [sflag:$0x2] =	stream.indirect_vreg.gather [hbm4b:s1+s17], $0x80, v3, vm0, $0xb8;
	[tilespmem:$0x1C400] =	vst v63  }
0x27f: {  	v3 =	vld [tilespmem:$0x200];
	_ =	sdelay $0x4  }
0x280: {  	v4 =	vshll.u32 v3, $0x1  }
0x281: {  	v3 =	vand.u32 $0x7, v3;
	v4 =	vand.u32 $0xFFFFFFF0, v4  }
0x282: {  	v3 =	vor.u32 v3, v4  }
0x283: {  	v4 =	vperm.xlane v3, v0;
	_ =	sdelay $0x1  }
0x284: {  	v3 =	vperm.xlane v3, v2;
	v4 =	vadd.s32 v1, v4;
	_ =	sdelay $0x1  }
0x285: {  	v3 =	vadd.s32 v1, v3;
	_ =	sdelay $0x1  }
0x286: {  	s25 =	simm.s32 $0x4400  }
0x287: {  	[tilespmem:s25], [sflag:$0x2] =	stream.indirect_vreg.gather [hbm4b:s1+s17], $0x80, v4, vm0, $0xb8;
	[tilespmem:$0x1C400] =	vst v63  }
0x288: {  	s26 =	simm.s32 $0x4C00  }
0x289: {  	[tilespmem:s26], [sflag:$0x2] =	stream.indirect_vreg.gather [hbm4b:s1+s17], $0x80, v3, vm0, $0xb8;
	[tilespmem:$0x1C400] =	vst v63  }
0x28a: {  	v3 =	vld [tilespmem:$0x210];
	_ =	sdelay $0x4  }
0x28b: {  	v4 =	vshll.u32 v3, $0x1  }
0x28c: {  	v3 =	vand.u32 $0x7, v3;
	v4 =	vand.u32 $0xFFFFFFF0, v4  }
0x28d: {  	v3 =	vor.u32 v3, v4  }
0x28e: {  	v4 =	vperm.xlane v3, v0;
	_ =	sdelay $0x1  }
0x28f: {  	v3 =	vperm.xlane v3, v2;
	v4 =	vadd.s32 v1, v4;
	_ =	sdelay $0x1  }
0x290: {  	v3 =	vadd.s32 v1, v3;
	_ =	sdelay $0x1  }
0x291: {  	s28 =	simm.s32 $0x5400  }
0x292: {  	[tilespmem:s28], [sflag:$0x2] =	stream.indirect_vreg.gather [hbm4b:s1+s17], $0x80, v4, vm0, $0xb8;
	[tilespmem:$0x1C400] =	vst v63  }
0x293: {  	s29 =	simm.s32 $0x5C00  }
0x294: {  	[tilespmem:s29], [sflag:$0x2] =	stream.indirect_vreg.gather [hbm4b:s1+s17], $0x80, v3, vm0, $0xb8;
	[tilespmem:$0x1C400] =	vst v63  }
0x295: {  	v3 =	vld [tilespmem:$0x220];
	_ =	sdelay $0x4  }
0x296: {  	v4 =	vshll.u32 v3, $0x1  }
0x297: {  	v3 =	vand.u32 $0x7, v3;
	v4 =	vand.u32 $0xFFFFFFF0, v4  }
0x298: {  	v3 =	vor.u32 v3, v4  }
0x299: {  	v4 =	vperm.xlane v3, v0;
	_ =	sdelay $0x1  }
0x29a: {  	v3 =	vperm.xlane v3, v2;
	v4 =	vadd.s32 v1, v4;
	_ =	sdelay $0x1  }
0x29b: {  	v3 =	vadd.s32 v1, v3;
	_ =	sdelay $0x1  }
0x29c: {  	s30 =	simm.s32 $0x6400  }
0x29d: {  	[tilespmem:s30], [sflag:$0x2] =	stream.indirect_vreg.gather [hbm4b:s1+s17], $0x80, v4, vm0, $0xb8;
	[tilespmem:$0x1C400] =	vst v63  }
0x29e: {  	s4 =	simm.s32 $0x3;
	s3 =	simm.s32 $0x6C00  }
0x29f: {  	[tilespmem:s3], [sflag:$0x2] =	stream.indirect_vreg.gather [hbm4b:s1+s17], $0x80, v3, vm0, $0xb8;
	[tilespmem:$0x1C400] =	vst v63  }
0x2a0: {  	_ =	swait.ge [sflag:s4], $0x7000  }
0x2a1: {  	s5 =	sand.u32 $0x7800, s17;
	s0 =	sand.u32 $0x200, s17;
	[sflag:s4] =	ssyncset.done $0x0  }
0x2a2: {  	s1 =	sor.u32 s0, s5;
	[sflag:s4] =	ssyncadd.s32 $0xFFFF9000  }
0x2a3: {  	v3 =	vld [tilespmem:s1+$0x7580]  }
0x2a4: {  	v4 =	vld [tilespmem:s1+$0x7590]  }
0x2a5: {  	v5 =	vld [tilespmem:s1+$0x75A0]  }
0x2a6: {  	v6 =	vld [tilespmem:s1+$0x75B0]  }
0x2a7: {  	v7 =	vld [tilespmem:s1+$0x75C0]  }
0x2a8: {  	v8 =	vld [tilespmem:s1+$0x75D0]  }
0x2a9: {  	v9 =	vld [tilespmem:s1+$0x75E0]  }
0x2aa: {  	v10 =	vld [tilespmem:s1+$0x75F0]  }
0x2ab: {  	v61 =	vld [tilespmem:s1+$0x7440]  }
0x2ac: {  	v62 =	vld [tilespmem:s1+$0x7450]  }
0x2ad: {  	v63 =	vld [tilespmem:s1+$0x7460]  }
0x2ae: {  	v11 =	vld [tilespmem:s1+$0x7470]  }
0x2af: {  	v12 =	vld [tilespmem:s1+$0x7480]  }
0x2b0: {  	v13 =	vld [tilespmem:s1+$0x7490]  }
0x2b1: {  	v14 =	vld [tilespmem:s1+$0x74A0]  }
0x2b2: {  	v15 =	vld [tilespmem:s1+$0x74B0]  }
0x2b3: {  	v16 =	vld [tilespmem:s1+$0x74C0]  }
0x2b4: {  	v17 =	vld [tilespmem:s1+$0x74D0]  }
0x2b5: {  	v18 =	vld [tilespmem:s1+$0x74E0]  }
0x2b6: {  	v19 =	vld [tilespmem:s1+$0x74F0]  }
0x2b7: {  	v20 =	vld [tilespmem:s1+$0x7500]  }
0x2b8: {  	v21 =	vld [tilespmem:s1+$0x7510]  }
0x2b9: {  	v22 =	vld [tilespmem:s1+$0x7520]  }
0x2ba: {  	v23 =	vld [tilespmem:s1+$0x7530]  }
0x2bb: {  	v24 =	vld [tilespmem:s1+$0x7540]  }
0x2bc: {  	v25 =	vld [tilespmem:s1+$0x7550]  }
0x2bd: {  	v26 =	vld [tilespmem:s1+$0x7560]  }
0x2be: {  	v27 =	vld [tilespmem:s1+$0x7570]  }
0x2bf: {  	[tilespmem:s1+$0x15580] =	vst.add.f32.msk $0xffff, v3  }
0x2c0: {  	[tilespmem:s1+$0x15590] =	vst.add.f32.msk $0xffff, v4  }
0x2c1: {  	[tilespmem:s1+$0x155A0] =	vst.add.f32.msk $0xffff, v5  }
0x2c2: {  	[tilespmem:s1+$0x155B0] =	vst.add.f32.msk $0xffff, v6  }
0x2c3: {  	[tilespmem:s1+$0x155C0] =	vst.add.f32.msk $0xffff, v7  }
0x2c4: {  	[tilespmem:s1+$0x155D0] =	vst.add.f32.msk $0xffff, v8  }
0x2c5: {  	[tilespmem:s1+$0x155E0] =	vst.add.f32.msk $0xffff, v9  }
0x2c6: {  	[tilespmem:s1+$0x155F0] =	vst.add.f32.msk $0xffff, v10  }
0x2c7: {  	p0 =	por $0x0, $0x0;
	s0 =	simm.s32 $0x1;
	v4 =	vld [tilespmem:s1+$0x7400]  }
0x2c8: {  	s0 =	simm.s32 @!p0 $0x0;
	v5 =	vld [tilespmem:s1+$0x7410]  }
0x2c9: {  	s0 =	sshll.u32 s0, $0x9;
	v6 =	vld [tilespmem:s1+$0x7420]  }
0x2ca: {  	s6 =	sadd.s32 $0x0, s0;
	v7 =	vld [tilespmem:s1+$0x7430]  }
0x2cb: {  	s0 =	sadd.s32 $0x180, s6;
	[tilespmem:s1+$0x15440] =	vst.add.f32.msk $0xffff, v61  }
0x2cc: {  	s10 =	sor.u32 $0x400, s0;
	[tilespmem:s1+$0x15450] =	vst.add.f32.msk $0xffff, v62  }
0x2cd: {  	v3 =	vld [tilespmem:s10+$0x7400]  }
0x2ce: {  	[tilespmem:s1+$0x15460] =	vst.add.f32.msk $0xffff, v63  }
0x2cf: {  	[tilespmem:s1+$0x15470] =	vst.add.f32.msk $0xffff, v11  }
0x2d0: {  	[tilespmem:s1+$0x15480] =	vst.add.f32.msk $0xffff, v12  }
0x2d1: {  	[tilespmem:s1+$0x15490] =	vst.add.f32.msk $0xffff, v13  }
0x2d2: {  	s11 =	sor.u32 $0x410, s0;
	[tilespmem:s10+$0x15400] =	vst.add.f32.msk $0xffff, v3  }
0x2d3: {  	v3 =	vld [tilespmem:s11+$0x7400]  }
0x2d4: {  	[tilespmem:s1+$0x154A0] =	vst.add.f32.msk $0xffff, v14  }
0x2d5: {  	[tilespmem:s1+$0x154B0] =	vst.add.f32.msk $0xffff, v15  }
0x2d6: {  	[tilespmem:s1+$0x154C0] =	vst.add.f32.msk $0xffff, v16  }
0x2d7: {  	[tilespmem:s1+$0x154D0] =	vst.add.f32.msk $0xffff, v17  }
0x2d8: {  	s12 =	sor.u32 $0x420, s0;
	[tilespmem:s11+$0x15400] =	vst.add.f32.msk $0xffff, v3  }
0x2d9: {  	v3 =	vld [tilespmem:s12+$0x7400]  }
0x2da: {  	[tilespmem:s1+$0x154E0] =	vst.add.f32.msk $0xffff, v18  }
0x2db: {  	[tilespmem:s1+$0x154F0] =	vst.add.f32.msk $0xffff, v19  }
0x2dc: {  	[tilespmem:s1+$0x15500] =	vst.add.f32.msk $0xffff, v20  }
0x2dd: {  	[tilespmem:s1+$0x15510] =	vst.add.f32.msk $0xffff, v21  }
0x2de: {  	s13 =	sor.u32 $0x430, s0;
	[tilespmem:s12+$0x15400] =	vst.add.f32.msk $0xffff, v3  }
0x2df: {  	v3 =	vld [tilespmem:s13+$0x7400]  }
0x2e0: {  	[tilespmem:s1+$0x15520] =	vst.add.f32.msk $0xffff, v22  }
0x2e1: {  	[tilespmem:s1+$0x15530] =	vst.add.f32.msk $0xffff, v23  }
0x2e2: {  	[tilespmem:s1+$0x15540] =	vst.add.f32.msk $0xffff, v24  }
0x2e3: {  	[tilespmem:s1+$0x15550] =	vst.add.f32.msk $0xffff, v25  }
0x2e4: {  	s14 =	sor.u32 $0x440, s0;
	[tilespmem:s13+$0x15400] =	vst.add.f32.msk $0xffff, v3  }
0x2e5: {  	v3 =	vld [tilespmem:s14+$0x7400]  }
0x2e6: {  	[tilespmem:s1+$0x15560] =	vst.add.f32.msk $0xffff, v26  }
0x2e7: {  	[tilespmem:s1+$0x15570] =	vst.add.f32.msk $0xffff, v27  }
0x2e8: {  	[tilespmem:s1+$0x15400] =	vst.add.f32.msk $0xffff, v4  }
0x2e9: {  	[tilespmem:s1+$0x15410] =	vst.add.f32.msk $0xffff, v5  }
0x2ea: {  	s15 =	sor.u32 $0x450, s0;
	[tilespmem:s14+$0x15400] =	vst.add.f32.msk $0xffff, v3  }
0x2eb: {  	s4 =	sadd.s32 $0x80, s6;
	v3 =	vld [tilespmem:s15+$0x7400]  }
0x2ec: {  	s5 =	sor.u32 $0x400, s4;
	[tilespmem:s1+$0x15420] =	vst.add.f32.msk $0xffff, v6  }
0x2ed: {  	v4 =	vld [tilespmem:s5+$0x7400];
	s10 =	sadd.s32 $0x100, s6  }
0x2ee: {  	[tilespmem:s1+$0x15430] =	vst.add.f32.msk $0xffff, v7;
	s7 =	sor.u32 $0x400, s10  }
0x2ef: {  	v5 =	vld [tilespmem:s7+$0x7400]  }
0x2f0: {  	s16 =	sor.u32 $0x400, s6;
	[tilespmem:s15+$0x15400] =	vst.add.f32.msk $0xffff, v3  }
0x2f1: {  	v3 =	vld [tilespmem:s16+$0x7400]  }
0x2f2: {  	s18 =	sor.u32 $0x410, s4;
	[tilespmem:s5+$0x15400] =	vst.add.f32.msk $0xffff, v4  }
0x2f3: {  	v4 =	vld [tilespmem:s18+$0x7400]  }
0x2f4: {  	s8 =	sor.u32 $0x410, s10;
	[tilespmem:s7+$0x15400] =	vst.add.f32.msk $0xffff, v5  }
0x2f5: {  	v5 =	vld [tilespmem:s8+$0x7400]  }
0x2f6: {  	s17 =	sor.u32 $0x410, s6;
	[tilespmem:s16+$0x15400] =	vst.add.f32.msk $0xffff, v3  }
0x2f7: {  	v3 =	vld [tilespmem:s17+$0x7400]  }
0x2f8: {  	s21 =	sor.u32 $0x420, s4;
	[tilespmem:s18+$0x15400] =	vst.add.f32.msk $0xffff, v4  }
0x2f9: {  	v4 =	vld [tilespmem:s21+$0x7400]  }
0x2fa: {  	s22 =	sor.u32 $0x420, s10;
	[tilespmem:s8+$0x15400] =	vst.add.f32.msk $0xffff, v5  }
0x2fb: {  	v5 =	vld [tilespmem:s22+$0x7400]  }
0x2fc: {  	s20 =	sor.u32 $0x420, s6;
	[tilespmem:s17+$0x15400] =	vst.add.f32.msk $0xffff, v3  }
0x2fd: {  	v3 =	vld [tilespmem:s20+$0x7400]  }
0x2fe: {  	s24 =	sor.u32 $0x430, s4;
	[tilespmem:s21+$0x15400] =	vst.add.f32.msk $0xffff, v4  }
0x2ff: {  	v4 =	vld [tilespmem:s24+$0x7400]  }
0x300: {  	s19 =	sor.u32 $0x460, s0;
	[tilespmem:s22+$0x15400] =	vst.add.f32.msk $0xffff, v5  }
0x301: {  	v6 =	vld [tilespmem:s19+$0x7400]  }
0x302: {  	s23 =	sor.u32 $0x430, s6;
	[tilespmem:s20+$0x15400] =	vst.add.f32.msk $0xffff, v3  }
0x303: {  	s25 =	sor.u32 $0x430, s10;
	v3 =	vld [tilespmem:s23+$0x7400]  }
0x304: {  	v5 =	vld [tilespmem:s25+$0x7400]  }
0x305: {  	[tilespmem:s24+$0x15400] =	vst.add.f32.msk $0xffff, v4  }
0x306: {  	s0 =	sor.u32 $0x470, s0;
	[tilespmem:s19+$0x15400] =	vst.add.f32.msk $0xffff, v6  }
0x307: {  	v6 =	vld [tilespmem:s0+$0x7400]  }
0x308: {  	s26 =	sor.u32 $0x440, s6;
	[tilespmem:s23+$0x15400] =	vst.add.f32.msk $0xffff, v3  }
0x309: {  	s28 =	sor.u32 $0x440, s4;
	v3 =	vld [tilespmem:s26+$0x7400]  }
0x30a: {  	v4 =	vld [tilespmem:s28+$0x7400]  }
0x30b: {  	s29 =	sor.u32 $0x440, s10;
	[tilespmem:s25+$0x15400] =	vst.add.f32.msk $0xffff, v5  }
0x30c: {  	v5 =	vld [tilespmem:s29+$0x7400]  }
0x30d: {  	[tilespmem:s0+$0x15400] =	vst.add.f32.msk $0xffff, v6  }
0x30e: {  	s30 =	sor.u32 $0x450, s6;
	[tilespmem:s26+$0x15400] =	vst.add.f32.msk $0xffff, v3  }
0x30f: {  	v6 =	vld [tilespmem:s30+$0x7400]  }
0x310: {  	[tilespmem:s28+$0x15400] =	vst.add.f32.msk $0xffff, v4  }
0x311: {  	s2 =	simm.s32 $0x0;
	s13 =	sor.u32 $0x450, s10;
	[tilespmem:s29+$0x15400] =	vst.add.f32.msk $0xffff, v5  }
0x312: {  	s9 =	sor.u32 $0x460, s6;
	s3 =	sor.u32 $0x470, s6;
	s14 =	sor.u32 $0x450, s4;
	v4 =	vld [tilespmem:s13+$0x7400]  }
0x313: {  	s1 =	sor.u32 $0x460, s10;
	s31 =	sor.u32 $0x470, s10;
	s11 =	simm.s32 $0x200;
	v3 =	vld [tilespmem:s14+$0x7400]  }
0x314: {  	s12 =	simm.s32 $0x400;
	s17 =	sor.u32 $0x470, s4;
	s0 =	sor.u32 $0x460, s4;
	[tilespmem:s30+$0x15400] =	vst.add.f32.msk $0xffff, v6  }
.LBB2_5:
0x315: {  	s4 =	sand.u32 $0x7800, s12;
	s5 =	sand.u32 $0x200, s11  }
0x316: {  	s23 =	sor.u32 s5, s4  }
0x317: {  	v5 =	vld [tilespmem:s23+$0x75A0]  }
0x318: {  	v6 =	vld [tilespmem:s23+$0x75B0]  }
0x319: {  	v7 =	vld [tilespmem:s23+$0x75C0]  }
0x31a: {  	v8 =	vld [tilespmem:s23+$0x75D0]  }
0x31b: {  	v9 =	vld [tilespmem:s23+$0x75E0]  }
0x31c: {  	v10 =	vld [tilespmem:s23+$0x75F0]  }
0x31d: {  	v60 =	vld [tilespmem:s23+$0x7440]  }
0x31e: {  	v61 =	vld [tilespmem:s23+$0x7450]  }
0x31f: {  	v62 =	vld [tilespmem:s23+$0x7460]  }
0x320: {  	v11 =	vld [tilespmem:s23+$0x7470]  }
0x321: {  	[tilespmem:s14+$0x15400] =	vst.add.f32.msk $0xffff, v3  }
0x322: {  	[tilespmem:s13+$0x15400] =	vst.add.f32.msk $0xffff, v4  }
0x323: {  	v3 =	vld [tilespmem:s23+$0x7580]  }
0x324: {  	v4 =	vld [tilespmem:s23+$0x7590]  }
0x325: {  	v12 =	vld [tilespmem:s23+$0x7480]  }
0x326: {  	v13 =	vld [tilespmem:s23+$0x7490]  }
0x327: {  	v14 =	vld [tilespmem:s23+$0x74A0]  }
0x328: {  	v15 =	vld [tilespmem:s23+$0x74B0]  }
0x329: {  	v16 =	vld [tilespmem:s23+$0x74C0]  }
0x32a: {  	v17 =	vld [tilespmem:s23+$0x74D0]  }
0x32b: {  	v18 =	vld [tilespmem:s23+$0x74E0]  }
0x32c: {  	v19 =	vld [tilespmem:s23+$0x74F0]  }
0x32d: {  	v20 =	vld [tilespmem:s23+$0x7500]  }
0x32e: {  	v21 =	vld [tilespmem:s23+$0x7510]  }
0x32f: {  	v22 =	vld [tilespmem:s23+$0x7520]  }
0x330: {  	v23 =	vld [tilespmem:s23+$0x7530]  }
0x331: {  	v24 =	vld [tilespmem:s23+$0x7540]  }
0x332: {  	v25 =	vld [tilespmem:s23+$0x7550]  }
0x333: {  	v26 =	vld [tilespmem:s23+$0x7560]  }
0x334: {  	v27 =	vld [tilespmem:s23+$0x7570]  }
0x335: {  	[tilespmem:s23+$0x155A0] =	vst.add.f32.msk $0xffff, v5  }
0x336: {  	[tilespmem:s23+$0x155B0] =	vst.add.f32.msk $0xffff, v6  }
0x337: {  	[tilespmem:s23+$0x155C0] =	vst.add.f32.msk $0xffff, v7  }
0x338: {  	[tilespmem:s23+$0x155D0] =	vst.add.f32.msk $0xffff, v8  }
0x339: {  	[tilespmem:s23+$0x155E0] =	vst.add.f32.msk $0xffff, v9  }
0x33a: {  	[tilespmem:s23+$0x155F0] =	vst.add.f32.msk $0xffff, v10  }
0x33b: {  	v5 =	vld [tilespmem:s23+$0x7410]  }
0x33c: {  	v6 =	vld [tilespmem:s23+$0x7420]  }
0x33d: {  	p0 =	por !p0, !p0;
	s4 =	simm.s32 $0x1;
	v7 =	vld [tilespmem:s23+$0x7430]  }
0x33e: {  	s4 =	simm.s32 @!p0 $0x0;
	[tilespmem:s23+$0x15440] =	vst.add.f32.msk $0xffff, v60  }
0x33f: {  	s4 =	sshll.u32 s4, $0x9;
	[tilespmem:s23+$0x15450] =	vst.add.f32.msk $0xffff, v61  }
0x340: {  	s18 =	sadd.s32 s4, s12;
	[tilespmem:s23+$0x15460] =	vst.add.f32.msk $0xffff, v62  }
0x341: {  	s20 =	sadd.s32 $0x180, s18;
	[tilespmem:s23+$0x15580] =	vst.add.f32.msk $0xffff, v3  }
0x342: {  	s16 =	sor.u32 $0x400, s20;
	[tilespmem:s23+$0x15590] =	vst.add.f32.msk $0xffff, v4  }
0x343: {  	v3 =	vld [tilespmem:s16+$0x7400]  }
0x344: {  	[tilespmem:s23+$0x15470] =	vst.add.f32.msk $0xffff, v11  }
0x345: {  	v4 =	vld [tilespmem:s23+$0x7400]  }
0x346: {  	[tilespmem:s23+$0x15480] =	vst.add.f32.msk $0xffff, v12  }
0x347: {  	[tilespmem:s23+$0x15490] =	vst.add.f32.msk $0xffff, v13  }
0x348: {  	[tilespmem:s16+$0x15400] =	vst.add.f32.msk $0xffff, v3;
	s16 =	sor.u32 $0x410, s20  }
0x349: {  	v3 =	vld [tilespmem:s16+$0x7400]  }
0x34a: {  	[tilespmem:s23+$0x154A0] =	vst.add.f32.msk $0xffff, v14  }
0x34b: {  	[tilespmem:s23+$0x154B0] =	vst.add.f32.msk $0xffff, v15  }
0x34c: {  	[tilespmem:s23+$0x154C0] =	vst.add.f32.msk $0xffff, v16  }
0x34d: {  	[tilespmem:s23+$0x154D0] =	vst.add.f32.msk $0xffff, v17  }
0x34e: {  	[tilespmem:s16+$0x15400] =	vst.add.f32.msk $0xffff, v3;
	s16 =	sor.u32 $0x420, s20  }
0x34f: {  	v3 =	vld [tilespmem:s16+$0x7400]  }
0x350: {  	s6 =	sadd.s32 $0x80, s18;
	s5 =	sor.u32 $0x450, s18;
	[tilespmem:s23+$0x154E0] =	vst.add.f32.msk $0xffff, v18  }
0x351: {  	[dreg:$0xc] =	wrdreg s5;
	s5 =	sor.u32 $0x460, s6;
	[tilespmem:s23+$0x154F0] =	vst.add.f32.msk $0xffff, v19  }
0x352: {  	s15 =	sadd.s32 $0x100, s18;
	[smem:$0x7F0] =	sst s5;
	s5 =	sor.u32 $0x460, s18;
	[tilespmem:s23+$0x15500] =	vst.add.f32.msk $0xffff, v20  }
0x353: {  	[smem:$0x7EF] =	sst s5;
	s5 =	sor.u32 $0x460, s15;
	[tilespmem:s23+$0x15510] =	vst.add.f32.msk $0xffff, v21  }
0x354: {  	[smem:$0x7F1] =	sst s5;
	s5 =	sor.u32 $0x430, s20;
	[tilespmem:s16+$0x15400] =	vst.add.f32.msk $0xffff, v3  }
0x355: {  	v3 =	vld [tilespmem:s5+$0x7400]  }
0x356: {  	[tilespmem:s23+$0x15520] =	vst.add.f32.msk $0xffff, v22  }
0x357: {  	[tilespmem:s23+$0x15530] =	vst.add.f32.msk $0xffff, v23  }
0x358: {  	[tilespmem:s23+$0x15540] =	vst.add.f32.msk $0xffff, v24  }
0x359: {  	[tilespmem:s23+$0x15550] =	vst.add.f32.msk $0xffff, v25  }
0x35a: {  	s16 =	sor.u32 $0x440, s20;
	[tilespmem:s5+$0x15400] =	vst.add.f32.msk $0xffff, v3  }
0x35b: {  	v3 =	vld [tilespmem:s16+$0x7400]  }
0x35c: {  	[tilespmem:s23+$0x15560] =	vst.add.f32.msk $0xffff, v26  }
0x35d: {  	[tilespmem:s23+$0x15570] =	vst.add.f32.msk $0xffff, v27  }
0x35e: {  	[tilespmem:s23+$0x15410] =	vst.add.f32.msk $0xffff, v5  }
0x35f: {  	[tilespmem:s23+$0x15420] =	vst.add.f32.msk $0xffff, v6  }
0x360: {  	s5 =	sor.u32 $0x450, s20;
	[tilespmem:s16+$0x15400] =	vst.add.f32.msk $0xffff, v3  }
0x361: {  	v3 =	vld [tilespmem:s5+$0x7400]  }
0x362: {  	s25 =	sor.u32 $0x400, s15;
	[tilespmem:s23+$0x15430] =	vst.add.f32.msk $0xffff, v7  }
0x363: {  	v5 =	vld [tilespmem:s25+$0x7400]  }
0x364: {  	v7 =	vld [tilespmem:s0+$0x7400]  }
0x365: {  	[tilespmem:s23+$0x15400] =	vst.add.f32.msk $0xffff, v4  }
0x366: {  	s16 =	sor.u32 $0x460, s20;
	[tilespmem:s5+$0x15400] =	vst.add.f32.msk $0xffff, v3  }
0x367: {  	s28 =	sor.u32 $0x400, s6;
	v3 =	vld [tilespmem:s16+$0x7400]  }
0x368: {  	v4 =	vld [tilespmem:s28+$0x7400]  }
0x369: {  	v6 =	vld [tilespmem:s9+$0x7400]  }
0x36a: {  	s26 =	sor.u32 $0x410, s15;
	[tilespmem:s25+$0x15400] =	vst.add.f32.msk $0xffff, v5  }
0x36b: {  	v5 =	vld [tilespmem:s26+$0x7400]  }
0x36c: {  	s20 =	sor.u32 $0x470, s20;
	[tilespmem:s16+$0x15400] =	vst.add.f32.msk $0xffff, v3  }
0x36d: {  	v3 =	vld [tilespmem:s20+$0x7400]  }
0x36e: {  	v63 =	vld [tilespmem:s1+$0x7400]  }
0x36f: {  	s29 =	sor.u32 $0x410, s6;
	[tilespmem:s28+$0x15400] =	vst.add.f32.msk $0xffff, v4  }
0x370: {  	v4 =	vld [tilespmem:s29+$0x7400]  }
0x371: {  	[tilespmem:s26+$0x15400] =	vst.add.f32.msk $0xffff, v5  }
0x372: {  	s30 =	sor.u32 $0x400, s18;
	[tilespmem:s20+$0x15400] =	vst.add.f32.msk $0xffff, v3  }
0x373: {  	s4 =	sor.u32 $0x420, s15;
	v3 =	vld [tilespmem:s30+$0x7400]  }
0x374: {  	v5 =	vld [tilespmem:s4+$0x7400]  }
0x375: {  	[tilespmem:s1+$0x15400] =	vst.add.f32.msk $0xffff, v63  }
0x376: {  	s7 =	sor.u32 $0x420, s6;
	[tilespmem:s29+$0x15400] =	vst.add.f32.msk $0xffff, v4  }
0x377: {  	v4 =	vld [tilespmem:s7+$0x7400]  }
0x378: {  	s10 =	sor.u32 $0x410, s18;
	[tilespmem:s30+$0x15400] =	vst.add.f32.msk $0xffff, v3  }
0x379: {  	v3 =	vld [tilespmem:s10+$0x7400]  }
0x37a: {  	[tilespmem:s0+$0x15400] =	vst.add.f32.msk $0xffff, v7  }
0x37b: {  	s21 =	sor.u32 $0x430, s15;
	[tilespmem:s4+$0x15400] =	vst.add.f32.msk $0xffff, v5  }
0x37c: {  	v5 =	vld [tilespmem:s21+$0x7400]  }
0x37d: {  	[tilespmem:s9+$0x15400] =	vst.add.f32.msk $0xffff, v6  }
0x37e: {  	s8 =	sor.u32 $0x420, s18;
	[tilespmem:s10+$0x15400] =	vst.add.f32.msk $0xffff, v3  }
0x37f: {  	v3 =	vld [tilespmem:s8+$0x7400]  }
0x380: {  	s22 =	sor.u32 $0x430, s6;
	[tilespmem:s7+$0x15400] =	vst.add.f32.msk $0xffff, v4  }
0x381: {  	v4 =	vld [tilespmem:s22+$0x7400]  }
0x382: {  	v7 =	vld [tilespmem:s17+$0x7400]  }
0x383: {  	s19 =	sor.u32 $0x440, s15;
	[tilespmem:s21+$0x15400] =	vst.add.f32.msk $0xffff, v5  }
0x384: {  	s24 =	sor.u32 $0x430, s18;
	[dreg:$0x14] =	wrdreg s19;
	[tilespmem:s8+$0x15400] =	vst.add.f32.msk $0xffff, v3  }
0x385: {  	s14 =	sor.u32 $0x440, s6;
	s28 =	rddreg [dreg:$0x14];
	v3 =	vld [tilespmem:s24+$0x7400]  }
0x386: {  	[dreg:$0x1c] =	wrdreg s14;
	v5 =	vld [tilespmem:s28+$0x7400]  }
0x387: {  	s26 =	rddreg [dreg:$0x1c];
	[tilespmem:s22+$0x15400] =	vst.add.f32.msk $0xffff, v4  }
0x388: {  	v4 =	vld [tilespmem:s26+$0x7400]  }
0x389: {  	v6 =	vld [tilespmem:s3+$0x7400]  }
0x38a: {  	s19 =	sor.u32 $0x440, s18;
	[tilespmem:s24+$0x15400] =	vst.add.f32.msk $0xffff, v3  }
0x38b: {  	v3 =	vld [tilespmem:s19+$0x7400]  }
0x38c: {  	v8 =	vld [tilespmem:s31+$0x7400]  }
0x38d: {  	[tilespmem:s28+$0x15400] =	vst.add.f32.msk $0xffff, v5  }
0x38e: {  	[tilespmem:s26+$0x15400] =	vst.add.f32.msk $0xffff, v4  }
0x38f: {  	s2 =	sadd.s32 $0x4, s2;
	[tilespmem:s3+$0x15400] =	vst.add.f32.msk $0xffff, v6  }
0x390: {  	s11 =	sadd.s32 $0x200, s11;
	p1 =	slt.u32 s2, $0x6C;
	s29 =	rddreg [dreg:$0xc];
	[tilespmem:s19+$0x15400] =	vst.add.f32.msk $0xffff, v3  }
0x391: {  	s12 =	sadd.s32 $0x400, s12;
	s13 =	sor.u32 $0x450, s15;
	s25 =	sld [smem:$0x7F1];
	v5 =	vld [tilespmem:s29+$0x7400]  }
.Ltmp1:
0x392: {  	s14 =	sor.u32 $0x450, s6;
	s23 =	sld [smem:$0x7F0];
	v4 =	vld [tilespmem:s13+$0x7400];
	(pc) =	sbr.rel @p1 .LBB2_5-.Ltmp1, $4  }
0x393: {  	s6 =	sor.u32 $0x470, s6;
	s18 =	sor.u32 $0x470, s18;
	[tilespmem:s31+$0x15400] =	vst.add.f32.msk $0xffff, v8;
	s5 =	sld [smem:$0x7EF]  }
0x394: {  	[dreg:$0x4] =	wrdreg s6;
	s15 =	sor.u32 $0x470, s15;
	s1 =	smov.u32 s25;
	v3 =	vld [tilespmem:s14+$0x7400]  }
0x395: {  	s0 =	smov.u32 s23;
	s31 =	smov.u32 s15;
	s30 =	rddreg [dreg:$0x4];
	[tilespmem:s17+$0x15400] =	vst.add.f32.msk $0xffff, v7  }
0x396: {  	s9 =	smov.u32 s5;
	s3 =	smov.u32 s18;
	s17 =	smov.u32 s30;
	[tilespmem:s29+$0x15400] =	vst.add.f32.msk $0xffff, v5  }
0x397: {  	[tilespmem:s13+$0x15400] =	vst.add.f32.msk $0xffff, v4  }
0x398: {  	v5 =	vld [tilespmem:s1+$0x7400]  }
0x399: {  	[tilespmem:s14+$0x15400] =	vst.add.f32.msk $0xffff, v3  }
0x39a: {  	v3 =	vld [tilespmem:s9+$0x7400];
	_ =	sdelay $0x1  }
0x39b: {  	v4 =	vld [tilespmem:s0+$0x7400];
	_ =	sdelay $0x1  }
0x39c: {  	[tilespmem:s1+$0x15400] =	vst.add.f32.msk $0xffff, v5  }
0x39d: {  	[tilespmem:s9+$0x15400] =	vst.add.f32.msk $0xffff, v3  }
0x39e: {  	v5 =	vld [tilespmem:s31+$0x7400]  }
0x39f: {  	[tilespmem:s0+$0x15400] =	vst.add.f32.msk $0xffff, v4  }
0x3a0: {  	v3 =	vld [tilespmem:s3+$0x7400]  }
0x3a1: {  	v4 =	vld [tilespmem:s17+$0x7400];
	_ =	sdelay $0x2  }
0x3a2: {  	[tilespmem:s31+$0x15400] =	vst.add.f32.msk $0xffff, v5  }
0x3a3: {  	[tilespmem:s3+$0x15400] =	vst.add.f32.msk $0xffff, v3  }
0x3a4: {  	[tilespmem:s17+$0x15400] =	vst.add.f32.msk $0xffff, v4  }
0x3a5: {  	v3 =	vld [tilespmem:$0x230];
	_ =	sdelay $0x4  }
0x3a6: {  	v4 =	vshll.u32 v3, $0x1  }
0x3a7: {  	v3 =	vand.u32 $0x7, v3;
	v4 =	vand.u32 $0xFFFFFFF0, v4  }
0x3a8: {  	v3 =	vor.u32 v3, v4  }
0x3a9: {  	v4 =	vperm.xlane v3, v0;
	_ =	sdelay $0x1  }
0x3aa: {  	v3 =	vperm.xlane v3, v2;
	v4 =	vadd.s32 v1, v4;
	_ =	sdelay $0x1  }
0x3ab: {  	s1 =	sld [smem:$0x7F9];
	v3 =	vadd.s32 v1, v3;
	_ =	sdelay $0x1  }
0x3ac: {  	s2 =	simm.s32 $0x7400;
	s17 =	simm.s32 $0x0  }
0x3ad: {  	[tilespmem:s2], [sflag:$0x3] =	stream.indirect_vreg.gather [hbm4b:s1+s17], $0x80, v4, vm0, $0xb8;
	[tilespmem:$0x1C400] =	vst v63  }
0x3ae: {  	s18 =	simm.s32 $0x7C00  }
0x3af: {  	[tilespmem:s18], [sflag:$0x3] =	stream.indirect_vreg.gather [hbm4b:s1+s17], $0x80, v3, vm0, $0xb8;
	[tilespmem:$0x1C400] =	vst v63  }
0x3b0: {  	v3 =	vld [tilespmem:$0x240];
	_ =	sdelay $0x4  }
0x3b1: {  	v4 =	vshll.u32 v3, $0x1  }
0x3b2: {  	v3 =	vand.u32 $0x7, v3;
	v4 =	vand.u32 $0xFFFFFFF0, v4  }
0x3b3: {  	v3 =	vor.u32 v3, v4  }
0x3b4: {  	v4 =	vperm.xlane v3, v0;
	_ =	sdelay $0x1  }
0x3b5: {  	v3 =	vperm.xlane v3, v2;
	v4 =	vadd.s32 v1, v4;
	_ =	sdelay $0x1  }
0x3b6: {  	v3 =	vadd.s32 v1, v3;
	_ =	sdelay $0x1  }
0x3b7: {  	s19 =	simm.s32 $0x8400  }
0x3b8: {  	[tilespmem:s19], [sflag:$0x3] =	stream.indirect_vreg.gather [hbm4b:s1+s17], $0x80, v4, vm0, $0xb8;
	[tilespmem:$0x1C400] =	vst v63  }
0x3b9: {  	s20 =	simm.s32 $0x8C00  }
0x3ba: {  	[tilespmem:s20], [sflag:$0x3] =	stream.indirect_vreg.gather [hbm4b:s1+s17], $0x80, v3, vm0, $0xb8;
	[tilespmem:$0x1C400] =	vst v63  }
0x3bb: {  	v3 =	vld [tilespmem:$0x250];
	_ =	sdelay $0x4  }
0x3bc: {  	v4 =	vshll.u32 v3, $0x1  }
0x3bd: {  	v3 =	vand.u32 $0x7, v3;
	v4 =	vand.u32 $0xFFFFFFF0, v4  }
0x3be: {  	v3 =	vor.u32 v3, v4  }
0x3bf: {  	v4 =	vperm.xlane v3, v0;
	_ =	sdelay $0x1  }
0x3c0: {  	v3 =	vperm.xlane v3, v2;
	v4 =	vadd.s32 v1, v4;
	_ =	sdelay $0x1  }
0x3c1: {  	v3 =	vadd.s32 v1, v3;
	_ =	sdelay $0x1  }
0x3c2: {  	s21 =	simm.s32 $0x9400  }
0x3c3: {  	[tilespmem:s21], [sflag:$0x3] =	stream.indirect_vreg.gather [hbm4b:s1+s17], $0x80, v4, vm0, $0xb8;
	[tilespmem:$0x1C400] =	vst v63  }
0x3c4: {  	s22 =	simm.s32 $0x9C00  }
0x3c5: {  	[tilespmem:s22], [sflag:$0x3] =	stream.indirect_vreg.gather [hbm4b:s1+s17], $0x80, v3, vm0, $0xb8;
	[tilespmem:$0x1C400] =	vst v63  }
0x3c6: {  	v3 =	vld [tilespmem:$0x260];
	_ =	sdelay $0x4  }
0x3c7: {  	v4 =	vshll.u32 v3, $0x1  }
0x3c8: {  	v3 =	vand.u32 $0x7, v3;
	v4 =	vand.u32 $0xFFFFFFF0, v4  }
0x3c9: {  	v3 =	vor.u32 v3, v4  }
0x3ca: {  	v4 =	vperm.xlane v3, v0;
	_ =	sdelay $0x1  }
0x3cb: {  	v3 =	vperm.xlane v3, v2;
	v4 =	vadd.s32 v1, v4;
	_ =	sdelay $0x1  }
0x3cc: {  	v3 =	vadd.s32 v1, v3;
	_ =	sdelay $0x1  }
0x3cd: {  	s23 =	simm.s32 $0xA400  }
0x3ce: {  	[tilespmem:s23], [sflag:$0x3] =	stream.indirect_vreg.gather [hbm4b:s1+s17], $0x80, v4, vm0, $0xb8;
	[tilespmem:$0x1C400] =	vst v63  }
0x3cf: {  	s24 =	simm.s32 $0xAC00  }
0x3d0: {  	[tilespmem:s24], [sflag:$0x3] =	stream.indirect_vreg.gather [hbm4b:s1+s17], $0x80, v3, vm0, $0xb8;
	[tilespmem:$0x1C400] =	vst v63  }
0x3d1: {  	v3 =	vld [tilespmem:$0x270];
	_ =	sdelay $0x4  }
0x3d2: {  	v4 =	vshll.u32 v3, $0x1  }
0x3d3: {  	v3 =	vand.u32 $0x7, v3;
	v4 =	vand.u32 $0xFFFFFFF0, v4  }
0x3d4: {  	v3 =	vor.u32 v3, v4  }
0x3d5: {  	v4 =	vperm.xlane v3, v0;
	_ =	sdelay $0x1  }
0x3d6: {  	v3 =	vperm.xlane v3, v2;
	v4 =	vadd.s32 v1, v4;
	_ =	sdelay $0x1  }
0x3d7: {  	v3 =	vadd.s32 v1, v3;
	_ =	sdelay $0x1  }
0x3d8: {  	s25 =	simm.s32 $0xB400  }
0x3d9: {  	[tilespmem:s25], [sflag:$0x3] =	stream.indirect_vreg.gather [hbm4b:s1+s17], $0x80, v4, vm0, $0xb8;
	[tilespmem:$0x1C400] =	vst v63  }
0x3da: {  	s26 =	simm.s32 $0xBC00  }
0x3db: {  	[tilespmem:s26], [sflag:$0x3] =	stream.indirect_vreg.gather [hbm4b:s1+s17], $0x80, v3, vm0, $0xb8;
	[tilespmem:$0x1C400] =	vst v63  }
0x3dc: {  	v3 =	vld [tilespmem:$0x280];
	_ =	sdelay $0x4  }
0x3dd: {  	v4 =	vshll.u32 v3, $0x1  }
0x3de: {  	v3 =	vand.u32 $0x7, v3;
	v4 =	vand.u32 $0xFFFFFFF0, v4  }
0x3df: {  	v3 =	vor.u32 v3, v4  }
0x3e0: {  	v4 =	vperm.xlane v3, v0;
	_ =	sdelay $0x1  }
0x3e1: {  	v3 =	vperm.xlane v3, v2;
	v4 =	vadd.s32 v1, v4;
	_ =	sdelay $0x1  }
0x3e2: {  	v3 =	vadd.s32 v1, v3;
	_ =	sdelay $0x1  }
0x3e3: {  	s28 =	simm.s32 $0xC400  }
0x3e4: {  	[tilespmem:s28], [sflag:$0x3] =	stream.indirect_vreg.gather [hbm4b:s1+s17], $0x80, v4, vm0, $0xb8;
	[tilespmem:$0x1C400] =	vst v63  }
0x3e5: {  	s29 =	simm.s32 $0xCC00  }
0x3e6: {  	[tilespmem:s29], [sflag:$0x3] =	stream.indirect_vreg.gather [hbm4b:s1+s17], $0x80, v3, vm0, $0xb8;
	[tilespmem:$0x1C400] =	vst v63  }
0x3e7: {  	v3 =	vld [tilespmem:$0x290];
	_ =	sdelay $0x4  }
0x3e8: {  	v4 =	vshll.u32 v3, $0x1  }
0x3e9: {  	v3 =	vand.u32 $0x7, v3;
	v4 =	vand.u32 $0xFFFFFFF0, v4  }
0x3ea: {  	v3 =	vor.u32 v3, v4  }
0x3eb: {  	v4 =	vperm.xlane v3, v0;
	_ =	sdelay $0x1  }
0x3ec: {  	v3 =	vperm.xlane v3, v2;
	v4 =	vadd.s32 v1, v4;
	_ =	sdelay $0x1  }
0x3ed: {  	v3 =	vadd.s32 v1, v3;
	_ =	sdelay $0x1  }
0x3ee: {  	s30 =	simm.s32 $0xD400  }
0x3ef: {  	[tilespmem:s30], [sflag:$0x3] =	stream.indirect_vreg.gather [hbm4b:s1+s17], $0x80, v4, vm0, $0xb8;
	[tilespmem:$0x1C400] =	vst v63  }
0x3f0: {  	s4 =	simm.s32 $0x4;
	s3 =	simm.s32 $0xDC00  }
0x3f1: {  	[tilespmem:s3], [sflag:$0x3] =	stream.indirect_vreg.gather [hbm4b:s1+s17], $0x80, v3, vm0, $0xb8;
	[tilespmem:$0x1C400] =	vst v63  }
0x3f2: {  	_ =	swait.ge [sflag:s4], $0x7000  }
0x3f3: {  	s5 =	sand.u32 $0x7800, s17;
	s0 =	sand.u32 $0x200, s17;
	[sflag:s4] =	ssyncset.done $0x0  }
0x3f4: {  	s1 =	sor.u32 s0, s5;
	[sflag:s4] =	ssyncadd.s32 $0xFFFF9000  }
0x3f5: {  	v3 =	vld [tilespmem:s1+$0xE580]  }
0x3f6: {  	v4 =	vld [tilespmem:s1+$0xE590]  }
0x3f7: {  	v5 =	vld [tilespmem:s1+$0xE5A0]  }
0x3f8: {  	v6 =	vld [tilespmem:s1+$0xE5B0]  }
0x3f9: {  	v7 =	vld [tilespmem:s1+$0xE5C0]  }
0x3fa: {  	v8 =	vld [tilespmem:s1+$0xE5D0]  }
0x3fb: {  	v9 =	vld [tilespmem:s1+$0xE5E0]  }
0x3fc: {  	v10 =	vld [tilespmem:s1+$0xE5F0]  }
0x3fd: {  	v61 =	vld [tilespmem:s1+$0xE440]  }
0x3fe: {  	v62 =	vld [tilespmem:s1+$0xE450]  }
0x3ff: {  	v63 =	vld [tilespmem:s1+$0xE460]  }
0x400: {  	v11 =	vld [tilespmem:s1+$0xE470]  }
0x401: {  	v12 =	vld [tilespmem:s1+$0xE480]  }
0x402: {  	v13 =	vld [tilespmem:s1+$0xE490]  }
0x403: {  	v14 =	vld [tilespmem:s1+$0xE4A0]  }
0x404: {  	v15 =	vld [tilespmem:s1+$0xE4B0]  }
0x405: {  	v16 =	vld [tilespmem:s1+$0xE4C0]  }
0x406: {  	v17 =	vld [tilespmem:s1+$0xE4D0]  }
0x407: {  	v18 =	vld [tilespmem:s1+$0xE4E0]  }
0x408: {  	v19 =	vld [tilespmem:s1+$0xE4F0]  }
0x409: {  	v20 =	vld [tilespmem:s1+$0xE500]  }
0x40a: {  	v21 =	vld [tilespmem:s1+$0xE510]  }
0x40b: {  	v22 =	vld [tilespmem:s1+$0xE520]  }
0x40c: {  	v23 =	vld [tilespmem:s1+$0xE530]  }
0x40d: {  	v24 =	vld [tilespmem:s1+$0xE540]  }
0x40e: {  	v25 =	vld [tilespmem:s1+$0xE550]  }
0x40f: {  	v26 =	vld [tilespmem:s1+$0xE560]  }
0x410: {  	v27 =	vld [tilespmem:s1+$0xE570]  }
0x411: {  	[tilespmem:s1+$0x15580] =	vst.add.f32.msk $0xffff, v3  }
0x412: {  	[tilespmem:s1+$0x15590] =	vst.add.f32.msk $0xffff, v4  }
0x413: {  	[tilespmem:s1+$0x155A0] =	vst.add.f32.msk $0xffff, v5  }
0x414: {  	[tilespmem:s1+$0x155B0] =	vst.add.f32.msk $0xffff, v6  }
0x415: {  	[tilespmem:s1+$0x155C0] =	vst.add.f32.msk $0xffff, v7  }
0x416: {  	[tilespmem:s1+$0x155D0] =	vst.add.f32.msk $0xffff, v8  }
0x417: {  	[tilespmem:s1+$0x155E0] =	vst.add.f32.msk $0xffff, v9  }
0x418: {  	[tilespmem:s1+$0x155F0] =	vst.add.f32.msk $0xffff, v10  }
0x419: {  	p0 =	por $0x0, $0x0;
	s0 =	simm.s32 $0x1;
	v4 =	vld [tilespmem:s1+$0xE400]  }
0x41a: {  	s0 =	simm.s32 @!p0 $0x0;
	v5 =	vld [tilespmem:s1+$0xE410]  }
0x41b: {  	s0 =	sshll.u32 s0, $0x9;
	v6 =	vld [tilespmem:s1+$0xE420]  }
0x41c: {  	s6 =	sadd.s32 $0x0, s0;
	v7 =	vld [tilespmem:s1+$0xE430]  }
0x41d: {  	s0 =	sadd.s32 $0x180, s6;
	[tilespmem:s1+$0x15440] =	vst.add.f32.msk $0xffff, v61  }
0x41e: {  	s10 =	sor.u32 $0x400, s0;
	[tilespmem:s1+$0x15450] =	vst.add.f32.msk $0xffff, v62  }
0x41f: {  	v3 =	vld [tilespmem:s10+$0xE400]  }
0x420: {  	[tilespmem:s1+$0x15460] =	vst.add.f32.msk $0xffff, v63  }
0x421: {  	[tilespmem:s1+$0x15470] =	vst.add.f32.msk $0xffff, v11  }
0x422: {  	[tilespmem:s1+$0x15480] =	vst.add.f32.msk $0xffff, v12  }
0x423: {  	[tilespmem:s1+$0x15490] =	vst.add.f32.msk $0xffff, v13  }
0x424: {  	s11 =	sor.u32 $0x410, s0;
	[tilespmem:s10+$0x15400] =	vst.add.f32.msk $0xffff, v3  }
0x425: {  	v3 =	vld [tilespmem:s11+$0xE400]  }
0x426: {  	[tilespmem:s1+$0x154A0] =	vst.add.f32.msk $0xffff, v14  }
0x427: {  	[tilespmem:s1+$0x154B0] =	vst.add.f32.msk $0xffff, v15  }
0x428: {  	[tilespmem:s1+$0x154C0] =	vst.add.f32.msk $0xffff, v16  }
0x429: {  	[tilespmem:s1+$0x154D0] =	vst.add.f32.msk $0xffff, v17  }
0x42a: {  	s12 =	sor.u32 $0x420, s0;
	[tilespmem:s11+$0x15400] =	vst.add.f32.msk $0xffff, v3  }
0x42b: {  	v3 =	vld [tilespmem:s12+$0xE400]  }
0x42c: {  	[tilespmem:s1+$0x154E0] =	vst.add.f32.msk $0xffff, v18  }
0x42d: {  	[tilespmem:s1+$0x154F0] =	vst.add.f32.msk $0xffff, v19  }
0x42e: {  	[tilespmem:s1+$0x15500] =	vst.add.f32.msk $0xffff, v20  }
0x42f: {  	[tilespmem:s1+$0x15510] =	vst.add.f32.msk $0xffff, v21  }
0x430: {  	s13 =	sor.u32 $0x430, s0;
	[tilespmem:s12+$0x15400] =	vst.add.f32.msk $0xffff, v3  }
0x431: {  	v3 =	vld [tilespmem:s13+$0xE400]  }
0x432: {  	[tilespmem:s1+$0x15520] =	vst.add.f32.msk $0xffff, v22  }
0x433: {  	[tilespmem:s1+$0x15530] =	vst.add.f32.msk $0xffff, v23  }
0x434: {  	[tilespmem:s1+$0x15540] =	vst.add.f32.msk $0xffff, v24  }
0x435: {  	[tilespmem:s1+$0x15550] =	vst.add.f32.msk $0xffff, v25  }
0x436: {  	s14 =	sor.u32 $0x440, s0;
	[tilespmem:s13+$0x15400] =	vst.add.f32.msk $0xffff, v3  }
0x437: {  	v3 =	vld [tilespmem:s14+$0xE400]  }
0x438: {  	[tilespmem:s1+$0x15560] =	vst.add.f32.msk $0xffff, v26  }
0x439: {  	[tilespmem:s1+$0x15570] =	vst.add.f32.msk $0xffff, v27  }
0x43a: {  	[tilespmem:s1+$0x15400] =	vst.add.f32.msk $0xffff, v4  }
0x43b: {  	[tilespmem:s1+$0x15410] =	vst.add.f32.msk $0xffff, v5  }
0x43c: {  	s15 =	sor.u32 $0x450, s0;
	[tilespmem:s14+$0x15400] =	vst.add.f32.msk $0xffff, v3  }
0x43d: {  	s4 =	sadd.s32 $0x80, s6;
	v3 =	vld [tilespmem:s15+$0xE400]  }
0x43e: {  	s5 =	sor.u32 $0x400, s4;
	[tilespmem:s1+$0x15420] =	vst.add.f32.msk $0xffff, v6  }
0x43f: {  	v4 =	vld [tilespmem:s5+$0xE400];
	s10 =	sadd.s32 $0x100, s6  }
0x440: {  	[tilespmem:s1+$0x15430] =	vst.add.f32.msk $0xffff, v7;
	s7 =	sor.u32 $0x400, s10  }
0x441: {  	v5 =	vld [tilespmem:s7+$0xE400]  }
0x442: {  	s16 =	sor.u32 $0x400, s6;
	[tilespmem:s15+$0x15400] =	vst.add.f32.msk $0xffff, v3  }
0x443: {  	v3 =	vld [tilespmem:s16+$0xE400]  }
0x444: {  	s18 =	sor.u32 $0x410, s4;
	[tilespmem:s5+$0x15400] =	vst.add.f32.msk $0xffff, v4  }
0x445: {  	v4 =	vld [tilespmem:s18+$0xE400]  }
0x446: {  	s8 =	sor.u32 $0x410, s10;
	[tilespmem:s7+$0x15400] =	vst.add.f32.msk $0xffff, v5  }
0x447: {  	v5 =	vld [tilespmem:s8+$0xE400]  }
0x448: {  	s17 =	sor.u32 $0x410, s6;
	[tilespmem:s16+$0x15400] =	vst.add.f32.msk $0xffff, v3  }
0x449: {  	v3 =	vld [tilespmem:s17+$0xE400]  }
0x44a: {  	s21 =	sor.u32 $0x420, s4;
	[tilespmem:s18+$0x15400] =	vst.add.f32.msk $0xffff, v4  }
0x44b: {  	v4 =	vld [tilespmem:s21+$0xE400]  }
0x44c: {  	s22 =	sor.u32 $0x420, s10;
	[tilespmem:s8+$0x15400] =	vst.add.f32.msk $0xffff, v5  }
0x44d: {  	v5 =	vld [tilespmem:s22+$0xE400]  }
0x44e: {  	s20 =	sor.u32 $0x420, s6;
	[tilespmem:s17+$0x15400] =	vst.add.f32.msk $0xffff, v3  }
0x44f: {  	v3 =	vld [tilespmem:s20+$0xE400]  }
0x450: {  	s24 =	sor.u32 $0x430, s4;
	[tilespmem:s21+$0x15400] =	vst.add.f32.msk $0xffff, v4  }
0x451: {  	v4 =	vld [tilespmem:s24+$0xE400]  }
0x452: {  	s19 =	sor.u32 $0x460, s0;
	[tilespmem:s22+$0x15400] =	vst.add.f32.msk $0xffff, v5  }
0x453: {  	v6 =	vld [tilespmem:s19+$0xE400]  }
0x454: {  	s23 =	sor.u32 $0x430, s6;
	[tilespmem:s20+$0x15400] =	vst.add.f32.msk $0xffff, v3  }
0x455: {  	s25 =	sor.u32 $0x430, s10;
	v3 =	vld [tilespmem:s23+$0xE400]  }
0x456: {  	v5 =	vld [tilespmem:s25+$0xE400]  }
0x457: {  	[tilespmem:s24+$0x15400] =	vst.add.f32.msk $0xffff, v4  }
0x458: {  	s0 =	sor.u32 $0x470, s0;
	[tilespmem:s19+$0x15400] =	vst.add.f32.msk $0xffff, v6  }
0x459: {  	v6 =	vld [tilespmem:s0+$0xE400]  }
0x45a: {  	s26 =	sor.u32 $0x440, s6;
	[tilespmem:s23+$0x15400] =	vst.add.f32.msk $0xffff, v3  }
0x45b: {  	s28 =	sor.u32 $0x440, s4;
	v3 =	vld [tilespmem:s26+$0xE400]  }
0x45c: {  	v4 =	vld [tilespmem:s28+$0xE400]  }
0x45d: {  	s29 =	sor.u32 $0x440, s10;
	[tilespmem:s25+$0x15400] =	vst.add.f32.msk $0xffff, v5  }
0x45e: {  	v5 =	vld [tilespmem:s29+$0xE400]  }
0x45f: {  	[tilespmem:s0+$0x15400] =	vst.add.f32.msk $0xffff, v6  }
0x460: {  	s30 =	sor.u32 $0x450, s6;
	[tilespmem:s26+$0x15400] =	vst.add.f32.msk $0xffff, v3  }
0x461: {  	v6 =	vld [tilespmem:s30+$0xE400]  }
0x462: {  	[tilespmem:s28+$0x15400] =	vst.add.f32.msk $0xffff, v4  }
0x463: {  	s2 =	simm.s32 $0x0;
	s13 =	sor.u32 $0x450, s10;
	[tilespmem:s29+$0x15400] =	vst.add.f32.msk $0xffff, v5  }
0x464: {  	s9 =	sor.u32 $0x460, s6;
	s3 =	sor.u32 $0x470, s6;
	s14 =	sor.u32 $0x450, s4;
	v4 =	vld [tilespmem:s13+$0xE400]  }
0x465: {  	s1 =	sor.u32 $0x460, s10;
	s31 =	sor.u32 $0x470, s10;
	s11 =	simm.s32 $0x200;
	v3 =	vld [tilespmem:s14+$0xE400]  }
0x466: {  	s12 =	simm.s32 $0x400;
	s17 =	sor.u32 $0x470, s4;
	s0 =	sor.u32 $0x460, s4;
	[tilespmem:s30+$0x15400] =	vst.add.f32.msk $0xffff, v6  }
.LBB2_7:
0x467: {  	s4 =	sand.u32 $0x7800, s12;
	s5 =	sand.u32 $0x200, s11  }
0x468: {  	s23 =	sor.u32 s5, s4  }
0x469: {  	v5 =	vld [tilespmem:s23+$0xE5A0]  }
0x46a: {  	v6 =	vld [tilespmem:s23+$0xE5B0]  }
0x46b: {  	v7 =	vld [tilespmem:s23+$0xE5C0]  }
0x46c: {  	v8 =	vld [tilespmem:s23+$0xE5D0]  }
0x46d: {  	v9 =	vld [tilespmem:s23+$0xE5E0]  }
0x46e: {  	v10 =	vld [tilespmem:s23+$0xE5F0]  }
0x46f: {  	v60 =	vld [tilespmem:s23+$0xE440]  }
0x470: {  	v61 =	vld [tilespmem:s23+$0xE450]  }
0x471: {  	v62 =	vld [tilespmem:s23+$0xE460]  }
0x472: {  	v11 =	vld [tilespmem:s23+$0xE470]  }
0x473: {  	[tilespmem:s14+$0x15400] =	vst.add.f32.msk $0xffff, v3  }
0x474: {  	[tilespmem:s13+$0x15400] =	vst.add.f32.msk $0xffff, v4  }
0x475: {  	v3 =	vld [tilespmem:s23+$0xE580]  }
0x476: {  	v4 =	vld [tilespmem:s23+$0xE590]  }
0x477: {  	v12 =	vld [tilespmem:s23+$0xE480]  }
0x478: {  	v13 =	vld [tilespmem:s23+$0xE490]  }
0x479: {  	v14 =	vld [tilespmem:s23+$0xE4A0]  }
0x47a: {  	v15 =	vld [tilespmem:s23+$0xE4B0]  }
0x47b: {  	v16 =	vld [tilespmem:s23+$0xE4C0]  }
0x47c: {  	v17 =	vld [tilespmem:s23+$0xE4D0]  }
0x47d: {  	v18 =	vld [tilespmem:s23+$0xE4E0]  }
0x47e: {  	v19 =	vld [tilespmem:s23+$0xE4F0]  }
0x47f: {  	v20 =	vld [tilespmem:s23+$0xE500]  }
0x480: {  	v21 =	vld [tilespmem:s23+$0xE510]  }
0x481: {  	v22 =	vld [tilespmem:s23+$0xE520]  }
0x482: {  	v23 =	vld [tilespmem:s23+$0xE530]  }
0x483: {  	v24 =	vld [tilespmem:s23+$0xE540]  }
0x484: {  	v25 =	vld [tilespmem:s23+$0xE550]  }
0x485: {  	v26 =	vld [tilespmem:s23+$0xE560]  }
0x486: {  	v27 =	vld [tilespmem:s23+$0xE570]  }
0x487: {  	[tilespmem:s23+$0x155A0] =	vst.add.f32.msk $0xffff, v5  }
0x488: {  	[tilespmem:s23+$0x155B0] =	vst.add.f32.msk $0xffff, v6  }
0x489: {  	[tilespmem:s23+$0x155C0] =	vst.add.f32.msk $0xffff, v7  }
0x48a: {  	[tilespmem:s23+$0x155D0] =	vst.add.f32.msk $0xffff, v8  }
0x48b: {  	[tilespmem:s23+$0x155E0] =	vst.add.f32.msk $0xffff, v9  }
0x48c: {  	[tilespmem:s23+$0x155F0] =	vst.add.f32.msk $0xffff, v10  }
0x48d: {  	v5 =	vld [tilespmem:s23+$0xE410]  }
0x48e: {  	v6 =	vld [tilespmem:s23+$0xE420]  }
0x48f: {  	p0 =	por !p0, !p0;
	s4 =	simm.s32 $0x1;
	v7 =	vld [tilespmem:s23+$0xE430]  }
0x490: {  	s4 =	simm.s32 @!p0 $0x0;
	[tilespmem:s23+$0x15440] =	vst.add.f32.msk $0xffff, v60  }
0x491: {  	s4 =	sshll.u32 s4, $0x9;
	[tilespmem:s23+$0x15450] =	vst.add.f32.msk $0xffff, v61  }
0x492: {  	s18 =	sadd.s32 s4, s12;
	[tilespmem:s23+$0x15460] =	vst.add.f32.msk $0xffff, v62  }
0x493: {  	s20 =	sadd.s32 $0x180, s18;
	[tilespmem:s23+$0x15580] =	vst.add.f32.msk $0xffff, v3  }
0x494: {  	s16 =	sor.u32 $0x400, s20;
	[tilespmem:s23+$0x15590] =	vst.add.f32.msk $0xffff, v4  }
0x495: {  	v3 =	vld [tilespmem:s16+$0xE400]  }
0x496: {  	[tilespmem:s23+$0x15470] =	vst.add.f32.msk $0xffff, v11  }
0x497: {  	v4 =	vld [tilespmem:s23+$0xE400]  }
0x498: {  	[tilespmem:s23+$0x15480] =	vst.add.f32.msk $0xffff, v12  }
0x499: {  	[tilespmem:s23+$0x15490] =	vst.add.f32.msk $0xffff, v13  }
0x49a: {  	[tilespmem:s16+$0x15400] =	vst.add.f32.msk $0xffff, v3;
	s16 =	sor.u32 $0x410, s20  }
0x49b: {  	v3 =	vld [tilespmem:s16+$0xE400]  }
0x49c: {  	[tilespmem:s23+$0x154A0] =	vst.add.f32.msk $0xffff, v14  }
0x49d: {  	[tilespmem:s23+$0x154B0] =	vst.add.f32.msk $0xffff, v15  }
0x49e: {  	[tilespmem:s23+$0x154C0] =	vst.add.f32.msk $0xffff, v16  }
0x49f: {  	[tilespmem:s23+$0x154D0] =	vst.add.f32.msk $0xffff, v17  }
0x4a0: {  	[tilespmem:s16+$0x15400] =	vst.add.f32.msk $0xffff, v3;
	s16 =	sor.u32 $0x420, s20  }
0x4a1: {  	v3 =	vld [tilespmem:s16+$0xE400]  }
0x4a2: {  	s6 =	sadd.s32 $0x80, s18;
	s5 =	sor.u32 $0x450, s18;
	[tilespmem:s23+$0x154E0] =	vst.add.f32.msk $0xffff, v18  }
0x4a3: {  	[dreg:$0xd] =	wrdreg s5;
	s5 =	sor.u32 $0x460, s6;
	[tilespmem:s23+$0x154F0] =	vst.add.f32.msk $0xffff, v19  }
0x4a4: {  	s15 =	sadd.s32 $0x100, s18;
	[smem:$0x7ED] =	sst s5;
	s5 =	sor.u32 $0x460, s18;
	[tilespmem:s23+$0x15500] =	vst.add.f32.msk $0xffff, v20  }
0x4a5: {  	[smem:$0x7EC] =	sst s5;
	s5 =	sor.u32 $0x460, s15;
	[tilespmem:s23+$0x15510] =	vst.add.f32.msk $0xffff, v21  }
0x4a6: {  	[smem:$0x7EE] =	sst s5;
	s5 =	sor.u32 $0x430, s20;
	[tilespmem:s16+$0x15400] =	vst.add.f32.msk $0xffff, v3  }
0x4a7: {  	v3 =	vld [tilespmem:s5+$0xE400]  }
0x4a8: {  	[tilespmem:s23+$0x15520] =	vst.add.f32.msk $0xffff, v22  }
0x4a9: {  	[tilespmem:s23+$0x15530] =	vst.add.f32.msk $0xffff, v23  }
0x4aa: {  	[tilespmem:s23+$0x15540] =	vst.add.f32.msk $0xffff, v24  }
0x4ab: {  	[tilespmem:s23+$0x15550] =	vst.add.f32.msk $0xffff, v25  }
0x4ac: {  	s16 =	sor.u32 $0x440, s20;
	[tilespmem:s5+$0x15400] =	vst.add.f32.msk $0xffff, v3  }
0x4ad: {  	v3 =	vld [tilespmem:s16+$0xE400]  }
0x4ae: {  	[tilespmem:s23+$0x15560] =	vst.add.f32.msk $0xffff, v26  }
0x4af: {  	[tilespmem:s23+$0x15570] =	vst.add.f32.msk $0xffff, v27  }
0x4b0: {  	[tilespmem:s23+$0x15410] =	vst.add.f32.msk $0xffff, v5  }
0x4b1: {  	[tilespmem:s23+$0x15420] =	vst.add.f32.msk $0xffff, v6  }
0x4b2: {  	s5 =	sor.u32 $0x450, s20;
	[tilespmem:s16+$0x15400] =	vst.add.f32.msk $0xffff, v3  }
0x4b3: {  	v3 =	vld [tilespmem:s5+$0xE400]  }
0x4b4: {  	s25 =	sor.u32 $0x400, s15;
	[tilespmem:s23+$0x15430] =	vst.add.f32.msk $0xffff, v7  }
0x4b5: {  	v5 =	vld [tilespmem:s25+$0xE400]  }
0x4b6: {  	v7 =	vld [tilespmem:s0+$0xE400]  }
0x4b7: {  	[tilespmem:s23+$0x15400] =	vst.add.f32.msk $0xffff, v4  }
0x4b8: {  	s16 =	sor.u32 $0x460, s20;
	[tilespmem:s5+$0x15400] =	vst.add.f32.msk $0xffff, v3  }
0x4b9: {  	s28 =	sor.u32 $0x400, s6;
	v3 =	vld [tilespmem:s16+$0xE400]  }
0x4ba: {  	v4 =	vld [tilespmem:s28+$0xE400]  }
0x4bb: {  	v6 =	vld [tilespmem:s9+$0xE400]  }
0x4bc: {  	s26 =	sor.u32 $0x410, s15;
	[tilespmem:s25+$0x15400] =	vst.add.f32.msk $0xffff, v5  }
0x4bd: {  	v5 =	vld [tilespmem:s26+$0xE400]  }
0x4be: {  	s20 =	sor.u32 $0x470, s20;
	[tilespmem:s16+$0x15400] =	vst.add.f32.msk $0xffff, v3  }
0x4bf: {  	v3 =	vld [tilespmem:s20+$0xE400]  }
0x4c0: {  	v63 =	vld [tilespmem:s1+$0xE400]  }
0x4c1: {  	s29 =	sor.u32 $0x410, s6;
	[tilespmem:s28+$0x15400] =	vst.add.f32.msk $0xffff, v4  }
0x4c2: {  	v4 =	vld [tilespmem:s29+$0xE400]  }
0x4c3: {  	[tilespmem:s26+$0x15400] =	vst.add.f32.msk $0xffff, v5  }
0x4c4: {  	s30 =	sor.u32 $0x400, s18;
	[tilespmem:s20+$0x15400] =	vst.add.f32.msk $0xffff, v3  }
0x4c5: {  	s4 =	sor.u32 $0x420, s15;
	v3 =	vld [tilespmem:s30+$0xE400]  }
0x4c6: {  	v5 =	vld [tilespmem:s4+$0xE400]  }
0x4c7: {  	[tilespmem:s1+$0x15400] =	vst.add.f32.msk $0xffff, v63  }
0x4c8: {  	s7 =	sor.u32 $0x420, s6;
	[tilespmem:s29+$0x15400] =	vst.add.f32.msk $0xffff, v4  }
0x4c9: {  	v4 =	vld [tilespmem:s7+$0xE400]  }
0x4ca: {  	s10 =	sor.u32 $0x410, s18;
	[tilespmem:s30+$0x15400] =	vst.add.f32.msk $0xffff, v3  }
0x4cb: {  	v3 =	vld [tilespmem:s10+$0xE400]  }
0x4cc: {  	[tilespmem:s0+$0x15400] =	vst.add.f32.msk $0xffff, v7  }
0x4cd: {  	s21 =	sor.u32 $0x430, s15;
	[tilespmem:s4+$0x15400] =	vst.add.f32.msk $0xffff, v5  }
0x4ce: {  	v5 =	vld [tilespmem:s21+$0xE400]  }
0x4cf: {  	[tilespmem:s9+$0x15400] =	vst.add.f32.msk $0xffff, v6  }
0x4d0: {  	s8 =	sor.u32 $0x420, s18;
	[tilespmem:s10+$0x15400] =	vst.add.f32.msk $0xffff, v3  }
0x4d1: {  	v3 =	vld [tilespmem:s8+$0xE400]  }
0x4d2: {  	s22 =	sor.u32 $0x430, s6;
	[tilespmem:s7+$0x15400] =	vst.add.f32.msk $0xffff, v4  }
0x4d3: {  	v4 =	vld [tilespmem:s22+$0xE400]  }
0x4d4: {  	v7 =	vld [tilespmem:s17+$0xE400]  }
0x4d5: {  	s19 =	sor.u32 $0x440, s15;
	[tilespmem:s21+$0x15400] =	vst.add.f32.msk $0xffff, v5  }
0x4d6: {  	s24 =	sor.u32 $0x430, s18;
	[dreg:$0x15] =	wrdreg s19;
	[tilespmem:s8+$0x15400] =	vst.add.f32.msk $0xffff, v3  }
0x4d7: {  	s14 =	sor.u32 $0x440, s6;
	s28 =	rddreg [dreg:$0x15];
	v3 =	vld [tilespmem:s24+$0xE400]  }
0x4d8: {  	[dreg:$0x1d] =	wrdreg s14;
	v5 =	vld [tilespmem:s28+$0xE400]  }
0x4d9: {  	s26 =	rddreg [dreg:$0x1d];
	[tilespmem:s22+$0x15400] =	vst.add.f32.msk $0xffff, v4  }
0x4da: {  	v4 =	vld [tilespmem:s26+$0xE400]  }
0x4db: {  	v6 =	vld [tilespmem:s3+$0xE400]  }
0x4dc: {  	s19 =	sor.u32 $0x440, s18;
	[tilespmem:s24+$0x15400] =	vst.add.f32.msk $0xffff, v3  }
0x4dd: {  	v3 =	vld [tilespmem:s19+$0xE400]  }
0x4de: {  	v8 =	vld [tilespmem:s31+$0xE400]  }
0x4df: {  	[tilespmem:s28+$0x15400] =	vst.add.f32.msk $0xffff, v5  }
0x4e0: {  	[tilespmem:s26+$0x15400] =	vst.add.f32.msk $0xffff, v4  }
0x4e1: {  	s2 =	sadd.s32 $0x4, s2;
	[tilespmem:s3+$0x15400] =	vst.add.f32.msk $0xffff, v6  }
0x4e2: {  	s11 =	sadd.s32 $0x200, s11;
	p1 =	slt.u32 s2, $0x6C;
	s29 =	rddreg [dreg:$0xd];
	[tilespmem:s19+$0x15400] =	vst.add.f32.msk $0xffff, v3  }
0x4e3: {  	s12 =	sadd.s32 $0x400, s12;
	s13 =	sor.u32 $0x450, s15;
	s25 =	sld [smem:$0x7EE];
	v5 =	vld [tilespmem:s29+$0xE400]  }
.Ltmp2:
0x4e4: {  	s14 =	sor.u32 $0x450, s6;
	s23 =	sld [smem:$0x7ED];
	v4 =	vld [tilespmem:s13+$0xE400];
	(pc) =	sbr.rel @p1 .LBB2_7-.Ltmp2, $4  }
0x4e5: {  	s6 =	sor.u32 $0x470, s6;
	s18 =	sor.u32 $0x470, s18;
	[tilespmem:s31+$0x15400] =	vst.add.f32.msk $0xffff, v8;
	s5 =	sld [smem:$0x7EC]  }
0x4e6: {  	[dreg:$0x5] =	wrdreg s6;
	s15 =	sor.u32 $0x470, s15;
	s1 =	smov.u32 s25;
	v3 =	vld [tilespmem:s14+$0xE400]  }
0x4e7: {  	s0 =	smov.u32 s23;
	s31 =	smov.u32 s15;
	s30 =	rddreg [dreg:$0x5];
	[tilespmem:s17+$0x15400] =	vst.add.f32.msk $0xffff, v7  }
0x4e8: {  	s9 =	smov.u32 s5;
	s3 =	smov.u32 s18;
	s17 =	smov.u32 s30;
	[tilespmem:s29+$0x15400] =	vst.add.f32.msk $0xffff, v5  }
0x4e9: {  	[tilespmem:s13+$0x15400] =	vst.add.f32.msk $0xffff, v4  }
0x4ea: {  	v5 =	vld [tilespmem:s1+$0xE400]  }
0x4eb: {  	[tilespmem:s14+$0x15400] =	vst.add.f32.msk $0xffff, v3  }
0x4ec: {  	v3 =	vld [tilespmem:s9+$0xE400];
	_ =	sdelay $0x1  }
0x4ed: {  	v4 =	vld [tilespmem:s0+$0xE400];
	_ =	sdelay $0x1  }
0x4ee: {  	[tilespmem:s1+$0x15400] =	vst.add.f32.msk $0xffff, v5  }
0x4ef: {  	[tilespmem:s9+$0x15400] =	vst.add.f32.msk $0xffff, v3  }
0x4f0: {  	v5 =	vld [tilespmem:s31+$0xE400]  }
0x4f1: {  	[tilespmem:s0+$0x15400] =	vst.add.f32.msk $0xffff, v4  }
0x4f2: {  	v3 =	vld [tilespmem:s3+$0xE400]  }
0x4f3: {  	v4 =	vld [tilespmem:s17+$0xE400];
	_ =	sdelay $0x2  }
0x4f4: {  	[tilespmem:s31+$0x15400] =	vst.add.f32.msk $0xffff, v5  }
0x4f5: {  	[tilespmem:s3+$0x15400] =	vst.add.f32.msk $0xffff, v3  }
0x4f6: {  	[tilespmem:s17+$0x15400] =	vst.add.f32.msk $0xffff, v4  }
0x4f7: {  	v3 =	vld [tilespmem:$0x2A0];
	_ =	sdelay $0x4  }
0x4f8: {  	v4 =	vshll.u32 v3, $0x1  }
0x4f9: {  	v3 =	vand.u32 $0x7, v3;
	v4 =	vand.u32 $0xFFFFFFF0, v4  }
0x4fa: {  	v3 =	vor.u32 v3, v4  }
0x4fb: {  	v4 =	vperm.xlane v3, v0;
	_ =	sdelay $0x1  }
0x4fc: {  	v3 =	vperm.xlane v3, v2;
	v4 =	vadd.s32 v1, v4;
	_ =	sdelay $0x1  }
0x4fd: {  	s1 =	sld [smem:$0x7F9];
	v3 =	vadd.s32 v1, v3;
	_ =	sdelay $0x1  }
0x4fe: {  	s2 =	simm.s32 $0xE400;
	s17 =	simm.s32 $0x0  }
0x4ff: {  	[tilespmem:s2], [sflag:$0x4] =	stream.indirect_vreg.gather [hbm4b:s1+s17], $0x80, v4, vm0, $0xb8;
	[tilespmem:$0x1C400] =	vst v63  }
0x500: {  	s18 =	simm.s32 $0xEC00  }
0x501: {  	[tilespmem:s18], [sflag:$0x4] =	stream.indirect_vreg.gather [hbm4b:s1+s17], $0x80, v3, vm0, $0xb8;
	[tilespmem:$0x1C400] =	vst v63  }
0x502: {  	v3 =	vld [tilespmem:$0x2B0];
	_ =	sdelay $0x4  }
0x503: {  	v4 =	vshll.u32 v3, $0x1  }
0x504: {  	v3 =	vand.u32 $0x7, v3;
	v4 =	vand.u32 $0xFFFFFFF0, v4  }
0x505: {  	v3 =	vor.u32 v3, v4  }
0x506: {  	v4 =	vperm.xlane v3, v0;
	_ =	sdelay $0x1  }
0x507: {  	v3 =	vperm.xlane v3, v2;
	v4 =	vadd.s32 v1, v4;
	_ =	sdelay $0x1  }
0x508: {  	v3 =	vadd.s32 v1, v3;
	_ =	sdelay $0x1  }
0x509: {  	s19 =	simm.s32 $0xF400  }
0x50a: {  	[tilespmem:s19], [sflag:$0x4] =	stream.indirect_vreg.gather [hbm4b:s1+s17], $0x80, v4, vm0, $0xb8;
	[tilespmem:$0x1C400] =	vst v63  }
0x50b: {  	s20 =	simm.s32 $0xFC00  }
0x50c: {  	[tilespmem:s20], [sflag:$0x4] =	stream.indirect_vreg.gather [hbm4b:s1+s17], $0x80, v3, vm0, $0xb8;
	[tilespmem:$0x1C400] =	vst v63  }
0x50d: {  	v3 =	vld [tilespmem:$0x2C0];
	_ =	sdelay $0x4  }
0x50e: {  	v4 =	vshll.u32 v3, $0x1  }
0x50f: {  	v3 =	vand.u32 $0x7, v3;
	v4 =	vand.u32 $0xFFFFFFF0, v4  }
0x510: {  	v3 =	vor.u32 v3, v4  }
0x511: {  	v4 =	vperm.xlane v3, v0;
	_ =	sdelay $0x1  }
0x512: {  	v3 =	vperm.xlane v3, v2;
	v4 =	vadd.s32 v1, v4;
	_ =	sdelay $0x1  }
0x513: {  	v3 =	vadd.s32 v1, v3;
	_ =	sdelay $0x1  }
0x514: {  	s21 =	simm.s32 $0x10400  }
0x515: {  	[tilespmem:s21], [sflag:$0x4] =	stream.indirect_vreg.gather [hbm4b:s1+s17], $0x80, v4, vm0, $0xb8;
	[tilespmem:$0x1C400] =	vst v63  }
0x516: {  	s22 =	simm.s32 $0x10C00  }
0x517: {  	[tilespmem:s22], [sflag:$0x4] =	stream.indirect_vreg.gather [hbm4b:s1+s17], $0x80, v3, vm0, $0xb8;
	[tilespmem:$0x1C400] =	vst v63  }
0x518: {  	v3 =	vld [tilespmem:$0x2D0];
	_ =	sdelay $0x4  }
0x519: {  	v4 =	vshll.u32 v3, $0x1  }
0x51a: {  	v3 =	vand.u32 $0x7, v3;
	v4 =	vand.u32 $0xFFFFFFF0, v4  }
0x51b: {  	v3 =	vor.u32 v3, v4  }
0x51c: {  	v4 =	vperm.xlane v3, v0;
	_ =	sdelay $0x1  }
0x51d: {  	v3 =	vperm.xlane v3, v2;
	v4 =	vadd.s32 v1, v4;
	_ =	sdelay $0x1  }
0x51e: {  	v3 =	vadd.s32 v1, v3;
	_ =	sdelay $0x1  }
0x51f: {  	s23 =	simm.s32 $0x11400  }
0x520: {  	[tilespmem:s23], [sflag:$0x4] =	stream.indirect_vreg.gather [hbm4b:s1+s17], $0x80, v4, vm0, $0xb8;
	[tilespmem:$0x1C400] =	vst v63  }
0x521: {  	s24 =	simm.s32 $0x11C00  }
0x522: {  	[tilespmem:s24], [sflag:$0x4] =	stream.indirect_vreg.gather [hbm4b:s1+s17], $0x80, v3, vm0, $0xb8;
	[tilespmem:$0x1C400] =	vst v63  }
0x523: {  	v3 =	vld [tilespmem:$0x2E0];
	_ =	sdelay $0x4  }
0x524: {  	v4 =	vshll.u32 v3, $0x1  }
0x525: {  	v3 =	vand.u32 $0x7, v3;
	v4 =	vand.u32 $0xFFFFFFF0, v4  }
0x526: {  	v3 =	vor.u32 v3, v4  }
0x527: {  	v4 =	vperm.xlane v3, v0;
	_ =	sdelay $0x1  }
0x528: {  	v3 =	vperm.xlane v3, v2;
	v4 =	vadd.s32 v1, v4;
	_ =	sdelay $0x1  }
0x529: {  	v3 =	vadd.s32 v1, v3;
	_ =	sdelay $0x1  }
0x52a: {  	s25 =	simm.s32 $0x12400  }
0x52b: {  	[tilespmem:s25], [sflag:$0x4] =	stream.indirect_vreg.gather [hbm4b:s1+s17], $0x80, v4, vm0, $0xb8;
	[tilespmem:$0x1C400] =	vst v63  }
0x52c: {  	s26 =	simm.s32 $0x12C00  }
0x52d: {  	[tilespmem:s26], [sflag:$0x4] =	stream.indirect_vreg.gather [hbm4b:s1+s17], $0x80, v3, vm0, $0xb8;
	[tilespmem:$0x1C400] =	vst v63  }
0x52e: {  	v3 =	vld [tilespmem:$0x2F0];
	_ =	sdelay $0x4  }
0x52f: {  	v4 =	vshll.u32 v3, $0x1  }
0x530: {  	v3 =	vand.u32 $0x7, v3;
	v4 =	vand.u32 $0xFFFFFFF0, v4  }
0x531: {  	v3 =	vor.u32 v3, v4  }
0x532: {  	v4 =	vperm.xlane v3, v0;
	_ =	sdelay $0x1  }
0x533: {  	v3 =	vperm.xlane v3, v2;
	v4 =	vadd.s32 v1, v4;
	_ =	sdelay $0x1  }
0x534: {  	v3 =	vadd.s32 v1, v3;
	_ =	sdelay $0x1  }
0x535: {  	s28 =	simm.s32 $0x13400  }
0x536: {  	[tilespmem:s28], [sflag:$0x4] =	stream.indirect_vreg.gather [hbm4b:s1+s17], $0x80, v4, vm0, $0xb8;
	[tilespmem:$0x1C400] =	vst v63  }
0x537: {  	s29 =	simm.s32 $0x13C00  }
0x538: {  	[tilespmem:s29], [sflag:$0x4] =	stream.indirect_vreg.gather [hbm4b:s1+s17], $0x80, v3, vm0, $0xb8;
	[tilespmem:$0x1C400] =	vst v63  }
0x539: {  	v3 =	vld [tilespmem:$0x300];
	_ =	sdelay $0x4  }
0x53a: {  	v4 =	vshll.u32 v3, $0x1  }
0x53b: {  	v3 =	vand.u32 $0x7, v3;
	v4 =	vand.u32 $0xFFFFFFF0, v4  }
0x53c: {  	v3 =	vor.u32 v3, v4  }
0x53d: {  	v4 =	vperm.xlane v3, v0;
	_ =	sdelay $0x1  }
0x53e: {  	v3 =	vperm.xlane v3, v2;
	v4 =	vadd.s32 v1, v4;
	_ =	sdelay $0x1  }
0x53f: {  	v3 =	vadd.s32 v1, v3;
	_ =	sdelay $0x1  }
0x540: {  	s30 =	simm.s32 $0x14400  }
0x541: {  	[tilespmem:s30], [sflag:$0x4] =	stream.indirect_vreg.gather [hbm4b:s1+s17], $0x80, v4, vm0, $0xb8;
	[tilespmem:$0x1C400] =	vst v63  }
0x542: {  	s4 =	simm.s32 $0x2;
	s3 =	simm.s32 $0x14C00  }
0x543: {  	[tilespmem:s3], [sflag:$0x4] =	stream.indirect_vreg.gather [hbm4b:s1+s17], $0x80, v3, vm0, $0xb8;
	[tilespmem:$0x1C400] =	vst v63  }
0x544: {  	_ =	swait.ge [sflag:s4], $0x7000  }
0x545: {  	s5 =	sand.u32 $0x7800, s17;
	s0 =	sand.u32 $0x200, s17;
	[sflag:s4] =	ssyncset.done $0x0  }
0x546: {  	s1 =	sor.u32 s0, s5;
	[sflag:s4] =	ssyncadd.s32 $0xFFFF9000  }
0x547: {  	v3 =	vld [tilespmem:s1+$0x580]  }
0x548: {  	v4 =	vld [tilespmem:s1+$0x590]  }
0x549: {  	v5 =	vld [tilespmem:s1+$0x5A0]  }
0x54a: {  	v6 =	vld [tilespmem:s1+$0x5B0]  }
0x54b: {  	v7 =	vld [tilespmem:s1+$0x5C0]  }
0x54c: {  	v8 =	vld [tilespmem:s1+$0x5D0]  }
0x54d: {  	v9 =	vld [tilespmem:s1+$0x5E0]  }
0x54e: {  	v10 =	vld [tilespmem:s1+$0x5F0]  }
0x54f: {  	v61 =	vld [tilespmem:s1+$0x440]  }
0x550: {  	v62 =	vld [tilespmem:s1+$0x450]  }
0x551: {  	v63 =	vld [tilespmem:s1+$0x460]  }
0x552: {  	v11 =	vld [tilespmem:s1+$0x470]  }
0x553: {  	v12 =	vld [tilespmem:s1+$0x480]  }
0x554: {  	v13 =	vld [tilespmem:s1+$0x490]  }
0x555: {  	v14 =	vld [tilespmem:s1+$0x4A0]  }
0x556: {  	v15 =	vld [tilespmem:s1+$0x4B0]  }
0x557: {  	v16 =	vld [tilespmem:s1+$0x4C0]  }
0x558: {  	v17 =	vld [tilespmem:s1+$0x4D0]  }
0x559: {  	v18 =	vld [tilespmem:s1+$0x4E0]  }
0x55a: {  	v19 =	vld [tilespmem:s1+$0x4F0]  }
0x55b: {  	v20 =	vld [tilespmem:s1+$0x500]  }
0x55c: {  	v21 =	vld [tilespmem:s1+$0x510]  }
0x55d: {  	v22 =	vld [tilespmem:s1+$0x520]  }
0x55e: {  	v23 =	vld [tilespmem:s1+$0x530]  }
0x55f: {  	v24 =	vld [tilespmem:s1+$0x540]  }
0x560: {  	v25 =	vld [tilespmem:s1+$0x550]  }
0x561: {  	v26 =	vld [tilespmem:s1+$0x560]  }
0x562: {  	v27 =	vld [tilespmem:s1+$0x570]  }
0x563: {  	[tilespmem:s1+$0x15580] =	vst.add.f32.msk $0xffff, v3  }
0x564: {  	[tilespmem:s1+$0x15590] =	vst.add.f32.msk $0xffff, v4  }
0x565: {  	[tilespmem:s1+$0x155A0] =	vst.add.f32.msk $0xffff, v5  }
0x566: {  	[tilespmem:s1+$0x155B0] =	vst.add.f32.msk $0xffff, v6  }
0x567: {  	[tilespmem:s1+$0x155C0] =	vst.add.f32.msk $0xffff, v7  }
0x568: {  	[tilespmem:s1+$0x155D0] =	vst.add.f32.msk $0xffff, v8  }
0x569: {  	[tilespmem:s1+$0x155E0] =	vst.add.f32.msk $0xffff, v9  }
0x56a: {  	[tilespmem:s1+$0x155F0] =	vst.add.f32.msk $0xffff, v10  }
0x56b: {  	p0 =	por $0x0, $0x0;
	s0 =	simm.s32 $0x1;
	v4 =	vld [tilespmem:s1+$0x400]  }
0x56c: {  	s0 =	simm.s32 @!p0 $0x0;
	v5 =	vld [tilespmem:s1+$0x410]  }
0x56d: {  	s0 =	sshll.u32 s0, $0x9;
	v6 =	vld [tilespmem:s1+$0x420]  }
0x56e: {  	s6 =	sadd.s32 $0x0, s0;
	v7 =	vld [tilespmem:s1+$0x430]  }
0x56f: {  	s0 =	sadd.s32 $0x180, s6;
	[tilespmem:s1+$0x15440] =	vst.add.f32.msk $0xffff, v61  }
0x570: {  	s10 =	sor.u32 $0x400, s0;
	[tilespmem:s1+$0x15450] =	vst.add.f32.msk $0xffff, v62  }
0x571: {  	v3 =	vld [tilespmem:s10+$0x400]  }
0x572: {  	[tilespmem:s1+$0x15460] =	vst.add.f32.msk $0xffff, v63  }
0x573: {  	[tilespmem:s1+$0x15470] =	vst.add.f32.msk $0xffff, v11  }
0x574: {  	[tilespmem:s1+$0x15480] =	vst.add.f32.msk $0xffff, v12  }
0x575: {  	[tilespmem:s1+$0x15490] =	vst.add.f32.msk $0xffff, v13  }
0x576: {  	s11 =	sor.u32 $0x410, s0;
	[tilespmem:s10+$0x15400] =	vst.add.f32.msk $0xffff, v3  }
0x577: {  	v3 =	vld [tilespmem:s11+$0x400]  }
0x578: {  	[tilespmem:s1+$0x154A0] =	vst.add.f32.msk $0xffff, v14  }
0x579: {  	[tilespmem:s1+$0x154B0] =	vst.add.f32.msk $0xffff, v15  }
0x57a: {  	[tilespmem:s1+$0x154C0] =	vst.add.f32.msk $0xffff, v16  }
0x57b: {  	[tilespmem:s1+$0x154D0] =	vst.add.f32.msk $0xffff, v17  }
0x57c: {  	s12 =	sor.u32 $0x420, s0;
	[tilespmem:s11+$0x15400] =	vst.add.f32.msk $0xffff, v3  }
0x57d: {  	v3 =	vld [tilespmem:s12+$0x400]  }
0x57e: {  	[tilespmem:s1+$0x154E0] =	vst.add.f32.msk $0xffff, v18  }
0x57f: {  	[tilespmem:s1+$0x154F0] =	vst.add.f32.msk $0xffff, v19  }
0x580: {  	[tilespmem:s1+$0x15500] =	vst.add.f32.msk $0xffff, v20  }
0x581: {  	[tilespmem:s1+$0x15510] =	vst.add.f32.msk $0xffff, v21  }
0x582: {  	s13 =	sor.u32 $0x430, s0;
	[tilespmem:s12+$0x15400] =	vst.add.f32.msk $0xffff, v3  }
0x583: {  	v3 =	vld [tilespmem:s13+$0x400]  }
0x584: {  	[tilespmem:s1+$0x15520] =	vst.add.f32.msk $0xffff, v22  }
0x585: {  	[tilespmem:s1+$0x15530] =	vst.add.f32.msk $0xffff, v23  }
0x586: {  	[tilespmem:s1+$0x15540] =	vst.add.f32.msk $0xffff, v24  }
0x587: {  	[tilespmem:s1+$0x15550] =	vst.add.f32.msk $0xffff, v25  }
0x588: {  	s14 =	sor.u32 $0x440, s0;
	[tilespmem:s13+$0x15400] =	vst.add.f32.msk $0xffff, v3  }
0x589: {  	v3 =	vld [tilespmem:s14+$0x400]  }
0x58a: {  	[tilespmem:s1+$0x15560] =	vst.add.f32.msk $0xffff, v26  }
0x58b: {  	[tilespmem:s1+$0x15570] =	vst.add.f32.msk $0xffff, v27  }
0x58c: {  	[tilespmem:s1+$0x15400] =	vst.add.f32.msk $0xffff, v4  }
0x58d: {  	[tilespmem:s1+$0x15410] =	vst.add.f32.msk $0xffff, v5  }
0x58e: {  	s15 =	sor.u32 $0x450, s0;
	[tilespmem:s14+$0x15400] =	vst.add.f32.msk $0xffff, v3  }
0x58f: {  	s4 =	sadd.s32 $0x80, s6;
	v3 =	vld [tilespmem:s15+$0x400]  }
0x590: {  	s5 =	sor.u32 $0x400, s4;
	[tilespmem:s1+$0x15420] =	vst.add.f32.msk $0xffff, v6  }
0x591: {  	v4 =	vld [tilespmem:s5+$0x400];
	s10 =	sadd.s32 $0x100, s6  }
0x592: {  	[tilespmem:s1+$0x15430] =	vst.add.f32.msk $0xffff, v7;
	s7 =	sor.u32 $0x400, s10  }
0x593: {  	v5 =	vld [tilespmem:s7+$0x400]  }
0x594: {  	s16 =	sor.u32 $0x400, s6;
	[tilespmem:s15+$0x15400] =	vst.add.f32.msk $0xffff, v3  }
0x595: {  	v3 =	vld [tilespmem:s16+$0x400]  }
0x596: {  	s18 =	sor.u32 $0x410, s4;
	[tilespmem:s5+$0x15400] =	vst.add.f32.msk $0xffff, v4  }
0x597: {  	v4 =	vld [tilespmem:s18+$0x400]  }
0x598: {  	s8 =	sor.u32 $0x410, s10;
	[tilespmem:s7+$0x15400] =	vst.add.f32.msk $0xffff, v5  }
0x599: {  	v5 =	vld [tilespmem:s8+$0x400]  }
0x59a: {  	s17 =	sor.u32 $0x410, s6;
	[tilespmem:s16+$0x15400] =	vst.add.f32.msk $0xffff, v3  }
0x59b: {  	v3 =	vld [tilespmem:s17+$0x400]  }
0x59c: {  	s21 =	sor.u32 $0x420, s4;
	[tilespmem:s18+$0x15400] =	vst.add.f32.msk $0xffff, v4  }
0x59d: {  	v4 =	vld [tilespmem:s21+$0x400]  }
0x59e: {  	s22 =	sor.u32 $0x420, s10;
	[tilespmem:s8+$0x15400] =	vst.add.f32.msk $0xffff, v5  }
0x59f: {  	v5 =	vld [tilespmem:s22+$0x400]  }
0x5a0: {  	s20 =	sor.u32 $0x420, s6;
	[tilespmem:s17+$0x15400] =	vst.add.f32.msk $0xffff, v3  }
0x5a1: {  	v3 =	vld [tilespmem:s20+$0x400]  }
0x5a2: {  	s24 =	sor.u32 $0x430, s4;
	[tilespmem:s21+$0x15400] =	vst.add.f32.msk $0xffff, v4  }
0x5a3: {  	v4 =	vld [tilespmem:s24+$0x400]  }
0x5a4: {  	s19 =	sor.u32 $0x460, s0;
	[tilespmem:s22+$0x15400] =	vst.add.f32.msk $0xffff, v5  }
0x5a5: {  	v6 =	vld [tilespmem:s19+$0x400]  }
0x5a6: {  	s23 =	sor.u32 $0x430, s6;
	[tilespmem:s20+$0x15400] =	vst.add.f32.msk $0xffff, v3  }
0x5a7: {  	s25 =	sor.u32 $0x430, s10;
	v3 =	vld [tilespmem:s23+$0x400]  }
0x5a8: {  	v5 =	vld [tilespmem:s25+$0x400]  }
0x5a9: {  	[tilespmem:s24+$0x15400] =	vst.add.f32.msk $0xffff, v4  }
0x5aa: {  	s0 =	sor.u32 $0x470, s0;
	[tilespmem:s19+$0x15400] =	vst.add.f32.msk $0xffff, v6  }
0x5ab: {  	v6 =	vld [tilespmem:s0+$0x400]  }
0x5ac: {  	s26 =	sor.u32 $0x440, s6;
	[tilespmem:s23+$0x15400] =	vst.add.f32.msk $0xffff, v3  }
0x5ad: {  	s28 =	sor.u32 $0x440, s4;
	v3 =	vld [tilespmem:s26+$0x400]  }
0x5ae: {  	v4 =	vld [tilespmem:s28+$0x400]  }
0x5af: {  	s29 =	sor.u32 $0x440, s10;
	[tilespmem:s25+$0x15400] =	vst.add.f32.msk $0xffff, v5  }
0x5b0: {  	v5 =	vld [tilespmem:s29+$0x400]  }
0x5b1: {  	[tilespmem:s0+$0x15400] =	vst.add.f32.msk $0xffff, v6  }
0x5b2: {  	s30 =	sor.u32 $0x450, s6;
	[tilespmem:s26+$0x15400] =	vst.add.f32.msk $0xffff, v3  }
0x5b3: {  	v6 =	vld [tilespmem:s30+$0x400]  }
0x5b4: {  	[tilespmem:s28+$0x15400] =	vst.add.f32.msk $0xffff, v4  }
0x5b5: {  	s2 =	simm.s32 $0x0;
	s13 =	sor.u32 $0x450, s10;
	[tilespmem:s29+$0x15400] =	vst.add.f32.msk $0xffff, v5  }
0x5b6: {  	s9 =	sor.u32 $0x460, s6;
	s3 =	sor.u32 $0x470, s6;
	s14 =	sor.u32 $0x450, s4;
	v4 =	vld [tilespmem:s13+$0x400]  }
0x5b7: {  	s1 =	sor.u32 $0x460, s10;
	s31 =	sor.u32 $0x470, s10;
	s11 =	simm.s32 $0x200;
	v3 =	vld [tilespmem:s14+$0x400]  }
0x5b8: {  	s12 =	simm.s32 $0x400;
	s17 =	sor.u32 $0x470, s4;
	s0 =	sor.u32 $0x460, s4;
	[tilespmem:s30+$0x15400] =	vst.add.f32.msk $0xffff, v6  }
.LBB2_9:
0x5b9: {  	s4 =	sand.u32 $0x7800, s12;
	s5 =	sand.u32 $0x200, s11  }
0x5ba: {  	s23 =	sor.u32 s5, s4  }
0x5bb: {  	v5 =	vld [tilespmem:s23+$0x5A0]  }
0x5bc: {  	v6 =	vld [tilespmem:s23+$0x5B0]  }
0x5bd: {  	v7 =	vld [tilespmem:s23+$0x5C0]  }
0x5be: {  	v8 =	vld [tilespmem:s23+$0x5D0]  }
0x5bf: {  	v9 =	vld [tilespmem:s23+$0x5E0]  }
0x5c0: {  	v10 =	vld [tilespmem:s23+$0x5F0]  }
0x5c1: {  	v60 =	vld [tilespmem:s23+$0x440]  }
0x5c2: {  	v61 =	vld [tilespmem:s23+$0x450]  }
0x5c3: {  	v62 =	vld [tilespmem:s23+$0x460]  }
0x5c4: {  	v11 =	vld [tilespmem:s23+$0x470]  }
0x5c5: {  	[tilespmem:s14+$0x15400] =	vst.add.f32.msk $0xffff, v3  }
0x5c6: {  	[tilespmem:s13+$0x15400] =	vst.add.f32.msk $0xffff, v4  }
0x5c7: {  	v3 =	vld [tilespmem:s23+$0x580]  }
0x5c8: {  	v4 =	vld [tilespmem:s23+$0x590]  }
0x5c9: {  	v12 =	vld [tilespmem:s23+$0x480]  }
0x5ca: {  	v13 =	vld [tilespmem:s23+$0x490]  }
0x5cb: {  	v14 =	vld [tilespmem:s23+$0x4A0]  }
0x5cc: {  	v15 =	vld [tilespmem:s23+$0x4B0]  }
0x5cd: {  	v16 =	vld [tilespmem:s23+$0x4C0]  }
0x5ce: {  	v17 =	vld [tilespmem:s23+$0x4D0]  }
0x5cf: {  	v18 =	vld [tilespmem:s23+$0x4E0]  }
0x5d0: {  	v19 =	vld [tilespmem:s23+$0x4F0]  }
0x5d1: {  	v20 =	vld [tilespmem:s23+$0x500]  }
0x5d2: {  	v21 =	vld [tilespmem:s23+$0x510]  }
0x5d3: {  	v22 =	vld [tilespmem:s23+$0x520]  }
0x5d4: {  	v23 =	vld [tilespmem:s23+$0x530]  }
0x5d5: {  	v24 =	vld [tilespmem:s23+$0x540]  }
0x5d6: {  	v25 =	vld [tilespmem:s23+$0x550]  }
0x5d7: {  	v26 =	vld [tilespmem:s23+$0x560]  }
0x5d8: {  	v27 =	vld [tilespmem:s23+$0x570]  }
0x5d9: {  	[tilespmem:s23+$0x155A0] =	vst.add.f32.msk $0xffff, v5  }
0x5da: {  	[tilespmem:s23+$0x155B0] =	vst.add.f32.msk $0xffff, v6  }
0x5db: {  	[tilespmem:s23+$0x155C0] =	vst.add.f32.msk $0xffff, v7  }
0x5dc: {  	[tilespmem:s23+$0x155D0] =	vst.add.f32.msk $0xffff, v8  }
0x5dd: {  	[tilespmem:s23+$0x155E0] =	vst.add.f32.msk $0xffff, v9  }
0x5de: {  	[tilespmem:s23+$0x155F0] =	vst.add.f32.msk $0xffff, v10  }
0x5df: {  	v5 =	vld [tilespmem:s23+$0x410]  }
0x5e0: {  	v6 =	vld [tilespmem:s23+$0x420]  }
0x5e1: {  	p0 =	por !p0, !p0;
	s4 =	simm.s32 $0x1;
	v7 =	vld [tilespmem:s23+$0x430]  }
0x5e2: {  	s4 =	simm.s32 @!p0 $0x0;
	[tilespmem:s23+$0x15440] =	vst.add.f32.msk $0xffff, v60  }
0x5e3: {  	s4 =	sshll.u32 s4, $0x9;
	[tilespmem:s23+$0x15450] =	vst.add.f32.msk $0xffff, v61  }
0x5e4: {  	s18 =	sadd.s32 s4, s12;
	[tilespmem:s23+$0x15460] =	vst.add.f32.msk $0xffff, v62  }
0x5e5: {  	s20 =	sadd.s32 $0x180, s18;
	[tilespmem:s23+$0x15580] =	vst.add.f32.msk $0xffff, v3  }
0x5e6: {  	s16 =	sor.u32 $0x400, s20;
	[tilespmem:s23+$0x15590] =	vst.add.f32.msk $0xffff, v4  }
0x5e7: {  	v3 =	vld [tilespmem:s16+$0x400]  }
0x5e8: {  	[tilespmem:s23+$0x15470] =	vst.add.f32.msk $0xffff, v11  }
0x5e9: {  	v4 =	vld [tilespmem:s23+$0x400]  }
0x5ea: {  	[tilespmem:s23+$0x15480] =	vst.add.f32.msk $0xffff, v12  }
0x5eb: {  	[tilespmem:s23+$0x15490] =	vst.add.f32.msk $0xffff, v13  }
0x5ec: {  	[tilespmem:s16+$0x15400] =	vst.add.f32.msk $0xffff, v3;
	s16 =	sor.u32 $0x410, s20  }
0x5ed: {  	v3 =	vld [tilespmem:s16+$0x400]  }
0x5ee: {  	[tilespmem:s23+$0x154A0] =	vst.add.f32.msk $0xffff, v14  }
0x5ef: {  	[tilespmem:s23+$0x154B0] =	vst.add.f32.msk $0xffff, v15  }
0x5f0: {  	[tilespmem:s23+$0x154C0] =	vst.add.f32.msk $0xffff, v16  }
0x5f1: {  	[tilespmem:s23+$0x154D0] =	vst.add.f32.msk $0xffff, v17  }
0x5f2: {  	[tilespmem:s16+$0x15400] =	vst.add.f32.msk $0xffff, v3;
	s16 =	sor.u32 $0x420, s20  }
0x5f3: {  	v3 =	vld [tilespmem:s16+$0x400]  }
0x5f4: {  	s6 =	sadd.s32 $0x80, s18;
	s5 =	sor.u32 $0x450, s18;
	[tilespmem:s23+$0x154E0] =	vst.add.f32.msk $0xffff, v18  }
0x5f5: {  	[dreg:$0xe] =	wrdreg s5;
	s5 =	sor.u32 $0x460, s6;
	[tilespmem:s23+$0x154F0] =	vst.add.f32.msk $0xffff, v19  }
0x5f6: {  	s15 =	sadd.s32 $0x100, s18;
	[smem:$0x7EA] =	sst s5;
	s5 =	sor.u32 $0x460, s18;
	[tilespmem:s23+$0x15500] =	vst.add.f32.msk $0xffff, v20  }
0x5f7: {  	[smem:$0x7E9] =	sst s5;
	s5 =	sor.u32 $0x460, s15;
	[tilespmem:s23+$0x15510] =	vst.add.f32.msk $0xffff, v21  }
0x5f8: {  	[smem:$0x7EB] =	sst s5;
	s5 =	sor.u32 $0x430, s20;
	[tilespmem:s16+$0x15400] =	vst.add.f32.msk $0xffff, v3  }
0x5f9: {  	v3 =	vld [tilespmem:s5+$0x400]  }
0x5fa: {  	[tilespmem:s23+$0x15520] =	vst.add.f32.msk $0xffff, v22  }
0x5fb: {  	[tilespmem:s23+$0x15530] =	vst.add.f32.msk $0xffff, v23  }
0x5fc: {  	[tilespmem:s23+$0x15540] =	vst.add.f32.msk $0xffff, v24  }
0x5fd: {  	[tilespmem:s23+$0x15550] =	vst.add.f32.msk $0xffff, v25  }
0x5fe: {  	s16 =	sor.u32 $0x440, s20;
	[tilespmem:s5+$0x15400] =	vst.add.f32.msk $0xffff, v3  }
0x5ff: {  	v3 =	vld [tilespmem:s16+$0x400]  }
0x600: {  	[tilespmem:s23+$0x15560] =	vst.add.f32.msk $0xffff, v26  }
0x601: {  	[tilespmem:s23+$0x15570] =	vst.add.f32.msk $0xffff, v27  }
0x602: {  	[tilespmem:s23+$0x15410] =	vst.add.f32.msk $0xffff, v5  }
0x603: {  	[tilespmem:s23+$0x15420] =	vst.add.f32.msk $0xffff, v6  }
0x604: {  	s5 =	sor.u32 $0x450, s20;
	[tilespmem:s16+$0x15400] =	vst.add.f32.msk $0xffff, v3  }
0x605: {  	v3 =	vld [tilespmem:s5+$0x400]  }
0x606: {  	s25 =	sor.u32 $0x400, s15;
	[tilespmem:s23+$0x15430] =	vst.add.f32.msk $0xffff, v7  }
0x607: {  	v5 =	vld [tilespmem:s25+$0x400]  }
0x608: {  	v7 =	vld [tilespmem:s0+$0x400]  }
0x609: {  	[tilespmem:s23+$0x15400] =	vst.add.f32.msk $0xffff, v4  }
0x60a: {  	s16 =	sor.u32 $0x460, s20;
	[tilespmem:s5+$0x15400] =	vst.add.f32.msk $0xffff, v3  }
0x60b: {  	s28 =	sor.u32 $0x400, s6;
	v3 =	vld [tilespmem:s16+$0x400]  }
0x60c: {  	v4 =	vld [tilespmem:s28+$0x400]  }
0x60d: {  	v6 =	vld [tilespmem:s9+$0x400]  }
0x60e: {  	s26 =	sor.u32 $0x410, s15;
	[tilespmem:s25+$0x15400] =	vst.add.f32.msk $0xffff, v5  }
0x60f: {  	v5 =	vld [tilespmem:s26+$0x400]  }
0x610: {  	s20 =	sor.u32 $0x470, s20;
	[tilespmem:s16+$0x15400] =	vst.add.f32.msk $0xffff, v3  }
0x611: {  	v3 =	vld [tilespmem:s20+$0x400]  }
0x612: {  	v63 =	vld [tilespmem:s1+$0x400]  }
0x613: {  	s29 =	sor.u32 $0x410, s6;
	[tilespmem:s28+$0x15400] =	vst.add.f32.msk $0xffff, v4  }
0x614: {  	v4 =	vld [tilespmem:s29+$0x400]  }
0x615: {  	[tilespmem:s26+$0x15400] =	vst.add.f32.msk $0xffff, v5  }
0x616: {  	s30 =	sor.u32 $0x400, s18;
	[tilespmem:s20+$0x15400] =	vst.add.f32.msk $0xffff, v3  }
0x617: {  	s4 =	sor.u32 $0x420, s15;
	v3 =	vld [tilespmem:s30+$0x400]  }
0x618: {  	v5 =	vld [tilespmem:s4+$0x400]  }
0x619: {  	[tilespmem:s1+$0x15400] =	vst.add.f32.msk $0xffff, v63  }
0x61a: {  	s7 =	sor.u32 $0x420, s6;
	[tilespmem:s29+$0x15400] =	vst.add.f32.msk $0xffff, v4  }
0x61b: {  	v4 =	vld [tilespmem:s7+$0x400]  }
0x61c: {  	s10 =	sor.u32 $0x410, s18;
	[tilespmem:s30+$0x15400] =	vst.add.f32.msk $0xffff, v3  }
0x61d: {  	v3 =	vld [tilespmem:s10+$0x400]  }
0x61e: {  	[tilespmem:s0+$0x15400] =	vst.add.f32.msk $0xffff, v7  }
0x61f: {  	s21 =	sor.u32 $0x430, s15;
	[tilespmem:s4+$0x15400] =	vst.add.f32.msk $0xffff, v5  }
0x620: {  	v5 =	vld [tilespmem:s21+$0x400]  }
0x621: {  	[tilespmem:s9+$0x15400] =	vst.add.f32.msk $0xffff, v6  }
0x622: {  	s8 =	sor.u32 $0x420, s18;
	[tilespmem:s10+$0x15400] =	vst.add.f32.msk $0xffff, v3  }
0x623: {  	v3 =	vld [tilespmem:s8+$0x400]  }
0x624: {  	s22 =	sor.u32 $0x430, s6;
	[tilespmem:s7+$0x15400] =	vst.add.f32.msk $0xffff, v4  }
0x625: {  	v4 =	vld [tilespmem:s22+$0x400]  }
0x626: {  	v7 =	vld [tilespmem:s17+$0x400]  }
0x627: {  	s19 =	sor.u32 $0x440, s15;
	[tilespmem:s21+$0x15400] =	vst.add.f32.msk $0xffff, v5  }
0x628: {  	s24 =	sor.u32 $0x430, s18;
	[dreg:$0x16] =	wrdreg s19;
	[tilespmem:s8+$0x15400] =	vst.add.f32.msk $0xffff, v3  }
0x629: {  	s14 =	sor.u32 $0x440, s6;
	s28 =	rddreg [dreg:$0x16];
	v3 =	vld [tilespmem:s24+$0x400]  }
0x62a: {  	[dreg:$0x1e] =	wrdreg s14;
	v5 =	vld [tilespmem:s28+$0x400]  }
0x62b: {  	s26 =	rddreg [dreg:$0x1e];
	[tilespmem:s22+$0x15400] =	vst.add.f32.msk $0xffff, v4  }
0x62c: {  	v4 =	vld [tilespmem:s26+$0x400]  }
0x62d: {  	v6 =	vld [tilespmem:s3+$0x400]  }
0x62e: {  	s19 =	sor.u32 $0x440, s18;
	[tilespmem:s24+$0x15400] =	vst.add.f32.msk $0xffff, v3  }
0x62f: {  	v3 =	vld [tilespmem:s19+$0x400]  }
0x630: {  	v8 =	vld [tilespmem:s31+$0x400]  }
0x631: {  	[tilespmem:s28+$0x15400] =	vst.add.f32.msk $0xffff, v5  }
0x632: {  	[tilespmem:s26+$0x15400] =	vst.add.f32.msk $0xffff, v4  }
0x633: {  	s2 =	sadd.s32 $0x4, s2;
	[tilespmem:s3+$0x15400] =	vst.add.f32.msk $0xffff, v6  }
0x634: {  	s11 =	sadd.s32 $0x200, s11;
	p1 =	slt.u32 s2, $0x6C;
	s29 =	rddreg [dreg:$0xe];
	[tilespmem:s19+$0x15400] =	vst.add.f32.msk $0xffff, v3  }
0x635: {  	s12 =	sadd.s32 $0x400, s12;
	s13 =	sor.u32 $0x450, s15;
	s25 =	sld [smem:$0x7EB];
	v5 =	vld [tilespmem:s29+$0x400]  }
.Ltmp3:
0x636: {  	s14 =	sor.u32 $0x450, s6;
	s23 =	sld [smem:$0x7EA];
	v4 =	vld [tilespmem:s13+$0x400];
	(pc) =	sbr.rel @p1 .LBB2_9-.Ltmp3, $4  }
0x637: {  	s6 =	sor.u32 $0x470, s6;
	s18 =	sor.u32 $0x470, s18;
	[tilespmem:s31+$0x15400] =	vst.add.f32.msk $0xffff, v8;
	s5 =	sld [smem:$0x7E9]  }
0x638: {  	[dreg:$0x6] =	wrdreg s6;
	s15 =	sor.u32 $0x470, s15;
	s1 =	smov.u32 s25;
	v3 =	vld [tilespmem:s14+$0x400]  }
0x639: {  	s0 =	smov.u32 s23;
	s31 =	smov.u32 s15;
	s30 =	rddreg [dreg:$0x6];
	[tilespmem:s17+$0x15400] =	vst.add.f32.msk $0xffff, v7  }
0x63a: {  	s9 =	smov.u32 s5;
	s3 =	smov.u32 s18;
	s17 =	smov.u32 s30;
	[tilespmem:s29+$0x15400] =	vst.add.f32.msk $0xffff, v5  }
0x63b: {  	[tilespmem:s13+$0x15400] =	vst.add.f32.msk $0xffff, v4  }
0x63c: {  	v5 =	vld [tilespmem:s1+$0x400]  }
0x63d: {  	[tilespmem:s14+$0x15400] =	vst.add.f32.msk $0xffff, v3  }
0x63e: {  	v3 =	vld [tilespmem:s9+$0x400];
	_ =	sdelay $0x1  }
0x63f: {  	v4 =	vld [tilespmem:s0+$0x400];
	_ =	sdelay $0x1  }
0x640: {  	[tilespmem:s1+$0x15400] =	vst.add.f32.msk $0xffff, v5  }
0x641: {  	[tilespmem:s9+$0x15400] =	vst.add.f32.msk $0xffff, v3  }
0x642: {  	v5 =	vld [tilespmem:s31+$0x400]  }
0x643: {  	[tilespmem:s0+$0x15400] =	vst.add.f32.msk $0xffff, v4  }
0x644: {  	v3 =	vld [tilespmem:s3+$0x400]  }
0x645: {  	v4 =	vld [tilespmem:s17+$0x400];
	_ =	sdelay $0x2  }
0x646: {  	[tilespmem:s31+$0x15400] =	vst.add.f32.msk $0xffff, v5  }
0x647: {  	[tilespmem:s3+$0x15400] =	vst.add.f32.msk $0xffff, v3  }
0x648: {  	[tilespmem:s17+$0x15400] =	vst.add.f32.msk $0xffff, v4  }
0x649: {  	v3 =	vld [tilespmem:$0x310];
	_ =	sdelay $0x4  }
0x64a: {  	v4 =	vshll.u32 v3, $0x1  }
0x64b: {  	v3 =	vand.u32 $0x7, v3;
	v4 =	vand.u32 $0xFFFFFFF0, v4  }
0x64c: {  	v3 =	vor.u32 v3, v4  }
0x64d: {  	v4 =	vperm.xlane v3, v0;
	_ =	sdelay $0x1  }
0x64e: {  	v3 =	vperm.xlane v3, v2;
	v4 =	vadd.s32 v1, v4;
	_ =	sdelay $0x1  }
0x64f: {  	s1 =	sld [smem:$0x7F9];
	v3 =	vadd.s32 v1, v3;
	_ =	sdelay $0x1  }
0x650: {  	s2 =	simm.s32 $0x400;
	s17 =	simm.s32 $0x0  }
0x651: {  	[tilespmem:s2], [sflag:$0x2] =	stream.indirect_vreg.gather [hbm4b:s1+s17], $0x80, v4, vm0, $0xb8;
	[tilespmem:$0x1C400] =	vst v63  }
0x652: {  	s18 =	simm.s32 $0xC00  }
0x653: {  	[tilespmem:s18], [sflag:$0x2] =	stream.indirect_vreg.gather [hbm4b:s1+s17], $0x80, v3, vm0, $0xb8;
	[tilespmem:$0x1C400] =	vst v63  }
0x654: {  	v3 =	vld [tilespmem:$0x320];
	_ =	sdelay $0x4  }
0x655: {  	v4 =	vshll.u32 v3, $0x1  }
0x656: {  	v3 =	vand.u32 $0x7, v3;
	v4 =	vand.u32 $0xFFFFFFF0, v4  }
0x657: {  	v3 =	vor.u32 v3, v4  }
0x658: {  	v4 =	vperm.xlane v3, v0;
	_ =	sdelay $0x1  }
0x659: {  	v3 =	vperm.xlane v3, v2;
	v4 =	vadd.s32 v1, v4;
	_ =	sdelay $0x1  }
0x65a: {  	v3 =	vadd.s32 v1, v3;
	_ =	sdelay $0x1  }
0x65b: {  	s19 =	simm.s32 $0x1400  }
0x65c: {  	[tilespmem:s19], [sflag:$0x2] =	stream.indirect_vreg.gather [hbm4b:s1+s17], $0x80, v4, vm0, $0xb8;
	[tilespmem:$0x1C400] =	vst v63  }
0x65d: {  	s20 =	simm.s32 $0x1C00  }
0x65e: {  	[tilespmem:s20], [sflag:$0x2] =	stream.indirect_vreg.gather [hbm4b:s1+s17], $0x80, v3, vm0, $0xb8;
	[tilespmem:$0x1C400] =	vst v63  }
0x65f: {  	v3 =	vld [tilespmem:$0x330];
	_ =	sdelay $0x4  }
0x660: {  	v4 =	vshll.u32 v3, $0x1  }
0x661: {  	v3 =	vand.u32 $0x7, v3;
	v4 =	vand.u32 $0xFFFFFFF0, v4  }
0x662: {  	v3 =	vor.u32 v3, v4  }
0x663: {  	v4 =	vperm.xlane v3, v0;
	_ =	sdelay $0x1  }
0x664: {  	v3 =	vperm.xlane v3, v2;
	v4 =	vadd.s32 v1, v4;
	_ =	sdelay $0x1  }
0x665: {  	v3 =	vadd.s32 v1, v3;
	_ =	sdelay $0x1  }
0x666: {  	s21 =	simm.s32 $0x2400  }
0x667: {  	[tilespmem:s21], [sflag:$0x2] =	stream.indirect_vreg.gather [hbm4b:s1+s17], $0x80, v4, vm0, $0xb8;
	[tilespmem:$0x1C400] =	vst v63  }
0x668: {  	s22 =	simm.s32 $0x2C00  }
0x669: {  	[tilespmem:s22], [sflag:$0x2] =	stream.indirect_vreg.gather [hbm4b:s1+s17], $0x80, v3, vm0, $0xb8;
	[tilespmem:$0x1C400] =	vst v63  }
0x66a: {  	v3 =	vld [tilespmem:$0x340];
	_ =	sdelay $0x4  }
0x66b: {  	v4 =	vshll.u32 v3, $0x1  }
0x66c: {  	v3 =	vand.u32 $0x7, v3;
	v4 =	vand.u32 $0xFFFFFFF0, v4  }
0x66d: {  	v3 =	vor.u32 v3, v4  }
0x66e: {  	v4 =	vperm.xlane v3, v0;
	_ =	sdelay $0x1  }
0x66f: {  	v3 =	vperm.xlane v3, v2;
	v4 =	vadd.s32 v1, v4;
	_ =	sdelay $0x1  }
0x670: {  	v3 =	vadd.s32 v1, v3;
	_ =	sdelay $0x1  }
0x671: {  	s23 =	simm.s32 $0x3400  }
0x672: {  	[tilespmem:s23], [sflag:$0x2] =	stream.indirect_vreg.gather [hbm4b:s1+s17], $0x80, v4, vm0, $0xb8;
	[tilespmem:$0x1C400] =	vst v63  }
0x673: {  	s24 =	simm.s32 $0x3C00  }
0x674: {  	[tilespmem:s24], [sflag:$0x2] =	stream.indirect_vreg.gather [hbm4b:s1+s17], $0x80, v3, vm0, $0xb8;
	[tilespmem:$0x1C400] =	vst v63  }
0x675: {  	v3 =	vld [tilespmem:$0x350];
	_ =	sdelay $0x4  }
0x676: {  	v4 =	vshll.u32 v3, $0x1  }
0x677: {  	v3 =	vand.u32 $0x7, v3;
	v4 =	vand.u32 $0xFFFFFFF0, v4  }
0x678: {  	v3 =	vor.u32 v3, v4  }
0x679: {  	v4 =	vperm.xlane v3, v0;
	_ =	sdelay $0x1  }
0x67a: {  	v3 =	vperm.xlane v3, v2;
	v4 =	vadd.s32 v1, v4;
	_ =	sdelay $0x1  }
0x67b: {  	v3 =	vadd.s32 v1, v3;
	_ =	sdelay $0x1  }
0x67c: {  	s25 =	simm.s32 $0x4400  }
0x67d: {  	[tilespmem:s25], [sflag:$0x2] =	stream.indirect_vreg.gather [hbm4b:s1+s17], $0x80, v4, vm0, $0xb8;
	[tilespmem:$0x1C400] =	vst v63  }
0x67e: {  	s26 =	simm.s32 $0x4C00  }
0x67f: {  	[tilespmem:s26], [sflag:$0x2] =	stream.indirect_vreg.gather [hbm4b:s1+s17], $0x80, v3, vm0, $0xb8;
	[tilespmem:$0x1C400] =	vst v63  }
0x680: {  	v3 =	vld [tilespmem:$0x360];
	_ =	sdelay $0x4  }
0x681: {  	v4 =	vshll.u32 v3, $0x1  }
0x682: {  	v3 =	vand.u32 $0x7, v3;
	v4 =	vand.u32 $0xFFFFFFF0, v4  }
0x683: {  	v3 =	vor.u32 v3, v4  }
0x684: {  	v4 =	vperm.xlane v3, v0;
	_ =	sdelay $0x1  }
0x685: {  	v3 =	vperm.xlane v3, v2;
	v4 =	vadd.s32 v1, v4;
	_ =	sdelay $0x1  }
0x686: {  	v3 =	vadd.s32 v1, v3;
	_ =	sdelay $0x1  }
0x687: {  	s28 =	simm.s32 $0x5400  }
0x688: {  	[tilespmem:s28], [sflag:$0x2] =	stream.indirect_vreg.gather [hbm4b:s1+s17], $0x80, v4, vm0, $0xb8;
	[tilespmem:$0x1C400] =	vst v63  }
0x689: {  	s29 =	simm.s32 $0x5C00  }
0x68a: {  	[tilespmem:s29], [sflag:$0x2] =	stream.indirect_vreg.gather [hbm4b:s1+s17], $0x80, v3, vm0, $0xb8;
	[tilespmem:$0x1C400] =	vst v63  }
0x68b: {  	v3 =	vld [tilespmem:$0x370];
	_ =	sdelay $0x4  }
0x68c: {  	v4 =	vshll.u32 v3, $0x1  }
0x68d: {  	v3 =	vand.u32 $0x7, v3;
	v4 =	vand.u32 $0xFFFFFFF0, v4  }
0x68e: {  	v3 =	vor.u32 v3, v4  }
0x68f: {  	v4 =	vperm.xlane v3, v0;
	_ =	sdelay $0x1  }
0x690: {  	v3 =	vperm.xlane v3, v2;
	v4 =	vadd.s32 v1, v4;
	_ =	sdelay $0x1  }
0x691: {  	v3 =	vadd.s32 v1, v3;
	_ =	sdelay $0x1  }
0x692: {  	s30 =	simm.s32 $0x6400  }
0x693: {  	[tilespmem:s30], [sflag:$0x2] =	stream.indirect_vreg.gather [hbm4b:s1+s17], $0x80, v4, vm0, $0xb8;
	[tilespmem:$0x1C400] =	vst v63  }
0x694: {  	s4 =	simm.s32 $0x3;
	s3 =	simm.s32 $0x6C00  }
0x695: {  	[tilespmem:s3], [sflag:$0x2] =	stream.indirect_vreg.gather [hbm4b:s1+s17], $0x80, v3, vm0, $0xb8;
	[tilespmem:$0x1C400] =	vst v63  }
0x696: {  	_ =	swait.ge [sflag:s4], $0x7000  }
0x697: {  	s5 =	sand.u32 $0x7800, s17;
	s0 =	sand.u32 $0x200, s17;
	[sflag:s4] =	ssyncset.done $0x0  }
0x698: {  	s1 =	sor.u32 s0, s5;
	[sflag:s4] =	ssyncadd.s32 $0xFFFF9000  }
0x699: {  	v3 =	vld [tilespmem:s1+$0x7580]  }
0x69a: {  	v4 =	vld [tilespmem:s1+$0x7590]  }
0x69b: {  	v5 =	vld [tilespmem:s1+$0x75A0]  }
0x69c: {  	v6 =	vld [tilespmem:s1+$0x75B0]  }
0x69d: {  	v7 =	vld [tilespmem:s1+$0x75C0]  }
0x69e: {  	v8 =	vld [tilespmem:s1+$0x75D0]  }
0x69f: {  	v9 =	vld [tilespmem:s1+$0x75E0]  }
0x6a0: {  	v10 =	vld [tilespmem:s1+$0x75F0]  }
0x6a1: {  	v61 =	vld [tilespmem:s1+$0x7440]  }
0x6a2: {  	v62 =	vld [tilespmem:s1+$0x7450]  }
0x6a3: {  	v63 =	vld [tilespmem:s1+$0x7460]  }
0x6a4: {  	v11 =	vld [tilespmem:s1+$0x7470]  }
0x6a5: {  	v12 =	vld [tilespmem:s1+$0x7480]  }
0x6a6: {  	v13 =	vld [tilespmem:s1+$0x7490]  }
0x6a7: {  	v14 =	vld [tilespmem:s1+$0x74A0]  }
0x6a8: {  	v15 =	vld [tilespmem:s1+$0x74B0]  }
0x6a9: {  	v16 =	vld [tilespmem:s1+$0x74C0]  }
0x6aa: {  	v17 =	vld [tilespmem:s1+$0x74D0]  }
0x6ab: {  	v18 =	vld [tilespmem:s1+$0x74E0]  }
0x6ac: {  	v19 =	vld [tilespmem:s1+$0x74F0]  }
0x6ad: {  	v20 =	vld [tilespmem:s1+$0x7500]  }
0x6ae: {  	v21 =	vld [tilespmem:s1+$0x7510]  }
0x6af: {  	v22 =	vld [tilespmem:s1+$0x7520]  }
0x6b0: {  	v23 =	vld [tilespmem:s1+$0x7530]  }
0x6b1: {  	v24 =	vld [tilespmem:s1+$0x7540]  }
0x6b2: {  	v25 =	vld [tilespmem:s1+$0x7550]  }
0x6b3: {  	v26 =	vld [tilespmem:s1+$0x7560]  }
0x6b4: {  	v27 =	vld [tilespmem:s1+$0x7570]  }
0x6b5: {  	[tilespmem:s1+$0x15580] =	vst.add.f32.msk $0xffff, v3  }
0x6b6: {  	[tilespmem:s1+$0x15590] =	vst.add.f32.msk $0xffff, v4  }
0x6b7: {  	[tilespmem:s1+$0x155A0] =	vst.add.f32.msk $0xffff, v5  }
0x6b8: {  	[tilespmem:s1+$0x155B0] =	vst.add.f32.msk $0xffff, v6  }
0x6b9: {  	[tilespmem:s1+$0x155C0] =	vst.add.f32.msk $0xffff, v7  }
0x6ba: {  	[tilespmem:s1+$0x155D0] =	vst.add.f32.msk $0xffff, v8  }
0x6bb: {  	[tilespmem:s1+$0x155E0] =	vst.add.f32.msk $0xffff, v9  }
0x6bc: {  	[tilespmem:s1+$0x155F0] =	vst.add.f32.msk $0xffff, v10  }
0x6bd: {  	p0 =	por $0x0, $0x0;
	s0 =	simm.s32 $0x1;
	v4 =	vld [tilespmem:s1+$0x7400]  }
0x6be: {  	s0 =	simm.s32 @!p0 $0x0;
	v5 =	vld [tilespmem:s1+$0x7410]  }
0x6bf: {  	s0 =	sshll.u32 s0, $0x9;
	v6 =	vld [tilespmem:s1+$0x7420]  }
0x6c0: {  	s6 =	sadd.s32 $0x0, s0;
	v7 =	vld [tilespmem:s1+$0x7430]  }
0x6c1: {  	s0 =	sadd.s32 $0x180, s6;
	[tilespmem:s1+$0x15440] =	vst.add.f32.msk $0xffff, v61  }
0x6c2: {  	s10 =	sor.u32 $0x400, s0;
	[tilespmem:s1+$0x15450] =	vst.add.f32.msk $0xffff, v62  }
0x6c3: {  	v3 =	vld [tilespmem:s10+$0x7400]  }
0x6c4: {  	[tilespmem:s1+$0x15460] =	vst.add.f32.msk $0xffff, v63  }
0x6c5: {  	[tilespmem:s1+$0x15470] =	vst.add.f32.msk $0xffff, v11  }
0x6c6: {  	[tilespmem:s1+$0x15480] =	vst.add.f32.msk $0xffff, v12  }
0x6c7: {  	[tilespmem:s1+$0x15490] =	vst.add.f32.msk $0xffff, v13  }
0x6c8: {  	s11 =	sor.u32 $0x410, s0;
	[tilespmem:s10+$0x15400] =	vst.add.f32.msk $0xffff, v3  }
0x6c9: {  	v3 =	vld [tilespmem:s11+$0x7400]  }
0x6ca: {  	[tilespmem:s1+$0x154A0] =	vst.add.f32.msk $0xffff, v14  }
0x6cb: {  	[tilespmem:s1+$0x154B0] =	vst.add.f32.msk $0xffff, v15  }
0x6cc: {  	[tilespmem:s1+$0x154C0] =	vst.add.f32.msk $0xffff, v16  }
0x6cd: {  	[tilespmem:s1+$0x154D0] =	vst.add.f32.msk $0xffff, v17  }
0x6ce: {  	s12 =	sor.u32 $0x420, s0;
	[tilespmem:s11+$0x15400] =	vst.add.f32.msk $0xffff, v3  }
0x6cf: {  	v3 =	vld [tilespmem:s12+$0x7400]  }
0x6d0: {  	[tilespmem:s1+$0x154E0] =	vst.add.f32.msk $0xffff, v18  }
0x6d1: {  	[tilespmem:s1+$0x154F0] =	vst.add.f32.msk $0xffff, v19  }
0x6d2: {  	[tilespmem:s1+$0x15500] =	vst.add.f32.msk $0xffff, v20  }
0x6d3: {  	[tilespmem:s1+$0x15510] =	vst.add.f32.msk $0xffff, v21  }
0x6d4: {  	s13 =	sor.u32 $0x430, s0;
	[tilespmem:s12+$0x15400] =	vst.add.f32.msk $0xffff, v3  }
0x6d5: {  	v3 =	vld [tilespmem:s13+$0x7400]  }
0x6d6: {  	[tilespmem:s1+$0x15520] =	vst.add.f32.msk $0xffff, v22  }
0x6d7: {  	[tilespmem:s1+$0x15530] =	vst.add.f32.msk $0xffff, v23  }
0x6d8: {  	[tilespmem:s1+$0x15540] =	vst.add.f32.msk $0xffff, v24  }
0x6d9: {  	[tilespmem:s1+$0x15550] =	vst.add.f32.msk $0xffff, v25  }
0x6da: {  	s14 =	sor.u32 $0x440, s0;
	[tilespmem:s13+$0x15400] =	vst.add.f32.msk $0xffff, v3  }
0x6db: {  	v3 =	vld [tilespmem:s14+$0x7400]  }
0x6dc: {  	[tilespmem:s1+$0x15560] =	vst.add.f32.msk $0xffff, v26  }
0x6dd: {  	[tilespmem:s1+$0x15570] =	vst.add.f32.msk $0xffff, v27  }
0x6de: {  	[tilespmem:s1+$0x15400] =	vst.add.f32.msk $0xffff, v4  }
0x6df: {  	[tilespmem:s1+$0x15410] =	vst.add.f32.msk $0xffff, v5  }
0x6e0: {  	s15 =	sor.u32 $0x450, s0;
	[tilespmem:s14+$0x15400] =	vst.add.f32.msk $0xffff, v3  }
0x6e1: {  	s4 =	sadd.s32 $0x80, s6;
	v3 =	vld [tilespmem:s15+$0x7400]  }
0x6e2: {  	s5 =	sor.u32 $0x400, s4;
	[tilespmem:s1+$0x15420] =	vst.add.f32.msk $0xffff, v6  }
0x6e3: {  	v4 =	vld [tilespmem:s5+$0x7400];
	s10 =	sadd.s32 $0x100, s6  }
0x6e4: {  	[tilespmem:s1+$0x15430] =	vst.add.f32.msk $0xffff, v7;
	s7 =	sor.u32 $0x400, s10  }
0x6e5: {  	v5 =	vld [tilespmem:s7+$0x7400]  }
0x6e6: {  	s16 =	sor.u32 $0x400, s6;
	[tilespmem:s15+$0x15400] =	vst.add.f32.msk $0xffff, v3  }
0x6e7: {  	v3 =	vld [tilespmem:s16+$0x7400]  }
0x6e8: {  	s18 =	sor.u32 $0x410, s4;
	[tilespmem:s5+$0x15400] =	vst.add.f32.msk $0xffff, v4  }
0x6e9: {  	v4 =	vld [tilespmem:s18+$0x7400]  }
0x6ea: {  	s8 =	sor.u32 $0x410, s10;
	[tilespmem:s7+$0x15400] =	vst.add.f32.msk $0xffff, v5  }
0x6eb: {  	v5 =	vld [tilespmem:s8+$0x7400]  }
0x6ec: {  	s17 =	sor.u32 $0x410, s6;
	[tilespmem:s16+$0x15400] =	vst.add.f32.msk $0xffff, v3  }
0x6ed: {  	v3 =	vld [tilespmem:s17+$0x7400]  }
0x6ee: {  	s21 =	sor.u32 $0x420, s4;
	[tilespmem:s18+$0x15400] =	vst.add.f32.msk $0xffff, v4  }
0x6ef: {  	v4 =	vld [tilespmem:s21+$0x7400]  }
0x6f0: {  	s22 =	sor.u32 $0x420, s10;
	[tilespmem:s8+$0x15400] =	vst.add.f32.msk $0xffff, v5  }
0x6f1: {  	v5 =	vld [tilespmem:s22+$0x7400]  }
0x6f2: {  	s20 =	sor.u32 $0x420, s6;
	[tilespmem:s17+$0x15400] =	vst.add.f32.msk $0xffff, v3  }
0x6f3: {  	v3 =	vld [tilespmem:s20+$0x7400]  }
0x6f4: {  	s24 =	sor.u32 $0x430, s4;
	[tilespmem:s21+$0x15400] =	vst.add.f32.msk $0xffff, v4  }
0x6f5: {  	v4 =	vld [tilespmem:s24+$0x7400]  }
0x6f6: {  	s19 =	sor.u32 $0x460, s0;
	[tilespmem:s22+$0x15400] =	vst.add.f32.msk $0xffff, v5  }
0x6f7: {  	v6 =	vld [tilespmem:s19+$0x7400]  }
0x6f8: {  	s23 =	sor.u32 $0x430, s6;
	[tilespmem:s20+$0x15400] =	vst.add.f32.msk $0xffff, v3  }
0x6f9: {  	s25 =	sor.u32 $0x430, s10;
	v3 =	vld [tilespmem:s23+$0x7400]  }
0x6fa: {  	v5 =	vld [tilespmem:s25+$0x7400]  }
0x6fb: {  	[tilespmem:s24+$0x15400] =	vst.add.f32.msk $0xffff, v4  }
0x6fc: {  	s0 =	sor.u32 $0x470, s0;
	[tilespmem:s19+$0x15400] =	vst.add.f32.msk $0xffff, v6  }
0x6fd: {  	v6 =	vld [tilespmem:s0+$0x7400]  }
0x6fe: {  	s26 =	sor.u32 $0x440, s6;
	[tilespmem:s23+$0x15400] =	vst.add.f32.msk $0xffff, v3  }
0x6ff: {  	s28 =	sor.u32 $0x440, s4;
	v3 =	vld [tilespmem:s26+$0x7400]  }
0x700: {  	v4 =	vld [tilespmem:s28+$0x7400]  }
0x701: {  	s29 =	sor.u32 $0x440, s10;
	[tilespmem:s25+$0x15400] =	vst.add.f32.msk $0xffff, v5  }
0x702: {  	v5 =	vld [tilespmem:s29+$0x7400]  }
0x703: {  	[tilespmem:s0+$0x15400] =	vst.add.f32.msk $0xffff, v6  }
0x704: {  	s30 =	sor.u32 $0x450, s6;
	[tilespmem:s26+$0x15400] =	vst.add.f32.msk $0xffff, v3  }
0x705: {  	v6 =	vld [tilespmem:s30+$0x7400]  }
0x706: {  	[tilespmem:s28+$0x15400] =	vst.add.f32.msk $0xffff, v4  }
0x707: {  	s2 =	simm.s32 $0x0;
	s13 =	sor.u32 $0x450, s10;
	[tilespmem:s29+$0x15400] =	vst.add.f32.msk $0xffff, v5  }
0x708: {  	s9 =	sor.u32 $0x460, s6;
	s3 =	sor.u32 $0x470, s6;
	s14 =	sor.u32 $0x450, s4;
	v4 =	vld [tilespmem:s13+$0x7400]  }
0x709: {  	s1 =	sor.u32 $0x460, s10;
	s31 =	sor.u32 $0x470, s10;
	s11 =	simm.s32 $0x200;
	v3 =	vld [tilespmem:s14+$0x7400]  }
0x70a: {  	s12 =	simm.s32 $0x400;
	s17 =	sor.u32 $0x470, s4;
	s0 =	sor.u32 $0x460, s4;
	[tilespmem:s30+$0x15400] =	vst.add.f32.msk $0xffff, v6  }
.LBB2_11:
0x70b: {  	s4 =	sand.u32 $0x7800, s12;
	s5 =	sand.u32 $0x200, s11  }
0x70c: {  	s23 =	sor.u32 s5, s4  }
0x70d: {  	v5 =	vld [tilespmem:s23+$0x75A0]  }
0x70e: {  	v6 =	vld [tilespmem:s23+$0x75B0]  }
0x70f: {  	v7 =	vld [tilespmem:s23+$0x75C0]  }
0x710: {  	v8 =	vld [tilespmem:s23+$0x75D0]  }
0x711: {  	v9 =	vld [tilespmem:s23+$0x75E0]  }
0x712: {  	v10 =	vld [tilespmem:s23+$0x75F0]  }
0x713: {  	v60 =	vld [tilespmem:s23+$0x7440]  }
0x714: {  	v61 =	vld [tilespmem:s23+$0x7450]  }
0x715: {  	v62 =	vld [tilespmem:s23+$0x7460]  }
0x716: {  	v11 =	vld [tilespmem:s23+$0x7470]  }
0x717: {  	[tilespmem:s14+$0x15400] =	vst.add.f32.msk $0xffff, v3  }
0x718: {  	[tilespmem:s13+$0x15400] =	vst.add.f32.msk $0xffff, v4  }
0x719: {  	v3 =	vld [tilespmem:s23+$0x7580]  }
0x71a: {  	v4 =	vld [tilespmem:s23+$0x7590]  }
0x71b: {  	v12 =	vld [tilespmem:s23+$0x7480]  }
0x71c: {  	v13 =	vld [tilespmem:s23+$0x7490]  }
0x71d: {  	v14 =	vld [tilespmem:s23+$0x74A0]  }
0x71e: {  	v15 =	vld [tilespmem:s23+$0x74B0]  }
0x71f: {  	v16 =	vld [tilespmem:s23+$0x74C0]  }
0x720: {  	v17 =	vld [tilespmem:s23+$0x74D0]  }
0x721: {  	v18 =	vld [tilespmem:s23+$0x74E0]  }
0x722: {  	v19 =	vld [tilespmem:s23+$0x74F0]  }
0x723: {  	v20 =	vld [tilespmem:s23+$0x7500]  }
0x724: {  	v21 =	vld [tilespmem:s23+$0x7510]  }
0x725: {  	v22 =	vld [tilespmem:s23+$0x7520]  }
0x726: {  	v23 =	vld [tilespmem:s23+$0x7530]  }
0x727: {  	v24 =	vld [tilespmem:s23+$0x7540]  }
0x728: {  	v25 =	vld [tilespmem:s23+$0x7550]  }
0x729: {  	v26 =	vld [tilespmem:s23+$0x7560]  }
0x72a: {  	v27 =	vld [tilespmem:s23+$0x7570]  }
0x72b: {  	[tilespmem:s23+$0x155A0] =	vst.add.f32.msk $0xffff, v5  }
0x72c: {  	[tilespmem:s23+$0x155B0] =	vst.add.f32.msk $0xffff, v6  }
0x72d: {  	[tilespmem:s23+$0x155C0] =	vst.add.f32.msk $0xffff, v7  }
0x72e: {  	[tilespmem:s23+$0x155D0] =	vst.add.f32.msk $0xffff, v8  }
0x72f: {  	[tilespmem:s23+$0x155E0] =	vst.add.f32.msk $0xffff, v9  }
0x730: {  	[tilespmem:s23+$0x155F0] =	vst.add.f32.msk $0xffff, v10  }
0x731: {  	v5 =	vld [tilespmem:s23+$0x7410]  }
0x732: {  	v6 =	vld [tilespmem:s23+$0x7420]  }
0x733: {  	p0 =	por !p0, !p0;
	s4 =	simm.s32 $0x1;
	v7 =	vld [tilespmem:s23+$0x7430]  }
0x734: {  	s4 =	simm.s32 @!p0 $0x0;
	[tilespmem:s23+$0x15440] =	vst.add.f32.msk $0xffff, v60  }
0x735: {  	s4 =	sshll.u32 s4, $0x9;
	[tilespmem:s23+$0x15450] =	vst.add.f32.msk $0xffff, v61  }
0x736: {  	s18 =	sadd.s32 s4, s12;
	[tilespmem:s23+$0x15460] =	vst.add.f32.msk $0xffff, v62  }
0x737: {  	s20 =	sadd.s32 $0x180, s18;
	[tilespmem:s23+$0x15580] =	vst.add.f32.msk $0xffff, v3  }
0x738: {  	s16 =	sor.u32 $0x400, s20;
	[tilespmem:s23+$0x15590] =	vst.add.f32.msk $0xffff, v4  }
0x739: {  	v3 =	vld [tilespmem:s16+$0x7400]  }
0x73a: {  	[tilespmem:s23+$0x15470] =	vst.add.f32.msk $0xffff, v11  }
0x73b: {  	v4 =	vld [tilespmem:s23+$0x7400]  }
0x73c: {  	[tilespmem:s23+$0x15480] =	vst.add.f32.msk $0xffff, v12  }
0x73d: {  	[tilespmem:s23+$0x15490] =	vst.add.f32.msk $0xffff, v13  }
0x73e: {  	[tilespmem:s16+$0x15400] =	vst.add.f32.msk $0xffff, v3;
	s16 =	sor.u32 $0x410, s20  }
0x73f: {  	v3 =	vld [tilespmem:s16+$0x7400]  }
0x740: {  	[tilespmem:s23+$0x154A0] =	vst.add.f32.msk $0xffff, v14  }
0x741: {  	[tilespmem:s23+$0x154B0] =	vst.add.f32.msk $0xffff, v15  }
0x742: {  	[tilespmem:s23+$0x154C0] =	vst.add.f32.msk $0xffff, v16  }
0x743: {  	[tilespmem:s23+$0x154D0] =	vst.add.f32.msk $0xffff, v17  }
0x744: {  	[tilespmem:s16+$0x15400] =	vst.add.f32.msk $0xffff, v3;
	s16 =	sor.u32 $0x420, s20  }
0x745: {  	v3 =	vld [tilespmem:s16+$0x7400]  }
0x746: {  	s6 =	sadd.s32 $0x80, s18;
	s5 =	sor.u32 $0x450, s18;
	[tilespmem:s23+$0x154E0] =	vst.add.f32.msk $0xffff, v18  }
0x747: {  	[dreg:$0xf] =	wrdreg s5;
	s5 =	sor.u32 $0x460, s6;
	[tilespmem:s23+$0x154F0] =	vst.add.f32.msk $0xffff, v19  }
0x748: {  	s15 =	sadd.s32 $0x100, s18;
	[smem:$0x7E7] =	sst s5;
	s5 =	sor.u32 $0x460, s18;
	[tilespmem:s23+$0x15500] =	vst.add.f32.msk $0xffff, v20  }
0x749: {  	[smem:$0x7E6] =	sst s5;
	s5 =	sor.u32 $0x460, s15;
	[tilespmem:s23+$0x15510] =	vst.add.f32.msk $0xffff, v21  }
0x74a: {  	[smem:$0x7E8] =	sst s5;
	s5 =	sor.u32 $0x430, s20;
	[tilespmem:s16+$0x15400] =	vst.add.f32.msk $0xffff, v3  }
0x74b: {  	v3 =	vld [tilespmem:s5+$0x7400]  }
0x74c: {  	[tilespmem:s23+$0x15520] =	vst.add.f32.msk $0xffff, v22  }
0x74d: {  	[tilespmem:s23+$0x15530] =	vst.add.f32.msk $0xffff, v23  }
0x74e: {  	[tilespmem:s23+$0x15540] =	vst.add.f32.msk $0xffff, v24  }
0x74f: {  	[tilespmem:s23+$0x15550] =	vst.add.f32.msk $0xffff, v25  }
0x750: {  	s16 =	sor.u32 $0x440, s20;
	[tilespmem:s5+$0x15400] =	vst.add.f32.msk $0xffff, v3  }
0x751: {  	v3 =	vld [tilespmem:s16+$0x7400]  }
0x752: {  	[tilespmem:s23+$0x15560] =	vst.add.f32.msk $0xffff, v26  }
0x753: {  	[tilespmem:s23+$0x15570] =	vst.add.f32.msk $0xffff, v27  }
0x754: {  	[tilespmem:s23+$0x15410] =	vst.add.f32.msk $0xffff, v5  }
0x755: {  	[tilespmem:s23+$0x15420] =	vst.add.f32.msk $0xffff, v6  }
0x756: {  	s5 =	sor.u32 $0x450, s20;
	[tilespmem:s16+$0x15400] =	vst.add.f32.msk $0xffff, v3  }
0x757: {  	v3 =	vld [tilespmem:s5+$0x7400]  }
0x758: {  	s25 =	sor.u32 $0x400, s15;
	[tilespmem:s23+$0x15430] =	vst.add.f32.msk $0xffff, v7  }
0x759: {  	v5 =	vld [tilespmem:s25+$0x7400]  }
0x75a: {  	v7 =	vld [tilespmem:s0+$0x7400]  }
0x75b: {  	[tilespmem:s23+$0x15400] =	vst.add.f32.msk $0xffff, v4  }
0x75c: {  	s16 =	sor.u32 $0x460, s20;
	[tilespmem:s5+$0x15400] =	vst.add.f32.msk $0xffff, v3  }
0x75d: {  	s28 =	sor.u32 $0x400, s6;
	v3 =	vld [tilespmem:s16+$0x7400]  }
0x75e: {  	v4 =	vld [tilespmem:s28+$0x7400]  }
0x75f: {  	v6 =	vld [tilespmem:s9+$0x7400]  }
0x760: {  	s26 =	sor.u32 $0x410, s15;
	[tilespmem:s25+$0x15400] =	vst.add.f32.msk $0xffff, v5  }
0x761: {  	v5 =	vld [tilespmem:s26+$0x7400]  }
0x762: {  	s20 =	sor.u32 $0x470, s20;
	[tilespmem:s16+$0x15400] =	vst.add.f32.msk $0xffff, v3  }
0x763: {  	v3 =	vld [tilespmem:s20+$0x7400]  }
0x764: {  	v63 =	vld [tilespmem:s1+$0x7400]  }
0x765: {  	s29 =	sor.u32 $0x410, s6;
	[tilespmem:s28+$0x15400] =	vst.add.f32.msk $0xffff, v4  }
0x766: {  	v4 =	vld [tilespmem:s29+$0x7400]  }
0x767: {  	[tilespmem:s26+$0x15400] =	vst.add.f32.msk $0xffff, v5  }
0x768: {  	s30 =	sor.u32 $0x400, s18;
	[tilespmem:s20+$0x15400] =	vst.add.f32.msk $0xffff, v3  }
0x769: {  	s4 =	sor.u32 $0x420, s15;
	v3 =	vld [tilespmem:s30+$0x7400]  }
0x76a: {  	v5 =	vld [tilespmem:s4+$0x7400]  }
0x76b: {  	[tilespmem:s1+$0x15400] =	vst.add.f32.msk $0xffff, v63  }
0x76c: {  	s7 =	sor.u32 $0x420, s6;
	[tilespmem:s29+$0x15400] =	vst.add.f32.msk $0xffff, v4  }
0x76d: {  	v4 =	vld [tilespmem:s7+$0x7400]  }
0x76e: {  	s10 =	sor.u32 $0x410, s18;
	[tilespmem:s30+$0x15400] =	vst.add.f32.msk $0xffff, v3  }
0x76f: {  	v3 =	vld [tilespmem:s10+$0x7400]  }
0x770: {  	[tilespmem:s0+$0x15400] =	vst.add.f32.msk $0xffff, v7  }
0x771: {  	s21 =	sor.u32 $0x430, s15;
	[tilespmem:s4+$0x15400] =	vst.add.f32.msk $0xffff, v5  }
0x772: {  	v5 =	vld [tilespmem:s21+$0x7400]  }
0x773: {  	[tilespmem:s9+$0x15400] =	vst.add.f32.msk $0xffff, v6  }
0x774: {  	s8 =	sor.u32 $0x420, s18;
	[tilespmem:s10+$0x15400] =	vst.add.f32.msk $0xffff, v3  }
0x775: {  	v3 =	vld [tilespmem:s8+$0x7400]  }
0x776: {  	s22 =	sor.u32 $0x430, s6;
	[tilespmem:s7+$0x15400] =	vst.add.f32.msk $0xffff, v4  }
0x777: {  	v4 =	vld [tilespmem:s22+$0x7400]  }
0x778: {  	v7 =	vld [tilespmem:s17+$0x7400]  }
0x779: {  	s19 =	sor.u32 $0x440, s15;
	[tilespmem:s21+$0x15400] =	vst.add.f32.msk $0xffff, v5  }
0x77a: {  	s24 =	sor.u32 $0x430, s18;
	[dreg:$0x17] =	wrdreg s19;
	[tilespmem:s8+$0x15400] =	vst.add.f32.msk $0xffff, v3  }
0x77b: {  	s14 =	sor.u32 $0x440, s6;
	s28 =	rddreg [dreg:$0x17];
	v3 =	vld [tilespmem:s24+$0x7400]  }
0x77c: {  	[dreg:$0x1f] =	wrdreg s14;
	v5 =	vld [tilespmem:s28+$0x7400]  }
0x77d: {  	s26 =	rddreg [dreg:$0x1f];
	[tilespmem:s22+$0x15400] =	vst.add.f32.msk $0xffff, v4  }
0x77e: {  	v4 =	vld [tilespmem:s26+$0x7400]  }
0x77f: {  	v6 =	vld [tilespmem:s3+$0x7400]  }
0x780: {  	s19 =	sor.u32 $0x440, s18;
	[tilespmem:s24+$0x15400] =	vst.add.f32.msk $0xffff, v3  }
0x781: {  	v3 =	vld [tilespmem:s19+$0x7400]  }
0x782: {  	v8 =	vld [tilespmem:s31+$0x7400]  }
0x783: {  	[tilespmem:s28+$0x15400] =	vst.add.f32.msk $0xffff, v5  }
0x784: {  	[tilespmem:s26+$0x15400] =	vst.add.f32.msk $0xffff, v4  }
0x785: {  	s2 =	sadd.s32 $0x4, s2;
	[tilespmem:s3+$0x15400] =	vst.add.f32.msk $0xffff, v6  }
0x786: {  	s11 =	sadd.s32 $0x200, s11;
	p1 =	slt.u32 s2, $0x6C;
	s29 =	rddreg [dreg:$0xf];
	[tilespmem:s19+$0x15400] =	vst.add.f32.msk $0xffff, v3  }
0x787: {  	s12 =	sadd.s32 $0x400, s12;
	s13 =	sor.u32 $0x450, s15;
	s25 =	sld [smem:$0x7E8];
	v5 =	vld [tilespmem:s29+$0x7400]  }
.Ltmp4:
0x788: {  	s14 =	sor.u32 $0x450, s6;
	s23 =	sld [smem:$0x7E7];
	v4 =	vld [tilespmem:s13+$0x7400];
	(pc) =	sbr.rel @p1 .LBB2_11-.Ltmp4, $4  }
0x789: {  	s6 =	sor.u32 $0x470, s6;
	s18 =	sor.u32 $0x470, s18;
	[tilespmem:s31+$0x15400] =	vst.add.f32.msk $0xffff, v8;
	s5 =	sld [smem:$0x7E6]  }
0x78a: {  	[dreg:$0x7] =	wrdreg s6;
	s15 =	sor.u32 $0x470, s15;
	s1 =	smov.u32 s25;
	v3 =	vld [tilespmem:s14+$0x7400]  }
0x78b: {  	s0 =	smov.u32 s23;
	s31 =	smov.u32 s15;
	s30 =	rddreg [dreg:$0x7];
	[tilespmem:s17+$0x15400] =	vst.add.f32.msk $0xffff, v7  }
0x78c: {  	s9 =	smov.u32 s5;
	s3 =	smov.u32 s18;
	s17 =	smov.u32 s30;
	[tilespmem:s29+$0x15400] =	vst.add.f32.msk $0xffff, v5  }
0x78d: {  	[tilespmem:s13+$0x15400] =	vst.add.f32.msk $0xffff, v4  }
0x78e: {  	v5 =	vld [tilespmem:s1+$0x7400]  }
0x78f: {  	[tilespmem:s14+$0x15400] =	vst.add.f32.msk $0xffff, v3  }
0x790: {  	v3 =	vld [tilespmem:s9+$0x7400];
	_ =	sdelay $0x1  }
0x791: {  	v4 =	vld [tilespmem:s0+$0x7400];
	_ =	sdelay $0x1  }
0x792: {  	[tilespmem:s1+$0x15400] =	vst.add.f32.msk $0xffff, v5  }
0x793: {  	[tilespmem:s9+$0x15400] =	vst.add.f32.msk $0xffff, v3  }
0x794: {  	v5 =	vld [tilespmem:s31+$0x7400]  }
0x795: {  	[tilespmem:s0+$0x15400] =	vst.add.f32.msk $0xffff, v4  }
0x796: {  	v3 =	vld [tilespmem:s3+$0x7400]  }
0x797: {  	v4 =	vld [tilespmem:s17+$0x7400];
	_ =	sdelay $0x2  }
0x798: {  	[tilespmem:s31+$0x15400] =	vst.add.f32.msk $0xffff, v5  }
0x799: {  	[tilespmem:s3+$0x15400] =	vst.add.f32.msk $0xffff, v3  }
0x79a: {  	[tilespmem:s17+$0x15400] =	vst.add.f32.msk $0xffff, v4  }
0x79b: {  	v3 =	vld [tilespmem:$0x380];
	_ =	sdelay $0x4  }
0x79c: {  	v4 =	vshll.u32 v3, $0x1  }
0x79d: {  	v3 =	vand.u32 $0x7, v3;
	v4 =	vand.u32 $0xFFFFFFF0, v4  }
0x79e: {  	v3 =	vor.u32 v3, v4  }
0x79f: {  	v4 =	vperm.xlane v3, v0;
	_ =	sdelay $0x1  }
0x7a0: {  	v3 =	vperm.xlane v3, v2;
	v4 =	vadd.s32 v1, v4;
	_ =	sdelay $0x1  }
0x7a1: {  	s1 =	sld [smem:$0x7F9];
	v3 =	vadd.s32 v1, v3;
	_ =	sdelay $0x1  }
0x7a2: {  	s2 =	simm.s32 $0x7400;
	s17 =	simm.s32 $0x0  }
0x7a3: {  	[tilespmem:s2], [sflag:$0x3] =	stream.indirect_vreg.gather [hbm4b:s1+s17], $0x80, v4, vm0, $0xb8;
	[tilespmem:$0x1C400] =	vst v63  }
0x7a4: {  	s18 =	simm.s32 $0x7C00  }
0x7a5: {  	[tilespmem:s18], [sflag:$0x3] =	stream.indirect_vreg.gather [hbm4b:s1+s17], $0x80, v3, vm0, $0xb8;
	[tilespmem:$0x1C400] =	vst v63  }
0x7a6: {  	v3 =	vld [tilespmem:$0x390];
	_ =	sdelay $0x4  }
0x7a7: {  	v4 =	vshll.u32 v3, $0x1  }
0x7a8: {  	v3 =	vand.u32 $0x7, v3;
	v4 =	vand.u32 $0xFFFFFFF0, v4  }
0x7a9: {  	v3 =	vor.u32 v3, v4  }
0x7aa: {  	v4 =	vperm.xlane v3, v0;
	_ =	sdelay $0x1  }
0x7ab: {  	v3 =	vperm.xlane v3, v2;
	v4 =	vadd.s32 v1, v4;
	_ =	sdelay $0x1  }
0x7ac: {  	v3 =	vadd.s32 v1, v3;
	_ =	sdelay $0x1  }
0x7ad: {  	s19 =	simm.s32 $0x8400  }
0x7ae: {  	[tilespmem:s19], [sflag:$0x3] =	stream.indirect_vreg.gather [hbm4b:s1+s17], $0x80, v4, vm0, $0xb8;
	[tilespmem:$0x1C400] =	vst v63  }
0x7af: {  	s20 =	simm.s32 $0x8C00  }
0x7b0: {  	[tilespmem:s20], [sflag:$0x3] =	stream.indirect_vreg.gather [hbm4b:s1+s17], $0x80, v3, vm0, $0xb8;
	[tilespmem:$0x1C400] =	vst v63  }
0x7b1: {  	v3 =	vld [tilespmem:$0x3A0];
	_ =	sdelay $0x4  }
0x7b2: {  	v4 =	vshll.u32 v3, $0x1  }
0x7b3: {  	v3 =	vand.u32 $0x7, v3;
	v4 =	vand.u32 $0xFFFFFFF0, v4  }
0x7b4: {  	v3 =	vor.u32 v3, v4  }
0x7b5: {  	v4 =	vperm.xlane v3, v0;
	_ =	sdelay $0x1  }
0x7b6: {  	v3 =	vperm.xlane v3, v2;
	v4 =	vadd.s32 v1, v4;
	_ =	sdelay $0x1  }
0x7b7: {  	v3 =	vadd.s32 v1, v3;
	_ =	sdelay $0x1  }
0x7b8: {  	s21 =	simm.s32 $0x9400  }
0x7b9: {  	[tilespmem:s21], [sflag:$0x3] =	stream.indirect_vreg.gather [hbm4b:s1+s17], $0x80, v4, vm0, $0xb8;
	[tilespmem:$0x1C400] =	vst v63  }
0x7ba: {  	s22 =	simm.s32 $0x9C00  }
0x7bb: {  	[tilespmem:s22], [sflag:$0x3] =	stream.indirect_vreg.gather [hbm4b:s1+s17], $0x80, v3, vm0, $0xb8;
	[tilespmem:$0x1C400] =	vst v63  }
0x7bc: {  	v3 =	vld [tilespmem:$0x3B0];
	_ =	sdelay $0x4  }
0x7bd: {  	v4 =	vshll.u32 v3, $0x1  }
0x7be: {  	v3 =	vand.u32 $0x7, v3;
	v4 =	vand.u32 $0xFFFFFFF0, v4  }
0x7bf: {  	v3 =	vor.u32 v3, v4  }
0x7c0: {  	v4 =	vperm.xlane v3, v0;
	_ =	sdelay $0x1  }
0x7c1: {  	v3 =	vperm.xlane v3, v2;
	v4 =	vadd.s32 v1, v4;
	_ =	sdelay $0x1  }
0x7c2: {  	v3 =	vadd.s32 v1, v3;
	_ =	sdelay $0x1  }
0x7c3: {  	s23 =	simm.s32 $0xA400  }
0x7c4: {  	[tilespmem:s23], [sflag:$0x3] =	stream.indirect_vreg.gather [hbm4b:s1+s17], $0x80, v4, vm0, $0xb8;
	[tilespmem:$0x1C400] =	vst v63  }
0x7c5: {  	s24 =	simm.s32 $0xAC00  }
0x7c6: {  	[tilespmem:s24], [sflag:$0x3] =	stream.indirect_vreg.gather [hbm4b:s1+s17], $0x80, v3, vm0, $0xb8;
	[tilespmem:$0x1C400] =	vst v63  }
0x7c7: {  	v3 =	vld [tilespmem:$0x3C0];
	_ =	sdelay $0x4  }
0x7c8: {  	v4 =	vshll.u32 v3, $0x1  }
0x7c9: {  	v3 =	vand.u32 $0x7, v3;
	v4 =	vand.u32 $0xFFFFFFF0, v4  }
0x7ca: {  	v3 =	vor.u32 v3, v4  }
0x7cb: {  	v4 =	vperm.xlane v3, v0;
	_ =	sdelay $0x1  }
0x7cc: {  	v3 =	vperm.xlane v3, v2;
	v4 =	vadd.s32 v1, v4;
	_ =	sdelay $0x1  }
0x7cd: {  	v3 =	vadd.s32 v1, v3;
	_ =	sdelay $0x1  }
0x7ce: {  	s25 =	simm.s32 $0xB400  }
0x7cf: {  	[tilespmem:s25], [sflag:$0x3] =	stream.indirect_vreg.gather [hbm4b:s1+s17], $0x80, v4, vm0, $0xb8;
	[tilespmem:$0x1C400] =	vst v63  }
0x7d0: {  	s26 =	simm.s32 $0xBC00  }
0x7d1: {  	[tilespmem:s26], [sflag:$0x3] =	stream.indirect_vreg.gather [hbm4b:s1+s17], $0x80, v3, vm0, $0xb8;
	[tilespmem:$0x1C400] =	vst v63  }
0x7d2: {  	v3 =	vld [tilespmem:$0x3D0];
	_ =	sdelay $0x4  }
0x7d3: {  	v4 =	vshll.u32 v3, $0x1  }
0x7d4: {  	v3 =	vand.u32 $0x7, v3;
	v4 =	vand.u32 $0xFFFFFFF0, v4  }
0x7d5: {  	v3 =	vor.u32 v3, v4  }
0x7d6: {  	v4 =	vperm.xlane v3, v0;
	_ =	sdelay $0x1  }
0x7d7: {  	v3 =	vperm.xlane v3, v2;
	v4 =	vadd.s32 v1, v4;
	_ =	sdelay $0x1  }
0x7d8: {  	v3 =	vadd.s32 v1, v3;
	_ =	sdelay $0x1  }
0x7d9: {  	s28 =	simm.s32 $0xC400  }
0x7da: {  	[tilespmem:s28], [sflag:$0x3] =	stream.indirect_vreg.gather [hbm4b:s1+s17], $0x80, v4, vm0, $0xb8;
	[tilespmem:$0x1C400] =	vst v63  }
0x7db: {  	s29 =	simm.s32 $0xCC00  }
0x7dc: {  	[tilespmem:s29], [sflag:$0x3] =	stream.indirect_vreg.gather [hbm4b:s1+s17], $0x80, v3, vm0, $0xb8;
	[tilespmem:$0x1C400] =	vst v63  }
0x7dd: {  	v3 =	vld [tilespmem:$0x3E0];
	_ =	sdelay $0x4  }
0x7de: {  	v4 =	vshll.u32 v3, $0x1  }
0x7df: {  	v3 =	vand.u32 $0x7, v3;
	v4 =	vand.u32 $0xFFFFFFF0, v4  }
0x7e0: {  	v3 =	vor.u32 v3, v4  }
0x7e1: {  	v4 =	vperm.xlane v3, v0;
	_ =	sdelay $0x1  }
0x7e2: {  	v3 =	vperm.xlane v3, v2;
	v4 =	vadd.s32 v1, v4;
	_ =	sdelay $0x1  }
0x7e3: {  	v3 =	vadd.s32 v1, v3;
	_ =	sdelay $0x1  }
0x7e4: {  	s30 =	simm.s32 $0xD400  }
0x7e5: {  	[tilespmem:s30], [sflag:$0x3] =	stream.indirect_vreg.gather [hbm4b:s1+s17], $0x80, v4, vm0, $0xb8;
	[tilespmem:$0x1C400] =	vst v63  }
0x7e6: {  	s4 =	simm.s32 $0x4;
	s3 =	simm.s32 $0xDC00  }
0x7e7: {  	[tilespmem:s3], [sflag:$0x3] =	stream.indirect_vreg.gather [hbm4b:s1+s17], $0x80, v3, vm0, $0xb8;
	[tilespmem:$0x1C400] =	vst v63  }
0x7e8: {  	_ =	swait.ge [sflag:s4], $0x7000  }
0x7e9: {  	s5 =	sand.u32 $0x7800, s17;
	s0 =	sand.u32 $0x200, s17;
	[sflag:s4] =	ssyncset.done $0x0  }
0x7ea: {  	s1 =	sor.u32 s0, s5;
	[sflag:s4] =	ssyncadd.s32 $0xFFFF9000  }
0x7eb: {  	v3 =	vld [tilespmem:s1+$0xE580]  }
0x7ec: {  	v4 =	vld [tilespmem:s1+$0xE590]  }
0x7ed: {  	v5 =	vld [tilespmem:s1+$0xE5A0]  }
0x7ee: {  	v6 =	vld [tilespmem:s1+$0xE5B0]  }
0x7ef: {  	v7 =	vld [tilespmem:s1+$0xE5C0]  }
0x7f0: {  	v8 =	vld [tilespmem:s1+$0xE5D0]  }
0x7f1: {  	v9 =	vld [tilespmem:s1+$0xE5E0]  }
0x7f2: {  	v10 =	vld [tilespmem:s1+$0xE5F0]  }
0x7f3: {  	v61 =	vld [tilespmem:s1+$0xE440]  }
0x7f4: {  	v62 =	vld [tilespmem:s1+$0xE450]  }
0x7f5: {  	v63 =	vld [tilespmem:s1+$0xE460]  }
0x7f6: {  	v11 =	vld [tilespmem:s1+$0xE470]  }
0x7f7: {  	v12 =	vld [tilespmem:s1+$0xE480]  }
0x7f8: {  	v13 =	vld [tilespmem:s1+$0xE490]  }
0x7f9: {  	v14 =	vld [tilespmem:s1+$0xE4A0]  }
0x7fa: {  	v15 =	vld [tilespmem:s1+$0xE4B0]  }
0x7fb: {  	v16 =	vld [tilespmem:s1+$0xE4C0]  }
0x7fc: {  	v17 =	vld [tilespmem:s1+$0xE4D0]  }
0x7fd: {  	v18 =	vld [tilespmem:s1+$0xE4E0]  }
0x7fe: {  	v19 =	vld [tilespmem:s1+$0xE4F0]  }
0x7ff: {  	v20 =	vld [tilespmem:s1+$0xE500]  }
0x800: {  	v21 =	vld [tilespmem:s1+$0xE510]  }
0x801: {  	v22 =	vld [tilespmem:s1+$0xE520]  }
0x802: {  	v23 =	vld [tilespmem:s1+$0xE530]  }
0x803: {  	v24 =	vld [tilespmem:s1+$0xE540]  }
0x804: {  	v25 =	vld [tilespmem:s1+$0xE550]  }
0x805: {  	v26 =	vld [tilespmem:s1+$0xE560]  }
0x806: {  	v27 =	vld [tilespmem:s1+$0xE570]  }
0x807: {  	[tilespmem:s1+$0x15580] =	vst.add.f32.msk $0xffff, v3  }
0x808: {  	[tilespmem:s1+$0x15590] =	vst.add.f32.msk $0xffff, v4  }
0x809: {  	[tilespmem:s1+$0x155A0] =	vst.add.f32.msk $0xffff, v5  }
0x80a: {  	[tilespmem:s1+$0x155B0] =	vst.add.f32.msk $0xffff, v6  }
0x80b: {  	[tilespmem:s1+$0x155C0] =	vst.add.f32.msk $0xffff, v7  }
0x80c: {  	[tilespmem:s1+$0x155D0] =	vst.add.f32.msk $0xffff, v8  }
0x80d: {  	[tilespmem:s1+$0x155E0] =	vst.add.f32.msk $0xffff, v9  }
0x80e: {  	[tilespmem:s1+$0x155F0] =	vst.add.f32.msk $0xffff, v10  }
0x80f: {  	p0 =	por $0x0, $0x0;
	s0 =	simm.s32 $0x1;
	v4 =	vld [tilespmem:s1+$0xE400]  }
0x810: {  	s0 =	simm.s32 @!p0 $0x0;
	v5 =	vld [tilespmem:s1+$0xE410]  }
0x811: {  	s0 =	sshll.u32 s0, $0x9;
	v6 =	vld [tilespmem:s1+$0xE420]  }
0x812: {  	s6 =	sadd.s32 $0x0, s0;
	v7 =	vld [tilespmem:s1+$0xE430]  }
0x813: {  	s0 =	sadd.s32 $0x180, s6;
	[tilespmem:s1+$0x15440] =	vst.add.f32.msk $0xffff, v61  }
0x814: {  	s10 =	sor.u32 $0x400, s0;
	[tilespmem:s1+$0x15450] =	vst.add.f32.msk $0xffff, v62  }
0x815: {  	v3 =	vld [tilespmem:s10+$0xE400]  }
0x816: {  	[tilespmem:s1+$0x15460] =	vst.add.f32.msk $0xffff, v63  }
0x817: {  	[tilespmem:s1+$0x15470] =	vst.add.f32.msk $0xffff, v11  }
0x818: {  	[tilespmem:s1+$0x15480] =	vst.add.f32.msk $0xffff, v12  }
0x819: {  	[tilespmem:s1+$0x15490] =	vst.add.f32.msk $0xffff, v13  }
0x81a: {  	s11 =	sor.u32 $0x410, s0;
	[tilespmem:s10+$0x15400] =	vst.add.f32.msk $0xffff, v3  }
0x81b: {  	v3 =	vld [tilespmem:s11+$0xE400]  }
0x81c: {  	[tilespmem:s1+$0x154A0] =	vst.add.f32.msk $0xffff, v14  }
0x81d: {  	[tilespmem:s1+$0x154B0] =	vst.add.f32.msk $0xffff, v15  }
0x81e: {  	[tilespmem:s1+$0x154C0] =	vst.add.f32.msk $0xffff, v16  }
0x81f: {  	[tilespmem:s1+$0x154D0] =	vst.add.f32.msk $0xffff, v17  }
0x820: {  	s12 =	sor.u32 $0x420, s0;
	[tilespmem:s11+$0x15400] =	vst.add.f32.msk $0xffff, v3  }
0x821: {  	v3 =	vld [tilespmem:s12+$0xE400]  }
0x822: {  	[tilespmem:s1+$0x154E0] =	vst.add.f32.msk $0xffff, v18  }
0x823: {  	[tilespmem:s1+$0x154F0] =	vst.add.f32.msk $0xffff, v19  }
0x824: {  	[tilespmem:s1+$0x15500] =	vst.add.f32.msk $0xffff, v20  }
0x825: {  	[tilespmem:s1+$0x15510] =	vst.add.f32.msk $0xffff, v21  }
0x826: {  	s13 =	sor.u32 $0x430, s0;
	[tilespmem:s12+$0x15400] =	vst.add.f32.msk $0xffff, v3  }
0x827: {  	v3 =	vld [tilespmem:s13+$0xE400]  }
0x828: {  	[tilespmem:s1+$0x15520] =	vst.add.f32.msk $0xffff, v22  }
0x829: {  	[tilespmem:s1+$0x15530] =	vst.add.f32.msk $0xffff, v23  }
0x82a: {  	[tilespmem:s1+$0x15540] =	vst.add.f32.msk $0xffff, v24  }
0x82b: {  	[tilespmem:s1+$0x15550] =	vst.add.f32.msk $0xffff, v25  }
0x82c: {  	s14 =	sor.u32 $0x440, s0;
	[tilespmem:s13+$0x15400] =	vst.add.f32.msk $0xffff, v3  }
0x82d: {  	v3 =	vld [tilespmem:s14+$0xE400]  }
0x82e: {  	[tilespmem:s1+$0x15560] =	vst.add.f32.msk $0xffff, v26  }
0x82f: {  	[tilespmem:s1+$0x15570] =	vst.add.f32.msk $0xffff, v27  }
0x830: {  	[tilespmem:s1+$0x15400] =	vst.add.f32.msk $0xffff, v4  }
0x831: {  	[tilespmem:s1+$0x15410] =	vst.add.f32.msk $0xffff, v5  }
0x832: {  	s15 =	sor.u32 $0x450, s0;
	[tilespmem:s14+$0x15400] =	vst.add.f32.msk $0xffff, v3  }
0x833: {  	s4 =	sadd.s32 $0x80, s6;
	v3 =	vld [tilespmem:s15+$0xE400]  }
0x834: {  	s5 =	sor.u32 $0x400, s4;
	[tilespmem:s1+$0x15420] =	vst.add.f32.msk $0xffff, v6  }
0x835: {  	v4 =	vld [tilespmem:s5+$0xE400];
	s10 =	sadd.s32 $0x100, s6  }
0x836: {  	[tilespmem:s1+$0x15430] =	vst.add.f32.msk $0xffff, v7;
	s7 =	sor.u32 $0x400, s10  }
0x837: {  	v5 =	vld [tilespmem:s7+$0xE400]  }
0x838: {  	s16 =	sor.u32 $0x400, s6;
	[tilespmem:s15+$0x15400] =	vst.add.f32.msk $0xffff, v3  }
0x839: {  	v3 =	vld [tilespmem:s16+$0xE400]  }
0x83a: {  	s18 =	sor.u32 $0x410, s4;
	[tilespmem:s5+$0x15400] =	vst.add.f32.msk $0xffff, v4  }
0x83b: {  	v4 =	vld [tilespmem:s18+$0xE400]  }
0x83c: {  	s8 =	sor.u32 $0x410, s10;
	[tilespmem:s7+$0x15400] =	vst.add.f32.msk $0xffff, v5  }
0x83d: {  	v5 =	vld [tilespmem:s8+$0xE400]  }
0x83e: {  	s17 =	sor.u32 $0x410, s6;
	[tilespmem:s16+$0x15400] =	vst.add.f32.msk $0xffff, v3  }
0x83f: {  	v3 =	vld [tilespmem:s17+$0xE400]  }
0x840: {  	s21 =	sor.u32 $0x420, s4;
	[tilespmem:s18+$0x15400] =	vst.add.f32.msk $0xffff, v4  }
0x841: {  	v4 =	vld [tilespmem:s21+$0xE400]  }
0x842: {  	s22 =	sor.u32 $0x420, s10;
	[tilespmem:s8+$0x15400] =	vst.add.f32.msk $0xffff, v5  }
0x843: {  	v5 =	vld [tilespmem:s22+$0xE400]  }
0x844: {  	s20 =	sor.u32 $0x420, s6;
	[tilespmem:s17+$0x15400] =	vst.add.f32.msk $0xffff, v3  }
0x845: {  	v3 =	vld [tilespmem:s20+$0xE400]  }
0x846: {  	s24 =	sor.u32 $0x430, s4;
	[tilespmem:s21+$0x15400] =	vst.add.f32.msk $0xffff, v4  }
0x847: {  	v4 =	vld [tilespmem:s24+$0xE400]  }
0x848: {  	s19 =	sor.u32 $0x460, s0;
	[tilespmem:s22+$0x15400] =	vst.add.f32.msk $0xffff, v5  }
0x849: {  	v6 =	vld [tilespmem:s19+$0xE400]  }
0x84a: {  	s23 =	sor.u32 $0x430, s6;
	[tilespmem:s20+$0x15400] =	vst.add.f32.msk $0xffff, v3  }
0x84b: {  	s25 =	sor.u32 $0x430, s10;
	v3 =	vld [tilespmem:s23+$0xE400]  }
0x84c: {  	v5 =	vld [tilespmem:s25+$0xE400]  }
0x84d: {  	[tilespmem:s24+$0x15400] =	vst.add.f32.msk $0xffff, v4  }
0x84e: {  	s0 =	sor.u32 $0x470, s0;
	[tilespmem:s19+$0x15400] =	vst.add.f32.msk $0xffff, v6  }
0x84f: {  	v6 =	vld [tilespmem:s0+$0xE400]  }
0x850: {  	s26 =	sor.u32 $0x440, s6;
	[tilespmem:s23+$0x15400] =	vst.add.f32.msk $0xffff, v3  }
0x851: {  	s28 =	sor.u32 $0x440, s4;
	v3 =	vld [tilespmem:s26+$0xE400]  }
0x852: {  	v4 =	vld [tilespmem:s28+$0xE400]  }
0x853: {  	s29 =	sor.u32 $0x440, s10;
	[tilespmem:s25+$0x15400] =	vst.add.f32.msk $0xffff, v5  }
0x854: {  	v5 =	vld [tilespmem:s29+$0xE400]  }
0x855: {  	[tilespmem:s0+$0x15400] =	vst.add.f32.msk $0xffff, v6  }
0x856: {  	s30 =	sor.u32 $0x450, s6;
	[tilespmem:s26+$0x15400] =	vst.add.f32.msk $0xffff, v3  }
0x857: {  	v6 =	vld [tilespmem:s30+$0xE400]  }
0x858: {  	[tilespmem:s28+$0x15400] =	vst.add.f32.msk $0xffff, v4  }
0x859: {  	s2 =	simm.s32 $0x0;
	s13 =	sor.u32 $0x450, s10;
	[tilespmem:s29+$0x15400] =	vst.add.f32.msk $0xffff, v5  }
0x85a: {  	s9 =	sor.u32 $0x460, s6;
	s3 =	sor.u32 $0x470, s6;
	s14 =	sor.u32 $0x450, s4;
	v4 =	vld [tilespmem:s13+$0xE400]  }
0x85b: {  	s1 =	sor.u32 $0x460, s10;
	s31 =	sor.u32 $0x470, s10;
	s11 =	simm.s32 $0x200;
	v3 =	vld [tilespmem:s14+$0xE400]  }
0x85c: {  	s12 =	simm.s32 $0x400;
	s17 =	sor.u32 $0x470, s4;
	s0 =	sor.u32 $0x460, s4;
	[tilespmem:s30+$0x15400] =	vst.add.f32.msk $0xffff, v6  }
.LBB2_13:
0x85d: {  	s4 =	sand.u32 $0x7800, s12;
	s5 =	sand.u32 $0x200, s11  }
0x85e: {  	s23 =	sor.u32 s5, s4  }
0x85f: {  	v5 =	vld [tilespmem:s23+$0xE5A0]  }
0x860: {  	v6 =	vld [tilespmem:s23+$0xE5B0]  }
0x861: {  	v7 =	vld [tilespmem:s23+$0xE5C0]  }
0x862: {  	v8 =	vld [tilespmem:s23+$0xE5D0]  }
0x863: {  	v9 =	vld [tilespmem:s23+$0xE5E0]  }
0x864: {  	v10 =	vld [tilespmem:s23+$0xE5F0]  }
0x865: {  	v60 =	vld [tilespmem:s23+$0xE440]  }
0x866: {  	v61 =	vld [tilespmem:s23+$0xE450]  }
0x867: {  	v62 =	vld [tilespmem:s23+$0xE460]  }
0x868: {  	v11 =	vld [tilespmem:s23+$0xE470]  }
0x869: {  	[tilespmem:s14+$0x15400] =	vst.add.f32.msk $0xffff, v3  }
0x86a: {  	[tilespmem:s13+$0x15400] =	vst.add.f32.msk $0xffff, v4  }
0x86b: {  	v3 =	vld [tilespmem:s23+$0xE580]  }
0x86c: {  	v4 =	vld [tilespmem:s23+$0xE590]  }
0x86d: {  	v12 =	vld [tilespmem:s23+$0xE480]  }
0x86e: {  	v13 =	vld [tilespmem:s23+$0xE490]  }
0x86f: {  	v14 =	vld [tilespmem:s23+$0xE4A0]  }
0x870: {  	v15 =	vld [tilespmem:s23+$0xE4B0]  }
0x871: {  	v16 =	vld [tilespmem:s23+$0xE4C0]  }
0x872: {  	v17 =	vld [tilespmem:s23+$0xE4D0]  }
0x873: {  	v18 =	vld [tilespmem:s23+$0xE4E0]  }
0x874: {  	v19 =	vld [tilespmem:s23+$0xE4F0]  }
0x875: {  	v20 =	vld [tilespmem:s23+$0xE500]  }
0x876: {  	v21 =	vld [tilespmem:s23+$0xE510]  }
0x877: {  	v22 =	vld [tilespmem:s23+$0xE520]  }
0x878: {  	v23 =	vld [tilespmem:s23+$0xE530]  }
0x879: {  	v24 =	vld [tilespmem:s23+$0xE540]  }
0x87a: {  	v25 =	vld [tilespmem:s23+$0xE550]  }
0x87b: {  	v26 =	vld [tilespmem:s23+$0xE560]  }
0x87c: {  	v27 =	vld [tilespmem:s23+$0xE570]  }
0x87d: {  	[tilespmem:s23+$0x155A0] =	vst.add.f32.msk $0xffff, v5  }
0x87e: {  	[tilespmem:s23+$0x155B0] =	vst.add.f32.msk $0xffff, v6  }
0x87f: {  	[tilespmem:s23+$0x155C0] =	vst.add.f32.msk $0xffff, v7  }
0x880: {  	[tilespmem:s23+$0x155D0] =	vst.add.f32.msk $0xffff, v8  }
0x881: {  	[tilespmem:s23+$0x155E0] =	vst.add.f32.msk $0xffff, v9  }
0x882: {  	[tilespmem:s23+$0x155F0] =	vst.add.f32.msk $0xffff, v10  }
0x883: {  	v5 =	vld [tilespmem:s23+$0xE410]  }
0x884: {  	v6 =	vld [tilespmem:s23+$0xE420]  }
0x885: {  	p0 =	por !p0, !p0;
	s4 =	simm.s32 $0x1;
	v7 =	vld [tilespmem:s23+$0xE430]  }
0x886: {  	s4 =	simm.s32 @!p0 $0x0;
	[tilespmem:s23+$0x15440] =	vst.add.f32.msk $0xffff, v60  }
0x887: {  	s4 =	sshll.u32 s4, $0x9;
	[tilespmem:s23+$0x15450] =	vst.add.f32.msk $0xffff, v61  }
0x888: {  	s18 =	sadd.s32 s4, s12;
	[tilespmem:s23+$0x15460] =	vst.add.f32.msk $0xffff, v62  }
0x889: {  	s20 =	sadd.s32 $0x180, s18;
	[tilespmem:s23+$0x15580] =	vst.add.f32.msk $0xffff, v3  }
0x88a: {  	s16 =	sor.u32 $0x400, s20;
	[tilespmem:s23+$0x15590] =	vst.add.f32.msk $0xffff, v4  }
0x88b: {  	v3 =	vld [tilespmem:s16+$0xE400]  }
0x88c: {  	[tilespmem:s23+$0x15470] =	vst.add.f32.msk $0xffff, v11  }
0x88d: {  	v4 =	vld [tilespmem:s23+$0xE400]  }
0x88e: {  	[tilespmem:s23+$0x15480] =	vst.add.f32.msk $0xffff, v12  }
0x88f: {  	[tilespmem:s23+$0x15490] =	vst.add.f32.msk $0xffff, v13  }
0x890: {  	[tilespmem:s16+$0x15400] =	vst.add.f32.msk $0xffff, v3;
	s16 =	sor.u32 $0x410, s20  }
0x891: {  	v3 =	vld [tilespmem:s16+$0xE400]  }
0x892: {  	[tilespmem:s23+$0x154A0] =	vst.add.f32.msk $0xffff, v14  }
0x893: {  	[tilespmem:s23+$0x154B0] =	vst.add.f32.msk $0xffff, v15  }
0x894: {  	[tilespmem:s23+$0x154C0] =	vst.add.f32.msk $0xffff, v16  }
0x895: {  	[tilespmem:s23+$0x154D0] =	vst.add.f32.msk $0xffff, v17  }
0x896: {  	[tilespmem:s16+$0x15400] =	vst.add.f32.msk $0xffff, v3;
	s16 =	sor.u32 $0x420, s20  }
0x897: {  	v3 =	vld [tilespmem:s16+$0xE400]  }
0x898: {  	s6 =	sadd.s32 $0x80, s18;
	s5 =	sor.u32 $0x450, s18;
	[tilespmem:s23+$0x154E0] =	vst.add.f32.msk $0xffff, v18  }
0x899: {  	[dreg:$0x10] =	wrdreg s5;
	s5 =	sor.u32 $0x460, s6;
	[tilespmem:s23+$0x154F0] =	vst.add.f32.msk $0xffff, v19  }
0x89a: {  	s15 =	sadd.s32 $0x100, s18;
	[smem:$0x7E3] =	sst s5;
	s5 =	sor.u32 $0x460, s18;
	[tilespmem:s23+$0x15500] =	vst.add.f32.msk $0xffff, v20  }
0x89b: {  	[smem:$0x7E2] =	sst s5;
	s5 =	sor.u32 $0x460, s15;
	[tilespmem:s23+$0x15510] =	vst.add.f32.msk $0xffff, v21  }
0x89c: {  	[smem:$0x7E4] =	sst s5;
	s5 =	sor.u32 $0x430, s20;
	[tilespmem:s16+$0x15400] =	vst.add.f32.msk $0xffff, v3  }
0x89d: {  	v3 =	vld [tilespmem:s5+$0xE400]  }
0x89e: {  	[tilespmem:s23+$0x15520] =	vst.add.f32.msk $0xffff, v22  }
0x89f: {  	[tilespmem:s23+$0x15530] =	vst.add.f32.msk $0xffff, v23  }
0x8a0: {  	[tilespmem:s23+$0x15540] =	vst.add.f32.msk $0xffff, v24  }
0x8a1: {  	[tilespmem:s23+$0x15550] =	vst.add.f32.msk $0xffff, v25  }
0x8a2: {  	s16 =	sor.u32 $0x440, s20;
	[tilespmem:s5+$0x15400] =	vst.add.f32.msk $0xffff, v3  }
0x8a3: {  	v3 =	vld [tilespmem:s16+$0xE400]  }
0x8a4: {  	[tilespmem:s23+$0x15560] =	vst.add.f32.msk $0xffff, v26  }
0x8a5: {  	[tilespmem:s23+$0x15570] =	vst.add.f32.msk $0xffff, v27  }
0x8a6: {  	[tilespmem:s23+$0x15410] =	vst.add.f32.msk $0xffff, v5  }
0x8a7: {  	[tilespmem:s23+$0x15420] =	vst.add.f32.msk $0xffff, v6  }
0x8a8: {  	s5 =	sor.u32 $0x450, s20;
	[tilespmem:s16+$0x15400] =	vst.add.f32.msk $0xffff, v3  }
0x8a9: {  	v3 =	vld [tilespmem:s5+$0xE400]  }
0x8aa: {  	s25 =	sor.u32 $0x400, s15;
	[tilespmem:s23+$0x15430] =	vst.add.f32.msk $0xffff, v7  }
0x8ab: {  	v5 =	vld [tilespmem:s25+$0xE400]  }
0x8ac: {  	v7 =	vld [tilespmem:s0+$0xE400]  }
0x8ad: {  	[tilespmem:s23+$0x15400] =	vst.add.f32.msk $0xffff, v4  }
0x8ae: {  	s16 =	sor.u32 $0x460, s20;
	[tilespmem:s5+$0x15400] =	vst.add.f32.msk $0xffff, v3  }
0x8af: {  	s28 =	sor.u32 $0x400, s6;
	v3 =	vld [tilespmem:s16+$0xE400]  }
0x8b0: {  	v4 =	vld [tilespmem:s28+$0xE400]  }
0x8b1: {  	v6 =	vld [tilespmem:s9+$0xE400]  }
0x8b2: {  	s26 =	sor.u32 $0x410, s15;
	[tilespmem:s25+$0x15400] =	vst.add.f32.msk $0xffff, v5  }
0x8b3: {  	v5 =	vld [tilespmem:s26+$0xE400]  }
0x8b4: {  	s20 =	sor.u32 $0x470, s20;
	[tilespmem:s16+$0x15400] =	vst.add.f32.msk $0xffff, v3  }
0x8b5: {  	v3 =	vld [tilespmem:s20+$0xE400]  }
0x8b6: {  	v63 =	vld [tilespmem:s1+$0xE400]  }
0x8b7: {  	s29 =	sor.u32 $0x410, s6;
	[tilespmem:s28+$0x15400] =	vst.add.f32.msk $0xffff, v4  }
0x8b8: {  	v4 =	vld [tilespmem:s29+$0xE400]  }
0x8b9: {  	[tilespmem:s26+$0x15400] =	vst.add.f32.msk $0xffff, v5  }
0x8ba: {  	s30 =	sor.u32 $0x400, s18;
	[tilespmem:s20+$0x15400] =	vst.add.f32.msk $0xffff, v3  }
0x8bb: {  	s4 =	sor.u32 $0x420, s15;
	v3 =	vld [tilespmem:s30+$0xE400]  }
0x8bc: {  	v5 =	vld [tilespmem:s4+$0xE400]  }
0x8bd: {  	[tilespmem:s1+$0x15400] =	vst.add.f32.msk $0xffff, v63  }
0x8be: {  	s7 =	sor.u32 $0x420, s6;
	[tilespmem:s29+$0x15400] =	vst.add.f32.msk $0xffff, v4  }
0x8bf: {  	v4 =	vld [tilespmem:s7+$0xE400]  }
0x8c0: {  	s10 =	sor.u32 $0x410, s18;
	[tilespmem:s30+$0x15400] =	vst.add.f32.msk $0xffff, v3  }
0x8c1: {  	v3 =	vld [tilespmem:s10+$0xE400]  }
0x8c2: {  	[tilespmem:s0+$0x15400] =	vst.add.f32.msk $0xffff, v7  }
0x8c3: {  	s21 =	sor.u32 $0x430, s15;
	[tilespmem:s4+$0x15400] =	vst.add.f32.msk $0xffff, v5  }
0x8c4: {  	v5 =	vld [tilespmem:s21+$0xE400]  }
0x8c5: {  	[tilespmem:s9+$0x15400] =	vst.add.f32.msk $0xffff, v6  }
0x8c6: {  	s8 =	sor.u32 $0x420, s18;
	[tilespmem:s10+$0x15400] =	vst.add.f32.msk $0xffff, v3  }
0x8c7: {  	v3 =	vld [tilespmem:s8+$0xE400]  }
0x8c8: {  	s22 =	sor.u32 $0x430, s6;
	[tilespmem:s7+$0x15400] =	vst.add.f32.msk $0xffff, v4  }
0x8c9: {  	s14 =	sor.u32 $0x440, s6;
	v4 =	vld [tilespmem:s22+$0xE400]  }
0x8ca: {  	s19 =	sor.u32 $0x440, s15;
	[smem:$0x7E5] =	sst s14;
	v7 =	vld [tilespmem:s17+$0xE400]  }
0x8cb: {  	[dreg:$0x18] =	wrdreg s19;
	[tilespmem:s21+$0x15400] =	vst.add.f32.msk $0xffff, v5  }
0x8cc: {  	s24 =	sor.u32 $0x430, s18;
	s28 =	rddreg [dreg:$0x18];
	[tilespmem:s8+$0x15400] =	vst.add.f32.msk $0xffff, v3  }
0x8cd: {  	s26 =	sld [smem:$0x7E5];
	v3 =	vld [tilespmem:s24+$0xE400]  }
0x8ce: {  	v5 =	vld [tilespmem:s28+$0xE400]  }
0x8cf: {  	[tilespmem:s22+$0x15400] =	vst.add.f32.msk $0xffff, v4  }
0x8d0: {  	v4 =	vld [tilespmem:s26+$0xE400]  }
0x8d1: {  	v6 =	vld [tilespmem:s3+$0xE400]  }
0x8d2: {  	s19 =	sor.u32 $0x440, s18;
	[tilespmem:s24+$0x15400] =	vst.add.f32.msk $0xffff, v3  }
0x8d3: {  	v3 =	vld [tilespmem:s19+$0xE400]  }
0x8d4: {  	v8 =	vld [tilespmem:s31+$0xE400]  }
0x8d5: {  	[tilespmem:s28+$0x15400] =	vst.add.f32.msk $0xffff, v5  }
0x8d6: {  	[tilespmem:s26+$0x15400] =	vst.add.f32.msk $0xffff, v4  }
0x8d7: {  	s2 =	sadd.s32 $0x4, s2;
	[tilespmem:s3+$0x15400] =	vst.add.f32.msk $0xffff, v6  }
0x8d8: {  	s11 =	sadd.s32 $0x200, s11;
	p1 =	slt.u32 s2, $0x6C;
	s29 =	rddreg [dreg:$0x10];
	[tilespmem:s19+$0x15400] =	vst.add.f32.msk $0xffff, v3  }
0x8d9: {  	s12 =	sadd.s32 $0x400, s12;
	s13 =	sor.u32 $0x450, s15;
	s25 =	sld [smem:$0x7E4];
	v5 =	vld [tilespmem:s29+$0xE400]  }
.Ltmp5:
0x8da: {  	s14 =	sor.u32 $0x450, s6;
	s23 =	sld [smem:$0x7E3];
	v4 =	vld [tilespmem:s13+$0xE400];
	(pc) =	sbr.rel @p1 .LBB2_13-.Ltmp5, $4  }
0x8db: {  	s6 =	sor.u32 $0x470, s6;
	s18 =	sor.u32 $0x470, s18;
	[tilespmem:s31+$0x15400] =	vst.add.f32.msk $0xffff, v8;
	s5 =	sld [smem:$0x7E2]  }
0x8dc: {  	[dreg:$0x8] =	wrdreg s6;
	s15 =	sor.u32 $0x470, s15;
	s1 =	smov.u32 s25;
	v3 =	vld [tilespmem:s14+$0xE400]  }
0x8dd: {  	s0 =	smov.u32 s23;
	s31 =	smov.u32 s15;
	s30 =	rddreg [dreg:$0x8];
	[tilespmem:s17+$0x15400] =	vst.add.f32.msk $0xffff, v7  }
0x8de: {  	s9 =	smov.u32 s5;
	s3 =	smov.u32 s18;
	s17 =	smov.u32 s30;
	[tilespmem:s29+$0x15400] =	vst.add.f32.msk $0xffff, v5  }
0x8df: {  	[tilespmem:s13+$0x15400] =	vst.add.f32.msk $0xffff, v4  }
0x8e0: {  	v5 =	vld [tilespmem:s1+$0xE400]  }
0x8e1: {  	[tilespmem:s14+$0x15400] =	vst.add.f32.msk $0xffff, v3  }
0x8e2: {  	v3 =	vld [tilespmem:s9+$0xE400];
	_ =	sdelay $0x1  }
0x8e3: {  	v4 =	vld [tilespmem:s0+$0xE400];
	_ =	sdelay $0x1  }
0x8e4: {  	[tilespmem:s1+$0x15400] =	vst.add.f32.msk $0xffff, v5  }
0x8e5: {  	[tilespmem:s9+$0x15400] =	vst.add.f32.msk $0xffff, v3  }
0x8e6: {  	v5 =	vld [tilespmem:s31+$0xE400]  }
0x8e7: {  	[tilespmem:s0+$0x15400] =	vst.add.f32.msk $0xffff, v4  }
0x8e8: {  	v3 =	vld [tilespmem:s3+$0xE400]  }
0x8e9: {  	v4 =	vld [tilespmem:s17+$0xE400];
	_ =	sdelay $0x2  }
0x8ea: {  	[tilespmem:s31+$0x15400] =	vst.add.f32.msk $0xffff, v5  }
0x8eb: {  	[tilespmem:s3+$0x15400] =	vst.add.f32.msk $0xffff, v3  }
0x8ec: {  	s2 =	simm.s32 $0x2;
	[tilespmem:s17+$0x15400] =	vst.add.f32.msk $0xffff, v4  }
0x8ed: {  	s4 =	simm.s32 $0x0;
	_ =	swait.ge [sflag:s2], $0x7000  }
0x8ee: {  	s5 =	sand.u32 $0x7800, s4;
	s0 =	sand.u32 $0x200, s4;
	[sflag:s2] =	ssyncset.done $0x0  }
0x8ef: {  	s1 =	sor.u32 s0, s5;
	[sflag:s2] =	ssyncadd.s32 $0xFFFF9000  }
0x8f0: {  	v3 =	vld [tilespmem:s1+$0x580]  }
0x8f1: {  	v4 =	vld [tilespmem:s1+$0x590]  }
0x8f2: {  	v5 =	vld [tilespmem:s1+$0x5A0]  }
0x8f3: {  	v6 =	vld [tilespmem:s1+$0x5B0]  }
0x8f4: {  	v7 =	vld [tilespmem:s1+$0x5C0]  }
0x8f5: {  	v8 =	vld [tilespmem:s1+$0x5D0]  }
0x8f6: {  	v9 =	vld [tilespmem:s1+$0x5E0]  }
0x8f7: {  	v10 =	vld [tilespmem:s1+$0x5F0]  }
0x8f8: {  	v61 =	vld [tilespmem:s1+$0x440]  }
0x8f9: {  	v62 =	vld [tilespmem:s1+$0x450]  }
0x8fa: {  	v63 =	vld [tilespmem:s1+$0x460]  }
0x8fb: {  	v11 =	vld [tilespmem:s1+$0x470]  }
0x8fc: {  	v12 =	vld [tilespmem:s1+$0x480]  }
0x8fd: {  	v13 =	vld [tilespmem:s1+$0x490]  }
0x8fe: {  	v14 =	vld [tilespmem:s1+$0x4A0]  }
0x8ff: {  	v15 =	vld [tilespmem:s1+$0x4B0]  }
0x900: {  	v16 =	vld [tilespmem:s1+$0x4C0]  }
0x901: {  	v17 =	vld [tilespmem:s1+$0x4D0]  }
0x902: {  	v18 =	vld [tilespmem:s1+$0x4E0]  }
0x903: {  	v19 =	vld [tilespmem:s1+$0x4F0]  }
0x904: {  	v20 =	vld [tilespmem:s1+$0x500]  }
0x905: {  	v21 =	vld [tilespmem:s1+$0x510]  }
0x906: {  	v22 =	vld [tilespmem:s1+$0x520]  }
0x907: {  	v23 =	vld [tilespmem:s1+$0x530]  }
0x908: {  	v24 =	vld [tilespmem:s1+$0x540]  }
0x909: {  	v25 =	vld [tilespmem:s1+$0x550]  }
0x90a: {  	v26 =	vld [tilespmem:s1+$0x560]  }
0x90b: {  	v27 =	vld [tilespmem:s1+$0x570]  }
0x90c: {  	[tilespmem:s1+$0x15580] =	vst.add.f32.msk $0xffff, v3  }
0x90d: {  	[tilespmem:s1+$0x15590] =	vst.add.f32.msk $0xffff, v4  }
0x90e: {  	[tilespmem:s1+$0x155A0] =	vst.add.f32.msk $0xffff, v5  }
0x90f: {  	[tilespmem:s1+$0x155B0] =	vst.add.f32.msk $0xffff, v6  }
0x910: {  	[tilespmem:s1+$0x155C0] =	vst.add.f32.msk $0xffff, v7  }
0x911: {  	[tilespmem:s1+$0x155D0] =	vst.add.f32.msk $0xffff, v8  }
0x912: {  	[tilespmem:s1+$0x155E0] =	vst.add.f32.msk $0xffff, v9  }
0x913: {  	[tilespmem:s1+$0x155F0] =	vst.add.f32.msk $0xffff, v10  }
0x914: {  	p0 =	por $0x0, $0x0;
	s0 =	simm.s32 $0x1;
	v4 =	vld [tilespmem:s1+$0x400]  }
0x915: {  	s0 =	simm.s32 @!p0 $0x0;
	v5 =	vld [tilespmem:s1+$0x410]  }
0x916: {  	s0 =	sshll.u32 s0, $0x9;
	v6 =	vld [tilespmem:s1+$0x420]  }
0x917: {  	s6 =	sadd.s32 $0x0, s0;
	v7 =	vld [tilespmem:s1+$0x430]  }
0x918: {  	s0 =	sadd.s32 $0x180, s6;
	[tilespmem:s1+$0x15440] =	vst.add.f32.msk $0xffff, v61  }
0x919: {  	s10 =	sor.u32 $0x400, s0;
	[tilespmem:s1+$0x15450] =	vst.add.f32.msk $0xffff, v62  }
0x91a: {  	v3 =	vld [tilespmem:s10+$0x400]  }
0x91b: {  	[tilespmem:s1+$0x15460] =	vst.add.f32.msk $0xffff, v63  }
0x91c: {  	[tilespmem:s1+$0x15470] =	vst.add.f32.msk $0xffff, v11  }
0x91d: {  	[tilespmem:s1+$0x15480] =	vst.add.f32.msk $0xffff, v12  }
0x91e: {  	[tilespmem:s1+$0x15490] =	vst.add.f32.msk $0xffff, v13  }
0x91f: {  	s11 =	sor.u32 $0x410, s0;
	[tilespmem:s10+$0x15400] =	vst.add.f32.msk $0xffff, v3  }
0x920: {  	v3 =	vld [tilespmem:s11+$0x400]  }
0x921: {  	[tilespmem:s1+$0x154A0] =	vst.add.f32.msk $0xffff, v14  }
0x922: {  	[tilespmem:s1+$0x154B0] =	vst.add.f32.msk $0xffff, v15  }
0x923: {  	[tilespmem:s1+$0x154C0] =	vst.add.f32.msk $0xffff, v16  }
0x924: {  	[tilespmem:s1+$0x154D0] =	vst.add.f32.msk $0xffff, v17  }
0x925: {  	s12 =	sor.u32 $0x420, s0;
	[tilespmem:s11+$0x15400] =	vst.add.f32.msk $0xffff, v3  }
0x926: {  	v3 =	vld [tilespmem:s12+$0x400]  }
0x927: {  	[tilespmem:s1+$0x154E0] =	vst.add.f32.msk $0xffff, v18  }
0x928: {  	[tilespmem:s1+$0x154F0] =	vst.add.f32.msk $0xffff, v19  }
0x929: {  	[tilespmem:s1+$0x15500] =	vst.add.f32.msk $0xffff, v20  }
0x92a: {  	[tilespmem:s1+$0x15510] =	vst.add.f32.msk $0xffff, v21  }
0x92b: {  	s13 =	sor.u32 $0x430, s0;
	[tilespmem:s12+$0x15400] =	vst.add.f32.msk $0xffff, v3  }
0x92c: {  	v3 =	vld [tilespmem:s13+$0x400]  }
0x92d: {  	[tilespmem:s1+$0x15520] =	vst.add.f32.msk $0xffff, v22  }
0x92e: {  	[tilespmem:s1+$0x15530] =	vst.add.f32.msk $0xffff, v23  }
0x92f: {  	[tilespmem:s1+$0x15540] =	vst.add.f32.msk $0xffff, v24  }
0x930: {  	[tilespmem:s1+$0x15550] =	vst.add.f32.msk $0xffff, v25  }
0x931: {  	s14 =	sor.u32 $0x440, s0;
	[tilespmem:s13+$0x15400] =	vst.add.f32.msk $0xffff, v3  }
0x932: {  	v3 =	vld [tilespmem:s14+$0x400]  }
0x933: {  	[tilespmem:s1+$0x15560] =	vst.add.f32.msk $0xffff, v26  }
0x934: {  	[tilespmem:s1+$0x15570] =	vst.add.f32.msk $0xffff, v27  }
0x935: {  	[tilespmem:s1+$0x15400] =	vst.add.f32.msk $0xffff, v4  }
0x936: {  	[tilespmem:s1+$0x15410] =	vst.add.f32.msk $0xffff, v5  }
0x937: {  	s15 =	sor.u32 $0x450, s0;
	[tilespmem:s14+$0x15400] =	vst.add.f32.msk $0xffff, v3  }
0x938: {  	s4 =	sadd.s32 $0x80, s6;
	v3 =	vld [tilespmem:s15+$0x400]  }
0x939: {  	s5 =	sor.u32 $0x400, s4;
	[tilespmem:s1+$0x15420] =	vst.add.f32.msk $0xffff, v6  }
0x93a: {  	v4 =	vld [tilespmem:s5+$0x400];
	s10 =	sadd.s32 $0x100, s6  }
0x93b: {  	[tilespmem:s1+$0x15430] =	vst.add.f32.msk $0xffff, v7;
	s7 =	sor.u32 $0x400, s10  }
0x93c: {  	v5 =	vld [tilespmem:s7+$0x400]  }
0x93d: {  	s16 =	sor.u32 $0x400, s6;
	[tilespmem:s15+$0x15400] =	vst.add.f32.msk $0xffff, v3  }
0x93e: {  	v3 =	vld [tilespmem:s16+$0x400]  }
0x93f: {  	s18 =	sor.u32 $0x410, s4;
	[tilespmem:s5+$0x15400] =	vst.add.f32.msk $0xffff, v4  }
0x940: {  	v4 =	vld [tilespmem:s18+$0x400]  }
0x941: {  	s8 =	sor.u32 $0x410, s10;
	[tilespmem:s7+$0x15400] =	vst.add.f32.msk $0xffff, v5  }
0x942: {  	v5 =	vld [tilespmem:s8+$0x400]  }
0x943: {  	s17 =	sor.u32 $0x410, s6;
	[tilespmem:s16+$0x15400] =	vst.add.f32.msk $0xffff, v3  }
0x944: {  	v3 =	vld [tilespmem:s17+$0x400]  }
0x945: {  	s21 =	sor.u32 $0x420, s4;
	[tilespmem:s18+$0x15400] =	vst.add.f32.msk $0xffff, v4  }
0x946: {  	v4 =	vld [tilespmem:s21+$0x400]  }
0x947: {  	s22 =	sor.u32 $0x420, s10;
	[tilespmem:s8+$0x15400] =	vst.add.f32.msk $0xffff, v5  }
0x948: {  	v5 =	vld [tilespmem:s22+$0x400]  }
0x949: {  	s20 =	sor.u32 $0x420, s6;
	[tilespmem:s17+$0x15400] =	vst.add.f32.msk $0xffff, v3  }
0x94a: {  	v3 =	vld [tilespmem:s20+$0x400]  }
0x94b: {  	s24 =	sor.u32 $0x430, s4;
	[tilespmem:s21+$0x15400] =	vst.add.f32.msk $0xffff, v4  }
0x94c: {  	v4 =	vld [tilespmem:s24+$0x400]  }
0x94d: {  	s19 =	sor.u32 $0x460, s0;
	[tilespmem:s22+$0x15400] =	vst.add.f32.msk $0xffff, v5  }
0x94e: {  	v6 =	vld [tilespmem:s19+$0x400]  }
0x94f: {  	s23 =	sor.u32 $0x430, s6;
	[tilespmem:s20+$0x15400] =	vst.add.f32.msk $0xffff, v3  }
0x950: {  	s25 =	sor.u32 $0x430, s10;
	v3 =	vld [tilespmem:s23+$0x400]  }
0x951: {  	v5 =	vld [tilespmem:s25+$0x400]  }
0x952: {  	[tilespmem:s24+$0x15400] =	vst.add.f32.msk $0xffff, v4  }
0x953: {  	s0 =	sor.u32 $0x470, s0;
	[tilespmem:s19+$0x15400] =	vst.add.f32.msk $0xffff, v6  }
0x954: {  	v6 =	vld [tilespmem:s0+$0x400]  }
0x955: {  	s26 =	sor.u32 $0x440, s6;
	[tilespmem:s23+$0x15400] =	vst.add.f32.msk $0xffff, v3  }
0x956: {  	s28 =	sor.u32 $0x440, s4;
	v3 =	vld [tilespmem:s26+$0x400]  }
0x957: {  	v4 =	vld [tilespmem:s28+$0x400]  }
0x958: {  	s29 =	sor.u32 $0x440, s10;
	[tilespmem:s25+$0x15400] =	vst.add.f32.msk $0xffff, v5  }
0x959: {  	v5 =	vld [tilespmem:s29+$0x400]  }
0x95a: {  	[tilespmem:s0+$0x15400] =	vst.add.f32.msk $0xffff, v6  }
0x95b: {  	s30 =	sor.u32 $0x450, s6;
	[tilespmem:s26+$0x15400] =	vst.add.f32.msk $0xffff, v3  }
0x95c: {  	v6 =	vld [tilespmem:s30+$0x400]  }
0x95d: {  	[tilespmem:s28+$0x15400] =	vst.add.f32.msk $0xffff, v4  }
0x95e: {  	s9 =	sor.u32 $0x460, s6;
	s13 =	sor.u32 $0x450, s10;
	[tilespmem:s29+$0x15400] =	vst.add.f32.msk $0xffff, v5  }
0x95f: {  	s3 =	sor.u32 $0x470, s6;
	s2 =	simm.s32 $0x0;
	s14 =	sor.u32 $0x450, s4;
	v4 =	vld [tilespmem:s13+$0x400]  }
0x960: {  	s1 =	sor.u32 $0x460, s10;
	s31 =	sor.u32 $0x470, s10;
	s11 =	simm.s32 $0x200;
	v3 =	vld [tilespmem:s14+$0x400]  }
0x961: {  	s12 =	simm.s32 $0x400;
	s17 =	sor.u32 $0x470, s4;
	s0 =	sor.u32 $0x460, s4;
	[tilespmem:s30+$0x15400] =	vst.add.f32.msk $0xffff, v6  }
.LBB2_15:
0x962: {  	s4 =	sand.u32 $0x7800, s12;
	s5 =	sand.u32 $0x200, s11  }
0x963: {  	s23 =	sor.u32 s5, s4  }
0x964: {  	v5 =	vld [tilespmem:s23+$0x5A0]  }
0x965: {  	v6 =	vld [tilespmem:s23+$0x5B0]  }
0x966: {  	v7 =	vld [tilespmem:s23+$0x5C0]  }
0x967: {  	v8 =	vld [tilespmem:s23+$0x5D0]  }
0x968: {  	v9 =	vld [tilespmem:s23+$0x5E0]  }
0x969: {  	v10 =	vld [tilespmem:s23+$0x5F0]  }
0x96a: {  	v60 =	vld [tilespmem:s23+$0x440]  }
0x96b: {  	v61 =	vld [tilespmem:s23+$0x450]  }
0x96c: {  	v62 =	vld [tilespmem:s23+$0x460]  }
0x96d: {  	v11 =	vld [tilespmem:s23+$0x470]  }
0x96e: {  	[tilespmem:s14+$0x15400] =	vst.add.f32.msk $0xffff, v3  }
0x96f: {  	[tilespmem:s13+$0x15400] =	vst.add.f32.msk $0xffff, v4  }
0x970: {  	v3 =	vld [tilespmem:s23+$0x580]  }
0x971: {  	v4 =	vld [tilespmem:s23+$0x590]  }
0x972: {  	v12 =	vld [tilespmem:s23+$0x480]  }
0x973: {  	v13 =	vld [tilespmem:s23+$0x490]  }
0x974: {  	v14 =	vld [tilespmem:s23+$0x4A0]  }
0x975: {  	v15 =	vld [tilespmem:s23+$0x4B0]  }
0x976: {  	v16 =	vld [tilespmem:s23+$0x4C0]  }
0x977: {  	v17 =	vld [tilespmem:s23+$0x4D0]  }
0x978: {  	v18 =	vld [tilespmem:s23+$0x4E0]  }
0x979: {  	v19 =	vld [tilespmem:s23+$0x4F0]  }
0x97a: {  	v20 =	vld [tilespmem:s23+$0x500]  }
0x97b: {  	v21 =	vld [tilespmem:s23+$0x510]  }
0x97c: {  	v22 =	vld [tilespmem:s23+$0x520]  }
0x97d: {  	v23 =	vld [tilespmem:s23+$0x530]  }
0x97e: {  	v24 =	vld [tilespmem:s23+$0x540]  }
0x97f: {  	v25 =	vld [tilespmem:s23+$0x550]  }
0x980: {  	v26 =	vld [tilespmem:s23+$0x560]  }
0x981: {  	v27 =	vld [tilespmem:s23+$0x570]  }
0x982: {  	[tilespmem:s23+$0x155A0] =	vst.add.f32.msk $0xffff, v5  }
0x983: {  	[tilespmem:s23+$0x155B0] =	vst.add.f32.msk $0xffff, v6  }
0x984: {  	[tilespmem:s23+$0x155C0] =	vst.add.f32.msk $0xffff, v7  }
0x985: {  	[tilespmem:s23+$0x155D0] =	vst.add.f32.msk $0xffff, v8  }
0x986: {  	[tilespmem:s23+$0x155E0] =	vst.add.f32.msk $0xffff, v9  }
0x987: {  	[tilespmem:s23+$0x155F0] =	vst.add.f32.msk $0xffff, v10  }
0x988: {  	v5 =	vld [tilespmem:s23+$0x410]  }
0x989: {  	v6 =	vld [tilespmem:s23+$0x420]  }
0x98a: {  	p0 =	por !p0, !p0;
	s4 =	simm.s32 $0x1;
	v7 =	vld [tilespmem:s23+$0x430]  }
0x98b: {  	s4 =	simm.s32 @!p0 $0x0;
	[tilespmem:s23+$0x15440] =	vst.add.f32.msk $0xffff, v60  }
0x98c: {  	s4 =	sshll.u32 s4, $0x9;
	[tilespmem:s23+$0x15450] =	vst.add.f32.msk $0xffff, v61  }
0x98d: {  	s18 =	sadd.s32 s4, s12;
	[tilespmem:s23+$0x15460] =	vst.add.f32.msk $0xffff, v62  }
0x98e: {  	s20 =	sadd.s32 $0x180, s18;
	[tilespmem:s23+$0x15580] =	vst.add.f32.msk $0xffff, v3  }
0x98f: {  	s16 =	sor.u32 $0x400, s20;
	[tilespmem:s23+$0x15590] =	vst.add.f32.msk $0xffff, v4  }
0x990: {  	v3 =	vld [tilespmem:s16+$0x400]  }
0x991: {  	[tilespmem:s23+$0x15470] =	vst.add.f32.msk $0xffff, v11  }
0x992: {  	v4 =	vld [tilespmem:s23+$0x400]  }
0x993: {  	[tilespmem:s23+$0x15480] =	vst.add.f32.msk $0xffff, v12  }
0x994: {  	[tilespmem:s23+$0x15490] =	vst.add.f32.msk $0xffff, v13  }
0x995: {  	[tilespmem:s16+$0x15400] =	vst.add.f32.msk $0xffff, v3;
	s16 =	sor.u32 $0x410, s20  }
0x996: {  	v3 =	vld [tilespmem:s16+$0x400]  }
0x997: {  	[tilespmem:s23+$0x154A0] =	vst.add.f32.msk $0xffff, v14  }
0x998: {  	[tilespmem:s23+$0x154B0] =	vst.add.f32.msk $0xffff, v15  }
0x999: {  	[tilespmem:s23+$0x154C0] =	vst.add.f32.msk $0xffff, v16  }
0x99a: {  	[tilespmem:s23+$0x154D0] =	vst.add.f32.msk $0xffff, v17  }
0x99b: {  	[tilespmem:s16+$0x15400] =	vst.add.f32.msk $0xffff, v3;
	s16 =	sor.u32 $0x420, s20  }
0x99c: {  	v3 =	vld [tilespmem:s16+$0x400]  }
0x99d: {  	s6 =	sadd.s32 $0x80, s18;
	s5 =	sor.u32 $0x450, s18;
	[tilespmem:s23+$0x154E0] =	vst.add.f32.msk $0xffff, v18  }
0x99e: {  	[dreg:$0x11] =	wrdreg s5;
	s5 =	sor.u32 $0x460, s6;
	[tilespmem:s23+$0x154F0] =	vst.add.f32.msk $0xffff, v19  }
0x99f: {  	s15 =	sadd.s32 $0x100, s18;
	[smem:$0x7DF] =	sst s5;
	s5 =	sor.u32 $0x460, s18;
	[tilespmem:s23+$0x15500] =	vst.add.f32.msk $0xffff, v20  }
0x9a0: {  	[smem:$0x7DE] =	sst s5;
	s5 =	sor.u32 $0x460, s15;
	[tilespmem:s23+$0x15510] =	vst.add.f32.msk $0xffff, v21  }
0x9a1: {  	[smem:$0x7E0] =	sst s5;
	s5 =	sor.u32 $0x430, s20;
	[tilespmem:s16+$0x15400] =	vst.add.f32.msk $0xffff, v3  }
0x9a2: {  	v3 =	vld [tilespmem:s5+$0x400]  }
0x9a3: {  	[tilespmem:s23+$0x15520] =	vst.add.f32.msk $0xffff, v22  }
0x9a4: {  	[tilespmem:s23+$0x15530] =	vst.add.f32.msk $0xffff, v23  }
0x9a5: {  	[tilespmem:s23+$0x15540] =	vst.add.f32.msk $0xffff, v24  }
0x9a6: {  	[tilespmem:s23+$0x15550] =	vst.add.f32.msk $0xffff, v25  }
0x9a7: {  	s16 =	sor.u32 $0x440, s20;
	[tilespmem:s5+$0x15400] =	vst.add.f32.msk $0xffff, v3  }
0x9a8: {  	v3 =	vld [tilespmem:s16+$0x400]  }
0x9a9: {  	[tilespmem:s23+$0x15560] =	vst.add.f32.msk $0xffff, v26  }
0x9aa: {  	[tilespmem:s23+$0x15570] =	vst.add.f32.msk $0xffff, v27  }
0x9ab: {  	[tilespmem:s23+$0x15410] =	vst.add.f32.msk $0xffff, v5  }
0x9ac: {  	[tilespmem:s23+$0x15420] =	vst.add.f32.msk $0xffff, v6  }
0x9ad: {  	s5 =	sor.u32 $0x450, s20;
	[tilespmem:s16+$0x15400] =	vst.add.f32.msk $0xffff, v3  }
0x9ae: {  	v3 =	vld [tilespmem:s5+$0x400]  }
0x9af: {  	s25 =	sor.u32 $0x400, s15;
	[tilespmem:s23+$0x15430] =	vst.add.f32.msk $0xffff, v7  }
0x9b0: {  	v5 =	vld [tilespmem:s25+$0x400]  }
0x9b1: {  	v7 =	vld [tilespmem:s0+$0x400]  }
0x9b2: {  	[tilespmem:s23+$0x15400] =	vst.add.f32.msk $0xffff, v4  }
0x9b3: {  	s16 =	sor.u32 $0x460, s20;
	[tilespmem:s5+$0x15400] =	vst.add.f32.msk $0xffff, v3  }
0x9b4: {  	s28 =	sor.u32 $0x400, s6;
	v3 =	vld [tilespmem:s16+$0x400]  }
0x9b5: {  	v4 =	vld [tilespmem:s28+$0x400]  }
0x9b6: {  	v6 =	vld [tilespmem:s9+$0x400]  }
0x9b7: {  	s26 =	sor.u32 $0x410, s15;
	[tilespmem:s25+$0x15400] =	vst.add.f32.msk $0xffff, v5  }
0x9b8: {  	v5 =	vld [tilespmem:s26+$0x400]  }
0x9b9: {  	s20 =	sor.u32 $0x470, s20;
	[tilespmem:s16+$0x15400] =	vst.add.f32.msk $0xffff, v3  }
0x9ba: {  	v3 =	vld [tilespmem:s20+$0x400]  }
0x9bb: {  	v63 =	vld [tilespmem:s1+$0x400]  }
0x9bc: {  	s29 =	sor.u32 $0x410, s6;
	[tilespmem:s28+$0x15400] =	vst.add.f32.msk $0xffff, v4  }
0x9bd: {  	v4 =	vld [tilespmem:s29+$0x400]  }
0x9be: {  	[tilespmem:s26+$0x15400] =	vst.add.f32.msk $0xffff, v5  }
0x9bf: {  	s30 =	sor.u32 $0x400, s18;
	[tilespmem:s20+$0x15400] =	vst.add.f32.msk $0xffff, v3  }
0x9c0: {  	s4 =	sor.u32 $0x420, s15;
	v3 =	vld [tilespmem:s30+$0x400]  }
0x9c1: {  	v5 =	vld [tilespmem:s4+$0x400]  }
0x9c2: {  	[tilespmem:s1+$0x15400] =	vst.add.f32.msk $0xffff, v63  }
0x9c3: {  	s7 =	sor.u32 $0x420, s6;
	[tilespmem:s29+$0x15400] =	vst.add.f32.msk $0xffff, v4  }
0x9c4: {  	v4 =	vld [tilespmem:s7+$0x400]  }
0x9c5: {  	s10 =	sor.u32 $0x410, s18;
	[tilespmem:s30+$0x15400] =	vst.add.f32.msk $0xffff, v3  }
0x9c6: {  	v3 =	vld [tilespmem:s10+$0x400]  }
0x9c7: {  	[tilespmem:s0+$0x15400] =	vst.add.f32.msk $0xffff, v7  }
0x9c8: {  	s21 =	sor.u32 $0x430, s15;
	[tilespmem:s4+$0x15400] =	vst.add.f32.msk $0xffff, v5  }
0x9c9: {  	v5 =	vld [tilespmem:s21+$0x400]  }
0x9ca: {  	[tilespmem:s9+$0x15400] =	vst.add.f32.msk $0xffff, v6  }
0x9cb: {  	s8 =	sor.u32 $0x420, s18;
	[tilespmem:s10+$0x15400] =	vst.add.f32.msk $0xffff, v3  }
0x9cc: {  	v3 =	vld [tilespmem:s8+$0x400]  }
0x9cd: {  	s22 =	sor.u32 $0x430, s6;
	[tilespmem:s7+$0x15400] =	vst.add.f32.msk $0xffff, v4  }
0x9ce: {  	s14 =	sor.u32 $0x440, s6;
	v4 =	vld [tilespmem:s22+$0x400]  }
0x9cf: {  	s19 =	sor.u32 $0x440, s15;
	[smem:$0x7E1] =	sst s14;
	v7 =	vld [tilespmem:s17+$0x400]  }
0x9d0: {  	[dreg:$0x19] =	wrdreg s19;
	[tilespmem:s21+$0x15400] =	vst.add.f32.msk $0xffff, v5  }
0x9d1: {  	s24 =	sor.u32 $0x430, s18;
	s28 =	rddreg [dreg:$0x19];
	[tilespmem:s8+$0x15400] =	vst.add.f32.msk $0xffff, v3  }
0x9d2: {  	s26 =	sld [smem:$0x7E1];
	v3 =	vld [tilespmem:s24+$0x400]  }
0x9d3: {  	v5 =	vld [tilespmem:s28+$0x400]  }
0x9d4: {  	[tilespmem:s22+$0x15400] =	vst.add.f32.msk $0xffff, v4  }
0x9d5: {  	v4 =	vld [tilespmem:s26+$0x400]  }
0x9d6: {  	v6 =	vld [tilespmem:s3+$0x400]  }
0x9d7: {  	s19 =	sor.u32 $0x440, s18;
	[tilespmem:s24+$0x15400] =	vst.add.f32.msk $0xffff, v3  }
0x9d8: {  	v3 =	vld [tilespmem:s19+$0x400]  }
0x9d9: {  	v8 =	vld [tilespmem:s31+$0x400]  }
0x9da: {  	[tilespmem:s28+$0x15400] =	vst.add.f32.msk $0xffff, v5  }
0x9db: {  	[tilespmem:s26+$0x15400] =	vst.add.f32.msk $0xffff, v4  }
0x9dc: {  	s2 =	sadd.s32 $0x4, s2;
	[tilespmem:s3+$0x15400] =	vst.add.f32.msk $0xffff, v6  }
0x9dd: {  	s11 =	sadd.s32 $0x200, s11;
	p1 =	slt.u32 s2, $0x6C;
	s29 =	rddreg [dreg:$0x11];
	[tilespmem:s19+$0x15400] =	vst.add.f32.msk $0xffff, v3  }
0x9de: {  	s12 =	sadd.s32 $0x400, s12;
	s13 =	sor.u32 $0x450, s15;
	s25 =	sld [smem:$0x7E0];
	v5 =	vld [tilespmem:s29+$0x400]  }
.Ltmp6:
0x9df: {  	s14 =	sor.u32 $0x450, s6;
	s23 =	sld [smem:$0x7DF];
	v4 =	vld [tilespmem:s13+$0x400];
	(pc) =	sbr.rel @p1 .LBB2_15-.Ltmp6, $4  }
0x9e0: {  	s6 =	sor.u32 $0x470, s6;
	s18 =	sor.u32 $0x470, s18;
	[tilespmem:s31+$0x15400] =	vst.add.f32.msk $0xffff, v8;
	s5 =	sld [smem:$0x7DE]  }
0x9e1: {  	[dreg:$0x9] =	wrdreg s6;
	s15 =	sor.u32 $0x470, s15;
	s1 =	smov.u32 s25;
	v3 =	vld [tilespmem:s14+$0x400]  }
0x9e2: {  	s0 =	smov.u32 s23;
	s31 =	smov.u32 s15;
	s30 =	rddreg [dreg:$0x9];
	[tilespmem:s17+$0x15400] =	vst.add.f32.msk $0xffff, v7  }
0x9e3: {  	s9 =	smov.u32 s5;
	s3 =	smov.u32 s18;
	s17 =	smov.u32 s30;
	[tilespmem:s29+$0x15400] =	vst.add.f32.msk $0xffff, v5  }
0x9e4: {  	[tilespmem:s13+$0x15400] =	vst.add.f32.msk $0xffff, v4  }
0x9e5: {  	v5 =	vld [tilespmem:s1+$0x400]  }
0x9e6: {  	[tilespmem:s14+$0x15400] =	vst.add.f32.msk $0xffff, v3  }
0x9e7: {  	v3 =	vld [tilespmem:s9+$0x400];
	_ =	sdelay $0x1  }
0x9e8: {  	v4 =	vld [tilespmem:s0+$0x400];
	_ =	sdelay $0x1  }
0x9e9: {  	[tilespmem:s1+$0x15400] =	vst.add.f32.msk $0xffff, v5  }
0x9ea: {  	[tilespmem:s9+$0x15400] =	vst.add.f32.msk $0xffff, v3  }
0x9eb: {  	v5 =	vld [tilespmem:s31+$0x400]  }
0x9ec: {  	[tilespmem:s0+$0x15400] =	vst.add.f32.msk $0xffff, v4  }
0x9ed: {  	v3 =	vld [tilespmem:s3+$0x400]  }
0x9ee: {  	v4 =	vld [tilespmem:s17+$0x400];
	_ =	sdelay $0x2  }
0x9ef: {  	[tilespmem:s31+$0x15400] =	vst.add.f32.msk $0xffff, v5  }
0x9f0: {  	[tilespmem:s3+$0x15400] =	vst.add.f32.msk $0xffff, v3  }
0x9f1: {  	s2 =	simm.s32 $0x3;
	[tilespmem:s17+$0x15400] =	vst.add.f32.msk $0xffff, v4  }
0x9f2: {  	s4 =	simm.s32 $0x0;
	_ =	swait.ge [sflag:s2], $0x7000  }
0x9f3: {  	s5 =	sand.u32 $0x7800, s4;
	s0 =	sand.u32 $0x200, s4;
	[sflag:s2] =	ssyncset.done $0x0  }
0x9f4: {  	s1 =	sor.u32 s0, s5;
	[sflag:s2] =	ssyncadd.s32 $0xFFFF9000  }
0x9f5: {  	v3 =	vld [tilespmem:s1+$0x7580]  }
0x9f6: {  	v4 =	vld [tilespmem:s1+$0x7590]  }
0x9f7: {  	v5 =	vld [tilespmem:s1+$0x75A0]  }
0x9f8: {  	v6 =	vld [tilespmem:s1+$0x75B0]  }
0x9f9: {  	v7 =	vld [tilespmem:s1+$0x75C0]  }
0x9fa: {  	v8 =	vld [tilespmem:s1+$0x75D0]  }
0x9fb: {  	v9 =	vld [tilespmem:s1+$0x75E0]  }
0x9fc: {  	v10 =	vld [tilespmem:s1+$0x75F0]  }
0x9fd: {  	v61 =	vld [tilespmem:s1+$0x7440]  }
0x9fe: {  	v62 =	vld [tilespmem:s1+$0x7450]  }
0x9ff: {  	v63 =	vld [tilespmem:s1+$0x7460]  }
0xa00: {  	v11 =	vld [tilespmem:s1+$0x7470]  }
0xa01: {  	v12 =	vld [tilespmem:s1+$0x7480]  }
0xa02: {  	v13 =	vld [tilespmem:s1+$0x7490]  }
0xa03: {  	v14 =	vld [tilespmem:s1+$0x74A0]  }
0xa04: {  	v15 =	vld [tilespmem:s1+$0x74B0]  }
0xa05: {  	v16 =	vld [tilespmem:s1+$0x74C0]  }
0xa06: {  	v17 =	vld [tilespmem:s1+$0x74D0]  }
0xa07: {  	v18 =	vld [tilespmem:s1+$0x74E0]  }
0xa08: {  	v19 =	vld [tilespmem:s1+$0x74F0]  }
0xa09: {  	v20 =	vld [tilespmem:s1+$0x7500]  }
0xa0a: {  	v21 =	vld [tilespmem:s1+$0x7510]  }
0xa0b: {  	v22 =	vld [tilespmem:s1+$0x7520]  }
0xa0c: {  	v23 =	vld [tilespmem:s1+$0x7530]  }
0xa0d: {  	v24 =	vld [tilespmem:s1+$0x7540]  }
0xa0e: {  	v25 =	vld [tilespmem:s1+$0x7550]  }
0xa0f: {  	v26 =	vld [tilespmem:s1+$0x7560]  }
0xa10: {  	v27 =	vld [tilespmem:s1+$0x7570]  }
0xa11: {  	[tilespmem:s1+$0x15580] =	vst.add.f32.msk $0xffff, v3  }
0xa12: {  	[tilespmem:s1+$0x15590] =	vst.add.f32.msk $0xffff, v4  }
0xa13: {  	[tilespmem:s1+$0x155A0] =	vst.add.f32.msk $0xffff, v5  }
0xa14: {  	[tilespmem:s1+$0x155B0] =	vst.add.f32.msk $0xffff, v6  }
0xa15: {  	[tilespmem:s1+$0x155C0] =	vst.add.f32.msk $0xffff, v7  }
0xa16: {  	[tilespmem:s1+$0x155D0] =	vst.add.f32.msk $0xffff, v8  }
0xa17: {  	[tilespmem:s1+$0x155E0] =	vst.add.f32.msk $0xffff, v9  }
0xa18: {  	[tilespmem:s1+$0x155F0] =	vst.add.f32.msk $0xffff, v10  }
0xa19: {  	p0 =	por $0x0, $0x0;
	s0 =	simm.s32 $0x1;
	v4 =	vld [tilespmem:s1+$0x7400]  }
0xa1a: {  	s0 =	simm.s32 @!p0 $0x0;
	v5 =	vld [tilespmem:s1+$0x7410]  }
0xa1b: {  	s0 =	sshll.u32 s0, $0x9;
	v6 =	vld [tilespmem:s1+$0x7420]  }
0xa1c: {  	s6 =	sadd.s32 $0x0, s0;
	v7 =	vld [tilespmem:s1+$0x7430]  }
0xa1d: {  	s0 =	sadd.s32 $0x180, s6;
	[tilespmem:s1+$0x15440] =	vst.add.f32.msk $0xffff, v61  }
0xa1e: {  	s10 =	sor.u32 $0x400, s0;
	[tilespmem:s1+$0x15450] =	vst.add.f32.msk $0xffff, v62  }
0xa1f: {  	v3 =	vld [tilespmem:s10+$0x7400]  }
0xa20: {  	[tilespmem:s1+$0x15460] =	vst.add.f32.msk $0xffff, v63  }
0xa21: {  	[tilespmem:s1+$0x15470] =	vst.add.f32.msk $0xffff, v11  }
0xa22: {  	[tilespmem:s1+$0x15480] =	vst.add.f32.msk $0xffff, v12  }
0xa23: {  	[tilespmem:s1+$0x15490] =	vst.add.f32.msk $0xffff, v13  }
0xa24: {  	s11 =	sor.u32 $0x410, s0;
	[tilespmem:s10+$0x15400] =	vst.add.f32.msk $0xffff, v3  }
0xa25: {  	v3 =	vld [tilespmem:s11+$0x7400]  }
0xa26: {  	[tilespmem:s1+$0x154A0] =	vst.add.f32.msk $0xffff, v14  }
0xa27: {  	[tilespmem:s1+$0x154B0] =	vst.add.f32.msk $0xffff, v15  }
0xa28: {  	[tilespmem:s1+$0x154C0] =	vst.add.f32.msk $0xffff, v16  }
0xa29: {  	[tilespmem:s1+$0x154D0] =	vst.add.f32.msk $0xffff, v17  }
0xa2a: {  	s12 =	sor.u32 $0x420, s0;
	[tilespmem:s11+$0x15400] =	vst.add.f32.msk $0xffff, v3  }
0xa2b: {  	v3 =	vld [tilespmem:s12+$0x7400]  }
0xa2c: {  	[tilespmem:s1+$0x154E0] =	vst.add.f32.msk $0xffff, v18  }
0xa2d: {  	[tilespmem:s1+$0x154F0] =	vst.add.f32.msk $0xffff, v19  }
0xa2e: {  	[tilespmem:s1+$0x15500] =	vst.add.f32.msk $0xffff, v20  }
0xa2f: {  	[tilespmem:s1+$0x15510] =	vst.add.f32.msk $0xffff, v21  }
0xa30: {  	s13 =	sor.u32 $0x430, s0;
	[tilespmem:s12+$0x15400] =	vst.add.f32.msk $0xffff, v3  }
0xa31: {  	v3 =	vld [tilespmem:s13+$0x7400]  }
0xa32: {  	[tilespmem:s1+$0x15520] =	vst.add.f32.msk $0xffff, v22  }
0xa33: {  	[tilespmem:s1+$0x15530] =	vst.add.f32.msk $0xffff, v23  }
0xa34: {  	[tilespmem:s1+$0x15540] =	vst.add.f32.msk $0xffff, v24  }
0xa35: {  	[tilespmem:s1+$0x15550] =	vst.add.f32.msk $0xffff, v25  }
0xa36: {  	s14 =	sor.u32 $0x440, s0;
	[tilespmem:s13+$0x15400] =	vst.add.f32.msk $0xffff, v3  }
0xa37: {  	v3 =	vld [tilespmem:s14+$0x7400]  }
0xa38: {  	[tilespmem:s1+$0x15560] =	vst.add.f32.msk $0xffff, v26  }
0xa39: {  	[tilespmem:s1+$0x15570] =	vst.add.f32.msk $0xffff, v27  }
0xa3a: {  	[tilespmem:s1+$0x15400] =	vst.add.f32.msk $0xffff, v4  }
0xa3b: {  	[tilespmem:s1+$0x15410] =	vst.add.f32.msk $0xffff, v5  }
0xa3c: {  	s15 =	sor.u32 $0x450, s0;
	[tilespmem:s14+$0x15400] =	vst.add.f32.msk $0xffff, v3  }
0xa3d: {  	s4 =	sadd.s32 $0x80, s6;
	v3 =	vld [tilespmem:s15+$0x7400]  }
0xa3e: {  	s5 =	sor.u32 $0x400, s4;
	[tilespmem:s1+$0x15420] =	vst.add.f32.msk $0xffff, v6  }
0xa3f: {  	v4 =	vld [tilespmem:s5+$0x7400];
	s10 =	sadd.s32 $0x100, s6  }
0xa40: {  	[tilespmem:s1+$0x15430] =	vst.add.f32.msk $0xffff, v7;
	s7 =	sor.u32 $0x400, s10  }
0xa41: {  	v5 =	vld [tilespmem:s7+$0x7400]  }
0xa42: {  	s16 =	sor.u32 $0x400, s6;
	[tilespmem:s15+$0x15400] =	vst.add.f32.msk $0xffff, v3  }
0xa43: {  	v3 =	vld [tilespmem:s16+$0x7400]  }
0xa44: {  	s18 =	sor.u32 $0x410, s4;
	[tilespmem:s5+$0x15400] =	vst.add.f32.msk $0xffff, v4  }
0xa45: {  	v4 =	vld [tilespmem:s18+$0x7400]  }
0xa46: {  	s8 =	sor.u32 $0x410, s10;
	[tilespmem:s7+$0x15400] =	vst.add.f32.msk $0xffff, v5  }
0xa47: {  	v5 =	vld [tilespmem:s8+$0x7400]  }
0xa48: {  	s17 =	sor.u32 $0x410, s6;
	[tilespmem:s16+$0x15400] =	vst.add.f32.msk $0xffff, v3  }
0xa49: {  	v3 =	vld [tilespmem:s17+$0x7400]  }
0xa4a: {  	s21 =	sor.u32 $0x420, s4;
	[tilespmem:s18+$0x15400] =	vst.add.f32.msk $0xffff, v4  }
0xa4b: {  	v4 =	vld [tilespmem:s21+$0x7400]  }
0xa4c: {  	s22 =	sor.u32 $0x420, s10;
	[tilespmem:s8+$0x15400] =	vst.add.f32.msk $0xffff, v5  }
0xa4d: {  	v5 =	vld [tilespmem:s22+$0x7400]  }
0xa4e: {  	s20 =	sor.u32 $0x420, s6;
	[tilespmem:s17+$0x15400] =	vst.add.f32.msk $0xffff, v3  }
0xa4f: {  	v3 =	vld [tilespmem:s20+$0x7400]  }
0xa50: {  	s24 =	sor.u32 $0x430, s4;
	[tilespmem:s21+$0x15400] =	vst.add.f32.msk $0xffff, v4  }
0xa51: {  	v4 =	vld [tilespmem:s24+$0x7400]  }
0xa52: {  	s19 =	sor.u32 $0x460, s0;
	[tilespmem:s22+$0x15400] =	vst.add.f32.msk $0xffff, v5  }
0xa53: {  	v6 =	vld [tilespmem:s19+$0x7400]  }
0xa54: {  	s23 =	sor.u32 $0x430, s6;
	[tilespmem:s20+$0x15400] =	vst.add.f32.msk $0xffff, v3  }
0xa55: {  	s25 =	sor.u32 $0x430, s10;
	v3 =	vld [tilespmem:s23+$0x7400]  }
0xa56: {  	v5 =	vld [tilespmem:s25+$0x7400]  }
0xa57: {  	[tilespmem:s24+$0x15400] =	vst.add.f32.msk $0xffff, v4  }
0xa58: {  	s0 =	sor.u32 $0x470, s0;
	[tilespmem:s19+$0x15400] =	vst.add.f32.msk $0xffff, v6  }
0xa59: {  	v6 =	vld [tilespmem:s0+$0x7400]  }
0xa5a: {  	s26 =	sor.u32 $0x440, s6;
	[tilespmem:s23+$0x15400] =	vst.add.f32.msk $0xffff, v3  }
0xa5b: {  	s28 =	sor.u32 $0x440, s4;
	v3 =	vld [tilespmem:s26+$0x7400]  }
0xa5c: {  	v4 =	vld [tilespmem:s28+$0x7400]  }
0xa5d: {  	s29 =	sor.u32 $0x440, s10;
	[tilespmem:s25+$0x15400] =	vst.add.f32.msk $0xffff, v5  }
0xa5e: {  	v5 =	vld [tilespmem:s29+$0x7400]  }
0xa5f: {  	[tilespmem:s0+$0x15400] =	vst.add.f32.msk $0xffff, v6  }
0xa60: {  	s30 =	sor.u32 $0x450, s6;
	[tilespmem:s26+$0x15400] =	vst.add.f32.msk $0xffff, v3  }
0xa61: {  	v6 =	vld [tilespmem:s30+$0x7400]  }
0xa62: {  	[tilespmem:s28+$0x15400] =	vst.add.f32.msk $0xffff, v4  }
0xa63: {  	s9 =	sor.u32 $0x460, s6;
	s13 =	sor.u32 $0x450, s10;
	[tilespmem:s29+$0x15400] =	vst.add.f32.msk $0xffff, v5  }
0xa64: {  	s3 =	sor.u32 $0x470, s6;
	s2 =	simm.s32 $0x0;
	s14 =	sor.u32 $0x450, s4;
	v4 =	vld [tilespmem:s13+$0x7400]  }
0xa65: {  	s1 =	sor.u32 $0x460, s10;
	s31 =	sor.u32 $0x470, s10;
	s11 =	simm.s32 $0x200;
	v3 =	vld [tilespmem:s14+$0x7400]  }
0xa66: {  	s12 =	simm.s32 $0x400;
	s17 =	sor.u32 $0x470, s4;
	s0 =	sor.u32 $0x460, s4;
	[tilespmem:s30+$0x15400] =	vst.add.f32.msk $0xffff, v6  }
.LBB2_17:
0xa67: {  	s4 =	sand.u32 $0x7800, s12;
	s5 =	sand.u32 $0x200, s11  }
0xa68: {  	s23 =	sor.u32 s5, s4  }
0xa69: {  	v5 =	vld [tilespmem:s23+$0x75A0]  }
0xa6a: {  	v6 =	vld [tilespmem:s23+$0x75B0]  }
0xa6b: {  	v7 =	vld [tilespmem:s23+$0x75C0]  }
0xa6c: {  	v8 =	vld [tilespmem:s23+$0x75D0]  }
0xa6d: {  	v9 =	vld [tilespmem:s23+$0x75E0]  }
0xa6e: {  	v10 =	vld [tilespmem:s23+$0x75F0]  }
0xa6f: {  	v60 =	vld [tilespmem:s23+$0x7440]  }
0xa70: {  	v61 =	vld [tilespmem:s23+$0x7450]  }
0xa71: {  	v62 =	vld [tilespmem:s23+$0x7460]  }
0xa72: {  	v11 =	vld [tilespmem:s23+$0x7470]  }
0xa73: {  	[tilespmem:s14+$0x15400] =	vst.add.f32.msk $0xffff, v3  }
0xa74: {  	[tilespmem:s13+$0x15400] =	vst.add.f32.msk $0xffff, v4  }
0xa75: {  	v3 =	vld [tilespmem:s23+$0x7580]  }
0xa76: {  	v4 =	vld [tilespmem:s23+$0x7590]  }
0xa77: {  	v12 =	vld [tilespmem:s23+$0x7480]  }
0xa78: {  	v13 =	vld [tilespmem:s23+$0x7490]  }
0xa79: {  	v14 =	vld [tilespmem:s23+$0x74A0]  }
0xa7a: {  	v15 =	vld [tilespmem:s23+$0x74B0]  }
0xa7b: {  	v16 =	vld [tilespmem:s23+$0x74C0]  }
0xa7c: {  	v17 =	vld [tilespmem:s23+$0x74D0]  }
0xa7d: {  	v18 =	vld [tilespmem:s23+$0x74E0]  }
0xa7e: {  	v19 =	vld [tilespmem:s23+$0x74F0]  }
0xa7f: {  	v20 =	vld [tilespmem:s23+$0x7500]  }
0xa80: {  	v21 =	vld [tilespmem:s23+$0x7510]  }
0xa81: {  	v22 =	vld [tilespmem:s23+$0x7520]  }
0xa82: {  	v23 =	vld [tilespmem:s23+$0x7530]  }
0xa83: {  	v24 =	vld [tilespmem:s23+$0x7540]  }
0xa84: {  	v25 =	vld [tilespmem:s23+$0x7550]  }
0xa85: {  	v26 =	vld [tilespmem:s23+$0x7560]  }
0xa86: {  	v27 =	vld [tilespmem:s23+$0x7570]  }
0xa87: {  	[tilespmem:s23+$0x155A0] =	vst.add.f32.msk $0xffff, v5  }
0xa88: {  	[tilespmem:s23+$0x155B0] =	vst.add.f32.msk $0xffff, v6  }
0xa89: {  	[tilespmem:s23+$0x155C0] =	vst.add.f32.msk $0xffff, v7  }
0xa8a: {  	[tilespmem:s23+$0x155D0] =	vst.add.f32.msk $0xffff, v8  }
0xa8b: {  	[tilespmem:s23+$0x155E0] =	vst.add.f32.msk $0xffff, v9  }
0xa8c: {  	[tilespmem:s23+$0x155F0] =	vst.add.f32.msk $0xffff, v10  }
0xa8d: {  	v5 =	vld [tilespmem:s23+$0x7410]  }
0xa8e: {  	v6 =	vld [tilespmem:s23+$0x7420]  }
0xa8f: {  	p0 =	por !p0, !p0;
	s4 =	simm.s32 $0x1;
	v7 =	vld [tilespmem:s23+$0x7430]  }
0xa90: {  	s4 =	simm.s32 @!p0 $0x0;
	[tilespmem:s23+$0x15440] =	vst.add.f32.msk $0xffff, v60  }
0xa91: {  	s4 =	sshll.u32 s4, $0x9;
	[tilespmem:s23+$0x15450] =	vst.add.f32.msk $0xffff, v61  }
0xa92: {  	s18 =	sadd.s32 s4, s12;
	[tilespmem:s23+$0x15460] =	vst.add.f32.msk $0xffff, v62  }
0xa93: {  	s20 =	sadd.s32 $0x180, s18;
	[tilespmem:s23+$0x15580] =	vst.add.f32.msk $0xffff, v3  }
0xa94: {  	s16 =	sor.u32 $0x400, s20;
	[tilespmem:s23+$0x15590] =	vst.add.f32.msk $0xffff, v4  }
0xa95: {  	v3 =	vld [tilespmem:s16+$0x7400]  }
0xa96: {  	[tilespmem:s23+$0x15470] =	vst.add.f32.msk $0xffff, v11  }
0xa97: {  	v4 =	vld [tilespmem:s23+$0x7400]  }
0xa98: {  	[tilespmem:s23+$0x15480] =	vst.add.f32.msk $0xffff, v12  }
0xa99: {  	[tilespmem:s23+$0x15490] =	vst.add.f32.msk $0xffff, v13  }
0xa9a: {  	[tilespmem:s16+$0x15400] =	vst.add.f32.msk $0xffff, v3;
	s16 =	sor.u32 $0x410, s20  }
0xa9b: {  	v3 =	vld [tilespmem:s16+$0x7400]  }
0xa9c: {  	[tilespmem:s23+$0x154A0] =	vst.add.f32.msk $0xffff, v14  }
0xa9d: {  	[tilespmem:s23+$0x154B0] =	vst.add.f32.msk $0xffff, v15  }
0xa9e: {  	[tilespmem:s23+$0x154C0] =	vst.add.f32.msk $0xffff, v16  }
0xa9f: {  	[tilespmem:s23+$0x154D0] =	vst.add.f32.msk $0xffff, v17  }
0xaa0: {  	[tilespmem:s16+$0x15400] =	vst.add.f32.msk $0xffff, v3;
	s16 =	sor.u32 $0x420, s20  }
0xaa1: {  	v3 =	vld [tilespmem:s16+$0x7400]  }
0xaa2: {  	s6 =	sadd.s32 $0x80, s18;
	s5 =	sor.u32 $0x450, s18;
	[tilespmem:s23+$0x154E0] =	vst.add.f32.msk $0xffff, v18  }
0xaa3: {  	[dreg:$0x12] =	wrdreg s5;
	s5 =	sor.u32 $0x460, s6;
	[tilespmem:s23+$0x154F0] =	vst.add.f32.msk $0xffff, v19  }
0xaa4: {  	s15 =	sadd.s32 $0x100, s18;
	[smem:$0x7DB] =	sst s5;
	s5 =	sor.u32 $0x460, s18;
	[tilespmem:s23+$0x15500] =	vst.add.f32.msk $0xffff, v20  }
0xaa5: {  	[smem:$0x7DA] =	sst s5;
	s5 =	sor.u32 $0x460, s15;
	[tilespmem:s23+$0x15510] =	vst.add.f32.msk $0xffff, v21  }
0xaa6: {  	[smem:$0x7DC] =	sst s5;
	s5 =	sor.u32 $0x430, s20;
	[tilespmem:s16+$0x15400] =	vst.add.f32.msk $0xffff, v3  }
0xaa7: {  	v3 =	vld [tilespmem:s5+$0x7400]  }
0xaa8: {  	[tilespmem:s23+$0x15520] =	vst.add.f32.msk $0xffff, v22  }
0xaa9: {  	[tilespmem:s23+$0x15530] =	vst.add.f32.msk $0xffff, v23  }
0xaaa: {  	[tilespmem:s23+$0x15540] =	vst.add.f32.msk $0xffff, v24  }
0xaab: {  	[tilespmem:s23+$0x15550] =	vst.add.f32.msk $0xffff, v25  }
0xaac: {  	s16 =	sor.u32 $0x440, s20;
	[tilespmem:s5+$0x15400] =	vst.add.f32.msk $0xffff, v3  }
0xaad: {  	v3 =	vld [tilespmem:s16+$0x7400]  }
0xaae: {  	[tilespmem:s23+$0x15560] =	vst.add.f32.msk $0xffff, v26  }
0xaaf: {  	[tilespmem:s23+$0x15570] =	vst.add.f32.msk $0xffff, v27  }
0xab0: {  	[tilespmem:s23+$0x15410] =	vst.add.f32.msk $0xffff, v5  }
0xab1: {  	[tilespmem:s23+$0x15420] =	vst.add.f32.msk $0xffff, v6  }
0xab2: {  	s5 =	sor.u32 $0x450, s20;
	[tilespmem:s16+$0x15400] =	vst.add.f32.msk $0xffff, v3  }
0xab3: {  	v3 =	vld [tilespmem:s5+$0x7400]  }
0xab4: {  	s25 =	sor.u32 $0x400, s15;
	[tilespmem:s23+$0x15430] =	vst.add.f32.msk $0xffff, v7  }
0xab5: {  	v5 =	vld [tilespmem:s25+$0x7400]  }
0xab6: {  	v7 =	vld [tilespmem:s0+$0x7400]  }
0xab7: {  	[tilespmem:s23+$0x15400] =	vst.add.f32.msk $0xffff, v4  }
0xab8: {  	s16 =	sor.u32 $0x460, s20;
	[tilespmem:s5+$0x15400] =	vst.add.f32.msk $0xffff, v3  }
0xab9: {  	s28 =	sor.u32 $0x400, s6;
	v3 =	vld [tilespmem:s16+$0x7400]  }
0xaba: {  	v4 =	vld [tilespmem:s28+$0x7400]  }
0xabb: {  	v6 =	vld [tilespmem:s9+$0x7400]  }
0xabc: {  	s26 =	sor.u32 $0x410, s15;
	[tilespmem:s25+$0x15400] =	vst.add.f32.msk $0xffff, v5  }
0xabd: {  	v5 =	vld [tilespmem:s26+$0x7400]  }
0xabe: {  	s20 =	sor.u32 $0x470, s20;
	[tilespmem:s16+$0x15400] =	vst.add.f32.msk $0xffff, v3  }
0xabf: {  	v3 =	vld [tilespmem:s20+$0x7400]  }
0xac0: {  	v63 =	vld [tilespmem:s1+$0x7400]  }
0xac1: {  	s29 =	sor.u32 $0x410, s6;
	[tilespmem:s28+$0x15400] =	vst.add.f32.msk $0xffff, v4  }
0xac2: {  	v4 =	vld [tilespmem:s29+$0x7400]  }
0xac3: {  	[tilespmem:s26+$0x15400] =	vst.add.f32.msk $0xffff, v5  }
0xac4: {  	s30 =	sor.u32 $0x400, s18;
	[tilespmem:s20+$0x15400] =	vst.add.f32.msk $0xffff, v3  }
0xac5: {  	s4 =	sor.u32 $0x420, s15;
	v3 =	vld [tilespmem:s30+$0x7400]  }
0xac6: {  	v5 =	vld [tilespmem:s4+$0x7400]  }
0xac7: {  	[tilespmem:s1+$0x15400] =	vst.add.f32.msk $0xffff, v63  }
0xac8: {  	s7 =	sor.u32 $0x420, s6;
	[tilespmem:s29+$0x15400] =	vst.add.f32.msk $0xffff, v4  }
0xac9: {  	v4 =	vld [tilespmem:s7+$0x7400]  }
0xaca: {  	s10 =	sor.u32 $0x410, s18;
	[tilespmem:s30+$0x15400] =	vst.add.f32.msk $0xffff, v3  }
0xacb: {  	v3 =	vld [tilespmem:s10+$0x7400]  }
0xacc: {  	[tilespmem:s0+$0x15400] =	vst.add.f32.msk $0xffff, v7  }
0xacd: {  	s21 =	sor.u32 $0x430, s15;
	[tilespmem:s4+$0x15400] =	vst.add.f32.msk $0xffff, v5  }
0xace: {  	v5 =	vld [tilespmem:s21+$0x7400]  }
0xacf: {  	[tilespmem:s9+$0x15400] =	vst.add.f32.msk $0xffff, v6  }
0xad0: {  	s8 =	sor.u32 $0x420, s18;
	[tilespmem:s10+$0x15400] =	vst.add.f32.msk $0xffff, v3  }
0xad1: {  	v3 =	vld [tilespmem:s8+$0x7400]  }
0xad2: {  	s22 =	sor.u32 $0x430, s6;
	[tilespmem:s7+$0x15400] =	vst.add.f32.msk $0xffff, v4  }
0xad3: {  	s14 =	sor.u32 $0x440, s6;
	v4 =	vld [tilespmem:s22+$0x7400]  }
0xad4: {  	s19 =	sor.u32 $0x440, s15;
	[smem:$0x7DD] =	sst s14;
	v7 =	vld [tilespmem:s17+$0x7400]  }
0xad5: {  	[dreg:$0x1a] =	wrdreg s19;
	[tilespmem:s21+$0x15400] =	vst.add.f32.msk $0xffff, v5  }
0xad6: {  	s24 =	sor.u32 $0x430, s18;
	s28 =	rddreg [dreg:$0x1a];
	[tilespmem:s8+$0x15400] =	vst.add.f32.msk $0xffff, v3  }
0xad7: {  	s26 =	sld [smem:$0x7DD];
	v3 =	vld [tilespmem:s24+$0x7400]  }
0xad8: {  	v5 =	vld [tilespmem:s28+$0x7400]  }
0xad9: {  	[tilespmem:s22+$0x15400] =	vst.add.f32.msk $0xffff, v4  }
0xada: {  	v4 =	vld [tilespmem:s26+$0x7400]  }
0xadb: {  	v6 =	vld [tilespmem:s3+$0x7400]  }
0xadc: {  	s19 =	sor.u32 $0x440, s18;
	[tilespmem:s24+$0x15400] =	vst.add.f32.msk $0xffff, v3  }
0xadd: {  	v3 =	vld [tilespmem:s19+$0x7400]  }
0xade: {  	v8 =	vld [tilespmem:s31+$0x7400]  }
0xadf: {  	[tilespmem:s28+$0x15400] =	vst.add.f32.msk $0xffff, v5  }
0xae0: {  	[tilespmem:s26+$0x15400] =	vst.add.f32.msk $0xffff, v4  }
0xae1: {  	s2 =	sadd.s32 $0x4, s2;
	[tilespmem:s3+$0x15400] =	vst.add.f32.msk $0xffff, v6  }
0xae2: {  	s11 =	sadd.s32 $0x200, s11;
	p1 =	slt.u32 s2, $0x6C;
	s29 =	rddreg [dreg:$0x12];
	[tilespmem:s19+$0x15400] =	vst.add.f32.msk $0xffff, v3  }
0xae3: {  	s12 =	sadd.s32 $0x400, s12;
	s13 =	sor.u32 $0x450, s15;
	s25 =	sld [smem:$0x7DC];
	v5 =	vld [tilespmem:s29+$0x7400]  }
.Ltmp7:
0xae4: {  	s14 =	sor.u32 $0x450, s6;
	s23 =	sld [smem:$0x7DB];
	v4 =	vld [tilespmem:s13+$0x7400];
	(pc) =	sbr.rel @p1 .LBB2_17-.Ltmp7, $4  }
0xae5: {  	s6 =	sor.u32 $0x470, s6;
	s18 =	sor.u32 $0x470, s18;
	[tilespmem:s31+$0x15400] =	vst.add.f32.msk $0xffff, v8;
	s5 =	sld [smem:$0x7DA]  }
0xae6: {  	[dreg:$0xa] =	wrdreg s6;
	s15 =	sor.u32 $0x470, s15;
	s1 =	smov.u32 s25;
	v3 =	vld [tilespmem:s14+$0x7400]  }
0xae7: {  	s0 =	smov.u32 s23;
	s31 =	smov.u32 s15;
	s30 =	rddreg [dreg:$0xa];
	[tilespmem:s17+$0x15400] =	vst.add.f32.msk $0xffff, v7  }
0xae8: {  	s9 =	smov.u32 s5;
	s3 =	smov.u32 s18;
	s17 =	smov.u32 s30;
	[tilespmem:s29+$0x15400] =	vst.add.f32.msk $0xffff, v5  }
0xae9: {  	_ =	sdelay $0x1  }
0xaea: {  	[tilespmem:s14+$0x15400] =	vst.add.f32.msk $0xffff, v3  }
0xaeb: {  	v3 =	vld [tilespmem:s9+$0x7400]  }
0xaec: {  	v63 =	vld [tilespmem:s0+$0x7400];
	_ =	sdelay $0x1  }
0xaed: {  	[tilespmem:s13+$0x15400] =	vst.add.f32.msk $0xffff, v4  }
0xaee: {  	v5 =	vld [tilespmem:s1+$0x7400]  }
0xaef: {  	[tilespmem:s9+$0x15400] =	vst.add.f32.msk $0xffff, v3  }
0xaf0: {  	[tilespmem:s0+$0x15400] =	vst.add.f32.msk $0xffff, v63  }
0xaf1: {  	v3 =	vld [tilespmem:s3+$0x7400]  }
0xaf2: {  	v4 =	vld [tilespmem:s17+$0x7400]  }
0xaf3: {  	[tilespmem:s1+$0x15400] =	vst.add.f32.msk $0xffff, v5  }
0xaf4: {  	v5 =	vld [tilespmem:s31+$0x7400];
	_ =	sdelay $0x1  }
0xaf5: {  	[tilespmem:s3+$0x15400] =	vst.add.f32.msk $0xffff, v3  }
0xaf6: {  	[tilespmem:s17+$0x15400] =	vst.add.f32.msk $0xffff, v4  }
0xaf7: {  	s3 =	sld [smem:$0x7F6]  }
0xaf8: {  	[tilespmem:s31+$0x15400] =	vst.add.f32.msk $0xffff, v5  }
0xaf9: {  	s2 =	sld [smem:$0x7FC]  }
0xafa: {  	p0 =	seq.s32 s3, $0xDF  }
0xafb: {  	s0 =	simm.s32 @p0 $0x0;
	s1 =	simm.s32 @p0 $0x15400  }
0xafc: {  	[hbm4b:s2+s0] =	stream.linear.scatter @p0 [tilespmem:s1], [sflag:$0x5], $0x1800, $0x38;
	[tilespmem:$0x1C400] =	vst v63  }
0xafd: {  	s0 =	simm.s32 @p0 $0x5  }
0xafe: {  	_ =	swait.ge @p0 [sflag:s0], $0x1800  }
0xaff: {  	[sflag:s0] =	ssyncset.done @p0 $0x0  }
0xb00: {  	s1 =	smul.u32 @!p0 $0xE00, s3;
	[sflag:s0] =	ssyncadd.s32 @p0 $0xFFFFE800  }
0xb01: {  	s0 =	rddreg [dreg:$0x1]  }
0xb02: {  	s2 =	simm.s32 @!p0 $0x15400;
	s0 =	sadd.s32 @!p0 s0, s1;
	s1 =	simm.s32 @!p0 $0x0  }
0xb03: {  	[hbm4b:s0+s1] =	stream.linear.scatter @!p0 [tilespmem:s2], [sflag:$0x6], $0x7000, $0x38;
	[tilespmem:$0x1C400] =	vst v63  }
0xb04: {  	s0 =	simm.s32 @!p0 $0x6  }
0xb05: {  	_ =	swait.ge @!p0 [sflag:s0], $0x7000  }
0xb06: {  	s31 =	sld [smem:$0x7F5];
	_ =	sdelay $0x2  }
0xb07: {  	s1 =	sadd.s32 $0x1, s31  }
0xb08: {  	p1 =	sne.s32 s1, $0x7  }
.Ltmp8:
0xb09: {  	_ = 	snop;
	(pc) =	sbr.rel @p1 .LBB2_2-.Ltmp8, $3  }
0xb0a: {  	_ =	sdelay $0x1  }
0xb0b: {  	[sflag:s0] =	ssyncset.done @!p0 $0x0  }
0xb0c: {  	[sflag:s0] =	ssyncadd.s32 @!p0 $0xFFFF9000  }
0xb0d: {  	s4 =	sld [smem:$0x7F7]  }
0xb0e: {  	s0 =	sld [smem:$0x7FD];
	_ =	sdelay $0x1  }
0xb0f: {  	s4 =	sadd.s32 $0x1, s4  }
0xb10: {  	p0 =	sne.s32 s4, s0  }
.Ltmp9:
0xb11: {  	_ = 	snop;
	(pc) =	sbr.rel @p0 .LBB2_1-.Ltmp9, $1  }
0xb12: {  	_ =	sdelay $0x3  }
0xb13: {  	_ =	sfence.sel $0x180000  }
0xb14: {  	[bflag:$0x0] =	sbarrier.arrive $0xFFFF  }
0xb15: {  	_ =	strace $0x90000047  }
0xb16: {  	s0 =	stileid.u32;
	[bflag:$0x2] =	sbarrier.arrive $0xFFFF  }
0xb17: {  	p0 =	sne.s32 s0, $0x0;
	s0 =	rddreg [dreg:$0x2]  }
0xb18: {  	s0 =	sadd.s32 @!p0 $0x100000, s0  }
0xb19: {  	[sflag:s0] =	ssyncadd.tile.s32 @!p0 $0x1;
	_ =	shalt  }
.Lfunc_end2:
_tile_overlayer_lowered:
.L_overlay_start_2:
0xb1a: {  	(tag) =	ssettag $0x2  }
0xb1b: {  	s0 =	rddreg [dreg:$0x0];
	s2 =	stileid.u32  }
0xb1c: {  	s1 =	rddreg [dreg:$0x1];
	p0 =	sne.s32 s2, $0x0  }
0xb1d: {  	s3 =	rddreg [dreg:$0x2];
	[bflag:$0x3] =	sbarrier.arrive $0xFFFF;
	s2 =	simm.s32 @!p0 $0x1C05  }
0xb1e: {  	[timem:s3], [sflag:s2] =	dma.local @!p0 [hbm:s0], s1  }
0xb1f: {  	s0 =	simm.s32 @!p0 $0x5  }
0xb20: {  	_ =	swait.ge @!p0 [sflag:s0], s1  }
0xb21: {  	s1 =	ssub.s32 @!p0 $0x0, s1;
	[sflag:s0] =	ssyncset.done @!p0 $0x0  }
0xb22: {  	[sflag:s0] =	ssyncadd.s32 @!p0 s1  }
0xb23: {  	[bflag:$0x3] =	sbarrier.arrive $0xFFFF  }
0xb24: {  	_ =	shalt  }

</sc_bundles>
